<compile_context>
chip_gen: v7x
topology: tpu7x:2x2x1
jax: 0.10.2.dev20260603
libtpu: 0.0.44.dev20260713+nightly
codegen_flags: <defaults>
</compile_context>

<pallas_src>
import jax
import jax.numpy as jnp
from jax import lax
from jax.experimental import pallas as pl
from jax.experimental.pallas import tpu as pltpu
from jax.experimental.pallas import tpu_sc as plsc

NC = 2
NS = 16
NW = NC * NS

VOCAB = 1000000
MAXLEN = 200
EMBED = 64
EP = 128
BATCH = 4096
SEQ = 200
FLAT = SEQ * BATCH

BB = 100
NCHUNK = FLAT // BB
CPT = NCHUNK // NW
G = 8
NGROUPS = CPT // G

VB = 8192
NBT = BATCH // 128



def _detile_body(tt_ref, out_ref):
    out_ref[:, 0:EMBED] = tt_ref[...].T


def _detile(table_t):
    return pl.pallas_call(
        _detile_body,
        grid=(pl.cdiv(VOCAB, VB),),
        in_specs=[pl.BlockSpec((EMBED, VB), lambda j: (0, j))],
        out_specs=pl.BlockSpec((VB, EP), lambda j: (j, 0)),
        out_shape=jax.ShapeDtypeStruct((VOCAB, EP), jnp.float32),
    )(table_t)



def _gather_body(xt_hbm, tok_hbm, out_hbm, idx_a, idx_b, rb_a, rb_b,
                 si_a, si_b, sg_a, sg_b, so_a, so_b):
    wid = lax.axis_index("s") * NC + lax.axis_index("c")
    c0 = wid * CPT

    def issue_idx(idx, si, g, b):
        pltpu.async_copy(xt_hbm.at[c0 + g * G + b], idx.at[b], si)

    def issue_gather(idx, ring, sg, b):
        pltpu.async_copy(tok_hbm.at[idx.at[b]], ring.at[b], sg)

    def wait_idx(idx, si):
        pltpu.make_async_copy(xt_hbm.at[0], idx.at[0], si).wait()

    def wait_gather(ring, sg):
        pltpu.make_async_copy(tok_hbm.at[pl.ds(0, BB)], ring.at[0], sg).wait()

    def wait_out(ring, so):
        pltpu.make_async_copy(out_hbm.at[pl.ds(0, BB), pl.ds(0, EMBED)],
                              ring.at[0], so).wait()

    for b in range(G):
        issue_idx(idx_a, si_a, 0, b)
        issue_idx(idx_b, si_b, 1, b)
    for b in range(G):
        wait_idx(idx_a, si_a)
        issue_gather(idx_a, rb_a, sg_a, b)
    for b in range(G):
        wait_idx(idx_b, si_b)
        issue_gather(idx_b, rb_b, sg_b, b)

    def process_group(g, idx, ring, si, sg, so):
        for b in range(G):
            wait_gather(ring, sg)
            pltpu.async_copy(
                ring.at[b],
                out_hbm.at[pl.ds((c0 + g * G + b) * BB, BB), pl.ds(0, EMBED)],
                so)

        @pl.when(g + 2 < NGROUPS)
        def _():
            for b in range(G):
                issue_idx(idx, si, g + 2, b)
            for b in range(G):
                wait_out(ring, so)
                wait_idx(idx, si)
                issue_gather(idx, ring, sg, b)

    def outer(t, _):
        process_group(2 * t, idx_a, rb_a, si_a, sg_a, so_a)
        process_group(2 * t + 1, idx_b, rb_b, si_b, sg_b, so_b)
        return 0

    lax.fori_loop(0, NGROUPS // 2, outer, 0)

    for b in range(G):
        wait_out(rb_a, so_a)
        wait_out(rb_b, so_b)


def _gather(xt2, table_pad2):
    mesh = plsc.VectorSubcoreMesh(core_axis_name="c", subcore_axis_name="s")
    f = pl.kernel(
        _gather_body,
        out_type=jax.ShapeDtypeStruct((FLAT, EP), jnp.float32),
        mesh=mesh,
        scratch_types=[
            pltpu.VMEM((G, BB), jnp.int32),
            pltpu.VMEM((G, BB), jnp.int32),
            pltpu.VMEM((G, BB, EMBED), jnp.float32),
            pltpu.VMEM((G, BB, EMBED), jnp.float32),
            pltpu.SemaphoreType.DMA,
            pltpu.SemaphoreType.DMA,
            pltpu.SemaphoreType.DMA,
            pltpu.SemaphoreType.DMA,
            pltpu.SemaphoreType.DMA,
            pltpu.SemaphoreType.DMA,
        ],
        compiler_params=pltpu.CompilerParams(
            use_tc_tiling_on_sc=False, needs_layout_passes=False),
    )
    return f(xt2, table_pad2)



def _fixup_body(g_ref, pos_ref, out_ref):
    s = pl.program_id(0)
    t = g_ref[...].T[0:EMBED, :]
    pos_s = pos_ref[pl.ds(s, 1), :]
    t = t + pos_s.reshape(EMBED)[:, None]
    o = t.reshape(EMBED // 8, 8, NBT, 128).swapaxes(1, 2)
    out_ref[...] = o[None]


def _fixup(gp, pos_table):
    return pl.pallas_call(
        _fixup_body,
        grid=(SEQ,),
        in_specs=[
            pl.BlockSpec((BATCH, EP), lambda s: (s, 0)),
            pl.BlockSpec((SEQ, EMBED), lambda s: (0, 0)),
        ],
        out_specs=pl.BlockSpec((1, EMBED // 8, NBT, 8, 128),
                               lambda s: (s, 0, 0, 0, 0)),
        out_shape=jax.ShapeDtypeStruct((SEQ, EMBED // 8, NBT, 8, 128),
                                       jnp.float32),
    )(gp, pos_table)


@jax.jit
def _run(x, token_table, pos_table):
    table_pad = _detile(token_table.T)
    xt2 = (x.astype(jnp.int32) * 2).T.reshape(NCHUNK, BB)
    g = _gather(xt2, table_pad.reshape(2 * VOCAB, EMBED))
    out5 = _fixup(g, pos_table)
    return out5.transpose(2, 4, 0, 1, 3).reshape(BATCH, SEQ, EMBED)


def kernel(x, token_table, pos_table):
    return _run(x, token_table, pos_table)

# --- scband reference (transcript-rebuilt; emitter-appended) ---
"""Pipeline reference for scband-token-and-position-embedding-36369783062924 (READ-ONLY COPY).

The authoritative reference and input builder live on the scoring server;
editing this copy changes nothing except your own understanding.
"""

import jax, jax.numpy as jnp
import numpy as np

VOCAB = 1000000
MAXLEN = 200
EMBED = 64
BATCH = 4096
SEQ = 200


def setup_inputs(seed: int = 0) -> dict:
    key = jax.random.key(seed)
    k1, k2, k3 = jax.random.split(key, 3)
    x = jax.random.randint(k1, (BATCH, SEQ), 0, VOCAB, dtype=jnp.int64 if jax.config.jax_enable_x64 else jnp.int32)
    token_table = jax.random.normal(k2, (VOCAB, EMBED), dtype=jnp.float32)
    # padding_idx=0: row 0 initialized to zeros, as in torch nn.Embedding(padding_idx=0)
    token_table = token_table.at[0].set(0.0)
    pos_table = jax.random.normal(k3, (MAXLEN, EMBED), dtype=jnp.float32)
    return {"x": x, "token_table": token_table, "pos_table": pos_table}


def reference(x, token_table, pos_table):
    seq_len = x.shape[1]
    positions = jnp.arange(0, seq_len, dtype=jnp.int32)[None, :]  # [1, S]
    pos_embedded = jnp.take(pos_table, positions, axis=0)          # [1, S, E]
    tok_embedded = jnp.take(token_table, x, axis=0)                # [B, S, E]
    return tok_embedded + pos_embedded

if __name__ == "__main__":
    import jax
    _d = setup_inputs()
    print(jax.jit(kernel)(*tuple(_d.values())))

</pallas_src>

<mosaic_0001>
#map = affine_map<(d0, d1) -> (0, 0)>
module attributes {stable_mosaic.version = 14 : i64} {
  func.func @_gather_body(%arg0: i32, %arg1: i32, %arg2: memref<8192x100xi32, #tpu.memory_space<hbm>>, %arg3: memref<2000000x64xf32, #tpu.memory_space<hbm>>, %arg4: memref<819200x128xf32, #tpu.memory_space<hbm>>, %arg5: memref<8x100xi32, #tpu.memory_space<vmem>>, %arg6: memref<8x100xi32, #tpu.memory_space<vmem>>, %arg7: memref<8x100x64xf32, #tpu.memory_space<vmem>>, %arg8: memref<8x100x64xf32, #tpu.memory_space<vmem>>, %arg9: memref<!tpu.dma_semaphore, #tpu.memory_space<semaphore_mem>>, %arg10: memref<!tpu.dma_semaphore, #tpu.memory_space<semaphore_mem>>, %arg11: memref<!tpu.dma_semaphore, #tpu.memory_space<semaphore_mem>>, %arg12: memref<!tpu.dma_semaphore, #tpu.memory_space<semaphore_mem>>, %arg13: memref<!tpu.dma_semaphore, #tpu.memory_space<semaphore_mem>>, %arg14: memref<!tpu.dma_semaphore, #tpu.memory_space<semaphore_mem>>) attributes {dimension_semantics = [#tpu.dimension_semantics<core_parallel>, #tpu.dimension_semantics<subcore_parallel>], iteration_bounds = array<i64: 2, 16>, scalar_prefetch = 0 : i64, scratch_operands = 10 : i64, tpu.core_type = #tpu.core_type<sc_vector_subcore>, window_params = [{transform_indices = #map}, {transform_indices = #map}, {transform_indices = #map}]} {
    %mul3A = arith.constant 2 : i32
    %mul3A_0 = arith.muli %arg1, %mul3A : i32
    %add3A = arith.addi %mul3A_0, %arg0 : i32
    %mul3A_1 = arith.constant 256 : i32
    %mul3A_2 = arith.muli %add3A, %mul3A_1 : i32
    %add3A_3 = arith.constant 0 : i32
    %add3A_4 = arith.addi %mul3A_2, %add3A_3 : i32
    %add3A_5 = arith.constant 0 : i32
    %add3A_6 = arith.addi %add3A_4, %add3A_5 : i32
    %dma_start3A = arith.constant 0 : i32
    %dma_start3A_7 = arith.constant 0 : i32
    %dma_start3A_8 = tpu.memref_slice %arg5[%dma_start3A, %dma_start3A_7] : memref<8x100xi32, #tpu.memory_space<vmem>> -> memref<1x100xi32, #tpu.memory_space<vmem>>
    %dma_start3A_9 = tpu.memref_squeeze %dma_start3A_8 : memref<1x100xi32, #tpu.memory_space<vmem>> -> memref<100xi32, #tpu.memory_space<vmem>>
    %dma_start3A_10 = arith.constant 0 : i32
    %dma_start3A_11 = tpu.memref_slice %arg2[%add3A_6, %dma_start3A_10] : memref<8192x100xi32, #tpu.memory_space<hbm>> -> memref<1x100xi32, #tpu.memory_space<hbm>>
    %dma_start3A_12 = tpu.memref_squeeze %dma_start3A_11 : memref<1x100xi32, #tpu.memory_space<hbm>> -> memref<100xi32, #tpu.memory_space<hbm>>
    %dma_start3A_13 = arith.constant 0 : i32
    %dma_start3A_14 = tpu.memref_slice %arg5[%dma_start3A, %dma_start3A_13] : memref<8x100xi32, #tpu.memory_space<vmem>> -> memref<1x100xi32, #tpu.memory_space<vmem>>
    %dma_start3A_15 = tpu.memref_squeeze %dma_start3A_14 : memref<1x100xi32, #tpu.memory_space<vmem>> -> memref<100xi32, #tpu.memory_space<vmem>>
    %dma_start3A_16 = arith.constant 0 : i32
    %dma_start3A_17 = tpu.memref_slice %arg2[%add3A_6, %dma_start3A_16] : memref<8192x100xi32, #tpu.memory_space<hbm>> -> memref<1x100xi32, #tpu.memory_space<hbm>>
    %dma_start3A_18 = tpu.memref_squeeze %dma_start3A_17 : memref<1x100xi32, #tpu.memory_space<hbm>> -> memref<100xi32, #tpu.memory_space<hbm>>
    tpu.enqueue_dma source(%dma_start3A_18 : memref<100xi32, #tpu.memory_space<hbm>>) target(%dma_start3A_15 : memref<100xi32, #tpu.memory_space<vmem>>) target_semaphore(%arg9 : memref<!tpu.dma_semaphore, #tpu.memory_space<semaphore_mem>>)
    %add3A_19 = arith.constant 8 : i32
    %add3A_20 = arith.addi %mul3A_2, %add3A_19 : i32
    %add3A_21 = arith.constant 0 : i32
    %add3A_22 = arith.addi %add3A_20, %add3A_21 : i32
    %dma_start3A_23 = arith.constant 0 : i32
    %dma_start3A_24 = arith.constant 0 : i32
    %dma_start3A_25 = tpu.memref_slice %arg6[%dma_start3A_23, %dma_start3A_24] : memref<8x100xi32, #tpu.memory_space<vmem>> -> memref<1x100xi32, #tpu.memory_space<vmem>>
    %dma_start3A_26 = tpu.memref_squeeze %dma_start3A_25 : memref<1x100xi32, #tpu.memory_space<vmem>> -> memref<100xi32, #tpu.memory_space<vmem>>
    %dma_start3A_27 = arith.constant 0 : i32
    %dma_start3A_28 = tpu.memref_slice %arg2[%add3A_22, %dma_start3A_27] : memref<8192x100xi32, #tpu.memory_space<hbm>> -> memref<1x100xi32, #tpu.memory_space<hbm>>
    %dma_start3A_29 = tpu.memref_squeeze %dma_start3A_28 : memref<1x100xi32, #tpu.memory_space<hbm>> -> memref<100xi32, #tpu.memory_space<hbm>>
    %dma_start3A_30 = arith.constant 0 : i32
    %dma_start3A_31 = tpu.memref_slice %arg6[%dma_start3A_23, %dma_start3A_30] : memref<8x100xi32, #tpu.memory_space<vmem>> -> memref<1x100xi32, #tpu.memory_space<vmem>>
    %dma_start3A_32 = tpu.memref_squeeze %dma_start3A_31 : memref<1x100xi32, #tpu.memory_space<vmem>> -> memref<100xi32, #tpu.memory_space<vmem>>
    %dma_start3A_33 = arith.constant 0 : i32
    %dma_start3A_34 = tpu.memref_slice %arg2[%add3A_22, %dma_start3A_33] : memref<8192x100xi32, #tpu.memory_space<hbm>> -> memref<1x100xi32, #tpu.memory_space<hbm>>
    %dma_start3A_35 = tpu.memref_squeeze %dma_start3A_34 : memref<1x100xi32, #tpu.memory_space<hbm>> -> memref<100xi32, #tpu.memory_space<hbm>>
    tpu.enqueue_dma source(%dma_start3A_35 : memref<100xi32, #tpu.memory_space<hbm>>) target(%dma_start3A_32 : memref<100xi32, #tpu.memory_space<vmem>>) target_semaphore(%arg10 : memref<!tpu.dma_semaphore, #tpu.memory_space<semaphore_mem>>)
    %add3A_36 = arith.constant 0 : i32
    %add3A_37 = arith.addi %mul3A_2, %add3A_36 : i32
    %add3A_38 = arith.constant 1 : i32
    %add3A_39 = arith.addi %add3A_37, %add3A_38 : i32
    %dma_start3A_40 = arith.constant 1 : i32
    %dma_start3A_41 = arith.constant 0 : i32
    %dma_start3A_42 = tpu.memref_slice %arg5[%dma_start3A_40, %dma_start3A_41] : memref<8x100xi32, #tpu.memory_space<vmem>> -> memref<1x100xi32, #tpu.memory_space<vmem>>
    %dma_start3A_43 = tpu.memref_squeeze %dma_start3A_42 : memref<1x100xi32, #tpu.memory_space<vmem>> -> memref<100xi32, #tpu.memory_space<vmem>>
    %dma_start3A_44 = arith.constant 0 : i32
    %dma_start3A_45 = tpu.memref_slice %arg2[%add3A_39, %dma_start3A_44] : memref<8192x100xi32, #tpu.memory_space<hbm>> -> memref<1x100xi32, #tpu.memory_space<hbm>>
    %dma_start3A_46 = tpu.memref_squeeze %dma_start3A_45 : memref<1x100xi32, #tpu.memory_space<hbm>> -> memref<100xi32, #tpu.memory_space<hbm>>
    %dma_start3A_47 = arith.constant 0 : i32
    %dma_start3A_48 = tpu.memref_slice %arg5[%dma_start3A_40, %dma_start3A_47] : memref<8x100xi32, #tpu.memory_space<vmem>> -> memref<1x100xi32, #tpu.memory_space<vmem>>
    %dma_start3A_49 = tpu.memref_squeeze %dma_start3A_48 : memref<1x100xi32, #tpu.memory_space<vmem>> -> memref<100xi32, #tpu.memory_space<vmem>>
    %dma_start3A_50 = arith.constant 0 : i32
    %dma_start3A_51 = tpu.memref_slice %arg2[%add3A_39, %dma_start3A_50] : memref<8192x100xi32, #tpu.memory_space<hbm>> -> memref<1x100xi32, #tpu.memory_space<hbm>>
    %dma_start3A_52 = tpu.memref_squeeze %dma_start3A_51 : memref<1x100xi32, #tpu.memory_space<hbm>> -> memref<100xi32, #tpu.memory_space<hbm>>
    tpu.enqueue_dma source(%dma_start3A_52 : memref<100xi32, #tpu.memory_space<hbm>>) target(%dma_start3A_49 : memref<100xi32, #tpu.memory_space<vmem>>) target_semaphore(%arg9 : memref<!tpu.dma_semaphore, #tpu.memory_space<semaphore_mem>>)
    %add3A_53 = arith.constant 8 : i32
    %add3A_54 = arith.addi %mul3A_2, %add3A_53 : i32
    %add3A_55 = arith.constant 1 : i32
    %add3A_56 = arith.addi %add3A_54, %add3A_55 : i32
    %dma_start3A_57 = arith.constant 1 : i32
    %dma_start3A_58 = arith.constant 0 : i32
    %dma_start3A_59 = tpu.memref_slice %arg6[%dma_start3A_57, %dma_start3A_58] : memref<8x100xi32, #tpu.memory_space<vmem>> -> memref<1x100xi32, #tpu.memory_space<vmem>>
    %dma_start3A_60 = tpu.memref_squeeze %dma_start3A_59 : memref<1x100xi32, #tpu.memory_space<vmem>> -> memref<100xi32, #tpu.memory_space<vmem>>
    %dma_start3A_61 = arith.constant 0 : i32
    %dma_start3A_62 = tpu.memref_slice %arg2[%add3A_56, %dma_start3A_61] : memref<8192x100xi32, #tpu.memory_space<hbm>> -> memref<1x100xi32, #tpu.memory_space<hbm>>
    %dma_start3A_63 = tpu.memref_squeeze %dma_start3A_62 : memref<1x100xi32, #tpu.memory_space<hbm>> -> memref<100xi32, #tpu.memory_space<hbm>>
    %dma_start3A_64 = arith.constant 0 : i32
    %dma_start3A_65 = tpu.memref_slice %arg6[%dma_start3A_57, %dma_start3A_64] : memref<8x100xi32, #tpu.memory_space<vmem>> -> memref<1x100xi32, #tpu.memory_space<vmem>>
    %dma_start3A_66 = tpu.memref_squeeze %dma_start3A_65 : memref<1x100xi32, #tpu.memory_space<vmem>> -> memref<100xi32, #tpu.memory_space<vmem>>
    %dma_start3A_67 = arith.constant 0 : i32
    %dma_start3A_68 = tpu.memref_slice %arg2[%add3A_56, %dma_start3A_67] : memref<8192x100xi32, #tpu.memory_space<hbm>> -> memref<1x100xi32, #tpu.memory_space<hbm>>
    %dma_start3A_69 = tpu.memref_squeeze %dma_start3A_68 : memref<1x100xi32, #tpu.memory_space<hbm>> -> memref<100xi32, #tpu.memory_space<hbm>>
    tpu.enqueue_dma source(%dma_start3A_69 : memref<100xi32, #tpu.memory_space<hbm>>) target(%dma_start3A_66 : memref<100xi32, #tpu.memory_space<vmem>>) target_semaphore(%arg10 : memref<!tpu.dma_semaphore, #tpu.memory_space<semaphore_mem>>)
    %add3A_70 = arith.constant 0 : i32
    %add3A_71 = arith.addi %mul3A_2, %add3A_70 : i32
    %add3A_72 = arith.constant 2 : i32
    %add3A_73 = arith.addi %add3A_71, %add3A_72 : i32
    %dma_start3A_74 = arith.constant 2 : i32
    %dma_start3A_75 = arith.constant 0 : i32
    %dma_start3A_76 = tpu.memref_slice %arg5[%dma_start3A_74, %dma_start3A_75] : memref<8x100xi32, #tpu.memory_space<vmem>> -> memref<1x100xi32, #tpu.memory_space<vmem>>
    %dma_start3A_77 = tpu.memref_squeeze %dma_start3A_76 : memref<1x100xi32, #tpu.memory_space<vmem>> -> memref<100xi32, #tpu.memory_space<vmem>>
    %dma_start3A_78 = arith.constant 0 : i32
    %dma_start3A_79 = tpu.memref_slice %arg2[%add3A_73, %dma_start3A_78] : memref<8192x100xi32, #tpu.memory_space<hbm>> -> memref<1x100xi32, #tpu.memory_space<hbm>>
    %dma_start3A_80 = tpu.memref_squeeze %dma_start3A_79 : memref<1x100xi32, #tpu.memory_space<hbm>> -> memref<100xi32, #tpu.memory_space<hbm>>
    %dma_start3A_81 = arith.constant 0 : i32
    %dma_start3A_82 = tpu.memref_slice %arg5[%dma_start3A_74, %dma_start3A_81] : memref<8x100xi32, #tpu.memory_space<vmem>> -> memref<1x100xi32, #tpu.memory_space<vmem>>
    %dma_start3A_83 = tpu.memref_squeeze %dma_start3A_82 : memref<1x100xi32, #tpu.memory_space<vmem>> -> memref<100xi32, #tpu.memory_space<vmem>>
    %dma_start3A_84 = arith.constant 0 : i32
    %dma_start3A_85 = tpu.memref_slice %arg2[%add3A_73, %dma_start3A_84] : memref<8192x100xi32, #tpu.memory_space<hbm>> -> memref<1x100xi32, #tpu.memory_space<hbm>>
    %dma_start3A_86 = tpu.memref_squeeze %dma_start3A_85 : memref<1x100xi32, #tpu.memory_space<hbm>> -> memref<100xi32, #tpu.memory_space<hbm>>
    tpu.enqueue_dma source(%dma_start3A_86 : memref<100xi32, #tpu.memory_space<hbm>>) target(%dma_start3A_83 : memref<100xi32, #tpu.memory_space<vmem>>) target_semaphore(%arg9 : memref<!tpu.dma_semaphore, #tpu.memory_space<semaphore_mem>>)
    %add3A_87 = arith.constant 8 : i32
    %add3A_88 = arith.addi %mul3A_2, %add3A_87 : i32
    %add3A_89 = arith.constant 2 : i32
    %add3A_90 = arith.addi %add3A_88, %add3A_89 : i32
    %dma_start3A_91 = arith.constant 2 : i32
    %dma_start3A_92 = arith.constant 0 : i32
    %dma_start3A_93 = tpu.memref_slice %arg6[%dma_start3A_91, %dma_start3A_92] : memref<8x100xi32, #tpu.memory_space<vmem>> -> memref<1x100xi32, #tpu.memory_space<vmem>>
    %dma_start3A_94 = tpu.memref_squeeze %dma_start3A_93 : memref<1x100xi32, #tpu.memory_space<vmem>> -> memref<100xi32, #tpu.memory_space<vmem>>
    %dma_start3A_95 = arith.constant 0 : i32
    %dma_start3A_96 = tpu.memref_slice %arg2[%add3A_90, %dma_start3A_95] : memref<8192x100xi32, #tpu.memory_space<hbm>> -> memref<1x100xi32, #tpu.memory_space<hbm>>
    %dma_start3A_97 = tpu.memref_squeeze %dma_start3A_96 : memref<1x100xi32, #tpu.memory_space<hbm>> -> memref<100xi32, #tpu.memory_space<hbm>>
    %dma_start3A_98 = arith.constant 0 : i32
    %dma_start3A_99 = tpu.memref_slice %arg6[%dma_start3A_91, %dma_start3A_98] : memref<8x100xi32, #tpu.memory_space<vmem>> -> memref<1x100xi32, #tpu.memory_space<vmem>>
    %dma_start3A_100 = tpu.memref_squeeze %dma_start3A_99 : memref<1x100xi32, #tpu.memory_space<vmem>> -> memref<100xi32, #tpu.memory_space<vmem>>
    %dma_start3A_101 = arith.constant 0 : i32
    %dma_start3A_102 = tpu.memref_slice %arg2[%add3A_90, %dma_start3A_101] : memref<8192x100xi32, #tpu.memory_space<hbm>> -> memref<1x100xi32, #tpu.memory_space<hbm>>
    %dma_start3A_103 = tpu.memref_squeeze %dma_start3A_102 : memref<1x100xi32, #tpu.memory_space<hbm>> -> memref<100xi32, #tpu.memory_space<hbm>>
    tpu.enqueue_dma source(%dma_start3A_103 : memref<100xi32, #tpu.memory_space<hbm>>) target(%dma_start3A_100 : memref<100xi32, #tpu.memory_space<vmem>>) target_semaphore(%arg10 : memref<!tpu.dma_semaphore, #tpu.memory_space<semaphore_mem>>)
    %add3A_104 = arith.constant 0 : i32
    %add3A_105 = arith.addi %mul3A_2, %add3A_104 : i32
    %add3A_106 = arith.constant 3 : i32
    %add3A_107 = arith.addi %add3A_105, %add3A_106 : i32
    %dma_start3A_108 = arith.constant 3 : i32
    %dma_start3A_109 = arith.constant 0 : i32
    %dma_start3A_110 = tpu.memref_slice %arg5[%dma_start3A_108, %dma_start3A_109] : memref<8x100xi32, #tpu.memory_space<vmem>> -> memref<1x100xi32, #tpu.memory_space<vmem>>
    %dma_start3A_111 = tpu.memref_squeeze %dma_start3A_110 : memref<1x100xi32, #tpu.memory_space<vmem>> -> memref<100xi32, #tpu.memory_space<vmem>>
    %dma_start3A_112 = arith.constant 0 : i32
    %dma_start3A_113 = tpu.memref_slice %arg2[%add3A_107, %dma_start3A_112] : memref<8192x100xi32, #tpu.memory_space<hbm>> -> memref<1x100xi32, #tpu.memory_space<hbm>>
    %dma_start3A_114 = tpu.memref_squeeze %dma_start3A_113 : memref<1x100xi32, #tpu.memory_space<hbm>> -> memref<100xi32, #tpu.memory_space<hbm>>
    %dma_start3A_115 = arith.constant 0 : i32
    %dma_start3A_116 = tpu.memref_slice %arg5[%dma_start3A_108, %dma_start3A_115] : memref<8x100xi32, #tpu.memory_space<vmem>> -> memref<1x100xi32, #tpu.memory_space<vmem>>
    %dma_start3A_117 = tpu.memref_squeeze %dma_start3A_116 : memref<1x100xi32, #tpu.memory_space<vmem>> -> memref<100xi32, #tpu.memory_space<vmem>>
    %dma_start3A_118 = arith.constant 0 : i32
    %dma_start3A_119 = tpu.memref_slice %arg2[%add3A_107, %dma_start3A_118] : memref<8192x100xi32, #tpu.memory_space<hbm>> -> memref<1x100xi32, #tpu.memory_space<hbm>>
    %dma_start3A_120 = tpu.memref_squeeze %dma_start3A_119 : memref<1x100xi32, #tpu.memory_space<hbm>> -> memref<100xi32, #tpu.memory_space<hbm>>
    tpu.enqueue_dma source(%dma_start3A_120 : memref<100xi32, #tpu.memory_space<hbm>>) target(%dma_start3A_117 : memref<100xi32, #tpu.memory_space<vmem>>) target_semaphore(%arg9 : memref<!tpu.dma_semaphore, #tpu.memory_space<semaphore_mem>>)
    %add3A_121 = arith.constant 8 : i32
    %add3A_122 = arith.addi %mul3A_2, %add3A_121 : i32
    %add3A_123 = arith.constant 3 : i32
    %add3A_124 = arith.addi %add3A_122, %add3A_123 : i32
    %dma_start3A_125 = arith.constant 3 : i32
    %dma_start3A_126 = arith.constant 0 : i32
    %dma_start3A_127 = tpu.memref_slice %arg6[%dma_start3A_125, %dma_start3A_126] : memref<8x100xi32, #tpu.memory_space<vmem>> -> memref<1x100xi32, #tpu.memory_space<vmem>>
    %dma_start3A_128 = tpu.memref_squeeze %dma_start3A_127 : memref<1x100xi32, #tpu.memory_space<vmem>> -> memref<100xi32, #tpu.memory_space<vmem>>
    %dma_start3A_129 = arith.constant 0 : i32
    %dma_start3A_130 = tpu.memref_slice %arg2[%add3A_124, %dma_start3A_129] : memref<8192x100xi32, #tpu.memory_space<hbm>> -> memref<1x100xi32, #tpu.memory_space<hbm>>
    %dma_start3A_131 = tpu.memref_squeeze %dma_start3A_130 : memref<1x100xi32, #tpu.memory_space<hbm>> -> memref<100xi32, #tpu.memory_space<hbm>>
    %dma_start3A_132 = arith.constant 0 : i32
    %dma_start3A_133 = tpu.memref_slice %arg6[%dma_start3A_125, %dma_start3A_132] : memref<8x100xi32, #tpu.memory_space<vmem>> -> memref<1x100xi32, #tpu.memory_space<vmem>>
    %dma_start3A_134 = tpu.memref_squeeze %dma_start3A_133 : memref<1x100xi32, #tpu.memory_space<vmem>> -> memref<100xi32, #tpu.memory_space<vmem>>
    %dma_start3A_135 = arith.constant 0 : i32
    %dma_start3A_136 = tpu.memref_slice %arg2[%add3A_124, %dma_start3A_135] : memref<8192x100xi32, #tpu.memory_space<hbm>> -> memref<1x100xi32, #tpu.memory_space<hbm>>
    %dma_start3A_137 = tpu.memref_squeeze %dma_start3A_136 : memref<1x100xi32, #tpu.memory_space<hbm>> -> memref<100xi32, #tpu.memory_space<hbm>>
    tpu.enqueue_dma source(%dma_start3A_137 : memref<100xi32, #tpu.memory_space<hbm>>) target(%dma_start3A_134 : memref<100xi32, #tpu.memory_space<vmem>>) target_semaphore(%arg10 : memref<!tpu.dma_semaphore, #tpu.memory_space<semaphore_mem>>)
    %add3A_138 = arith.constant 0 : i32
    %add3A_139 = arith.addi %mul3A_2, %add3A_138 : i32
    %add3A_140 = arith.constant 4 : i32
    %add3A_141 = arith.addi %add3A_139, %add3A_140 : i32
    %dma_start3A_142 = arith.constant 4 : i32
    %dma_start3A_143 = arith.constant 0 : i32
    %dma_start3A_144 = tpu.memref_slice %arg5[%dma_start3A_142, %dma_start3A_143] : memref<8x100xi32, #tpu.memory_space<vmem>> -> memref<1x100xi32, #tpu.memory_space<vmem>>
    %dma_start3A_145 = tpu.memref_squeeze %dma_start3A_144 : memref<1x100xi32, #tpu.memory_space<vmem>> -> memref<100xi32, #tpu.memory_space<vmem>>
    %dma_start3A_146 = arith.constant 0 : i32
    %dma_start3A_147 = tpu.memref_slice %arg2[%add3A_141, %dma_start3A_146] : memref<8192x100xi32, #tpu.memory_space<hbm>> -> memref<1x100xi32, #tpu.memory_space<hbm>>
    %dma_start3A_148 = tpu.memref_squeeze %dma_start3A_147 : memref<1x100xi32, #tpu.memory_space<hbm>> -> memref<100xi32, #tpu.memory_space<hbm>>
    %dma_start3A_149 = arith.constant 0 : i32
    %dma_start3A_150 = tpu.memref_slice %arg5[%dma_start3A_142, %dma_start3A_149] : memref<8x100xi32, #tpu.memory_space<vmem>> -> memref<1x100xi32, #tpu.memory_space<vmem>>
    %dma_start3A_151 = tpu.memref_squeeze %dma_start3A_150 : memref<1x100xi32, #tpu.memory_space<vmem>> -> memref<100xi32, #tpu.memory_space<vmem>>
    %dma_start3A_152 = arith.constant 0 : i32
    %dma_start3A_153 = tpu.memref_slice %arg2[%add3A_141, %dma_start3A_152] : memref<8192x100xi32, #tpu.memory_space<hbm>> -> memref<1x100xi32, #tpu.memory_space<hbm>>
    %dma_start3A_154 = tpu.memref_squeeze %dma_start3A_153 : memref<1x100xi32, #tpu.memory_space<hbm>> -> memref<100xi32, #tpu.memory_space<hbm>>
    tpu.enqueue_dma source(%dma_start3A_154 : memref<100xi32, #tpu.memory_space<hbm>>) target(%dma_start3A_151 : memref<100xi32, #tpu.memory_space<vmem>>) target_semaphore(%arg9 : memref<!tpu.dma_semaphore, #tpu.memory_space<semaphore_mem>>)
    %add3A_155 = arith.constant 8 : i32
    %add3A_156 = arith.addi %mul3A_2, %add3A_155 : i32
    %add3A_157 = arith.constant 4 : i32
    %add3A_158 = arith.addi %add3A_156, %add3A_157 : i32
    %dma_start3A_159 = arith.constant 4 : i32
    %dma_start3A_160 = arith.constant 0 : i32
    %dma_start3A_161 = tpu.memref_slice %arg6[%dma_start3A_159, %dma_start3A_160] : memref<8x100xi32, #tpu.memory_space<vmem>> -> memref<1x100xi32, #tpu.memory_space<vmem>>
    %dma_start3A_162 = tpu.memref_squeeze %dma_start3A_161 : memref<1x100xi32, #tpu.memory_space<vmem>> -> memref<100xi32, #tpu.memory_space<vmem>>
    %dma_start3A_163 = arith.constant 0 : i32
    %dma_start3A_164 = tpu.memref_slice %arg2[%add3A_158, %dma_start3A_163] : memref<8192x100xi32, #tpu.memory_space<hbm>> -> memref<1x100xi32, #tpu.memory_space<hbm>>
    %dma_start3A_165 = tpu.memref_squeeze %dma_start3A_164 : memref<1x100xi32, #tpu.memory_space<hbm>> -> memref<100xi32, #tpu.memory_space<hbm>>
    %dma_start3A_166 = arith.constant 0 : i32
    %dma_start3A_167 = tpu.memref_slice %arg6[%dma_start3A_159, %dma_start3A_166] : memref<8x100xi32, #tpu.memory_space<vmem>> -> memref<1x100xi32, #tpu.memory_space<vmem>>
    %dma_start3A_168 = tpu.memref_squeeze %dma_start3A_167 : memref<1x100xi32, #tpu.memory_space<vmem>> -> memref<100xi32, #tpu.memory_space<vmem>>
    %dma_start3A_169 = arith.constant 0 : i32
    %dma_start3A_170 = tpu.memref_slice %arg2[%add3A_158, %dma_start3A_169] : memref<8192x100xi32, #tpu.memory_space<hbm>> -> memref<1x100xi32, #tpu.memory_space<hbm>>
    %dma_start3A_171 = tpu.memref_squeeze %dma_start3A_170 : memref<1x100xi32, #tpu.memory_space<hbm>> -> memref<100xi32, #tpu.memory_space<hbm>>
    tpu.enqueue_dma source(%dma_start3A_171 : memref<100xi32, #tpu.memory_space<hbm>>) target(%dma_start3A_168 : memref<100xi32, #tpu.memory_space<vmem>>) target_semaphore(%arg10 : memref<!tpu.dma_semaphore, #tpu.memory_space<semaphore_mem>>)
    %add3A_172 = arith.constant 0 : i32
    %add3A_173 = arith.addi %mul3A_2, %add3A_172 : i32
    %add3A_174 = arith.constant 5 : i32
    %add3A_175 = arith.addi %add3A_173, %add3A_174 : i32
    %dma_start3A_176 = arith.constant 5 : i32
    %dma_start3A_177 = arith.constant 0 : i32
    %dma_start3A_178 = tpu.memref_slice %arg5[%dma_start3A_176, %dma_start3A_177] : memref<8x100xi32, #tpu.memory_space<vmem>> -> memref<1x100xi32, #tpu.memory_space<vmem>>
    %dma_start3A_179 = tpu.memref_squeeze %dma_start3A_178 : memref<1x100xi32, #tpu.memory_space<vmem>> -> memref<100xi32, #tpu.memory_space<vmem>>
    %dma_start3A_180 = arith.constant 0 : i32
    %dma_start3A_181 = tpu.memref_slice %arg2[%add3A_175, %dma_start3A_180] : memref<8192x100xi32, #tpu.memory_space<hbm>> -> memref<1x100xi32, #tpu.memory_space<hbm>>
    %dma_start3A_182 = tpu.memref_squeeze %dma_start3A_181 : memref<1x100xi32, #tpu.memory_space<hbm>> -> memref<100xi32, #tpu.memory_space<hbm>>
    %dma_start3A_183 = arith.constant 0 : i32
    %dma_start3A_184 = tpu.memref_slice %arg5[%dma_start3A_176, %dma_start3A_183] : memref<8x100xi32, #tpu.memory_space<vmem>> -> memref<1x100xi32, #tpu.memory_space<vmem>>
    %dma_start3A_185 = tpu.memref_squeeze %dma_start3A_184 : memref<1x100xi32, #tpu.memory_space<vmem>> -> memref<100xi32, #tpu.memory_space<vmem>>
    %dma_start3A_186 = arith.constant 0 : i32
    %dma_start3A_187 = tpu.memref_slice %arg2[%add3A_175, %dma_start3A_186] : memref<8192x100xi32, #tpu.memory_space<hbm>> -> memref<1x100xi32, #tpu.memory_space<hbm>>
    %dma_start3A_188 = tpu.memref_squeeze %dma_start3A_187 : memref<1x100xi32, #tpu.memory_space<hbm>> -> memref<100xi32, #tpu.memory_space<hbm>>
    tpu.enqueue_dma source(%dma_start3A_188 : memref<100xi32, #tpu.memory_space<hbm>>) target(%dma_start3A_185 : memref<100xi32, #tpu.memory_space<vmem>>) target_semaphore(%arg9 : memref<!tpu.dma_semaphore, #tpu.memory_space<semaphore_mem>>)
    %add3A_189 = arith.constant 8 : i32
    %add3A_190 = arith.addi %mul3A_2, %add3A_189 : i32
    %add3A_191 = arith.constant 5 : i32
    %add3A_192 = arith.addi %add3A_190, %add3A_191 : i32
    %dma_start3A_193 = arith.constant 5 : i32
    %dma_start3A_194 = arith.constant 0 : i32
    %dma_start3A_195 = tpu.memref_slice %arg6[%dma_start3A_193, %dma_start3A_194] : memref<8x100xi32, #tpu.memory_space<vmem>> -> memref<1x100xi32, #tpu.memory_space<vmem>>
    %dma_start3A_196 = tpu.memref_squeeze %dma_start3A_195 : memref<1x100xi32, #tpu.memory_space<vmem>> -> memref<100xi32, #tpu.memory_space<vmem>>
    %dma_start3A_197 = arith.constant 0 : i32
    %dma_start3A_198 = tpu.memref_slice %arg2[%add3A_192, %dma_start3A_197] : memref<8192x100xi32, #tpu.memory_space<hbm>> -> memref<1x100xi32, #tpu.memory_space<hbm>>
    %dma_start3A_199 = tpu.memref_squeeze %dma_start3A_198 : memref<1x100xi32, #tpu.memory_space<hbm>> -> memref<100xi32, #tpu.memory_space<hbm>>
    %dma_start3A_200 = arith.constant 0 : i32
    %dma_start3A_201 = tpu.memref_slice %arg6[%dma_start3A_193, %dma_start3A_200] : memref<8x100xi32, #tpu.memory_space<vmem>> -> memref<1x100xi32, #tpu.memory_space<vmem>>
    %dma_start3A_202 = tpu.memref_squeeze %dma_start3A_201 : memref<1x100xi32, #tpu.memory_space<vmem>> -> memref<100xi32, #tpu.memory_space<vmem>>
    %dma_start3A_203 = arith.constant 0 : i32
    %dma_start3A_204 = tpu.memref_slice %arg2[%add3A_192, %dma_start3A_203] : memref<8192x100xi32, #tpu.memory_space<hbm>> -> memref<1x100xi32, #tpu.memory_space<hbm>>
    %dma_start3A_205 = tpu.memref_squeeze %dma_start3A_204 : memref<1x100xi32, #tpu.memory_space<hbm>> -> memref<100xi32, #tpu.memory_space<hbm>>
    tpu.enqueue_dma source(%dma_start3A_205 : memref<100xi32, #tpu.memory_space<hbm>>) target(%dma_start3A_202 : memref<100xi32, #tpu.memory_space<vmem>>) target_semaphore(%arg10 : memref<!tpu.dma_semaphore, #tpu.memory_space<semaphore_mem>>)
    %add3A_206 = arith.constant 0 : i32
    %add3A_207 = arith.addi %mul3A_2, %add3A_206 : i32
    %add3A_208 = arith.constant 6 : i32
    %add3A_209 = arith.addi %add3A_207, %add3A_208 : i32
    %dma_start3A_210 = arith.constant 6 : i32
    %dma_start3A_211 = arith.constant 0 : i32
    %dma_start3A_212 = tpu.memref_slice %arg5[%dma_start3A_210, %dma_start3A_211] : memref<8x100xi32, #tpu.memory_space<vmem>> -> memref<1x100xi32, #tpu.memory_space<vmem>>
    %dma_start3A_213 = tpu.memref_squeeze %dma_start3A_212 : memref<1x100xi32, #tpu.memory_space<vmem>> -> memref<100xi32, #tpu.memory_space<vmem>>
    %dma_start3A_214 = arith.constant 0 : i32
    %dma_start3A_215 = tpu.memref_slice %arg2[%add3A_209, %dma_start3A_214] : memref<8192x100xi32, #tpu.memory_space<hbm>> -> memref<1x100xi32, #tpu.memory_space<hbm>>
    %dma_start3A_216 = tpu.memref_squeeze %dma_start3A_215 : memref<1x100xi32, #tpu.memory_space<hbm>> -> memref<100xi32, #tpu.memory_space<hbm>>
    %dma_start3A_217 = arith.constant 0 : i32
    %dma_start3A_218 = tpu.memref_slice %arg5[%dma_start3A_210, %dma_start3A_217] : memref<8x100xi32, #tpu.memory_space<vmem>> -> memref<1x100xi32, #tpu.memory_space<vmem>>
    %dma_start3A_219 = tpu.memref_squeeze %dma_start3A_218 : memref<1x100xi32, #tpu.memory_space<vmem>> -> memref<100xi32, #tpu.memory_space<vmem>>
    %dma_start3A_220 = arith.constant 0 : i32
    %dma_start3A_221 = tpu.memref_slice %arg2[%add3A_209, %dma_start3A_220] : memref<8192x100xi32, #tpu.memory_space<hbm>> -> memref<1x100xi32, #tpu.memory_space<hbm>>
    %dma_start3A_222 = tpu.memref_squeeze %dma_start3A_221 : memref<1x100xi32, #tpu.memory_space<hbm>> -> memref<100xi32, #tpu.memory_space<hbm>>
    tpu.enqueue_dma source(%dma_start3A_222 : memref<100xi32, #tpu.memory_space<hbm>>) target(%dma_start3A_219 : memref<100xi32, #tpu.memory_space<vmem>>) target_semaphore(%arg9 : memref<!tpu.dma_semaphore, #tpu.memory_space<semaphore_mem>>)
    %add3A_223 = arith.constant 8 : i32
    %add3A_224 = arith.addi %mul3A_2, %add3A_223 : i32
    %add3A_225 = arith.constant 6 : i32
    %add3A_226 = arith.addi %add3A_224, %add3A_225 : i32
    %dma_start3A_227 = arith.constant 6 : i32
    %dma_start3A_228 = arith.constant 0 : i32
    %dma_start3A_229 = tpu.memref_slice %arg6[%dma_start3A_227, %dma_start3A_228] : memref<8x100xi32, #tpu.memory_space<vmem>> -> memref<1x100xi32, #tpu.memory_space<vmem>>
    %dma_start3A_230 = tpu.memref_squeeze %dma_start3A_229 : memref<1x100xi32, #tpu.memory_space<vmem>> -> memref<100xi32, #tpu.memory_space<vmem>>
    %dma_start3A_231 = arith.constant 0 : i32
    %dma_start3A_232 = tpu.memref_slice %arg2[%add3A_226, %dma_start3A_231] : memref<8192x100xi32, #tpu.memory_space<hbm>> -> memref<1x100xi32, #tpu.memory_space<hbm>>
    %dma_start3A_233 = tpu.memref_squeeze %dma_start3A_232 : memref<1x100xi32, #tpu.memory_space<hbm>> -> memref<100xi32, #tpu.memory_space<hbm>>
    %dma_start3A_234 = arith.constant 0 : i32
    %dma_start3A_235 = tpu.memref_slice %arg6[%dma_start3A_227, %dma_start3A_234] : memref<8x100xi32, #tpu.memory_space<vmem>> -> memref<1x100xi32, #tpu.memory_space<vmem>>
    %dma_start3A_236 = tpu.memref_squeeze %dma_start3A_235 : memref<1x100xi32, #tpu.memory_space<vmem>> -> memref<100xi32, #tpu.memory_space<vmem>>
    %dma_start3A_237 = arith.constant 0 : i32
    %dma_start3A_238 = tpu.memref_slice %arg2[%add3A_226, %dma_start3A_237] : memref<8192x100xi32, #tpu.memory_space<hbm>> -> memref<1x100xi32, #tpu.memory_space<hbm>>
    %dma_start3A_239 = tpu.memref_squeeze %dma_start3A_238 : memref<1x100xi32, #tpu.memory_space<hbm>> -> memref<100xi32, #tpu.memory_space<hbm>>
    tpu.enqueue_dma source(%dma_start3A_239 : memref<100xi32, #tpu.memory_space<hbm>>) target(%dma_start3A_236 : memref<100xi32, #tpu.memory_space<vmem>>) target_semaphore(%arg10 : memref<!tpu.dma_semaphore, #tpu.memory_space<semaphore_mem>>)
    %add3A_240 = arith.constant 0 : i32
    %add3A_241 = arith.addi %mul3A_2, %add3A_240 : i32
    %add3A_242 = arith.constant 7 : i32
    %add3A_243 = arith.addi %add3A_241, %add3A_242 : i32
    %dma_start3A_244 = arith.constant 7 : i32
    %dma_start3A_245 = arith.constant 0 : i32
    %dma_start3A_246 = tpu.memref_slice %arg5[%dma_start3A_244, %dma_start3A_245] : memref<8x100xi32, #tpu.memory_space<vmem>> -> memref<1x100xi32, #tpu.memory_space<vmem>>
    %dma_start3A_247 = tpu.memref_squeeze %dma_start3A_246 : memref<1x100xi32, #tpu.memory_space<vmem>> -> memref<100xi32, #tpu.memory_space<vmem>>
    %dma_start3A_248 = arith.constant 0 : i32
    %dma_start3A_249 = tpu.memref_slice %arg2[%add3A_243, %dma_start3A_248] : memref<8192x100xi32, #tpu.memory_space<hbm>> -> memref<1x100xi32, #tpu.memory_space<hbm>>
    %dma_start3A_250 = tpu.memref_squeeze %dma_start3A_249 : memref<1x100xi32, #tpu.memory_space<hbm>> -> memref<100xi32, #tpu.memory_space<hbm>>
    %dma_start3A_251 = arith.constant 0 : i32
    %dma_start3A_252 = tpu.memref_slice %arg5[%dma_start3A_244, %dma_start3A_251] : memref<8x100xi32, #tpu.memory_space<vmem>> -> memref<1x100xi32, #tpu.memory_space<vmem>>
    %dma_start3A_253 = tpu.memref_squeeze %dma_start3A_252 : memref<1x100xi32, #tpu.memory_space<vmem>> -> memref<100xi32, #tpu.memory_space<vmem>>
    %dma_start3A_254 = arith.constant 0 : i32
    %dma_start3A_255 = tpu.memref_slice %arg2[%add3A_243, %dma_start3A_254] : memref<8192x100xi32, #tpu.memory_space<hbm>> -> memref<1x100xi32, #tpu.memory_space<hbm>>
    %dma_start3A_256 = tpu.memref_squeeze %dma_start3A_255 : memref<1x100xi32, #tpu.memory_space<hbm>> -> memref<100xi32, #tpu.memory_space<hbm>>
    tpu.enqueue_dma source(%dma_start3A_256 : memref<100xi32, #tpu.memory_space<hbm>>) target(%dma_start3A_253 : memref<100xi32, #tpu.memory_space<vmem>>) target_semaphore(%arg9 : memref<!tpu.dma_semaphore, #tpu.memory_space<semaphore_mem>>)
    %add3A_257 = arith.constant 8 : i32
    %add3A_258 = arith.addi %mul3A_2, %add3A_257 : i32
    %add3A_259 = arith.constant 7 : i32
    %add3A_260 = arith.addi %add3A_258, %add3A_259 : i32
    %dma_start3A_261 = arith.constant 7 : i32
    %dma_start3A_262 = arith.constant 0 : i32
    %dma_start3A_263 = tpu.memref_slice %arg6[%dma_start3A_261, %dma_start3A_262] : memref<8x100xi32, #tpu.memory_space<vmem>> -> memref<1x100xi32, #tpu.memory_space<vmem>>
    %dma_start3A_264 = tpu.memref_squeeze %dma_start3A_263 : memref<1x100xi32, #tpu.memory_space<vmem>> -> memref<100xi32, #tpu.memory_space<vmem>>
    %dma_start3A_265 = arith.constant 0 : i32
    %dma_start3A_266 = tpu.memref_slice %arg2[%add3A_260, %dma_start3A_265] : memref<8192x100xi32, #tpu.memory_space<hbm>> -> memref<1x100xi32, #tpu.memory_space<hbm>>
    %dma_start3A_267 = tpu.memref_squeeze %dma_start3A_266 : memref<1x100xi32, #tpu.memory_space<hbm>> -> memref<100xi32, #tpu.memory_space<hbm>>
    %dma_start3A_268 = arith.constant 0 : i32
    %dma_start3A_269 = tpu.memref_slice %arg6[%dma_start3A_261, %dma_start3A_268] : memref<8x100xi32, #tpu.memory_space<vmem>> -> memref<1x100xi32, #tpu.memory_space<vmem>>
    %dma_start3A_270 = tpu.memref_squeeze %dma_start3A_269 : memref<1x100xi32, #tpu.memory_space<vmem>> -> memref<100xi32, #tpu.memory_space<vmem>>
    %dma_start3A_271 = arith.constant 0 : i32
    %dma_start3A_272 = tpu.memref_slice %arg2[%add3A_260, %dma_start3A_271] : memref<8192x100xi32, #tpu.memory_space<hbm>> -> memref<1x100xi32, #tpu.memory_space<hbm>>
    %dma_start3A_273 = tpu.memref_squeeze %dma_start3A_272 : memref<1x100xi32, #tpu.memory_space<hbm>> -> memref<100xi32, #tpu.memory_space<hbm>>
    tpu.enqueue_dma source(%dma_start3A_273 : memref<100xi32, #tpu.memory_space<hbm>>) target(%dma_start3A_270 : memref<100xi32, #tpu.memory_space<vmem>>) target_semaphore(%arg10 : memref<!tpu.dma_semaphore, #tpu.memory_space<semaphore_mem>>)
    %dma_wait3A = arith.constant 0 : i32
    %dma_wait3A_274 = arith.constant 0 : i32
    %dma_wait3A_275 = arith.constant 0 : i32
    %dma_wait3A_276 = tpu.memref_slice %arg5[%dma_wait3A_274, %dma_wait3A_275] : memref<8x100xi32, #tpu.memory_space<vmem>> -> memref<1x100xi32, #tpu.memory_space<vmem>>
    %dma_wait3A_277 = tpu.memref_squeeze %dma_wait3A_276 : memref<1x100xi32, #tpu.memory_space<vmem>> -> memref<100xi32, #tpu.memory_space<vmem>>
    %dma_wait3A_278 = arith.constant 0 : i32
    %dma_wait3A_279 = tpu.memref_slice %arg2[%dma_wait3A, %dma_wait3A_278] : memref<8192x100xi32, #tpu.memory_space<hbm>> -> memref<1x100xi32, #tpu.memory_space<hbm>>
    %dma_wait3A_280 = tpu.memref_squeeze %dma_wait3A_279 : memref<1x100xi32, #tpu.memory_space<hbm>> -> memref<100xi32, #tpu.memory_space<hbm>>
    %dma_wait3A_281 = arith.constant 0 : i32
    %dma_wait3A_282 = tpu.memref_slice %arg5[%dma_wait3A_274, %dma_wait3A_281] : memref<8x100xi32, #tpu.memory_space<vmem>> -> memref<1x100xi32, #tpu.memory_space<vmem>>
    %dma_wait3A_283 = tpu.memref_squeeze %dma_wait3A_282 : memref<1x100xi32, #tpu.memory_space<vmem>> -> memref<100xi32, #tpu.memory_space<vmem>>
    %dma_wait3A_284 = arith.constant 0 : i32
    %dma_wait3A_285 = tpu.memref_slice %arg2[%dma_wait3A, %dma_wait3A_284] : memref<8192x100xi32, #tpu.memory_space<hbm>> -> memref<1x100xi32, #tpu.memory_space<hbm>>
    %dma_wait3A_286 = tpu.memref_squeeze %dma_wait3A_285 : memref<1x100xi32, #tpu.memory_space<hbm>> -> memref<100xi32, #tpu.memory_space<hbm>>
    tpu.wait_dma2 semaphore(%arg9 : memref<!tpu.dma_semaphore, #tpu.memory_space<semaphore_mem>>) src(%dma_wait3A_286 : memref<100xi32, #tpu.memory_space<hbm>>) dst(%dma_wait3A_283 : memref<100xi32, #tpu.memory_space<vmem>>)
    %dma_start3A_287 = arith.constant 0 : i32
    %dma_start3A_288 = arith.constant 0 : i32
    %dma_start3A_289 = arith.constant 0 : i32
    %dma_start3A_290 = arith.constant 0 : i32
    %dma_start3A_291 = tpu.memref_slice %arg7[%dma_start3A_288, %dma_start3A_289, %dma_start3A_290] : memref<8x100x64xf32, #tpu.memory_space<vmem>> -> memref<1x100x64xf32, #tpu.memory_space<vmem>>
    %dma_start3A_292 = tpu.memref_squeeze %dma_start3A_291 : memref<1x100x64xf32, #tpu.memory_space<vmem>> -> memref<100x64xf32, #tpu.memory_space<vmem>>
    %dma_start3A_293 = arith.constant 0 : i32
    %dma_start3A_294 = tpu.memref_slice %arg5[%dma_start3A_287, %dma_start3A_293] : memref<8x100xi32, #tpu.memory_space<vmem>> -> memref<1x100xi32, #tpu.memory_space<vmem>>
    %dma_start3A_295 = tpu.memref_squeeze %dma_start3A_294 : memref<1x100xi32, #tpu.memory_space<vmem>> -> memref<100xi32, #tpu.memory_space<vmem>>
    %dma_start3A_296 = arith.constant 0 : i32
    %dma_start3A_297 = arith.constant 0 : i32
    %dma_start3A_298 = tpu.memref_slice %arg3[%dma_start3A_296, %dma_start3A_297] : memref<2000000x64xf32, #tpu.memory_space<hbm>> -> memref<2000000x64xf32, #tpu.memory_space<hbm>>
    tpu.enqueue_indirect_dma source(%dma_start3A_298 : memref<2000000x64xf32, #tpu.memory_space<hbm>>) target(%dma_start3A_292 : memref<100x64xf32, #tpu.memory_space<vmem>>) offsets(%dma_start3A_295 : memref<100xi32, #tpu.memory_space<vmem>>) semaphore(%arg11 : memref<!tpu.dma_semaphore, #tpu.memory_space<semaphore_mem>>)
    %dma_wait3A_299 = arith.constant 0 : i32
    %dma_wait3A_300 = arith.constant 0 : i32
    %dma_wait3A_301 = arith.constant 0 : i32
    %dma_wait3A_302 = tpu.memref_slice %arg5[%dma_wait3A_300, %dma_wait3A_301] : memref<8x100xi32, #tpu.memory_space<vmem>> -> memref<1x100xi32, #tpu.memory_space<vmem>>
    %dma_wait3A_303 = tpu.memref_squeeze %dma_wait3A_302 : memref<1x100xi32, #tpu.memory_space<vmem>> -> memref<100xi32, #tpu.memory_space<vmem>>
    %dma_wait3A_304 = arith.constant 0 : i32
    %dma_wait3A_305 = tpu.memref_slice %arg2[%dma_wait3A_299, %dma_wait3A_304] : memref<8192x100xi32, #tpu.memory_space<hbm>> -> memref<1x100xi32, #tpu.memory_space<hbm>>
    %dma_wait3A_306 = tpu.memref_squeeze %dma_wait3A_305 : memref<1x100xi32, #tpu.memory_space<hbm>> -> memref<100xi32, #tpu.memory_space<hbm>>
    %dma_wait3A_307 = arith.constant 0 : i32
    %dma_wait3A_308 = tpu.memref_slice %arg5[%dma_wait3A_300, %dma_wait3A_307] : memref<8x100xi32, #tpu.memory_space<vmem>> -> memref<1x100xi32, #tpu.memory_space<vmem>>
    %dma_wait3A_309 = tpu.memref_squeeze %dma_wait3A_308 : memref<1x100xi32, #tpu.memory_space<vmem>> -> memref<100xi32, #tpu.memory_space<vmem>>
    %dma_wait3A_310 = arith.constant 0 : i32
    %dma_wait3A_311 = tpu.memref_slice %arg2[%dma_wait3A_299, %dma_wait3A_310] : memref<8192x100xi32, #tpu.memory_space<hbm>> -> memref<1x100xi32, #tpu.memory_space<hbm>>
    %dma_wait3A_312 = tpu.memref_squeeze %dma_wait3A_311 : memref<1x100xi32, #tpu.memory_space<hbm>> -> memref<100xi32, #tpu.memory_space<hbm>>
    tpu.wait_dma2 semaphore(%arg9 : memref<!tpu.dma_semaphore, #tpu.memory_space<semaphore_mem>>) src(%dma_wait3A_312 : memref<100xi32, #tpu.memory_space<hbm>>) dst(%dma_wait3A_309 : memref<100xi32, #tpu.memory_space<vmem>>)
    %dma_start3A_313 = arith.constant 1 : i32
    %dma_start3A_314 = arith.constant 1 : i32
    %dma_start3A_315 = arith.constant 0 : i32
    %dma_start3A_316 = arith.constant 0 : i32
    %dma_start3A_317 = tpu.memref_slice %arg7[%dma_start3A_314, %dma_start3A_315, %dma_start3A_316] : memref<8x100x64xf32, #tpu.memory_space<vmem>> -> memref<1x100x64xf32, #tpu.memory_space<vmem>>
    %dma_start3A_318 = tpu.memref_squeeze %dma_start3A_317 : memref<1x100x64xf32, #tpu.memory_space<vmem>> -> memref<100x64xf32, #tpu.memory_space<vmem>>
    %dma_start3A_319 = arith.constant 0 : i32
    %dma_start3A_320 = tpu.memref_slice %arg5[%dma_start3A_313, %dma_start3A_319] : memref<8x100xi32, #tpu.memory_space<vmem>> -> memref<1x100xi32, #tpu.memory_space<vmem>>
    %dma_start3A_321 = tpu.memref_squeeze %dma_start3A_320 : memref<1x100xi32, #tpu.memory_space<vmem>> -> memref<100xi32, #tpu.memory_space<vmem>>
    %dma_start3A_322 = arith.constant 0 : i32
    %dma_start3A_323 = arith.constant 0 : i32
    %dma_start3A_324 = tpu.memref_slice %arg3[%dma_start3A_322, %dma_start3A_323] : memref<2000000x64xf32, #tpu.memory_space<hbm>> -> memref<2000000x64xf32, #tpu.memory_space<hbm>>
    tpu.enqueue_indirect_dma source(%dma_start3A_324 : memref<2000000x64xf32, #tpu.memory_space<hbm>>) target(%dma_start3A_318 : memref<100x64xf32, #tpu.memory_space<vmem>>) offsets(%dma_start3A_321 : memref<100xi32, #tpu.memory_space<vmem>>) semaphore(%arg11 : memref<!tpu.dma_semaphore, #tpu.memory_space<semaphore_mem>>)
    %dma_wait3A_325 = arith.constant 0 : i32
    %dma_wait3A_326 = arith.constant 0 : i32
    %dma_wait3A_327 = arith.constant 0 : i32
    %dma_wait3A_328 = tpu.memref_slice %arg5[%dma_wait3A_326, %dma_wait3A_327] : memref<8x100xi32, #tpu.memory_space<vmem>> -> memref<1x100xi32, #tpu.memory_space<vmem>>
    %dma_wait3A_329 = tpu.memref_squeeze %dma_wait3A_328 : memref<1x100xi32, #tpu.memory_space<vmem>> -> memref<100xi32, #tpu.memory_space<vmem>>
    %dma_wait3A_330 = arith.constant 0 : i32
    %dma_wait3A_331 = tpu.memref_slice %arg2[%dma_wait3A_325, %dma_wait3A_330] : memref<8192x100xi32, #tpu.memory_space<hbm>> -> memref<1x100xi32, #tpu.memory_space<hbm>>
    %dma_wait3A_332 = tpu.memref_squeeze %dma_wait3A_331 : memref<1x100xi32, #tpu.memory_space<hbm>> -> memref<100xi32, #tpu.memory_space<hbm>>
    %dma_wait3A_333 = arith.constant 0 : i32
    %dma_wait3A_334 = tpu.memref_slice %arg5[%dma_wait3A_326, %dma_wait3A_333] : memref<8x100xi32, #tpu.memory_space<vmem>> -> memref<1x100xi32, #tpu.memory_space<vmem>>
    %dma_wait3A_335 = tpu.memref_squeeze %dma_wait3A_334 : memref<1x100xi32, #tpu.memory_space<vmem>> -> memref<100xi32, #tpu.memory_space<vmem>>
    %dma_wait3A_336 = arith.constant 0 : i32
    %dma_wait3A_337 = tpu.memref_slice %arg2[%dma_wait3A_325, %dma_wait3A_336] : memref<8192x100xi32, #tpu.memory_space<hbm>> -> memref<1x100xi32, #tpu.memory_space<hbm>>
    %dma_wait3A_338 = tpu.memref_squeeze %dma_wait3A_337 : memref<1x100xi32, #tpu.memory_space<hbm>> -> memref<100xi32, #tpu.memory_space<hbm>>
    tpu.wait_dma2 semaphore(%arg9 : memref<!tpu.dma_semaphore, #tpu.memory_space<semaphore_mem>>) src(%dma_wait3A_338 : memref<100xi32, #tpu.memory_space<hbm>>) dst(%dma_wait3A_335 : memref<100xi32, #tpu.memory_space<vmem>>)
    %dma_start3A_339 = arith.constant 2 : i32
    %dma_start3A_340 = arith.constant 2 : i32
    %dma_start3A_341 = arith.constant 0 : i32
    %dma_start3A_342 = arith.constant 0 : i32
    %dma_start3A_343 = tpu.memref_slice %arg7[%dma_start3A_340, %dma_start3A_341, %dma_start3A_342] : memref<8x100x64xf32, #tpu.memory_space<vmem>> -> memref<1x100x64xf32, #tpu.memory_space<vmem>>
    %dma_start3A_344 = tpu.memref_squeeze %dma_start3A_343 : memref<1x100x64xf32, #tpu.memory_space<vmem>> -> memref<100x64xf32, #tpu.memory_space<vmem>>
    %dma_start3A_345 = arith.constant 0 : i32
    %dma_start3A_346 = tpu.memref_slice %arg5[%dma_start3A_339, %dma_start3A_345] : memref<8x100xi32, #tpu.memory_space<vmem>> -> memref<1x100xi32, #tpu.memory_space<vmem>>
    %dma_start3A_347 = tpu.memref_squeeze %dma_start3A_346 : memref<1x100xi32, #tpu.memory_space<vmem>> -> memref<100xi32, #tpu.memory_space<vmem>>
    %dma_start3A_348 = arith.constant 0 : i32
    %dma_start3A_349 = arith.constant 0 : i32
    %dma_start3A_350 = tpu.memref_slice %arg3[%dma_start3A_348, %dma_start3A_349] : memref<2000000x64xf32, #tpu.memory_space<hbm>> -> memref<2000000x64xf32, #tpu.memory_space<hbm>>
    tpu.enqueue_indirect_dma source(%dma_start3A_350 : memref<2000000x64xf32, #tpu.memory_space<hbm>>) target(%dma_start3A_344 : memref<100x64xf32, #tpu.memory_space<vmem>>) offsets(%dma_start3A_347 : memref<100xi32, #tpu.memory_space<vmem>>) semaphore(%arg11 : memref<!tpu.dma_semaphore, #tpu.memory_space<semaphore_mem>>)
    %dma_wait3A_351 = arith.constant 0 : i32
    %dma_wait3A_352 = arith.constant 0 : i32
    %dma_wait3A_353 = arith.constant 0 : i32
    %dma_wait3A_354 = tpu.memref_slice %arg5[%dma_wait3A_352, %dma_wait3A_353] : memref<8x100xi32, #tpu.memory_space<vmem>> -> memref<1x100xi32, #tpu.memory_space<vmem>>
    %dma_wait3A_355 = tpu.memref_squeeze %dma_wait3A_354 : memref<1x100xi32, #tpu.memory_space<vmem>> -> memref<100xi32, #tpu.memory_space<vmem>>
    %dma_wait3A_356 = arith.constant 0 : i32
    %dma_wait3A_357 = tpu.memref_slice %arg2[%dma_wait3A_351, %dma_wait3A_356] : memref<8192x100xi32, #tpu.memory_space<hbm>> -> memref<1x100xi32, #tpu.memory_space<hbm>>
    %dma_wait3A_358 = tpu.memref_squeeze %dma_wait3A_357 : memref<1x100xi32, #tpu.memory_space<hbm>> -> memref<100xi32, #tpu.memory_space<hbm>>
    %dma_wait3A_359 = arith.constant 0 : i32
    %dma_wait3A_360 = tpu.memref_slice %arg5[%dma_wait3A_352, %dma_wait3A_359] : memref<8x100xi32, #tpu.memory_space<vmem>> -> memref<1x100xi32, #tpu.memory_space<vmem>>
    %dma_wait3A_361 = tpu.memref_squeeze %dma_wait3A_360 : memref<1x100xi32, #tpu.memory_space<vmem>> -> memref<100xi32, #tpu.memory_space<vmem>>
    %dma_wait3A_362 = arith.constant 0 : i32
    %dma_wait3A_363 = tpu.memref_slice %arg2[%dma_wait3A_351, %dma_wait3A_362] : memref<8192x100xi32, #tpu.memory_space<hbm>> -> memref<1x100xi32, #tpu.memory_space<hbm>>
    %dma_wait3A_364 = tpu.memref_squeeze %dma_wait3A_363 : memref<1x100xi32, #tpu.memory_space<hbm>> -> memref<100xi32, #tpu.memory_space<hbm>>
    tpu.wait_dma2 semaphore(%arg9 : memref<!tpu.dma_semaphore, #tpu.memory_space<semaphore_mem>>) src(%dma_wait3A_364 : memref<100xi32, #tpu.memory_space<hbm>>) dst(%dma_wait3A_361 : memref<100xi32, #tpu.memory_space<vmem>>)
    %dma_start3A_365 = arith.constant 3 : i32
    %dma_start3A_366 = arith.constant 3 : i32
    %dma_start3A_367 = arith.constant 0 : i32
    %dma_start3A_368 = arith.constant 0 : i32
    %dma_start3A_369 = tpu.memref_slice %arg7[%dma_start3A_366, %dma_start3A_367, %dma_start3A_368] : memref<8x100x64xf32, #tpu.memory_space<vmem>> -> memref<1x100x64xf32, #tpu.memory_space<vmem>>
    %dma_start3A_370 = tpu.memref_squeeze %dma_start3A_369 : memref<1x100x64xf32, #tpu.memory_space<vmem>> -> memref<100x64xf32, #tpu.memory_space<vmem>>
    %dma_start3A_371 = arith.constant 0 : i32
    %dma_start3A_372 = tpu.memref_slice %arg5[%dma_start3A_365, %dma_start3A_371] : memref<8x100xi32, #tpu.memory_space<vmem>> -> memref<1x100xi32, #tpu.memory_space<vmem>>
    %dma_start3A_373 = tpu.memref_squeeze %dma_start3A_372 : memref<1x100xi32, #tpu.memory_space<vmem>> -> memref<100xi32, #tpu.memory_space<vmem>>
    %dma_start3A_374 = arith.constant 0 : i32
    %dma_start3A_375 = arith.constant 0 : i32
    %dma_start3A_376 = tpu.memref_slice %arg3[%dma_start3A_374, %dma_start3A_375] : memref<2000000x64xf32, #tpu.memory_space<hbm>> -> memref<2000000x64xf32, #tpu.memory_space<hbm>>
    tpu.enqueue_indirect_dma source(%dma_start3A_376 : memref<2000000x64xf32, #tpu.memory_space<hbm>>) target(%dma_start3A_370 : memref<100x64xf32, #tpu.memory_space<vmem>>) offsets(%dma_start3A_373 : memref<100xi32, #tpu.memory_space<vmem>>) semaphore(%arg11 : memref<!tpu.dma_semaphore, #tpu.memory_space<semaphore_mem>>)
    %dma_wait3A_377 = arith.constant 0 : i32
    %dma_wait3A_378 = arith.constant 0 : i32
    %dma_wait3A_379 = arith.constant 0 : i32
    %dma_wait3A_380 = tpu.memref_slice %arg5[%dma_wait3A_378, %dma_wait3A_379] : memref<8x100xi32, #tpu.memory_space<vmem>> -> memref<1x100xi32, #tpu.memory_space<vmem>>
    %dma_wait3A_381 = tpu.memref_squeeze %dma_wait3A_380 : memref<1x100xi32, #tpu.memory_space<vmem>> -> memref<100xi32, #tpu.memory_space<vmem>>
    %dma_wait3A_382 = arith.constant 0 : i32
    %dma_wait3A_383 = tpu.memref_slice %arg2[%dma_wait3A_377, %dma_wait3A_382] : memref<8192x100xi32, #tpu.memory_space<hbm>> -> memref<1x100xi32, #tpu.memory_space<hbm>>
    %dma_wait3A_384 = tpu.memref_squeeze %dma_wait3A_383 : memref<1x100xi32, #tpu.memory_space<hbm>> -> memref<100xi32, #tpu.memory_space<hbm>>
    %dma_wait3A_385 = arith.constant 0 : i32
    %dma_wait3A_386 = tpu.memref_slice %arg5[%dma_wait3A_378, %dma_wait3A_385] : memref<8x100xi32, #tpu.memory_space<vmem>> -> memref<1x100xi32, #tpu.memory_space<vmem>>
    %dma_wait3A_387 = tpu.memref_squeeze %dma_wait3A_386 : memref<1x100xi32, #tpu.memory_space<vmem>> -> memref<100xi32, #tpu.memory_space<vmem>>
    %dma_wait3A_388 = arith.constant 0 : i32
    %dma_wait3A_389 = tpu.memref_slice %arg2[%dma_wait3A_377, %dma_wait3A_388] : memref<8192x100xi32, #tpu.memory_space<hbm>> -> memref<1x100xi32, #tpu.memory_space<hbm>>
    %dma_wait3A_390 = tpu.memref_squeeze %dma_wait3A_389 : memref<1x100xi32, #tpu.memory_space<hbm>> -> memref<100xi32, #tpu.memory_space<hbm>>
    tpu.wait_dma2 semaphore(%arg9 : memref<!tpu.dma_semaphore, #tpu.memory_space<semaphore_mem>>) src(%dma_wait3A_390 : memref<100xi32, #tpu.memory_space<hbm>>) dst(%dma_wait3A_387 : memref<100xi32, #tpu.memory_space<vmem>>)
    %dma_start3A_391 = arith.constant 4 : i32
    %dma_start3A_392 = arith.constant 4 : i32
    %dma_start3A_393 = arith.constant 0 : i32
    %dma_start3A_394 = arith.constant 0 : i32
    %dma_start3A_395 = tpu.memref_slice %arg7[%dma_start3A_392, %dma_start3A_393, %dma_start3A_394] : memref<8x100x64xf32, #tpu.memory_space<vmem>> -> memref<1x100x64xf32, #tpu.memory_space<vmem>>
    %dma_start3A_396 = tpu.memref_squeeze %dma_start3A_395 : memref<1x100x64xf32, #tpu.memory_space<vmem>> -> memref<100x64xf32, #tpu.memory_space<vmem>>
    %dma_start3A_397 = arith.constant 0 : i32
    %dma_start3A_398 = tpu.memref_slice %arg5[%dma_start3A_391, %dma_start3A_397] : memref<8x100xi32, #tpu.memory_space<vmem>> -> memref<1x100xi32, #tpu.memory_space<vmem>>
    %dma_start3A_399 = tpu.memref_squeeze %dma_start3A_398 : memref<1x100xi32, #tpu.memory_space<vmem>> -> memref<100xi32, #tpu.memory_space<vmem>>
    %dma_start3A_400 = arith.constant 0 : i32
    %dma_start3A_401 = arith.constant 0 : i32
    %dma_start3A_402 = tpu.memref_slice %arg3[%dma_start3A_400, %dma_start3A_401] : memref<2000000x64xf32, #tpu.memory_space<hbm>> -> memref<2000000x64xf32, #tpu.memory_space<hbm>>
    tpu.enqueue_indirect_dma source(%dma_start3A_402 : memref<2000000x64xf32, #tpu.memory_space<hbm>>) target(%dma_start3A_396 : memref<100x64xf32, #tpu.memory_space<vmem>>) offsets(%dma_start3A_399 : memref<100xi32, #tpu.memory_space<vmem>>) semaphore(%arg11 : memref<!tpu.dma_semaphore, #tpu.memory_space<semaphore_mem>>)
    %dma_wait3A_403 = arith.constant 0 : i32
    %dma_wait3A_404 = arith.constant 0 : i32
    %dma_wait3A_405 = arith.constant 0 : i32
    %dma_wait3A_406 = tpu.memref_slice %arg5[%dma_wait3A_404, %dma_wait3A_405] : memref<8x100xi32, #tpu.memory_space<vmem>> -> memref<1x100xi32, #tpu.memory_space<vmem>>
    %dma_wait3A_407 = tpu.memref_squeeze %dma_wait3A_406 : memref<1x100xi32, #tpu.memory_space<vmem>> -> memref<100xi32, #tpu.memory_space<vmem>>
    %dma_wait3A_408 = arith.constant 0 : i32
    %dma_wait3A_409 = tpu.memref_slice %arg2[%dma_wait3A_403, %dma_wait3A_408] : memref<8192x100xi32, #tpu.memory_space<hbm>> -> memref<1x100xi32, #tpu.memory_space<hbm>>
    %dma_wait3A_410 = tpu.memref_squeeze %dma_wait3A_409 : memref<1x100xi32, #tpu.memory_space<hbm>> -> memref<100xi32, #tpu.memory_space<hbm>>
    %dma_wait3A_411 = arith.constant 0 : i32
    %dma_wait3A_412 = tpu.memref_slice %arg5[%dma_wait3A_404, %dma_wait3A_411] : memref<8x100xi32, #tpu.memory_space<vmem>> -> memref<1x100xi32, #tpu.memory_space<vmem>>
    %dma_wait3A_413 = tpu.memref_squeeze %dma_wait3A_412 : memref<1x100xi32, #tpu.memory_space<vmem>> -> memref<100xi32, #tpu.memory_space<vmem>>
    %dma_wait3A_414 = arith.constant 0 : i32
    %dma_wait3A_415 = tpu.memref_slice %arg2[%dma_wait3A_403, %dma_wait3A_414] : memref<8192x100xi32, #tpu.memory_space<hbm>> -> memref<1x100xi32, #tpu.memory_space<hbm>>
    %dma_wait3A_416 = tpu.memref_squeeze %dma_wait3A_415 : memref<1x100xi32, #tpu.memory_space<hbm>> -> memref<100xi32, #tpu.memory_space<hbm>>
    tpu.wait_dma2 semaphore(%arg9 : memref<!tpu.dma_semaphore, #tpu.memory_space<semaphore_mem>>) src(%dma_wait3A_416 : memref<100xi32, #tpu.memory_space<hbm>>) dst(%dma_wait3A_413 : memref<100xi32, #tpu.memory_space<vmem>>)
    %dma_start3A_417 = arith.constant 5 : i32
    %dma_start3A_418 = arith.constant 5 : i32
    %dma_start3A_419 = arith.constant 0 : i32
    %dma_start3A_420 = arith.constant 0 : i32
    %dma_start3A_421 = tpu.memref_slice %arg7[%dma_start3A_418, %dma_start3A_419, %dma_start3A_420] : memref<8x100x64xf32, #tpu.memory_space<vmem>> -> memref<1x100x64xf32, #tpu.memory_space<vmem>>
    %dma_start3A_422 = tpu.memref_squeeze %dma_start3A_421 : memref<1x100x64xf32, #tpu.memory_space<vmem>> -> memref<100x64xf32, #tpu.memory_space<vmem>>
    %dma_start3A_423 = arith.constant 0 : i32
    %dma_start3A_424 = tpu.memref_slice %arg5[%dma_start3A_417, %dma_start3A_423] : memref<8x100xi32, #tpu.memory_space<vmem>> -> memref<1x100xi32, #tpu.memory_space<vmem>>
    %dma_start3A_425 = tpu.memref_squeeze %dma_start3A_424 : memref<1x100xi32, #tpu.memory_space<vmem>> -> memref<100xi32, #tpu.memory_space<vmem>>
    %dma_start3A_426 = arith.constant 0 : i32
    %dma_start3A_427 = arith.constant 0 : i32
    %dma_start3A_428 = tpu.memref_slice %arg3[%dma_start3A_426, %dma_start3A_427] : memref<2000000x64xf32, #tpu.memory_space<hbm>> -> memref<2000000x64xf32, #tpu.memory_space<hbm>>
    tpu.enqueue_indirect_dma source(%dma_start3A_428 : memref<2000000x64xf32, #tpu.memory_space<hbm>>) target(%dma_start3A_422 : memref<100x64xf32, #tpu.memory_space<vmem>>) offsets(%dma_start3A_425 : memref<100xi32, #tpu.memory_space<vmem>>) semaphore(%arg11 : memref<!tpu.dma_semaphore, #tpu.memory_space<semaphore_mem>>)
    %dma_wait3A_429 = arith.constant 0 : i32
    %dma_wait3A_430 = arith.constant 0 : i32
    %dma_wait3A_431 = arith.constant 0 : i32
    %dma_wait3A_432 = tpu.memref_slice %arg5[%dma_wait3A_430, %dma_wait3A_431] : memref<8x100xi32, #tpu.memory_space<vmem>> -> memref<1x100xi32, #tpu.memory_space<vmem>>
    %dma_wait3A_433 = tpu.memref_squeeze %dma_wait3A_432 : memref<1x100xi32, #tpu.memory_space<vmem>> -> memref<100xi32, #tpu.memory_space<vmem>>
    %dma_wait3A_434 = arith.constant 0 : i32
    %dma_wait3A_435 = tpu.memref_slice %arg2[%dma_wait3A_429, %dma_wait3A_434] : memref<8192x100xi32, #tpu.memory_space<hbm>> -> memref<1x100xi32, #tpu.memory_space<hbm>>
    %dma_wait3A_436 = tpu.memref_squeeze %dma_wait3A_435 : memref<1x100xi32, #tpu.memory_space<hbm>> -> memref<100xi32, #tpu.memory_space<hbm>>
    %dma_wait3A_437 = arith.constant 0 : i32
    %dma_wait3A_438 = tpu.memref_slice %arg5[%dma_wait3A_430, %dma_wait3A_437] : memref<8x100xi32, #tpu.memory_space<vmem>> -> memref<1x100xi32, #tpu.memory_space<vmem>>
    %dma_wait3A_439 = tpu.memref_squeeze %dma_wait3A_438 : memref<1x100xi32, #tpu.memory_space<vmem>> -> memref<100xi32, #tpu.memory_space<vmem>>
    %dma_wait3A_440 = arith.constant 0 : i32
    %dma_wait3A_441 = tpu.memref_slice %arg2[%dma_wait3A_429, %dma_wait3A_440] : memref<8192x100xi32, #tpu.memory_space<hbm>> -> memref<1x100xi32, #tpu.memory_space<hbm>>
    %dma_wait3A_442 = tpu.memref_squeeze %dma_wait3A_441 : memref<1x100xi32, #tpu.memory_space<hbm>> -> memref<100xi32, #tpu.memory_space<hbm>>
    tpu.wait_dma2 semaphore(%arg9 : memref<!tpu.dma_semaphore, #tpu.memory_space<semaphore_mem>>) src(%dma_wait3A_442 : memref<100xi32, #tpu.memory_space<hbm>>) dst(%dma_wait3A_439 : memref<100xi32, #tpu.memory_space<vmem>>)
    %dma_start3A_443 = arith.constant 6 : i32
    %dma_start3A_444 = arith.constant 6 : i32
    %dma_start3A_445 = arith.constant 0 : i32
    %dma_start3A_446 = arith.constant 0 : i32
    %dma_start3A_447 = tpu.memref_slice %arg7[%dma_start3A_444, %dma_start3A_445, %dma_start3A_446] : memref<8x100x64xf32, #tpu.memory_space<vmem>> -> memref<1x100x64xf32, #tpu.memory_space<vmem>>
    %dma_start3A_448 = tpu.memref_squeeze %dma_start3A_447 : memref<1x100x64xf32, #tpu.memory_space<vmem>> -> memref<100x64xf32, #tpu.memory_space<vmem>>
    %dma_start3A_449 = arith.constant 0 : i32
    %dma_start3A_450 = tpu.memref_slice %arg5[%dma_start3A_443, %dma_start3A_449] : memref<8x100xi32, #tpu.memory_space<vmem>> -> memref<1x100xi32, #tpu.memory_space<vmem>>
    %dma_start3A_451 = tpu.memref_squeeze %dma_start3A_450 : memref<1x100xi32, #tpu.memory_space<vmem>> -> memref<100xi32, #tpu.memory_space<vmem>>
    %dma_start3A_452 = arith.constant 0 : i32
    %dma_start3A_453 = arith.constant 0 : i32
    %dma_start3A_454 = tpu.memref_slice %arg3[%dma_start3A_452, %dma_start3A_453] : memref<2000000x64xf32, #tpu.memory_space<hbm>> -> memref<2000000x64xf32, #tpu.memory_space<hbm>>
    tpu.enqueue_indirect_dma source(%dma_start3A_454 : memref<2000000x64xf32, #tpu.memory_space<hbm>>) target(%dma_start3A_448 : memref<100x64xf32, #tpu.memory_space<vmem>>) offsets(%dma_start3A_451 : memref<100xi32, #tpu.memory_space<vmem>>) semaphore(%arg11 : memref<!tpu.dma_semaphore, #tpu.memory_space<semaphore_mem>>)
    %dma_wait3A_455 = arith.constant 0 : i32
    %dma_wait3A_456 = arith.constant 0 : i32
    %dma_wait3A_457 = arith.constant 0 : i32
    %dma_wait3A_458 = tpu.memref_slice %arg5[%dma_wait3A_456, %dma_wait3A_457] : memref<8x100xi32, #tpu.memory_space<vmem>> -> memref<1x100xi32, #tpu.memory_space<vmem>>
    %dma_wait3A_459 = tpu.memref_squeeze %dma_wait3A_458 : memref<1x100xi32, #tpu.memory_space<vmem>> -> memref<100xi32, #tpu.memory_space<vmem>>
    %dma_wait3A_460 = arith.constant 0 : i32
    %dma_wait3A_461 = tpu.memref_slice %arg2[%dma_wait3A_455, %dma_wait3A_460] : memref<8192x100xi32, #tpu.memory_space<hbm>> -> memref<1x100xi32, #tpu.memory_space<hbm>>
    %dma_wait3A_462 = tpu.memref_squeeze %dma_wait3A_461 : memref<1x100xi32, #tpu.memory_space<hbm>> -> memref<100xi32, #tpu.memory_space<hbm>>
    %dma_wait3A_463 = arith.constant 0 : i32
    %dma_wait3A_464 = tpu.memref_slice %arg5[%dma_wait3A_456, %dma_wait3A_463] : memref<8x100xi32, #tpu.memory_space<vmem>> -> memref<1x100xi32, #tpu.memory_space<vmem>>
    %dma_wait3A_465 = tpu.memref_squeeze %dma_wait3A_464 : memref<1x100xi32, #tpu.memory_space<vmem>> -> memref<100xi32, #tpu.memory_space<vmem>>
    %dma_wait3A_466 = arith.constant 0 : i32
    %dma_wait3A_467 = tpu.memref_slice %arg2[%dma_wait3A_455, %dma_wait3A_466] : memref<8192x100xi32, #tpu.memory_space<hbm>> -> memref<1x100xi32, #tpu.memory_space<hbm>>
    %dma_wait3A_468 = tpu.memref_squeeze %dma_wait3A_467 : memref<1x100xi32, #tpu.memory_space<hbm>> -> memref<100xi32, #tpu.memory_space<hbm>>
    tpu.wait_dma2 semaphore(%arg9 : memref<!tpu.dma_semaphore, #tpu.memory_space<semaphore_mem>>) src(%dma_wait3A_468 : memref<100xi32, #tpu.memory_space<hbm>>) dst(%dma_wait3A_465 : memref<100xi32, #tpu.memory_space<vmem>>)
    %dma_start3A_469 = arith.constant 7 : i32
    %dma_start3A_470 = arith.constant 7 : i32
    %dma_start3A_471 = arith.constant 0 : i32
    %dma_start3A_472 = arith.constant 0 : i32
    %dma_start3A_473 = tpu.memref_slice %arg7[%dma_start3A_470, %dma_start3A_471, %dma_start3A_472] : memref<8x100x64xf32, #tpu.memory_space<vmem>> -> memref<1x100x64xf32, #tpu.memory_space<vmem>>
    %dma_start3A_474 = tpu.memref_squeeze %dma_start3A_473 : memref<1x100x64xf32, #tpu.memory_space<vmem>> -> memref<100x64xf32, #tpu.memory_space<vmem>>
    %dma_start3A_475 = arith.constant 0 : i32
    %dma_start3A_476 = tpu.memref_slice %arg5[%dma_start3A_469, %dma_start3A_475] : memref<8x100xi32, #tpu.memory_space<vmem>> -> memref<1x100xi32, #tpu.memory_space<vmem>>
    %dma_start3A_477 = tpu.memref_squeeze %dma_start3A_476 : memref<1x100xi32, #tpu.memory_space<vmem>> -> memref<100xi32, #tpu.memory_space<vmem>>
    %dma_start3A_478 = arith.constant 0 : i32
    %dma_start3A_479 = arith.constant 0 : i32
    %dma_start3A_480 = tpu.memref_slice %arg3[%dma_start3A_478, %dma_start3A_479] : memref<2000000x64xf32, #tpu.memory_space<hbm>> -> memref<2000000x64xf32, #tpu.memory_space<hbm>>
    tpu.enqueue_indirect_dma source(%dma_start3A_480 : memref<2000000x64xf32, #tpu.memory_space<hbm>>) target(%dma_start3A_474 : memref<100x64xf32, #tpu.memory_space<vmem>>) offsets(%dma_start3A_477 : memref<100xi32, #tpu.memory_space<vmem>>) semaphore(%arg11 : memref<!tpu.dma_semaphore, #tpu.memory_space<semaphore_mem>>)
    %dma_wait3A_481 = arith.constant 0 : i32
    %dma_wait3A_482 = arith.constant 0 : i32
    %dma_wait3A_483 = arith.constant 0 : i32
    %dma_wait3A_484 = tpu.memref_slice %arg6[%dma_wait3A_482, %dma_wait3A_483] : memref<8x100xi32, #tpu.memory_space<vmem>> -> memref<1x100xi32, #tpu.memory_space<vmem>>
    %dma_wait3A_485 = tpu.memref_squeeze %dma_wait3A_484 : memref<1x100xi32, #tpu.memory_space<vmem>> -> memref<100xi32, #tpu.memory_space<vmem>>
    %dma_wait3A_486 = arith.constant 0 : i32
    %dma_wait3A_487 = tpu.memref_slice %arg2[%dma_wait3A_481, %dma_wait3A_486] : memref<8192x100xi32, #tpu.memory_space<hbm>> -> memref<1x100xi32, #tpu.memory_space<hbm>>
    %dma_wait3A_488 = tpu.memref_squeeze %dma_wait3A_487 : memref<1x100xi32, #tpu.memory_space<hbm>> -> memref<100xi32, #tpu.memory_space<hbm>>
    %dma_wait3A_489 = arith.constant 0 : i32
    %dma_wait3A_490 = tpu.memref_slice %arg6[%dma_wait3A_482, %dma_wait3A_489] : memref<8x100xi32, #tpu.memory_space<vmem>> -> memref<1x100xi32, #tpu.memory_space<vmem>>
    %dma_wait3A_491 = tpu.memref_squeeze %dma_wait3A_490 : memref<1x100xi32, #tpu.memory_space<vmem>> -> memref<100xi32, #tpu.memory_space<vmem>>
    %dma_wait3A_492 = arith.constant 0 : i32
    %dma_wait3A_493 = tpu.memref_slice %arg2[%dma_wait3A_481, %dma_wait3A_492] : memref<8192x100xi32, #tpu.memory_space<hbm>> -> memref<1x100xi32, #tpu.memory_space<hbm>>
    %dma_wait3A_494 = tpu.memref_squeeze %dma_wait3A_493 : memref<1x100xi32, #tpu.memory_space<hbm>> -> memref<100xi32, #tpu.memory_space<hbm>>
    tpu.wait_dma2 semaphore(%arg10 : memref<!tpu.dma_semaphore, #tpu.memory_space<semaphore_mem>>) src(%dma_wait3A_494 : memref<100xi32, #tpu.memory_space<hbm>>) dst(%dma_wait3A_491 : memref<100xi32, #tpu.memory_space<vmem>>)
    %dma_start3A_495 = arith.constant 0 : i32
    %dma_start3A_496 = arith.constant 0 : i32
    %dma_start3A_497 = arith.constant 0 : i32
    %dma_start3A_498 = arith.constant 0 : i32
    %dma_start3A_499 = tpu.memref_slice %arg8[%dma_start3A_496, %dma_start3A_497, %dma_start3A_498] : memref<8x100x64xf32, #tpu.memory_space<vmem>> -> memref<1x100x64xf32, #tpu.memory_space<vmem>>
    %dma_start3A_500 = tpu.memref_squeeze %dma_start3A_499 : memref<1x100x64xf32, #tpu.memory_space<vmem>> -> memref<100x64xf32, #tpu.memory_space<vmem>>
    %dma_start3A_501 = arith.constant 0 : i32
    %dma_start3A_502 = tpu.memref_slice %arg6[%dma_start3A_495, %dma_start3A_501] : memref<8x100xi32, #tpu.memory_space<vmem>> -> memref<1x100xi32, #tpu.memory_space<vmem>>
    %dma_start3A_503 = tpu.memref_squeeze %dma_start3A_502 : memref<1x100xi32, #tpu.memory_space<vmem>> -> memref<100xi32, #tpu.memory_space<vmem>>
    %dma_start3A_504 = arith.constant 0 : i32
    %dma_start3A_505 = arith.constant 0 : i32
    %dma_start3A_506 = tpu.memref_slice %arg3[%dma_start3A_504, %dma_start3A_505] : memref<2000000x64xf32, #tpu.memory_space<hbm>> -> memref<2000000x64xf32, #tpu.memory_space<hbm>>
    tpu.enqueue_indirect_dma source(%dma_start3A_506 : memref<2000000x64xf32, #tpu.memory_space<hbm>>) target(%dma_start3A_500 : memref<100x64xf32, #tpu.memory_space<vmem>>) offsets(%dma_start3A_503 : memref<100xi32, #tpu.memory_space<vmem>>) semaphore(%arg12 : memref<!tpu.dma_semaphore, #tpu.memory_space<semaphore_mem>>)
    %dma_wait3A_507 = arith.constant 0 : i32
    %dma_wait3A_508 = arith.constant 0 : i32
    %dma_wait3A_509 = arith.constant 0 : i32
    %dma_wait3A_510 = tpu.memref_slice %arg6[%dma_wait3A_508, %dma_wait3A_509] : memref<8x100xi32, #tpu.memory_space<vmem>> -> memref<1x100xi32, #tpu.memory_space<vmem>>
    %dma_wait3A_511 = tpu.memref_squeeze %dma_wait3A_510 : memref<1x100xi32, #tpu.memory_space<vmem>> -> memref<100xi32, #tpu.memory_space<vmem>>
    %dma_wait3A_512 = arith.constant 0 : i32
    %dma_wait3A_513 = tpu.memref_slice %arg2[%dma_wait3A_507, %dma_wait3A_512] : memref<8192x100xi32, #tpu.memory_space<hbm>> -> memref<1x100xi32, #tpu.memory_space<hbm>>
    %dma_wait3A_514 = tpu.memref_squeeze %dma_wait3A_513 : memref<1x100xi32, #tpu.memory_space<hbm>> -> memref<100xi32, #tpu.memory_space<hbm>>
    %dma_wait3A_515 = arith.constant 0 : i32
    %dma_wait3A_516 = tpu.memref_slice %arg6[%dma_wait3A_508, %dma_wait3A_515] : memref<8x100xi32, #tpu.memory_space<vmem>> -> memref<1x100xi32, #tpu.memory_space<vmem>>
    %dma_wait3A_517 = tpu.memref_squeeze %dma_wait3A_516 : memref<1x100xi32, #tpu.memory_space<vmem>> -> memref<100xi32, #tpu.memory_space<vmem>>
    %dma_wait3A_518 = arith.constant 0 : i32
    %dma_wait3A_519 = tpu.memref_slice %arg2[%dma_wait3A_507, %dma_wait3A_518] : memref<8192x100xi32, #tpu.memory_space<hbm>> -> memref<1x100xi32, #tpu.memory_space<hbm>>
    %dma_wait3A_520 = tpu.memref_squeeze %dma_wait3A_519 : memref<1x100xi32, #tpu.memory_space<hbm>> -> memref<100xi32, #tpu.memory_space<hbm>>
    tpu.wait_dma2 semaphore(%arg10 : memref<!tpu.dma_semaphore, #tpu.memory_space<semaphore_mem>>) src(%dma_wait3A_520 : memref<100xi32, #tpu.memory_space<hbm>>) dst(%dma_wait3A_517 : memref<100xi32, #tpu.memory_space<vmem>>)
    %dma_start3A_521 = arith.constant 1 : i32
    %dma_start3A_522 = arith.constant 1 : i32
    %dma_start3A_523 = arith.constant 0 : i32
    %dma_start3A_524 = arith.constant 0 : i32
    %dma_start3A_525 = tpu.memref_slice %arg8[%dma_start3A_522, %dma_start3A_523, %dma_start3A_524] : memref<8x100x64xf32, #tpu.memory_space<vmem>> -> memref<1x100x64xf32, #tpu.memory_space<vmem>>
    %dma_start3A_526 = tpu.memref_squeeze %dma_start3A_525 : memref<1x100x64xf32, #tpu.memory_space<vmem>> -> memref<100x64xf32, #tpu.memory_space<vmem>>
    %dma_start3A_527 = arith.constant 0 : i32
    %dma_start3A_528 = tpu.memref_slice %arg6[%dma_start3A_521, %dma_start3A_527] : memref<8x100xi32, #tpu.memory_space<vmem>> -> memref<1x100xi32, #tpu.memory_space<vmem>>
    %dma_start3A_529 = tpu.memref_squeeze %dma_start3A_528 : memref<1x100xi32, #tpu.memory_space<vmem>> -> memref<100xi32, #tpu.memory_space<vmem>>
    %dma_start3A_530 = arith.constant 0 : i32
    %dma_start3A_531 = arith.constant 0 : i32
    %dma_start3A_532 = tpu.memref_slice %arg3[%dma_start3A_530, %dma_start3A_531] : memref<2000000x64xf32, #tpu.memory_space<hbm>> -> memref<2000000x64xf32, #tpu.memory_space<hbm>>
    tpu.enqueue_indirect_dma source(%dma_start3A_532 : memref<2000000x64xf32, #tpu.memory_space<hbm>>) target(%dma_start3A_526 : memref<100x64xf32, #tpu.memory_space<vmem>>) offsets(%dma_start3A_529 : memref<100xi32, #tpu.memory_space<vmem>>) semaphore(%arg12 : memref<!tpu.dma_semaphore, #tpu.memory_space<semaphore_mem>>)
    %dma_wait3A_533 = arith.constant 0 : i32
    %dma_wait3A_534 = arith.constant 0 : i32
    %dma_wait3A_535 = arith.constant 0 : i32
    %dma_wait3A_536 = tpu.memref_slice %arg6[%dma_wait3A_534, %dma_wait3A_535] : memref<8x100xi32, #tpu.memory_space<vmem>> -> memref<1x100xi32, #tpu.memory_space<vmem>>
    %dma_wait3A_537 = tpu.memref_squeeze %dma_wait3A_536 : memref<1x100xi32, #tpu.memory_space<vmem>> -> memref<100xi32, #tpu.memory_space<vmem>>
    %dma_wait3A_538 = arith.constant 0 : i32
    %dma_wait3A_539 = tpu.memref_slice %arg2[%dma_wait3A_533, %dma_wait3A_538] : memref<8192x100xi32, #tpu.memory_space<hbm>> -> memref<1x100xi32, #tpu.memory_space<hbm>>
    %dma_wait3A_540 = tpu.memref_squeeze %dma_wait3A_539 : memref<1x100xi32, #tpu.memory_space<hbm>> -> memref<100xi32, #tpu.memory_space<hbm>>
    %dma_wait3A_541 = arith.constant 0 : i32
    %dma_wait3A_542 = tpu.memref_slice %arg6[%dma_wait3A_534, %dma_wait3A_541] : memref<8x100xi32, #tpu.memory_space<vmem>> -> memref<1x100xi32, #tpu.memory_space<vmem>>
    %dma_wait3A_543 = tpu.memref_squeeze %dma_wait3A_542 : memref<1x100xi32, #tpu.memory_space<vmem>> -> memref<100xi32, #tpu.memory_space<vmem>>
    %dma_wait3A_544 = arith.constant 0 : i32
    %dma_wait3A_545 = tpu.memref_slice %arg2[%dma_wait3A_533, %dma_wait3A_544] : memref<8192x100xi32, #tpu.memory_space<hbm>> -> memref<1x100xi32, #tpu.memory_space<hbm>>
    %dma_wait3A_546 = tpu.memref_squeeze %dma_wait3A_545 : memref<1x100xi32, #tpu.memory_space<hbm>> -> memref<100xi32, #tpu.memory_space<hbm>>
    tpu.wait_dma2 semaphore(%arg10 : memref<!tpu.dma_semaphore, #tpu.memory_space<semaphore_mem>>) src(%dma_wait3A_546 : memref<100xi32, #tpu.memory_space<hbm>>) dst(%dma_wait3A_543 : memref<100xi32, #tpu.memory_space<vmem>>)
    %dma_start3A_547 = arith.constant 2 : i32
    %dma_start3A_548 = arith.constant 2 : i32
    %dma_start3A_549 = arith.constant 0 : i32
    %dma_start3A_550 = arith.constant 0 : i32
    %dma_start3A_551 = tpu.memref_slice %arg8[%dma_start3A_548, %dma_start3A_549, %dma_start3A_550] : memref<8x100x64xf32, #tpu.memory_space<vmem>> -> memref<1x100x64xf32, #tpu.memory_space<vmem>>
    %dma_start3A_552 = tpu.memref_squeeze %dma_start3A_551 : memref<1x100x64xf32, #tpu.memory_space<vmem>> -> memref<100x64xf32, #tpu.memory_space<vmem>>
    %dma_start3A_553 = arith.constant 0 : i32
    %dma_start3A_554 = tpu.memref_slice %arg6[%dma_start3A_547, %dma_start3A_553] : memref<8x100xi32, #tpu.memory_space<vmem>> -> memref<1x100xi32, #tpu.memory_space<vmem>>
    %dma_start3A_555 = tpu.memref_squeeze %dma_start3A_554 : memref<1x100xi32, #tpu.memory_space<vmem>> -> memref<100xi32, #tpu.memory_space<vmem>>
    %dma_start3A_556 = arith.constant 0 : i32
    %dma_start3A_557 = arith.constant 0 : i32
    %dma_start3A_558 = tpu.memref_slice %arg3[%dma_start3A_556, %dma_start3A_557] : memref<2000000x64xf32, #tpu.memory_space<hbm>> -> memref<2000000x64xf32, #tpu.memory_space<hbm>>
    tpu.enqueue_indirect_dma source(%dma_start3A_558 : memref<2000000x64xf32, #tpu.memory_space<hbm>>) target(%dma_start3A_552 : memref<100x64xf32, #tpu.memory_space<vmem>>) offsets(%dma_start3A_555 : memref<100xi32, #tpu.memory_space<vmem>>) semaphore(%arg12 : memref<!tpu.dma_semaphore, #tpu.memory_space<semaphore_mem>>)
    %dma_wait3A_559 = arith.constant 0 : i32
    %dma_wait3A_560 = arith.constant 0 : i32
    %dma_wait3A_561 = arith.constant 0 : i32
    %dma_wait3A_562 = tpu.memref_slice %arg6[%dma_wait3A_560, %dma_wait3A_561] : memref<8x100xi32, #tpu.memory_space<vmem>> -> memref<1x100xi32, #tpu.memory_space<vmem>>
    %dma_wait3A_563 = tpu.memref_squeeze %dma_wait3A_562 : memref<1x100xi32, #tpu.memory_space<vmem>> -> memref<100xi32, #tpu.memory_space<vmem>>
    %dma_wait3A_564 = arith.constant 0 : i32
    %dma_wait3A_565 = tpu.memref_slice %arg2[%dma_wait3A_559, %dma_wait3A_564] : memref<8192x100xi32, #tpu.memory_space<hbm>> -> memref<1x100xi32, #tpu.memory_space<hbm>>
    %dma_wait3A_566 = tpu.memref_squeeze %dma_wait3A_565 : memref<1x100xi32, #tpu.memory_space<hbm>> -> memref<100xi32, #tpu.memory_space<hbm>>
    %dma_wait3A_567 = arith.constant 0 : i32
    %dma_wait3A_568 = tpu.memref_slice %arg6[%dma_wait3A_560, %dma_wait3A_567] : memref<8x100xi32, #tpu.memory_space<vmem>> -> memref<1x100xi32, #tpu.memory_space<vmem>>
    %dma_wait3A_569 = tpu.memref_squeeze %dma_wait3A_568 : memref<1x100xi32, #tpu.memory_space<vmem>> -> memref<100xi32, #tpu.memory_space<vmem>>
    %dma_wait3A_570 = arith.constant 0 : i32
    %dma_wait3A_571 = tpu.memref_slice %arg2[%dma_wait3A_559, %dma_wait3A_570] : memref<8192x100xi32, #tpu.memory_space<hbm>> -> memref<1x100xi32, #tpu.memory_space<hbm>>
    %dma_wait3A_572 = tpu.memref_squeeze %dma_wait3A_571 : memref<1x100xi32, #tpu.memory_space<hbm>> -> memref<100xi32, #tpu.memory_space<hbm>>
    tpu.wait_dma2 semaphore(%arg10 : memref<!tpu.dma_semaphore, #tpu.memory_space<semaphore_mem>>) src(%dma_wait3A_572 : memref<100xi32, #tpu.memory_space<hbm>>) dst(%dma_wait3A_569 : memref<100xi32, #tpu.memory_space<vmem>>)
    %dma_start3A_573 = arith.constant 3 : i32
    %dma_start3A_574 = arith.constant 3 : i32
    %dma_start3A_575 = arith.constant 0 : i32
    %dma_start3A_576 = arith.constant 0 : i32
    %dma_start3A_577 = tpu.memref_slice %arg8[%dma_start3A_574, %dma_start3A_575, %dma_start3A_576] : memref<8x100x64xf32, #tpu.memory_space<vmem>> -> memref<1x100x64xf32, #tpu.memory_space<vmem>>
    %dma_start3A_578 = tpu.memref_squeeze %dma_start3A_577 : memref<1x100x64xf32, #tpu.memory_space<vmem>> -> memref<100x64xf32, #tpu.memory_space<vmem>>
    %dma_start3A_579 = arith.constant 0 : i32
    %dma_start3A_580 = tpu.memref_slice %arg6[%dma_start3A_573, %dma_start3A_579] : memref<8x100xi32, #tpu.memory_space<vmem>> -> memref<1x100xi32, #tpu.memory_space<vmem>>
    %dma_start3A_581 = tpu.memref_squeeze %dma_start3A_580 : memref<1x100xi32, #tpu.memory_space<vmem>> -> memref<100xi32, #tpu.memory_space<vmem>>
    %dma_start3A_582 = arith.constant 0 : i32
    %dma_start3A_583 = arith.constant 0 : i32
    %dma_start3A_584 = tpu.memref_slice %arg3[%dma_start3A_582, %dma_start3A_583] : memref<2000000x64xf32, #tpu.memory_space<hbm>> -> memref<2000000x64xf32, #tpu.memory_space<hbm>>
    tpu.enqueue_indirect_dma source(%dma_start3A_584 : memref<2000000x64xf32, #tpu.memory_space<hbm>>) target(%dma_start3A_578 : memref<100x64xf32, #tpu.memory_space<vmem>>) offsets(%dma_start3A_581 : memref<100xi32, #tpu.memory_space<vmem>>) semaphore(%arg12 : memref<!tpu.dma_semaphore, #tpu.memory_space<semaphore_mem>>)
    %dma_wait3A_585 = arith.constant 0 : i32
    %dma_wait3A_586 = arith.constant 0 : i32
    %dma_wait3A_587 = arith.constant 0 : i32
    %dma_wait3A_588 = tpu.memref_slice %arg6[%dma_wait3A_586, %dma_wait3A_587] : memref<8x100xi32, #tpu.memory_space<vmem>> -> memref<1x100xi32, #tpu.memory_space<vmem>>
    %dma_wait3A_589 = tpu.memref_squeeze %dma_wait3A_588 : memref<1x100xi32, #tpu.memory_space<vmem>> -> memref<100xi32, #tpu.memory_space<vmem>>
    %dma_wait3A_590 = arith.constant 0 : i32
    %dma_wait3A_591 = tpu.memref_slice %arg2[%dma_wait3A_585, %dma_wait3A_590] : memref<8192x100xi32, #tpu.memory_space<hbm>> -> memref<1x100xi32, #tpu.memory_space<hbm>>
    %dma_wait3A_592 = tpu.memref_squeeze %dma_wait3A_591 : memref<1x100xi32, #tpu.memory_space<hbm>> -> memref<100xi32, #tpu.memory_space<hbm>>
    %dma_wait3A_593 = arith.constant 0 : i32
    %dma_wait3A_594 = tpu.memref_slice %arg6[%dma_wait3A_586, %dma_wait3A_593] : memref<8x100xi32, #tpu.memory_space<vmem>> -> memref<1x100xi32, #tpu.memory_space<vmem>>
    %dma_wait3A_595 = tpu.memref_squeeze %dma_wait3A_594 : memref<1x100xi32, #tpu.memory_space<vmem>> -> memref<100xi32, #tpu.memory_space<vmem>>
    %dma_wait3A_596 = arith.constant 0 : i32
    %dma_wait3A_597 = tpu.memref_slice %arg2[%dma_wait3A_585, %dma_wait3A_596] : memref<8192x100xi32, #tpu.memory_space<hbm>> -> memref<1x100xi32, #tpu.memory_space<hbm>>
    %dma_wait3A_598 = tpu.memref_squeeze %dma_wait3A_597 : memref<1x100xi32, #tpu.memory_space<hbm>> -> memref<100xi32, #tpu.memory_space<hbm>>
    tpu.wait_dma2 semaphore(%arg10 : memref<!tpu.dma_semaphore, #tpu.memory_space<semaphore_mem>>) src(%dma_wait3A_598 : memref<100xi32, #tpu.memory_space<hbm>>) dst(%dma_wait3A_595 : memref<100xi32, #tpu.memory_space<vmem>>)
    %dma_start3A_599 = arith.constant 4 : i32
    %dma_start3A_600 = arith.constant 4 : i32
    %dma_start3A_601 = arith.constant 0 : i32
    %dma_start3A_602 = arith.constant 0 : i32
    %dma_start3A_603 = tpu.memref_slice %arg8[%dma_start3A_600, %dma_start3A_601, %dma_start3A_602] : memref<8x100x64xf32, #tpu.memory_space<vmem>> -> memref<1x100x64xf32, #tpu.memory_space<vmem>>
    %dma_start3A_604 = tpu.memref_squeeze %dma_start3A_603 : memref<1x100x64xf32, #tpu.memory_space<vmem>> -> memref<100x64xf32, #tpu.memory_space<vmem>>
    %dma_start3A_605 = arith.constant 0 : i32
    %dma_start3A_606 = tpu.memref_slice %arg6[%dma_start3A_599, %dma_start3A_605] : memref<8x100xi32, #tpu.memory_space<vmem>> -> memref<1x100xi32, #tpu.memory_space<vmem>>
    %dma_start3A_607 = tpu.memref_squeeze %dma_start3A_606 : memref<1x100xi32, #tpu.memory_space<vmem>> -> memref<100xi32, #tpu.memory_space<vmem>>
    %dma_start3A_608 = arith.constant 0 : i32
    %dma_start3A_609 = arith.constant 0 : i32
    %dma_start3A_610 = tpu.memref_slice %arg3[%dma_start3A_608, %dma_start3A_609] : memref<2000000x64xf32, #tpu.memory_space<hbm>> -> memref<2000000x64xf32, #tpu.memory_space<hbm>>
    tpu.enqueue_indirect_dma source(%dma_start3A_610 : memref<2000000x64xf32, #tpu.memory_space<hbm>>) target(%dma_start3A_604 : memref<100x64xf32, #tpu.memory_space<vmem>>) offsets(%dma_start3A_607 : memref<100xi32, #tpu.memory_space<vmem>>) semaphore(%arg12 : memref<!tpu.dma_semaphore, #tpu.memory_space<semaphore_mem>>)
    %dma_wait3A_611 = arith.constant 0 : i32
    %dma_wait3A_612 = arith.constant 0 : i32
    %dma_wait3A_613 = arith.constant 0 : i32
    %dma_wait3A_614 = tpu.memref_slice %arg6[%dma_wait3A_612, %dma_wait3A_613] : memref<8x100xi32, #tpu.memory_space<vmem>> -> memref<1x100xi32, #tpu.memory_space<vmem>>
    %dma_wait3A_615 = tpu.memref_squeeze %dma_wait3A_614 : memref<1x100xi32, #tpu.memory_space<vmem>> -> memref<100xi32, #tpu.memory_space<vmem>>
    %dma_wait3A_616 = arith.constant 0 : i32
    %dma_wait3A_617 = tpu.memref_slice %arg2[%dma_wait3A_611, %dma_wait3A_616] : memref<8192x100xi32, #tpu.memory_space<hbm>> -> memref<1x100xi32, #tpu.memory_space<hbm>>
    %dma_wait3A_618 = tpu.memref_squeeze %dma_wait3A_617 : memref<1x100xi32, #tpu.memory_space<hbm>> -> memref<100xi32, #tpu.memory_space<hbm>>
    %dma_wait3A_619 = arith.constant 0 : i32
    %dma_wait3A_620 = tpu.memref_slice %arg6[%dma_wait3A_612, %dma_wait3A_619] : memref<8x100xi32, #tpu.memory_space<vmem>> -> memref<1x100xi32, #tpu.memory_space<vmem>>
    %dma_wait3A_621 = tpu.memref_squeeze %dma_wait3A_620 : memref<1x100xi32, #tpu.memory_space<vmem>> -> memref<100xi32, #tpu.memory_space<vmem>>
    %dma_wait3A_622 = arith.constant 0 : i32
    %dma_wait3A_623 = tpu.memref_slice %arg2[%dma_wait3A_611, %dma_wait3A_622] : memref<8192x100xi32, #tpu.memory_space<hbm>> -> memref<1x100xi32, #tpu.memory_space<hbm>>
    %dma_wait3A_624 = tpu.memref_squeeze %dma_wait3A_623 : memref<1x100xi32, #tpu.memory_space<hbm>> -> memref<100xi32, #tpu.memory_space<hbm>>
    tpu.wait_dma2 semaphore(%arg10 : memref<!tpu.dma_semaphore, #tpu.memory_space<semaphore_mem>>) src(%dma_wait3A_624 : memref<100xi32, #tpu.memory_space<hbm>>) dst(%dma_wait3A_621 : memref<100xi32, #tpu.memory_space<vmem>>)
    %dma_start3A_625 = arith.constant 5 : i32
    %dma_start3A_626 = arith.constant 5 : i32
    %dma_start3A_627 = arith.constant 0 : i32
    %dma_start3A_628 = arith.constant 0 : i32
    %dma_start3A_629 = tpu.memref_slice %arg8[%dma_start3A_626, %dma_start3A_627, %dma_start3A_628] : memref<8x100x64xf32, #tpu.memory_space<vmem>> -> memref<1x100x64xf32, #tpu.memory_space<vmem>>
    %dma_start3A_630 = tpu.memref_squeeze %dma_start3A_629 : memref<1x100x64xf32, #tpu.memory_space<vmem>> -> memref<100x64xf32, #tpu.memory_space<vmem>>
    %dma_start3A_631 = arith.constant 0 : i32
    %dma_start3A_632 = tpu.memref_slice %arg6[%dma_start3A_625, %dma_start3A_631] : memref<8x100xi32, #tpu.memory_space<vmem>> -> memref<1x100xi32, #tpu.memory_space<vmem>>
    %dma_start3A_633 = tpu.memref_squeeze %dma_start3A_632 : memref<1x100xi32, #tpu.memory_space<vmem>> -> memref<100xi32, #tpu.memory_space<vmem>>
    %dma_start3A_634 = arith.constant 0 : i32
    %dma_start3A_635 = arith.constant 0 : i32
    %dma_start3A_636 = tpu.memref_slice %arg3[%dma_start3A_634, %dma_start3A_635] : memref<2000000x64xf32, #tpu.memory_space<hbm>> -> memref<2000000x64xf32, #tpu.memory_space<hbm>>
    tpu.enqueue_indirect_dma source(%dma_start3A_636 : memref<2000000x64xf32, #tpu.memory_space<hbm>>) target(%dma_start3A_630 : memref<100x64xf32, #tpu.memory_space<vmem>>) offsets(%dma_start3A_633 : memref<100xi32, #tpu.memory_space<vmem>>) semaphore(%arg12 : memref<!tpu.dma_semaphore, #tpu.memory_space<semaphore_mem>>)
    %dma_wait3A_637 = arith.constant 0 : i32
    %dma_wait3A_638 = arith.constant 0 : i32
    %dma_wait3A_639 = arith.constant 0 : i32
    %dma_wait3A_640 = tpu.memref_slice %arg6[%dma_wait3A_638, %dma_wait3A_639] : memref<8x100xi32, #tpu.memory_space<vmem>> -> memref<1x100xi32, #tpu.memory_space<vmem>>
    %dma_wait3A_641 = tpu.memref_squeeze %dma_wait3A_640 : memref<1x100xi32, #tpu.memory_space<vmem>> -> memref<100xi32, #tpu.memory_space<vmem>>
    %dma_wait3A_642 = arith.constant 0 : i32
    %dma_wait3A_643 = tpu.memref_slice %arg2[%dma_wait3A_637, %dma_wait3A_642] : memref<8192x100xi32, #tpu.memory_space<hbm>> -> memref<1x100xi32, #tpu.memory_space<hbm>>
    %dma_wait3A_644 = tpu.memref_squeeze %dma_wait3A_643 : memref<1x100xi32, #tpu.memory_space<hbm>> -> memref<100xi32, #tpu.memory_space<hbm>>
    %dma_wait3A_645 = arith.constant 0 : i32
    %dma_wait3A_646 = tpu.memref_slice %arg6[%dma_wait3A_638, %dma_wait3A_645] : memref<8x100xi32, #tpu.memory_space<vmem>> -> memref<1x100xi32, #tpu.memory_space<vmem>>
    %dma_wait3A_647 = tpu.memref_squeeze %dma_wait3A_646 : memref<1x100xi32, #tpu.memory_space<vmem>> -> memref<100xi32, #tpu.memory_space<vmem>>
    %dma_wait3A_648 = arith.constant 0 : i32
    %dma_wait3A_649 = tpu.memref_slice %arg2[%dma_wait3A_637, %dma_wait3A_648] : memref<8192x100xi32, #tpu.memory_space<hbm>> -> memref<1x100xi32, #tpu.memory_space<hbm>>
    %dma_wait3A_650 = tpu.memref_squeeze %dma_wait3A_649 : memref<1x100xi32, #tpu.memory_space<hbm>> -> memref<100xi32, #tpu.memory_space<hbm>>
    tpu.wait_dma2 semaphore(%arg10 : memref<!tpu.dma_semaphore, #tpu.memory_space<semaphore_mem>>) src(%dma_wait3A_650 : memref<100xi32, #tpu.memory_space<hbm>>) dst(%dma_wait3A_647 : memref<100xi32, #tpu.memory_space<vmem>>)
    %dma_start3A_651 = arith.constant 6 : i32
    %dma_start3A_652 = arith.constant 6 : i32
    %dma_start3A_653 = arith.constant 0 : i32
    %dma_start3A_654 = arith.constant 0 : i32
    %dma_start3A_655 = tpu.memref_slice %arg8[%dma_start3A_652, %dma_start3A_653, %dma_start3A_654] : memref<8x100x64xf32, #tpu.memory_space<vmem>> -> memref<1x100x64xf32, #tpu.memory_space<vmem>>
    %dma_start3A_656 = tpu.memref_squeeze %dma_start3A_655 : memref<1x100x64xf32, #tpu.memory_space<vmem>> -> memref<100x64xf32, #tpu.memory_space<vmem>>
    %dma_start3A_657 = arith.constant 0 : i32
    %dma_start3A_658 = tpu.memref_slice %arg6[%dma_start3A_651, %dma_start3A_657] : memref<8x100xi32, #tpu.memory_space<vmem>> -> memref<1x100xi32, #tpu.memory_space<vmem>>
    %dma_start3A_659 = tpu.memref_squeeze %dma_start3A_658 : memref<1x100xi32, #tpu.memory_space<vmem>> -> memref<100xi32, #tpu.memory_space<vmem>>
    %dma_start3A_660 = arith.constant 0 : i32
    %dma_start3A_661 = arith.constant 0 : i32
    %dma_start3A_662 = tpu.memref_slice %arg3[%dma_start3A_660, %dma_start3A_661] : memref<2000000x64xf32, #tpu.memory_space<hbm>> -> memref<2000000x64xf32, #tpu.memory_space<hbm>>
    tpu.enqueue_indirect_dma source(%dma_start3A_662 : memref<2000000x64xf32, #tpu.memory_space<hbm>>) target(%dma_start3A_656 : memref<100x64xf32, #tpu.memory_space<vmem>>) offsets(%dma_start3A_659 : memref<100xi32, #tpu.memory_space<vmem>>) semaphore(%arg12 : memref<!tpu.dma_semaphore, #tpu.memory_space<semaphore_mem>>)
    %dma_wait3A_663 = arith.constant 0 : i32
    %dma_wait3A_664 = arith.constant 0 : i32
    %dma_wait3A_665 = arith.constant 0 : i32
    %dma_wait3A_666 = tpu.memref_slice %arg6[%dma_wait3A_664, %dma_wait3A_665] : memref<8x100xi32, #tpu.memory_space<vmem>> -> memref<1x100xi32, #tpu.memory_space<vmem>>
    %dma_wait3A_667 = tpu.memref_squeeze %dma_wait3A_666 : memref<1x100xi32, #tpu.memory_space<vmem>> -> memref<100xi32, #tpu.memory_space<vmem>>
    %dma_wait3A_668 = arith.constant 0 : i32
    %dma_wait3A_669 = tpu.memref_slice %arg2[%dma_wait3A_663, %dma_wait3A_668] : memref<8192x100xi32, #tpu.memory_space<hbm>> -> memref<1x100xi32, #tpu.memory_space<hbm>>
    %dma_wait3A_670 = tpu.memref_squeeze %dma_wait3A_669 : memref<1x100xi32, #tpu.memory_space<hbm>> -> memref<100xi32, #tpu.memory_space<hbm>>
    %dma_wait3A_671 = arith.constant 0 : i32
    %dma_wait3A_672 = tpu.memref_slice %arg6[%dma_wait3A_664, %dma_wait3A_671] : memref<8x100xi32, #tpu.memory_space<vmem>> -> memref<1x100xi32, #tpu.memory_space<vmem>>
    %dma_wait3A_673 = tpu.memref_squeeze %dma_wait3A_672 : memref<1x100xi32, #tpu.memory_space<vmem>> -> memref<100xi32, #tpu.memory_space<vmem>>
    %dma_wait3A_674 = arith.constant 0 : i32
    %dma_wait3A_675 = tpu.memref_slice %arg2[%dma_wait3A_663, %dma_wait3A_674] : memref<8192x100xi32, #tpu.memory_space<hbm>> -> memref<1x100xi32, #tpu.memory_space<hbm>>
    %dma_wait3A_676 = tpu.memref_squeeze %dma_wait3A_675 : memref<1x100xi32, #tpu.memory_space<hbm>> -> memref<100xi32, #tpu.memory_space<hbm>>
    tpu.wait_dma2 semaphore(%arg10 : memref<!tpu.dma_semaphore, #tpu.memory_space<semaphore_mem>>) src(%dma_wait3A_676 : memref<100xi32, #tpu.memory_space<hbm>>) dst(%dma_wait3A_673 : memref<100xi32, #tpu.memory_space<vmem>>)
    %dma_start3A_677 = arith.constant 7 : i32
    %dma_start3A_678 = arith.constant 7 : i32
    %dma_start3A_679 = arith.constant 0 : i32
    %dma_start3A_680 = arith.constant 0 : i32
    %dma_start3A_681 = tpu.memref_slice %arg8[%dma_start3A_678, %dma_start3A_679, %dma_start3A_680] : memref<8x100x64xf32, #tpu.memory_space<vmem>> -> memref<1x100x64xf32, #tpu.memory_space<vmem>>
    %dma_start3A_682 = tpu.memref_squeeze %dma_start3A_681 : memref<1x100x64xf32, #tpu.memory_space<vmem>> -> memref<100x64xf32, #tpu.memory_space<vmem>>
    %dma_start3A_683 = arith.constant 0 : i32
    %dma_start3A_684 = tpu.memref_slice %arg6[%dma_start3A_677, %dma_start3A_683] : memref<8x100xi32, #tpu.memory_space<vmem>> -> memref<1x100xi32, #tpu.memory_space<vmem>>
    %dma_start3A_685 = tpu.memref_squeeze %dma_start3A_684 : memref<1x100xi32, #tpu.memory_space<vmem>> -> memref<100xi32, #tpu.memory_space<vmem>>
    %dma_start3A_686 = arith.constant 0 : i32
    %dma_start3A_687 = arith.constant 0 : i32
    %dma_start3A_688 = tpu.memref_slice %arg3[%dma_start3A_686, %dma_start3A_687] : memref<2000000x64xf32, #tpu.memory_space<hbm>> -> memref<2000000x64xf32, #tpu.memory_space<hbm>>
    tpu.enqueue_indirect_dma source(%dma_start3A_688 : memref<2000000x64xf32, #tpu.memory_space<hbm>>) target(%dma_start3A_682 : memref<100x64xf32, #tpu.memory_space<vmem>>) offsets(%dma_start3A_685 : memref<100xi32, #tpu.memory_space<vmem>>) semaphore(%arg12 : memref<!tpu.dma_semaphore, #tpu.memory_space<semaphore_mem>>)
    %scan3A = arith.constant 0 : i32
    %scan3A_689 = arith.constant 0 : i32
    %scan3A_690 = arith.constant 16 : i32
    %scan3A_691 = arith.addi %scan3A_689, %scan3A_690 : i32
    %scan3A_692 = arith.constant 1 : i32
    %scan3A_693 = scf.for %scan3A_935 = %scan3A_689 to %scan3A_691 step %scan3A_692 iter_args(%scan3A_936 = %scan3A) -> (i32)  : i32 {
      %mul3A_937 = arith.constant 2 : i32
      %mul3A_938 = arith.muli %mul3A_937, %scan3A_935 : i32
      %dma_wait3A_939 = arith.constant 0 : i32
      %dma_wait3A_940 = arith.constant 0 : i32
      %dma_wait3A_941 = arith.constant 0 : i32
      %dma_wait3A_942 = tpu.memref_slice %arg7[%dma_wait3A_939, %dma_wait3A_940, %dma_wait3A_941] : memref<8x100x64xf32, #tpu.memory_space<vmem>> -> memref<1x100x64xf32, #tpu.memory_space<vmem>>
      %dma_wait3A_943 = tpu.memref_squeeze %dma_wait3A_942 : memref<1x100x64xf32, #tpu.memory_space<vmem>> -> memref<100x64xf32, #tpu.memory_space<vmem>>
      %dma_wait3A_944 = arith.constant 0 : i32
      %dma_wait3A_945 = arith.constant 0 : i32
      %dma_wait3A_946 = tpu.memref_slice %arg3[%dma_wait3A_944, %dma_wait3A_945] : memref<2000000x64xf32, #tpu.memory_space<hbm>> -> memref<100x64xf32, #tpu.memory_space<hbm>>
      %dma_wait3A_947 = arith.constant 0 : i32
      %dma_wait3A_948 = arith.constant 0 : i32
      %dma_wait3A_949 = tpu.memref_slice %arg7[%dma_wait3A_939, %dma_wait3A_947, %dma_wait3A_948] : memref<8x100x64xf32, #tpu.memory_space<vmem>> -> memref<1x100x64xf32, #tpu.memory_space<vmem>>
      %dma_wait3A_950 = tpu.memref_squeeze %dma_wait3A_949 : memref<1x100x64xf32, #tpu.memory_space<vmem>> -> memref<100x64xf32, #tpu.memory_space<vmem>>
      %dma_wait3A_951 = arith.constant 0 : i32
      %dma_wait3A_952 = arith.constant 0 : i32
      %dma_wait3A_953 = tpu.memref_slice %arg3[%dma_wait3A_951, %dma_wait3A_952] : memref<2000000x64xf32, #tpu.memory_space<hbm>> -> memref<100x64xf32, #tpu.memory_space<hbm>>
      tpu.wait_dma2 semaphore(%arg11 : memref<!tpu.dma_semaphore, #tpu.memory_space<semaphore_mem>>) src(%dma_wait3A_953 : memref<100x64xf32, #tpu.memory_space<hbm>>) dst(%dma_wait3A_950 : memref<100x64xf32, #tpu.memory_space<vmem>>)
      %mul3A_954 = arith.constant 8 : i32
      %mul3A_955 = arith.muli %mul3A_938, %mul3A_954 : i32
      %add3A_956 = arith.addi %mul3A_2, %mul3A_955 : i32
      %add3A_957 = arith.constant 0 : i32
      %add3A_958 = arith.addi %add3A_956, %add3A_957 : i32
      %mul3A_959 = arith.constant 100 : i32
      %mul3A_960 = arith.muli %add3A_958, %mul3A_959 : i32
      %dma_start3A_961 = arith.constant 0 : i32
      %dma_start3A_962 = arith.constant 0 : i32
      %dma_start3A_963 = arith.constant 0 : i32
      %dma_start3A_964 = tpu.memref_slice %arg7[%dma_start3A_961, %dma_start3A_962, %dma_start3A_963] : memref<8x100x64xf32, #tpu.memory_space<vmem>> -> memref<1x100x64xf32, #tpu.memory_space<vmem>>
      %dma_start3A_965 = tpu.memref_squeeze %dma_start3A_964 : memref<1x100x64xf32, #tpu.memory_space<vmem>> -> memref<100x64xf32, #tpu.memory_space<vmem>>
      %dma_start3A_966 = arith.constant 0 : i32
      %dma_start3A_967 = tpu.memref_slice %arg4[%mul3A_960, %dma_start3A_966] : memref<819200x128xf32, #tpu.memory_space<hbm>> -> memref<100x64xf32, #tpu.memory_space<hbm>>
      %dma_start3A_968 = arith.constant 0 : i32
      %dma_start3A_969 = tpu.memref_slice %arg4[%mul3A_960, %dma_start3A_968] : memref<819200x128xf32, #tpu.memory_space<hbm>> -> memref<100x64xf32, #tpu.memory_space<hbm>>
      %dma_start3A_970 = arith.constant 0 : i32
      %dma_start3A_971 = arith.constant 0 : i32
      %dma_start3A_972 = tpu.memref_slice %arg7[%dma_start3A_961, %dma_start3A_970, %dma_start3A_971] : memref<8x100x64xf32, #tpu.memory_space<vmem>> -> memref<1x100x64xf32, #tpu.memory_space<vmem>>
      %dma_start3A_973 = tpu.memref_squeeze %dma_start3A_972 : memref<1x100x64xf32, #tpu.memory_space<vmem>> -> memref<100x64xf32, #tpu.memory_space<vmem>>
      tpu.enqueue_dma source(%dma_start3A_973 : memref<100x64xf32, #tpu.memory_space<vmem>>) target(%dma_start3A_969 : memref<100x64xf32, #tpu.memory_space<hbm>>) target_semaphore(%arg13 : memref<!tpu.dma_semaphore, #tpu.memory_space<semaphore_mem>>)
      %dma_wait3A_974 = arith.constant 0 : i32
      %dma_wait3A_975 = arith.constant 0 : i32
      %dma_wait3A_976 = arith.constant 0 : i32
      %dma_wait3A_977 = tpu.memref_slice %arg7[%dma_wait3A_974, %dma_wait3A_975, %dma_wait3A_976] : memref<8x100x64xf32, #tpu.memory_space<vmem>> -> memref<1x100x64xf32, #tpu.memory_space<vmem>>
      %dma_wait3A_978 = tpu.memref_squeeze %dma_wait3A_977 : memref<1x100x64xf32, #tpu.memory_space<vmem>> -> memref<100x64xf32, #tpu.memory_space<vmem>>
      %dma_wait3A_979 = arith.constant 0 : i32
      %dma_wait3A_980 = arith.constant 0 : i32
      %dma_wait3A_981 = tpu.memref_slice %arg3[%dma_wait3A_979, %dma_wait3A_980] : memref<2000000x64xf32, #tpu.memory_space<hbm>> -> memref<100x64xf32, #tpu.memory_space<hbm>>
      %dma_wait3A_982 = arith.constant 0 : i32
      %dma_wait3A_983 = arith.constant 0 : i32
      %dma_wait3A_984 = tpu.memref_slice %arg7[%dma_wait3A_974, %dma_wait3A_982, %dma_wait3A_983] : memref<8x100x64xf32, #tpu.memory_space<vmem>> -> memref<1x100x64xf32, #tpu.memory_space<vmem>>
      %dma_wait3A_985 = tpu.memref_squeeze %dma_wait3A_984 : memref<1x100x64xf32, #tpu.memory_space<vmem>> -> memref<100x64xf32, #tpu.memory_space<vmem>>
      %dma_wait3A_986 = arith.constant 0 : i32
      %dma_wait3A_987 = arith.constant 0 : i32
      %dma_wait3A_988 = tpu.memref_slice %arg3[%dma_wait3A_986, %dma_wait3A_987] : memref<2000000x64xf32, #tpu.memory_space<hbm>> -> memref<100x64xf32, #tpu.memory_space<hbm>>
      tpu.wait_dma2 semaphore(%arg11 : memref<!tpu.dma_semaphore, #tpu.memory_space<semaphore_mem>>) src(%dma_wait3A_988 : memref<100x64xf32, #tpu.memory_space<hbm>>) dst(%dma_wait3A_985 : memref<100x64xf32, #tpu.memory_space<vmem>>)
      %mul3A_989 = arith.constant 8 : i32
      %mul3A_990 = arith.muli %mul3A_938, %mul3A_989 : i32
      %add3A_991 = arith.addi %mul3A_2, %mul3A_990 : i32
      %add3A_992 = arith.constant 1 : i32
      %add3A_993 = arith.addi %add3A_991, %add3A_992 : i32
      %mul3A_994 = arith.constant 100 : i32
      %mul3A_995 = arith.muli %add3A_993, %mul3A_994 : i32
      %dma_start3A_996 = arith.constant 1 : i32
      %dma_start3A_997 = arith.constant 0 : i32
      %dma_start3A_998 = arith.constant 0 : i32
      %dma_start3A_999 = tpu.memref_slice %arg7[%dma_start3A_996, %dma_start3A_997, %dma_start3A_998] : memref<8x100x64xf32, #tpu.memory_space<vmem>> -> memref<1x100x64xf32, #tpu.memory_space<vmem>>
      %dma_start3A_1000 = tpu.memref_squeeze %dma_start3A_999 : memref<1x100x64xf32, #tpu.memory_space<vmem>> -> memref<100x64xf32, #tpu.memory_space<vmem>>
      %dma_start3A_1001 = arith.constant 0 : i32
      %dma_start3A_1002 = tpu.memref_slice %arg4[%mul3A_995, %dma_start3A_1001] : memref<819200x128xf32, #tpu.memory_space<hbm>> -> memref<100x64xf32, #tpu.memory_space<hbm>>
      %dma_start3A_1003 = arith.constant 0 : i32
      %dma_start3A_1004 = tpu.memref_slice %arg4[%mul3A_995, %dma_start3A_1003] : memref<819200x128xf32, #tpu.memory_space<hbm>> -> memref<100x64xf32, #tpu.memory_space<hbm>>
      %dma_start3A_1005 = arith.constant 0 : i32
      %dma_start3A_1006 = arith.constant 0 : i32
      %dma_start3A_1007 = tpu.memref_slice %arg7[%dma_start3A_996, %dma_start3A_1005, %dma_start3A_1006] : memref<8x100x64xf32, #tpu.memory_space<vmem>> -> memref<1x100x64xf32, #tpu.memory_space<vmem>>
      %dma_start3A_1008 = tpu.memref_squeeze %dma_start3A_1007 : memref<1x100x64xf32, #tpu.memory_space<vmem>> -> memref<100x64xf32, #tpu.memory_space<vmem>>
      tpu.enqueue_dma source(%dma_start3A_1008 : memref<100x64xf32, #tpu.memory_space<vmem>>) target(%dma_start3A_1004 : memref<100x64xf32, #tpu.memory_space<hbm>>) target_semaphore(%arg13 : memref<!tpu.dma_semaphore, #tpu.memory_space<semaphore_mem>>)
      %dma_wait3A_1009 = arith.constant 0 : i32
      %dma_wait3A_1010 = arith.constant 0 : i32
      %dma_wait3A_1011 = arith.constant 0 : i32
      %dma_wait3A_1012 = tpu.memref_slice %arg7[%dma_wait3A_1009, %dma_wait3A_1010, %dma_wait3A_1011] : memref<8x100x64xf32, #tpu.memory_space<vmem>> -> memref<1x100x64xf32, #tpu.memory_space<vmem>>
      %dma_wait3A_1013 = tpu.memref_squeeze %dma_wait3A_1012 : memref<1x100x64xf32, #tpu.memory_space<vmem>> -> memref<100x64xf32, #tpu.memory_space<vmem>>
      %dma_wait3A_1014 = arith.constant 0 : i32
      %dma_wait3A_1015 = arith.constant 0 : i32
      %dma_wait3A_1016 = tpu.memref_slice %arg3[%dma_wait3A_1014, %dma_wait3A_1015] : memref<2000000x64xf32, #tpu.memory_space<hbm>> -> memref<100x64xf32, #tpu.memory_space<hbm>>
      %dma_wait3A_1017 = arith.constant 0 : i32
      %dma_wait3A_1018 = arith.constant 0 : i32
      %dma_wait3A_1019 = tpu.memref_slice %arg7[%dma_wait3A_1009, %dma_wait3A_1017, %dma_wait3A_1018] : memref<8x100x64xf32, #tpu.memory_space<vmem>> -> memref<1x100x64xf32, #tpu.memory_space<vmem>>
      %dma_wait3A_1020 = tpu.memref_squeeze %dma_wait3A_1019 : memref<1x100x64xf32, #tpu.memory_space<vmem>> -> memref<100x64xf32, #tpu.memory_space<vmem>>
      %dma_wait3A_1021 = arith.constant 0 : i32
      %dma_wait3A_1022 = arith.constant 0 : i32
      %dma_wait3A_1023 = tpu.memref_slice %arg3[%dma_wait3A_1021, %dma_wait3A_1022] : memref<2000000x64xf32, #tpu.memory_space<hbm>> -> memref<100x64xf32, #tpu.memory_space<hbm>>
      tpu.wait_dma2 semaphore(%arg11 : memref<!tpu.dma_semaphore, #tpu.memory_space<semaphore_mem>>) src(%dma_wait3A_1023 : memref<100x64xf32, #tpu.memory_space<hbm>>) dst(%dma_wait3A_1020 : memref<100x64xf32, #tpu.memory_space<vmem>>)
      %mul3A_1024 = arith.constant 8 : i32
      %mul3A_1025 = arith.muli %mul3A_938, %mul3A_1024 : i32
      %add3A_1026 = arith.addi %mul3A_2, %mul3A_1025 : i32
      %add3A_1027 = arith.constant 2 : i32
      %add3A_1028 = arith.addi %add3A_1026, %add3A_1027 : i32
      %mul3A_1029 = arith.constant 100 : i32
      %mul3A_1030 = arith.muli %add3A_1028, %mul3A_1029 : i32
      %dma_start3A_1031 = arith.constant 2 : i32
      %dma_start3A_1032 = arith.constant 0 : i32
      %dma_start3A_1033 = arith.constant 0 : i32
      %dma_start3A_1034 = tpu.memref_slice %arg7[%dma_start3A_1031, %dma_start3A_1032, %dma_start3A_1033] : memref<8x100x64xf32, #tpu.memory_space<vmem>> -> memref<1x100x64xf32, #tpu.memory_space<vmem>>
      %dma_start3A_1035 = tpu.memref_squeeze %dma_start3A_1034 : memref<1x100x64xf32, #tpu.memory_space<vmem>> -> memref<100x64xf32, #tpu.memory_space<vmem>>
      %dma_start3A_1036 = arith.constant 0 : i32
      %dma_start3A_1037 = tpu.memref_slice %arg4[%mul3A_1030, %dma_start3A_1036] : memref<819200x128xf32, #tpu.memory_space<hbm>> -> memref<100x64xf32, #tpu.memory_space<hbm>>
      %dma_start3A_1038 = arith.constant 0 : i32
      %dma_start3A_1039 = tpu.memref_slice %arg4[%mul3A_1030, %dma_start3A_1038] : memref<819200x128xf32, #tpu.memory_space<hbm>> -> memref<100x64xf32, #tpu.memory_space<hbm>>
      %dma_start3A_1040 = arith.constant 0 : i32
      %dma_start3A_1041 = arith.constant 0 : i32
      %dma_start3A_1042 = tpu.memref_slice %arg7[%dma_start3A_1031, %dma_start3A_1040, %dma_start3A_1041] : memref<8x100x64xf32, #tpu.memory_space<vmem>> -> memref<1x100x64xf32, #tpu.memory_space<vmem>>
      %dma_start3A_1043 = tpu.memref_squeeze %dma_start3A_1042 : memref<1x100x64xf32, #tpu.memory_space<vmem>> -> memref<100x64xf32, #tpu.memory_space<vmem>>
      tpu.enqueue_dma source(%dma_start3A_1043 : memref<100x64xf32, #tpu.memory_space<vmem>>) target(%dma_start3A_1039 : memref<100x64xf32, #tpu.memory_space<hbm>>) target_semaphore(%arg13 : memref<!tpu.dma_semaphore, #tpu.memory_space<semaphore_mem>>)
      %dma_wait3A_1044 = arith.constant 0 : i32
      %dma_wait3A_1045 = arith.constant 0 : i32
      %dma_wait3A_1046 = arith.constant 0 : i32
      %dma_wait3A_1047 = tpu.memref_slice %arg7[%dma_wait3A_1044, %dma_wait3A_1045, %dma_wait3A_1046] : memref<8x100x64xf32, #tpu.memory_space<vmem>> -> memref<1x100x64xf32, #tpu.memory_space<vmem>>
      %dma_wait3A_1048 = tpu.memref_squeeze %dma_wait3A_1047 : memref<1x100x64xf32, #tpu.memory_space<vmem>> -> memref<100x64xf32, #tpu.memory_space<vmem>>
      %dma_wait3A_1049 = arith.constant 0 : i32
      %dma_wait3A_1050 = arith.constant 0 : i32
      %dma_wait3A_1051 = tpu.memref_slice %arg3[%dma_wait3A_1049, %dma_wait3A_1050] : memref<2000000x64xf32, #tpu.memory_space<hbm>> -> memref<100x64xf32, #tpu.memory_space<hbm>>
      %dma_wait3A_1052 = arith.constant 0 : i32
      %dma_wait3A_1053 = arith.constant 0 : i32
      %dma_wait3A_1054 = tpu.memref_slice %arg7[%dma_wait3A_1044, %dma_wait3A_1052, %dma_wait3A_1053] : memref<8x100x64xf32, #tpu.memory_space<vmem>> -> memref<1x100x64xf32, #tpu.memory_space<vmem>>
      %dma_wait3A_1055 = tpu.memref_squeeze %dma_wait3A_1054 : memref<1x100x64xf32, #tpu.memory_space<vmem>> -> memref<100x64xf32, #tpu.memory_space<vmem>>
      %dma_wait3A_1056 = arith.constant 0 : i32
      %dma_wait3A_1057 = arith.constant 0 : i32
      %dma_wait3A_1058 = tpu.memref_slice %arg3[%dma_wait3A_1056, %dma_wait3A_1057] : memref<2000000x64xf32, #tpu.memory_space<hbm>> -> memref<100x64xf32, #tpu.memory_space<hbm>>
      tpu.wait_dma2 semaphore(%arg11 : memref<!tpu.dma_semaphore, #tpu.memory_space<semaphore_mem>>) src(%dma_wait3A_1058 : memref<100x64xf32, #tpu.memory_space<hbm>>) dst(%dma_wait3A_1055 : memref<100x64xf32, #tpu.memory_space<vmem>>)
      %mul3A_1059 = arith.constant 8 : i32
      %mul3A_1060 = arith.muli %mul3A_938, %mul3A_1059 : i32
      %add3A_1061 = arith.addi %mul3A_2, %mul3A_1060 : i32
      %add3A_1062 = arith.constant 3 : i32
      %add3A_1063 = arith.addi %add3A_1061, %add3A_1062 : i32
      %mul3A_1064 = arith.constant 100 : i32
      %mul3A_1065 = arith.muli %add3A_1063, %mul3A_1064 : i32
      %dma_start3A_1066 = arith.constant 3 : i32
      %dma_start3A_1067 = arith.constant 0 : i32
      %dma_start3A_1068 = arith.constant 0 : i32
      %dma_start3A_1069 = tpu.memref_slice %arg7[%dma_start3A_1066, %dma_start3A_1067, %dma_start3A_1068] : memref<8x100x64xf32, #tpu.memory_space<vmem>> -> memref<1x100x64xf32, #tpu.memory_space<vmem>>
      %dma_start3A_1070 = tpu.memref_squeeze %dma_start3A_1069 : memref<1x100x64xf32, #tpu.memory_space<vmem>> -> memref<100x64xf32, #tpu.memory_space<vmem>>
      %dma_start3A_1071 = arith.constant 0 : i32
      %dma_start3A_1072 = tpu.memref_slice %arg4[%mul3A_1065, %dma_start3A_1071] : memref<819200x128xf32, #tpu.memory_space<hbm>> -> memref<100x64xf32, #tpu.memory_space<hbm>>
      %dma_start3A_1073 = arith.constant 0 : i32
      %dma_start3A_1074 = tpu.memref_slice %arg4[%mul3A_1065, %dma_start3A_1073] : memref<819200x128xf32, #tpu.memory_space<hbm>> -> memref<100x64xf32, #tpu.memory_space<hbm>>
      %dma_start3A_1075 = arith.constant 0 : i32
      %dma_start3A_1076 = arith.constant 0 : i32
      %dma_start3A_1077 = tpu.memref_slice %arg7[%dma_start3A_1066, %dma_start3A_1075, %dma_start3A_1076] : memref<8x100x64xf32, #tpu.memory_space<vmem>> -> memref<1x100x64xf32, #tpu.memory_space<vmem>>
      %dma_start3A_1078 = tpu.memref_squeeze %dma_start3A_1077 : memref<1x100x64xf32, #tpu.memory_space<vmem>> -> memref<100x64xf32, #tpu.memory_space<vmem>>
      tpu.enqueue_dma source(%dma_start3A_1078 : memref<100x64xf32, #tpu.memory_space<vmem>>) target(%dma_start3A_1074 : memref<100x64xf32, #tpu.memory_space<hbm>>) target_semaphore(%arg13 : memref<!tpu.dma_semaphore, #tpu.memory_space<semaphore_mem>>)
      %dma_wait3A_1079 = arith.constant 0 : i32
      %dma_wait3A_1080 = arith.constant 0 : i32
      %dma_wait3A_1081 = arith.constant 0 : i32
      %dma_wait3A_1082 = tpu.memref_slice %arg7[%dma_wait3A_1079, %dma_wait3A_1080, %dma_wait3A_1081] : memref<8x100x64xf32, #tpu.memory_space<vmem>> -> memref<1x100x64xf32, #tpu.memory_space<vmem>>
      %dma_wait3A_1083 = tpu.memref_squeeze %dma_wait3A_1082 : memref<1x100x64xf32, #tpu.memory_space<vmem>> -> memref<100x64xf32, #tpu.memory_space<vmem>>
      %dma_wait3A_1084 = arith.constant 0 : i32
      %dma_wait3A_1085 = arith.constant 0 : i32
      %dma_wait3A_1086 = tpu.memref_slice %arg3[%dma_wait3A_1084, %dma_wait3A_1085] : memref<2000000x64xf32, #tpu.memory_space<hbm>> -> memref<100x64xf32, #tpu.memory_space<hbm>>
      %dma_wait3A_1087 = arith.constant 0 : i32
      %dma_wait3A_1088 = arith.constant 0 : i32
      %dma_wait3A_1089 = tpu.memref_slice %arg7[%dma_wait3A_1079, %dma_wait3A_1087, %dma_wait3A_1088] : memref<8x100x64xf32, #tpu.memory_space<vmem>> -> memref<1x100x64xf32, #tpu.memory_space<vmem>>
      %dma_wait3A_1090 = tpu.memref_squeeze %dma_wait3A_1089 : memref<1x100x64xf32, #tpu.memory_space<vmem>> -> memref<100x64xf32, #tpu.memory_space<vmem>>
      %dma_wait3A_1091 = arith.constant 0 : i32
      %dma_wait3A_1092 = arith.constant 0 : i32
      %dma_wait3A_1093 = tpu.memref_slice %arg3[%dma_wait3A_1091, %dma_wait3A_1092] : memref<2000000x64xf32, #tpu.memory_space<hbm>> -> memref<100x64xf32, #tpu.memory_space<hbm>>
      tpu.wait_dma2 semaphore(%arg11 : memref<!tpu.dma_semaphore, #tpu.memory_space<semaphore_mem>>) src(%dma_wait3A_1093 : memref<100x64xf32, #tpu.memory_space<hbm>>) dst(%dma_wait3A_1090 : memref<100x64xf32, #tpu.memory_space<vmem>>)
      %mul3A_1094 = arith.constant 8 : i32
      %mul3A_1095 = arith.muli %mul3A_938, %mul3A_1094 : i32
      %add3A_1096 = arith.addi %mul3A_2, %mul3A_1095 : i32
      %add3A_1097 = arith.constant 4 : i32
      %add3A_1098 = arith.addi %add3A_1096, %add3A_1097 : i32
      %mul3A_1099 = arith.constant 100 : i32
      %mul3A_1100 = arith.muli %add3A_1098, %mul3A_1099 : i32
      %dma_start3A_1101 = arith.constant 4 : i32
      %dma_start3A_1102 = arith.constant 0 : i32
      %dma_start3A_1103 = arith.constant 0 : i32
      %dma_start3A_1104 = tpu.memref_slice %arg7[%dma_start3A_1101, %dma_start3A_1102, %dma_start3A_1103] : memref<8x100x64xf32, #tpu.memory_space<vmem>> -> memref<1x100x64xf32, #tpu.memory_space<vmem>>
      %dma_start3A_1105 = tpu.memref_squeeze %dma_start3A_1104 : memref<1x100x64xf32, #tpu.memory_space<vmem>> -> memref<100x64xf32, #tpu.memory_space<vmem>>
      %dma_start3A_1106 = arith.constant 0 : i32
      %dma_start3A_1107 = tpu.memref_slice %arg4[%mul3A_1100, %dma_start3A_1106] : memref<819200x128xf32, #tpu.memory_space<hbm>> -> memref<100x64xf32, #tpu.memory_space<hbm>>
      %dma_start3A_1108 = arith.constant 0 : i32
      %dma_start3A_1109 = tpu.memref_slice %arg4[%mul3A_1100, %dma_start3A_1108] : memref<819200x128xf32, #tpu.memory_space<hbm>> -> memref<100x64xf32, #tpu.memory_space<hbm>>
      %dma_start3A_1110 = arith.constant 0 : i32
      %dma_start3A_1111 = arith.constant 0 : i32
      %dma_start3A_1112 = tpu.memref_slice %arg7[%dma_start3A_1101, %dma_start3A_1110, %dma_start3A_1111] : memref<8x100x64xf32, #tpu.memory_space<vmem>> -> memref<1x100x64xf32, #tpu.memory_space<vmem>>
      %dma_start3A_1113 = tpu.memref_squeeze %dma_start3A_1112 : memref<1x100x64xf32, #tpu.memory_space<vmem>> -> memref<100x64xf32, #tpu.memory_space<vmem>>
      tpu.enqueue_dma source(%dma_start3A_1113 : memref<100x64xf32, #tpu.memory_space<vmem>>) target(%dma_start3A_1109 : memref<100x64xf32, #tpu.memory_space<hbm>>) target_semaphore(%arg13 : memref<!tpu.dma_semaphore, #tpu.memory_space<semaphore_mem>>)
      %dma_wait3A_1114 = arith.constant 0 : i32
      %dma_wait3A_1115 = arith.constant 0 : i32
      %dma_wait3A_1116 = arith.constant 0 : i32
      %dma_wait3A_1117 = tpu.memref_slice %arg7[%dma_wait3A_1114, %dma_wait3A_1115, %dma_wait3A_1116] : memref<8x100x64xf32, #tpu.memory_space<vmem>> -> memref<1x100x64xf32, #tpu.memory_space<vmem>>
      %dma_wait3A_1118 = tpu.memref_squeeze %dma_wait3A_1117 : memref<1x100x64xf32, #tpu.memory_space<vmem>> -> memref<100x64xf32, #tpu.memory_space<vmem>>
      %dma_wait3A_1119 = arith.constant 0 : i32
      %dma_wait3A_1120 = arith.constant 0 : i32
      %dma_wait3A_1121 = tpu.memref_slice %arg3[%dma_wait3A_1119, %dma_wait3A_1120] : memref<2000000x64xf32, #tpu.memory_space<hbm>> -> memref<100x64xf32, #tpu.memory_space<hbm>>
      %dma_wait3A_1122 = arith.constant 0 : i32
      %dma_wait3A_1123 = arith.constant 0 : i32
      %dma_wait3A_1124 = tpu.memref_slice %arg7[%dma_wait3A_1114, %dma_wait3A_1122, %dma_wait3A_1123] : memref<8x100x64xf32, #tpu.memory_space<vmem>> -> memref<1x100x64xf32, #tpu.memory_space<vmem>>
      %dma_wait3A_1125 = tpu.memref_squeeze %dma_wait3A_1124 : memref<1x100x64xf32, #tpu.memory_space<vmem>> -> memref<100x64xf32, #tpu.memory_space<vmem>>
      %dma_wait3A_1126 = arith.constant 0 : i32
      %dma_wait3A_1127 = arith.constant 0 : i32
      %dma_wait3A_1128 = tpu.memref_slice %arg3[%dma_wait3A_1126, %dma_wait3A_1127] : memref<2000000x64xf32, #tpu.memory_space<hbm>> -> memref<100x64xf32, #tpu.memory_space<hbm>>
      tpu.wait_dma2 semaphore(%arg11 : memref<!tpu.dma_semaphore, #tpu.memory_space<semaphore_mem>>) src(%dma_wait3A_1128 : memref<100x64xf32, #tpu.memory_space<hbm>>) dst(%dma_wait3A_1125 : memref<100x64xf32, #tpu.memory_space<vmem>>)
      %mul3A_1129 = arith.constant 8 : i32
      %mul3A_1130 = arith.muli %mul3A_938, %mul3A_1129 : i32
      %add3A_1131 = arith.addi %mul3A_2, %mul3A_1130 : i32
      %add3A_1132 = arith.constant 5 : i32
      %add3A_1133 = arith.addi %add3A_1131, %add3A_1132 : i32
      %mul3A_1134 = arith.constant 100 : i32
      %mul3A_1135 = arith.muli %add3A_1133, %mul3A_1134 : i32
      %dma_start3A_1136 = arith.constant 5 : i32
      %dma_start3A_1137 = arith.constant 0 : i32
      %dma_start3A_1138 = arith.constant 0 : i32
      %dma_start3A_1139 = tpu.memref_slice %arg7[%dma_start3A_1136, %dma_start3A_1137, %dma_start3A_1138] : memref<8x100x64xf32, #tpu.memory_space<vmem>> -> memref<1x100x64xf32, #tpu.memory_space<vmem>>
      %dma_start3A_1140 = tpu.memref_squeeze %dma_start3A_1139 : memref<1x100x64xf32, #tpu.memory_space<vmem>> -> memref<100x64xf32, #tpu.memory_space<vmem>>
      %dma_start3A_1141 = arith.constant 0 : i32
      %dma_start3A_1142 = tpu.memref_slice %arg4[%mul3A_1135, %dma_start3A_1141] : memref<819200x128xf32, #tpu.memory_space<hbm>> -> memref<100x64xf32, #tpu.memory_space<hbm>>
      %dma_start3A_1143 = arith.constant 0 : i32
      %dma_start3A_1144 = tpu.memref_slice %arg4[%mul3A_1135, %dma_start3A_1143] : memref<819200x128xf32, #tpu.memory_space<hbm>> -> memref<100x64xf32, #tpu.memory_space<hbm>>
      %dma_start3A_1145 = arith.constant 0 : i32
      %dma_start3A_1146 = arith.constant 0 : i32
      %dma_start3A_1147 = tpu.memref_slice %arg7[%dma_start3A_1136, %dma_start3A_1145, %dma_start3A_1146] : memref<8x100x64xf32, #tpu.memory_space<vmem>> -> memref<1x100x64xf32, #tpu.memory_space<vmem>>
      %dma_start3A_1148 = tpu.memref_squeeze %dma_start3A_1147 : memref<1x100x64xf32, #tpu.memory_space<vmem>> -> memref<100x64xf32, #tpu.memory_space<vmem>>
      tpu.enqueue_dma source(%dma_start3A_1148 : memref<100x64xf32, #tpu.memory_space<vmem>>) target(%dma_start3A_1144 : memref<100x64xf32, #tpu.memory_space<hbm>>) target_semaphore(%arg13 : memref<!tpu.dma_semaphore, #tpu.memory_space<semaphore_mem>>)
      %dma_wait3A_1149 = arith.constant 0 : i32
      %dma_wait3A_1150 = arith.constant 0 : i32
      %dma_wait3A_1151 = arith.constant 0 : i32
      %dma_wait3A_1152 = tpu.memref_slice %arg7[%dma_wait3A_1149, %dma_wait3A_1150, %dma_wait3A_1151] : memref<8x100x64xf32, #tpu.memory_space<vmem>> -> memref<1x100x64xf32, #tpu.memory_space<vmem>>
      %dma_wait3A_1153 = tpu.memref_squeeze %dma_wait3A_1152 : memref<1x100x64xf32, #tpu.memory_space<vmem>> -> memref<100x64xf32, #tpu.memory_space<vmem>>
      %dma_wait3A_1154 = arith.constant 0 : i32
      %dma_wait3A_1155 = arith.constant 0 : i32
      %dma_wait3A_1156 = tpu.memref_slice %arg3[%dma_wait3A_1154, %dma_wait3A_1155] : memref<2000000x64xf32, #tpu.memory_space<hbm>> -> memref<100x64xf32, #tpu.memory_space<hbm>>
      %dma_wait3A_1157 = arith.constant 0 : i32
      %dma_wait3A_1158 = arith.constant 0 : i32
      %dma_wait3A_1159 = tpu.memref_slice %arg7[%dma_wait3A_1149, %dma_wait3A_1157, %dma_wait3A_1158] : memref<8x100x64xf32, #tpu.memory_space<vmem>> -> memref<1x100x64xf32, #tpu.memory_space<vmem>>
      %dma_wait3A_1160 = tpu.memref_squeeze %dma_wait3A_1159 : memref<1x100x64xf32, #tpu.memory_space<vmem>> -> memref<100x64xf32, #tpu.memory_space<vmem>>
      %dma_wait3A_1161 = arith.constant 0 : i32
      %dma_wait3A_1162 = arith.constant 0 : i32
      %dma_wait3A_1163 = tpu.memref_slice %arg3[%dma_wait3A_1161, %dma_wait3A_1162] : memref<2000000x64xf32, #tpu.memory_space<hbm>> -> memref<100x64xf32, #tpu.memory_space<hbm>>
      tpu.wait_dma2 semaphore(%arg11 : memref<!tpu.dma_semaphore, #tpu.memory_space<semaphore_mem>>) src(%dma_wait3A_1163 : memref<100x64xf32, #tpu.memory_space<hbm>>) dst(%dma_wait3A_1160 : memref<100x64xf32, #tpu.memory_space<vmem>>)
      %mul3A_1164 = arith.constant 8 : i32
      %mul3A_1165 = arith.muli %mul3A_938, %mul3A_1164 : i32
      %add3A_1166 = arith.addi %mul3A_2, %mul3A_1165 : i32
      %add3A_1167 = arith.constant 6 : i32
      %add3A_1168 = arith.addi %add3A_1166, %add3A_1167 : i32
      %mul3A_1169 = arith.constant 100 : i32
      %mul3A_1170 = arith.muli %add3A_1168, %mul3A_1169 : i32
      %dma_start3A_1171 = arith.constant 6 : i32
      %dma_start3A_1172 = arith.constant 0 : i32
      %dma_start3A_1173 = arith.constant 0 : i32
      %dma_start3A_1174 = tpu.memref_slice %arg7[%dma_start3A_1171, %dma_start3A_1172, %dma_start3A_1173] : memref<8x100x64xf32, #tpu.memory_space<vmem>> -> memref<1x100x64xf32, #tpu.memory_space<vmem>>
      %dma_start3A_1175 = tpu.memref_squeeze %dma_start3A_1174 : memref<1x100x64xf32, #tpu.memory_space<vmem>> -> memref<100x64xf32, #tpu.memory_space<vmem>>
      %dma_start3A_1176 = arith.constant 0 : i32
      %dma_start3A_1177 = tpu.memref_slice %arg4[%mul3A_1170, %dma_start3A_1176] : memref<819200x128xf32, #tpu.memory_space<hbm>> -> memref<100x64xf32, #tpu.memory_space<hbm>>
      %dma_start3A_1178 = arith.constant 0 : i32
      %dma_start3A_1179 = tpu.memref_slice %arg4[%mul3A_1170, %dma_start3A_1178] : memref<819200x128xf32, #tpu.memory_space<hbm>> -> memref<100x64xf32, #tpu.memory_space<hbm>>
      %dma_start3A_1180 = arith.constant 0 : i32
      %dma_start3A_1181 = arith.constant 0 : i32
      %dma_start3A_1182 = tpu.memref_slice %arg7[%dma_start3A_1171, %dma_start3A_1180, %dma_start3A_1181] : memref<8x100x64xf32, #tpu.memory_space<vmem>> -> memref<1x100x64xf32, #tpu.memory_space<vmem>>
      %dma_start3A_1183 = tpu.memref_squeeze %dma_start3A_1182 : memref<1x100x64xf32, #tpu.memory_space<vmem>> -> memref<100x64xf32, #tpu.memory_space<vmem>>
      tpu.enqueue_dma source(%dma_start3A_1183 : memref<100x64xf32, #tpu.memory_space<vmem>>) target(%dma_start3A_1179 : memref<100x64xf32, #tpu.memory_space<hbm>>) target_semaphore(%arg13 : memref<!tpu.dma_semaphore, #tpu.memory_space<semaphore_mem>>)
      %dma_wait3A_1184 = arith.constant 0 : i32
      %dma_wait3A_1185 = arith.constant 0 : i32
      %dma_wait3A_1186 = arith.constant 0 : i32
      %dma_wait3A_1187 = tpu.memref_slice %arg7[%dma_wait3A_1184, %dma_wait3A_1185, %dma_wait3A_1186] : memref<8x100x64xf32, #tpu.memory_space<vmem>> -> memref<1x100x64xf32, #tpu.memory_space<vmem>>
      %dma_wait3A_1188 = tpu.memref_squeeze %dma_wait3A_1187 : memref<1x100x64xf32, #tpu.memory_space<vmem>> -> memref<100x64xf32, #tpu.memory_space<vmem>>
      %dma_wait3A_1189 = arith.constant 0 : i32
      %dma_wait3A_1190 = arith.constant 0 : i32
      %dma_wait3A_1191 = tpu.memref_slice %arg3[%dma_wait3A_1189, %dma_wait3A_1190] : memref<2000000x64xf32, #tpu.memory_space<hbm>> -> memref<100x64xf32, #tpu.memory_space<hbm>>
      %dma_wait3A_1192 = arith.constant 0 : i32
      %dma_wait3A_1193 = arith.constant 0 : i32
      %dma_wait3A_1194 = tpu.memref_slice %arg7[%dma_wait3A_1184, %dma_wait3A_1192, %dma_wait3A_1193] : memref<8x100x64xf32, #tpu.memory_space<vmem>> -> memref<1x100x64xf32, #tpu.memory_space<vmem>>
      %dma_wait3A_1195 = tpu.memref_squeeze %dma_wait3A_1194 : memref<1x100x64xf32, #tpu.memory_space<vmem>> -> memref<100x64xf32, #tpu.memory_space<vmem>>
      %dma_wait3A_1196 = arith.constant 0 : i32
      %dma_wait3A_1197 = arith.constant 0 : i32
      %dma_wait3A_1198 = tpu.memref_slice %arg3[%dma_wait3A_1196, %dma_wait3A_1197] : memref<2000000x64xf32, #tpu.memory_space<hbm>> -> memref<100x64xf32, #tpu.memory_space<hbm>>
      tpu.wait_dma2 semaphore(%arg11 : memref<!tpu.dma_semaphore, #tpu.memory_space<semaphore_mem>>) src(%dma_wait3A_1198 : memref<100x64xf32, #tpu.memory_space<hbm>>) dst(%dma_wait3A_1195 : memref<100x64xf32, #tpu.memory_space<vmem>>)
      %mul3A_1199 = arith.constant 8 : i32
      %mul3A_1200 = arith.muli %mul3A_938, %mul3A_1199 : i32
      %add3A_1201 = arith.addi %mul3A_2, %mul3A_1200 : i32
      %add3A_1202 = arith.constant 7 : i32
      %add3A_1203 = arith.addi %add3A_1201, %add3A_1202 : i32
      %mul3A_1204 = arith.constant 100 : i32
      %mul3A_1205 = arith.muli %add3A_1203, %mul3A_1204 : i32
      %dma_start3A_1206 = arith.constant 7 : i32
      %dma_start3A_1207 = arith.constant 0 : i32
      %dma_start3A_1208 = arith.constant 0 : i32
      %dma_start3A_1209 = tpu.memref_slice %arg7[%dma_start3A_1206, %dma_start3A_1207, %dma_start3A_1208] : memref<8x100x64xf32, #tpu.memory_space<vmem>> -> memref<1x100x64xf32, #tpu.memory_space<vmem>>
      %dma_start3A_1210 = tpu.memref_squeeze %dma_start3A_1209 : memref<1x100x64xf32, #tpu.memory_space<vmem>> -> memref<100x64xf32, #tpu.memory_space<vmem>>
      %dma_start3A_1211 = arith.constant 0 : i32
      %dma_start3A_1212 = tpu.memref_slice %arg4[%mul3A_1205, %dma_start3A_1211] : memref<819200x128xf32, #tpu.memory_space<hbm>> -> memref<100x64xf32, #tpu.memory_space<hbm>>
      %dma_start3A_1213 = arith.constant 0 : i32
      %dma_start3A_1214 = tpu.memref_slice %arg4[%mul3A_1205, %dma_start3A_1213] : memref<819200x128xf32, #tpu.memory_space<hbm>> -> memref<100x64xf32, #tpu.memory_space<hbm>>
      %dma_start3A_1215 = arith.constant 0 : i32
      %dma_start3A_1216 = arith.constant 0 : i32
      %dma_start3A_1217 = tpu.memref_slice %arg7[%dma_start3A_1206, %dma_start3A_1215, %dma_start3A_1216] : memref<8x100x64xf32, #tpu.memory_space<vmem>> -> memref<1x100x64xf32, #tpu.memory_space<vmem>>
      %dma_start3A_1218 = tpu.memref_squeeze %dma_start3A_1217 : memref<1x100x64xf32, #tpu.memory_space<vmem>> -> memref<100x64xf32, #tpu.memory_space<vmem>>
      tpu.enqueue_dma source(%dma_start3A_1218 : memref<100x64xf32, #tpu.memory_space<vmem>>) target(%dma_start3A_1214 : memref<100x64xf32, #tpu.memory_space<hbm>>) target_semaphore(%arg13 : memref<!tpu.dma_semaphore, #tpu.memory_space<semaphore_mem>>)
      %add3A_1219 = arith.constant 2 : i32
      %add3A_1220 = arith.addi %mul3A_938, %add3A_1219 : i32
      %lt3A = arith.constant 32 : i32
      %lt3A_1221 = arith.cmpi slt, %add3A_1220, %lt3A : i32
      %convert_element_type3A = arith.extui %lt3A_1221 : i1 to i32
      %cond3A = arith.constant 0 : i32
      %cond3A_1222 = arith.cmpi ne, %convert_element_type3A, %cond3A : i32
      scf.if %cond3A_1222 {
        %add3A_1515 = arith.constant 2 : i32
        %add3A_1516 = arith.addi %mul3A_938, %add3A_1515 : i32
        %mul3A_1517 = arith.constant 8 : i32
        %mul3A_1518 = arith.muli %add3A_1516, %mul3A_1517 : i32
        %add3A_1519 = arith.addi %mul3A_2, %mul3A_1518 : i32
        %add3A_1520 = arith.constant 0 : i32
        %add3A_1521 = arith.addi %add3A_1519, %add3A_1520 : i32
        %dma_start3A_1522 = arith.constant 0 : i32
        %dma_start3A_1523 = arith.constant 0 : i32
        %dma_start3A_1524 = tpu.memref_slice %arg5[%dma_start3A_1522, %dma_start3A_1523] : memref<8x100xi32, #tpu.memory_space<vmem>> -> memref<1x100xi32, #tpu.memory_space<vmem>>
        %dma_start3A_1525 = tpu.memref_squeeze %dma_start3A_1524 : memref<1x100xi32, #tpu.memory_space<vmem>> -> memref<100xi32, #tpu.memory_space<vmem>>
        %dma_start3A_1526 = arith.constant 0 : i32
        %dma_start3A_1527 = tpu.memref_slice %arg2[%add3A_1521, %dma_start3A_1526] : memref<8192x100xi32, #tpu.memory_space<hbm>> -> memref<1x100xi32, #tpu.memory_space<hbm>>
        %dma_start3A_1528 = tpu.memref_squeeze %dma_start3A_1527 : memref<1x100xi32, #tpu.memory_space<hbm>> -> memref<100xi32, #tpu.memory_space<hbm>>
        %dma_start3A_1529 = arith.constant 0 : i32
        %dma_start3A_1530 = tpu.memref_slice %arg5[%dma_start3A_1522, %dma_start3A_1529] : memref<8x100xi32, #tpu.memory_space<vmem>> -> memref<1x100xi32, #tpu.memory_space<vmem>>
        %dma_start3A_1531 = tpu.memref_squeeze %dma_start3A_1530 : memref<1x100xi32, #tpu.memory_space<vmem>> -> memref<100xi32, #tpu.memory_space<vmem>>
        %dma_start3A_1532 = arith.constant 0 : i32
        %dma_start3A_1533 = tpu.memref_slice %arg2[%add3A_1521, %dma_start3A_1532] : memref<8192x100xi32, #tpu.memory_space<hbm>> -> memref<1x100xi32, #tpu.memory_space<hbm>>
        %dma_start3A_1534 = tpu.memref_squeeze %dma_start3A_1533 : memref<1x100xi32, #tpu.memory_space<hbm>> -> memref<100xi32, #tpu.memory_space<hbm>>
        tpu.enqueue_dma source(%dma_start3A_1534 : memref<100xi32, #tpu.memory_space<hbm>>) target(%dma_start3A_1531 : memref<100xi32, #tpu.memory_space<vmem>>) target_semaphore(%arg9 : memref<!tpu.dma_semaphore, #tpu.memory_space<semaphore_mem>>)
        %add3A_1535 = arith.constant 2 : i32
        %add3A_1536 = arith.addi %mul3A_938, %add3A_1535 : i32
        %mul3A_1537 = arith.constant 8 : i32
        %mul3A_1538 = arith.muli %add3A_1536, %mul3A_1537 : i32
        %add3A_1539 = arith.addi %mul3A_2, %mul3A_1538 : i32
        %add3A_1540 = arith.constant 1 : i32
        %add3A_1541 = arith.addi %add3A_1539, %add3A_1540 : i32
        %dma_start3A_1542 = arith.constant 1 : i32
        %dma_start3A_1543 = arith.constant 0 : i32
        %dma_start3A_1544 = tpu.memref_slice %arg5[%dma_start3A_1542, %dma_start3A_1543] : memref<8x100xi32, #tpu.memory_space<vmem>> -> memref<1x100xi32, #tpu.memory_space<vmem>>
        %dma_start3A_1545 = tpu.memref_squeeze %dma_start3A_1544 : memref<1x100xi32, #tpu.memory_space<vmem>> -> memref<100xi32, #tpu.memory_space<vmem>>
        %dma_start3A_1546 = arith.constant 0 : i32
        %dma_start3A_1547 = tpu.memref_slice %arg2[%add3A_1541, %dma_start3A_1546] : memref<8192x100xi32, #tpu.memory_space<hbm>> -> memref<1x100xi32, #tpu.memory_space<hbm>>
        %dma_start3A_1548 = tpu.memref_squeeze %dma_start3A_1547 : memref<1x100xi32, #tpu.memory_space<hbm>> -> memref<100xi32, #tpu.memory_space<hbm>>
        %dma_start3A_1549 = arith.constant 0 : i32
        %dma_start3A_1550 = tpu.memref_slice %arg5[%dma_start3A_1542, %dma_start3A_1549] : memref<8x100xi32, #tpu.memory_space<vmem>> -> memref<1x100xi32, #tpu.memory_space<vmem>>
        %dma_start3A_1551 = tpu.memref_squeeze %dma_start3A_1550 : memref<1x100xi32, #tpu.memory_space<vmem>> -> memref<100xi32, #tpu.memory_space<vmem>>
        %dma_start3A_1552 = arith.constant 0 : i32
        %dma_start3A_1553 = tpu.memref_slice %arg2[%add3A_1541, %dma_start3A_1552] : memref<8192x100xi32, #tpu.memory_space<hbm>> -> memref<1x100xi32, #tpu.memory_space<hbm>>
        %dma_start3A_1554 = tpu.memref_squeeze %dma_start3A_1553 : memref<1x100xi32, #tpu.memory_space<hbm>> -> memref<100xi32, #tpu.memory_space<hbm>>
        tpu.enqueue_dma source(%dma_start3A_1554 : memref<100xi32, #tpu.memory_space<hbm>>) target(%dma_start3A_1551 : memref<100xi32, #tpu.memory_space<vmem>>) target_semaphore(%arg9 : memref<!tpu.dma_semaphore, #tpu.memory_space<semaphore_mem>>)
        %add3A_1555 = arith.constant 2 : i32
        %add3A_1556 = arith.addi %mul3A_938, %add3A_1555 : i32
        %mul3A_1557 = arith.constant 8 : i32
        %mul3A_1558 = arith.muli %add3A_1556, %mul3A_1557 : i32
        %add3A_1559 = arith.addi %mul3A_2, %mul3A_1558 : i32
        %add3A_1560 = arith.constant 2 : i32
        %add3A_1561 = arith.addi %add3A_1559, %add3A_1560 : i32
        %dma_start3A_1562 = arith.constant 2 : i32
        %dma_start3A_1563 = arith.constant 0 : i32
        %dma_start3A_1564 = tpu.memref_slice %arg5[%dma_start3A_1562, %dma_start3A_1563] : memref<8x100xi32, #tpu.memory_space<vmem>> -> memref<1x100xi32, #tpu.memory_space<vmem>>
        %dma_start3A_1565 = tpu.memref_squeeze %dma_start3A_1564 : memref<1x100xi32, #tpu.memory_space<vmem>> -> memref<100xi32, #tpu.memory_space<vmem>>
        %dma_start3A_1566 = arith.constant 0 : i32
        %dma_start3A_1567 = tpu.memref_slice %arg2[%add3A_1561, %dma_start3A_1566] : memref<8192x100xi32, #tpu.memory_space<hbm>> -> memref<1x100xi32, #tpu.memory_space<hbm>>
        %dma_start3A_1568 = tpu.memref_squeeze %dma_start3A_1567 : memref<1x100xi32, #tpu.memory_space<hbm>> -> memref<100xi32, #tpu.memory_space<hbm>>
        %dma_start3A_1569 = arith.constant 0 : i32
        %dma_start3A_1570 = tpu.memref_slice %arg5[%dma_start3A_1562, %dma_start3A_1569] : memref<8x100xi32, #tpu.memory_space<vmem>> -> memref<1x100xi32, #tpu.memory_space<vmem>>
        %dma_start3A_1571 = tpu.memref_squeeze %dma_start3A_1570 : memref<1x100xi32, #tpu.memory_space<vmem>> -> memref<100xi32, #tpu.memory_space<vmem>>
        %dma_start3A_1572 = arith.constant 0 : i32
        %dma_start3A_1573 = tpu.memref_slice %arg2[%add3A_1561, %dma_start3A_1572] : memref<8192x100xi32, #tpu.memory_space<hbm>> -> memref<1x100xi32, #tpu.memory_space<hbm>>
        %dma_start3A_1574 = tpu.memref_squeeze %dma_start3A_1573 : memref<1x100xi32, #tpu.memory_space<hbm>> -> memref<100xi32, #tpu.memory_space<hbm>>
        tpu.enqueue_dma source(%dma_start3A_1574 : memref<100xi32, #tpu.memory_space<hbm>>) target(%dma_start3A_1571 : memref<100xi32, #tpu.memory_space<vmem>>) target_semaphore(%arg9 : memref<!tpu.dma_semaphore, #tpu.memory_space<semaphore_mem>>)
        %add3A_1575 = arith.constant 2 : i32
        %add3A_1576 = arith.addi %mul3A_938, %add3A_1575 : i32
        %mul3A_1577 = arith.constant 8 : i32
        %mul3A_1578 = arith.muli %add3A_1576, %mul3A_1577 : i32
        %add3A_1579 = arith.addi %mul3A_2, %mul3A_1578 : i32
        %add3A_1580 = arith.constant 3 : i32
        %add3A_1581 = arith.addi %add3A_1579, %add3A_1580 : i32
        %dma_start3A_1582 = arith.constant 3 : i32
        %dma_start3A_1583 = arith.constant 0 : i32
        %dma_start3A_1584 = tpu.memref_slice %arg5[%dma_start3A_1582, %dma_start3A_1583] : memref<8x100xi32, #tpu.memory_space<vmem>> -> memref<1x100xi32, #tpu.memory_space<vmem>>
        %dma_start3A_1585 = tpu.memref_squeeze %dma_start3A_1584 : memref<1x100xi32, #tpu.memory_space<vmem>> -> memref<100xi32, #tpu.memory_space<vmem>>
        %dma_start3A_1586 = arith.constant 0 : i32
        %dma_start3A_1587 = tpu.memref_slice %arg2[%add3A_1581, %dma_start3A_1586] : memref<8192x100xi32, #tpu.memory_space<hbm>> -> memref<1x100xi32, #tpu.memory_space<hbm>>
        %dma_start3A_1588 = tpu.memref_squeeze %dma_start3A_1587 : memref<1x100xi32, #tpu.memory_space<hbm>> -> memref<100xi32, #tpu.memory_space<hbm>>
        %dma_start3A_1589 = arith.constant 0 : i32
        %dma_start3A_1590 = tpu.memref_slice %arg5[%dma_start3A_1582, %dma_start3A_1589] : memref<8x100xi32, #tpu.memory_space<vmem>> -> memref<1x100xi32, #tpu.memory_space<vmem>>
        %dma_start3A_1591 = tpu.memref_squeeze %dma_start3A_1590 : memref<1x100xi32, #tpu.memory_space<vmem>> -> memref<100xi32, #tpu.memory_space<vmem>>
        %dma_start3A_1592 = arith.constant 0 : i32
        %dma_start3A_1593 = tpu.memref_slice %arg2[%add3A_1581, %dma_start3A_1592] : memref<8192x100xi32, #tpu.memory_space<hbm>> -> memref<1x100xi32, #tpu.memory_space<hbm>>
        %dma_start3A_1594 = tpu.memref_squeeze %dma_start3A_1593 : memref<1x100xi32, #tpu.memory_space<hbm>> -> memref<100xi32, #tpu.memory_space<hbm>>
        tpu.enqueue_dma source(%dma_start3A_1594 : memref<100xi32, #tpu.memory_space<hbm>>) target(%dma_start3A_1591 : memref<100xi32, #tpu.memory_space<vmem>>) target_semaphore(%arg9 : memref<!tpu.dma_semaphore, #tpu.memory_space<semaphore_mem>>)
        %add3A_1595 = arith.constant 2 : i32
        %add3A_1596 = arith.addi %mul3A_938, %add3A_1595 : i32
        %mul3A_1597 = arith.constant 8 : i32
        %mul3A_1598 = arith.muli %add3A_1596, %mul3A_1597 : i32
        %add3A_1599 = arith.addi %mul3A_2, %mul3A_1598 : i32
        %add3A_1600 = arith.constant 4 : i32
        %add3A_1601 = arith.addi %add3A_1599, %add3A_1600 : i32
        %dma_start3A_1602 = arith.constant 4 : i32
        %dma_start3A_1603 = arith.constant 0 : i32
        %dma_start3A_1604 = tpu.memref_slice %arg5[%dma_start3A_1602, %dma_start3A_1603] : memref<8x100xi32, #tpu.memory_space<vmem>> -> memref<1x100xi32, #tpu.memory_space<vmem>>
        %dma_start3A_1605 = tpu.memref_squeeze %dma_start3A_1604 : memref<1x100xi32, #tpu.memory_space<vmem>> -> memref<100xi32, #tpu.memory_space<vmem>>
        %dma_start3A_1606 = arith.constant 0 : i32
        %dma_start3A_1607 = tpu.memref_slice %arg2[%add3A_1601, %dma_start3A_1606] : memref<8192x100xi32, #tpu.memory_space<hbm>> -> memref<1x100xi32, #tpu.memory_space<hbm>>
        %dma_start3A_1608 = tpu.memref_squeeze %dma_start3A_1607 : memref<1x100xi32, #tpu.memory_space<hbm>> -> memref<100xi32, #tpu.memory_space<hbm>>
        %dma_start3A_1609 = arith.constant 0 : i32
        %dma_start3A_1610 = tpu.memref_slice %arg5[%dma_start3A_1602, %dma_start3A_1609] : memref<8x100xi32, #tpu.memory_space<vmem>> -> memref<1x100xi32, #tpu.memory_space<vmem>>
        %dma_start3A_1611 = tpu.memref_squeeze %dma_start3A_1610 : memref<1x100xi32, #tpu.memory_space<vmem>> -> memref<100xi32, #tpu.memory_space<vmem>>
        %dma_start3A_1612 = arith.constant 0 : i32
        %dma_start3A_1613 = tpu.memref_slice %arg2[%add3A_1601, %dma_start3A_1612] : memref<8192x100xi32, #tpu.memory_space<hbm>> -> memref<1x100xi32, #tpu.memory_space<hbm>>
        %dma_start3A_1614 = tpu.memref_squeeze %dma_start3A_1613 : memref<1x100xi32, #tpu.memory_space<hbm>> -> memref<100xi32, #tpu.memory_space<hbm>>
        tpu.enqueue_dma source(%dma_start3A_1614 : memref<100xi32, #tpu.memory_space<hbm>>) target(%dma_start3A_1611 : memref<100xi32, #tpu.memory_space<vmem>>) target_semaphore(%arg9 : memref<!tpu.dma_semaphore, #tpu.memory_space<semaphore_mem>>)
        %add3A_1615 = arith.constant 2 : i32
        %add3A_1616 = arith.addi %mul3A_938, %add3A_1615 : i32
        %mul3A_1617 = arith.constant 8 : i32
        %mul3A_1618 = arith.muli %add3A_1616, %mul3A_1617 : i32
        %add3A_1619 = arith.addi %mul3A_2, %mul3A_1618 : i32
        %add3A_1620 = arith.constant 5 : i32
        %add3A_1621 = arith.addi %add3A_1619, %add3A_1620 : i32
        %dma_start3A_1622 = arith.constant 5 : i32
        %dma_start3A_1623 = arith.constant 0 : i32
        %dma_start3A_1624 = tpu.memref_slice %arg5[%dma_start3A_1622, %dma_start3A_1623] : memref<8x100xi32, #tpu.memory_space<vmem>> -> memref<1x100xi32, #tpu.memory_space<vmem>>
        %dma_start3A_1625 = tpu.memref_squeeze %dma_start3A_1624 : memref<1x100xi32, #tpu.memory_space<vmem>> -> memref<100xi32, #tpu.memory_space<vmem>>
        %dma_start3A_1626 = arith.constant 0 : i32
        %dma_start3A_1627 = tpu.memref_slice %arg2[%add3A_1621, %dma_start3A_1626] : memref<8192x100xi32, #tpu.memory_space<hbm>> -> memref<1x100xi32, #tpu.memory_space<hbm>>
        %dma_start3A_1628 = tpu.memref_squeeze %dma_start3A_1627 : memref<1x100xi32, #tpu.memory_space<hbm>> -> memref<100xi32, #tpu.memory_space<hbm>>
        %dma_start3A_1629 = arith.constant 0 : i32
        %dma_start3A_1630 = tpu.memref_slice %arg5[%dma_start3A_1622, %dma_start3A_1629] : memref<8x100xi32, #tpu.memory_space<vmem>> -> memref<1x100xi32, #tpu.memory_space<vmem>>
        %dma_start3A_1631 = tpu.memref_squeeze %dma_start3A_1630 : memref<1x100xi32, #tpu.memory_space<vmem>> -> memref<100xi32, #tpu.memory_space<vmem>>
        %dma_start3A_1632 = arith.constant 0 : i32
        %dma_start3A_1633 = tpu.memref_slice %arg2[%add3A_1621, %dma_start3A_1632] : memref<8192x100xi32, #tpu.memory_space<hbm>> -> memref<1x100xi32, #tpu.memory_space<hbm>>
        %dma_start3A_1634 = tpu.memref_squeeze %dma_start3A_1633 : memref<1x100xi32, #tpu.memory_space<hbm>> -> memref<100xi32, #tpu.memory_space<hbm>>
        tpu.enqueue_dma source(%dma_start3A_1634 : memref<100xi32, #tpu.memory_space<hbm>>) target(%dma_start3A_1631 : memref<100xi32, #tpu.memory_space<vmem>>) target_semaphore(%arg9 : memref<!tpu.dma_semaphore, #tpu.memory_space<semaphore_mem>>)
        %add3A_1635 = arith.constant 2 : i32
        %add3A_1636 = arith.addi %mul3A_938, %add3A_1635 : i32
        %mul3A_1637 = arith.constant 8 : i32
        %mul3A_1638 = arith.muli %add3A_1636, %mul3A_1637 : i32
        %add3A_1639 = arith.addi %mul3A_2, %mul3A_1638 : i32
        %add3A_1640 = arith.constant 6 : i32
        %add3A_1641 = arith.addi %add3A_1639, %add3A_1640 : i32
        %dma_start3A_1642 = arith.constant 6 : i32
        %dma_start3A_1643 = arith.constant 0 : i32
        %dma_start3A_1644 = tpu.memref_slice %arg5[%dma_start3A_1642, %dma_start3A_1643] : memref<8x100xi32, #tpu.memory_space<vmem>> -> memref<1x100xi32, #tpu.memory_space<vmem>>
        %dma_start3A_1645 = tpu.memref_squeeze %dma_start3A_1644 : memref<1x100xi32, #tpu.memory_space<vmem>> -> memref<100xi32, #tpu.memory_space<vmem>>
        %dma_start3A_1646 = arith.constant 0 : i32
        %dma_start3A_1647 = tpu.memref_slice %arg2[%add3A_1641, %dma_start3A_1646] : memref<8192x100xi32, #tpu.memory_space<hbm>> -> memref<1x100xi32, #tpu.memory_space<hbm>>
        %dma_start3A_1648 = tpu.memref_squeeze %dma_start3A_1647 : memref<1x100xi32, #tpu.memory_space<hbm>> -> memref<100xi32, #tpu.memory_space<hbm>>
        %dma_start3A_1649 = arith.constant 0 : i32
        %dma_start3A_1650 = tpu.memref_slice %arg5[%dma_start3A_1642, %dma_start3A_1649] : memref<8x100xi32, #tpu.memory_space<vmem>> -> memref<1x100xi32, #tpu.memory_space<vmem>>
        %dma_start3A_1651 = tpu.memref_squeeze %dma_start3A_1650 : memref<1x100xi32, #tpu.memory_space<vmem>> -> memref<100xi32, #tpu.memory_space<vmem>>
        %dma_start3A_1652 = arith.constant 0 : i32
        %dma_start3A_1653 = tpu.memref_slice %arg2[%add3A_1641, %dma_start3A_1652] : memref<8192x100xi32, #tpu.memory_space<hbm>> -> memref<1x100xi32, #tpu.memory_space<hbm>>
        %dma_start3A_1654 = tpu.memref_squeeze %dma_start3A_1653 : memref<1x100xi32, #tpu.memory_space<hbm>> -> memref<100xi32, #tpu.memory_space<hbm>>
        tpu.enqueue_dma source(%dma_start3A_1654 : memref<100xi32, #tpu.memory_space<hbm>>) target(%dma_start3A_1651 : memref<100xi32, #tpu.memory_space<vmem>>) target_semaphore(%arg9 : memref<!tpu.dma_semaphore, #tpu.memory_space<semaphore_mem>>)
        %add3A_1655 = arith.constant 2 : i32
        %add3A_1656 = arith.addi %mul3A_938, %add3A_1655 : i32
        %mul3A_1657 = arith.constant 8 : i32
        %mul3A_1658 = arith.muli %add3A_1656, %mul3A_1657 : i32
        %add3A_1659 = arith.addi %mul3A_2, %mul3A_1658 : i32
        %add3A_1660 = arith.constant 7 : i32
        %add3A_1661 = arith.addi %add3A_1659, %add3A_1660 : i32
        %dma_start3A_1662 = arith.constant 7 : i32
        %dma_start3A_1663 = arith.constant 0 : i32
        %dma_start3A_1664 = tpu.memref_slice %arg5[%dma_start3A_1662, %dma_start3A_1663] : memref<8x100xi32, #tpu.memory_space<vmem>> -> memref<1x100xi32, #tpu.memory_space<vmem>>
        %dma_start3A_1665 = tpu.memref_squeeze %dma_start3A_1664 : memref<1x100xi32, #tpu.memory_space<vmem>> -> memref<100xi32, #tpu.memory_space<vmem>>
        %dma_start3A_1666 = arith.constant 0 : i32
        %dma_start3A_1667 = tpu.memref_slice %arg2[%add3A_1661, %dma_start3A_1666] : memref<8192x100xi32, #tpu.memory_space<hbm>> -> memref<1x100xi32, #tpu.memory_space<hbm>>
        %dma_start3A_1668 = tpu.memref_squeeze %dma_start3A_1667 : memref<1x100xi32, #tpu.memory_space<hbm>> -> memref<100xi32, #tpu.memory_space<hbm>>
        %dma_start3A_1669 = arith.constant 0 : i32
        %dma_start3A_1670 = tpu.memref_slice %arg5[%dma_start3A_1662, %dma_start3A_1669] : memref<8x100xi32, #tpu.memory_space<vmem>> -> memref<1x100xi32, #tpu.memory_space<vmem>>
        %dma_start3A_1671 = tpu.memref_squeeze %dma_start3A_1670 : memref<1x100xi32, #tpu.memory_space<vmem>> -> memref<100xi32, #tpu.memory_space<vmem>>
        %dma_start3A_1672 = arith.constant 0 : i32
        %dma_start3A_1673 = tpu.memref_slice %arg2[%add3A_1661, %dma_start3A_1672] : memref<8192x100xi32, #tpu.memory_space<hbm>> -> memref<1x100xi32, #tpu.memory_space<hbm>>
        %dma_start3A_1674 = tpu.memref_squeeze %dma_start3A_1673 : memref<1x100xi32, #tpu.memory_space<hbm>> -> memref<100xi32, #tpu.memory_space<hbm>>
        tpu.enqueue_dma source(%dma_start3A_1674 : memref<100xi32, #tpu.memory_space<hbm>>) target(%dma_start3A_1671 : memref<100xi32, #tpu.memory_space<vmem>>) target_semaphore(%arg9 : memref<!tpu.dma_semaphore, #tpu.memory_space<semaphore_mem>>)
        %dma_wait3A_1675 = arith.constant 0 : i32
        %dma_wait3A_1676 = arith.constant 0 : i32
        %dma_wait3A_1677 = arith.constant 0 : i32
        %dma_wait3A_1678 = tpu.memref_slice %arg7[%dma_wait3A_1675, %dma_wait3A_1676, %dma_wait3A_1677] : memref<8x100x64xf32, #tpu.memory_space<vmem>> -> memref<1x100x64xf32, #tpu.memory_space<vmem>>
        %dma_wait3A_1679 = tpu.memref_squeeze %dma_wait3A_1678 : memref<1x100x64xf32, #tpu.memory_space<vmem>> -> memref<100x64xf32, #tpu.memory_space<vmem>>
        %dma_wait3A_1680 = arith.constant 0 : i32
        %dma_wait3A_1681 = arith.constant 0 : i32
        %dma_wait3A_1682 = tpu.memref_slice %arg4[%dma_wait3A_1680, %dma_wait3A_1681] : memref<819200x128xf32, #tpu.memory_space<hbm>> -> memref<100x64xf32, #tpu.memory_space<hbm>>
        %dma_wait3A_1683 = arith.constant 0 : i32
        %dma_wait3A_1684 = arith.constant 0 : i32
        %dma_wait3A_1685 = tpu.memref_slice %arg7[%dma_wait3A_1675, %dma_wait3A_1683, %dma_wait3A_1684] : memref<8x100x64xf32, #tpu.memory_space<vmem>> -> memref<1x100x64xf32, #tpu.memory_space<vmem>>
        %dma_wait3A_1686 = tpu.memref_squeeze %dma_wait3A_1685 : memref<1x100x64xf32, #tpu.memory_space<vmem>> -> memref<100x64xf32, #tpu.memory_space<vmem>>
        %dma_wait3A_1687 = arith.constant 0 : i32
        %dma_wait3A_1688 = arith.constant 0 : i32
        %dma_wait3A_1689 = tpu.memref_slice %arg4[%dma_wait3A_1687, %dma_wait3A_1688] : memref<819200x128xf32, #tpu.memory_space<hbm>> -> memref<100x64xf32, #tpu.memory_space<hbm>>
        tpu.wait_dma2 semaphore(%arg13 : memref<!tpu.dma_semaphore, #tpu.memory_space<semaphore_mem>>) src(%dma_wait3A_1689 : memref<100x64xf32, #tpu.memory_space<hbm>>) dst(%dma_wait3A_1686 : memref<100x64xf32, #tpu.memory_space<vmem>>)
        %dma_wait3A_1690 = arith.constant 0 : i32
        %dma_wait3A_1691 = arith.constant 0 : i32
        %dma_wait3A_1692 = arith.constant 0 : i32
        %dma_wait3A_1693 = tpu.memref_slice %arg5[%dma_wait3A_1691, %dma_wait3A_1692] : memref<8x100xi32, #tpu.memory_space<vmem>> -> memref<1x100xi32, #tpu.memory_space<vmem>>
        %dma_wait3A_1694 = tpu.memref_squeeze %dma_wait3A_1693 : memref<1x100xi32, #tpu.memory_space<vmem>> -> memref<100xi32, #tpu.memory_space<vmem>>
        %dma_wait3A_1695 = arith.constant 0 : i32
        %dma_wait3A_1696 = tpu.memref_slice %arg2[%dma_wait3A_1690, %dma_wait3A_1695] : memref<8192x100xi32, #tpu.memory_space<hbm>> -> memref<1x100xi32, #tpu.memory_space<hbm>>
        %dma_wait3A_1697 = tpu.memref_squeeze %dma_wait3A_1696 : memref<1x100xi32, #tpu.memory_space<hbm>> -> memref<100xi32, #tpu.memory_space<hbm>>
        %dma_wait3A_1698 = arith.constant 0 : i32
        %dma_wait3A_1699 = tpu.memref_slice %arg5[%dma_wait3A_1691, %dma_wait3A_1698] : memref<8x100xi32, #tpu.memory_space<vmem>> -> memref<1x100xi32, #tpu.memory_space<vmem>>
        %dma_wait3A_1700 = tpu.memref_squeeze %dma_wait3A_1699 : memref<1x100xi32, #tpu.memory_space<vmem>> -> memref<100xi32, #tpu.memory_space<vmem>>
        %dma_wait3A_1701 = arith.constant 0 : i32
        %dma_wait3A_1702 = tpu.memref_slice %arg2[%dma_wait3A_1690, %dma_wait3A_1701] : memref<8192x100xi32, #tpu.memory_space<hbm>> -> memref<1x100xi32, #tpu.memory_space<hbm>>
        %dma_wait3A_1703 = tpu.memref_squeeze %dma_wait3A_1702 : memref<1x100xi32, #tpu.memory_space<hbm>> -> memref<100xi32, #tpu.memory_space<hbm>>
        tpu.wait_dma2 semaphore(%arg9 : memref<!tpu.dma_semaphore, #tpu.memory_space<semaphore_mem>>) src(%dma_wait3A_1703 : memref<100xi32, #tpu.memory_space<hbm>>) dst(%dma_wait3A_1700 : memref<100xi32, #tpu.memory_space<vmem>>)
        %dma_start3A_1704 = arith.constant 0 : i32
        %dma_start3A_1705 = arith.constant 0 : i32
        %dma_start3A_1706 = arith.constant 0 : i32
        %dma_start3A_1707 = arith.constant 0 : i32
        %dma_start3A_1708 = tpu.memref_slice %arg7[%dma_start3A_1705, %dma_start3A_1706, %dma_start3A_1707] : memref<8x100x64xf32, #tpu.memory_space<vmem>> -> memref<1x100x64xf32, #tpu.memory_space<vmem>>
        %dma_start3A_1709 = tpu.memref_squeeze %dma_start3A_1708 : memref<1x100x64xf32, #tpu.memory_space<vmem>> -> memref<100x64xf32, #tpu.memory_space<vmem>>
        %dma_start3A_1710 = arith.constant 0 : i32
        %dma_start3A_1711 = tpu.memref_slice %arg5[%dma_start3A_1704, %dma_start3A_1710] : memref<8x100xi32, #tpu.memory_space<vmem>> -> memref<1x100xi32, #tpu.memory_space<vmem>>
        %dma_start3A_1712 = tpu.memref_squeeze %dma_start3A_1711 : memref<1x100xi32, #tpu.memory_space<vmem>> -> memref<100xi32, #tpu.memory_space<vmem>>
        %dma_start3A_1713 = arith.constant 0 : i32
        %dma_start3A_1714 = arith.constant 0 : i32
        %dma_start3A_1715 = tpu.memref_slice %arg3[%dma_start3A_1713, %dma_start3A_1714] : memref<2000000x64xf32, #tpu.memory_space<hbm>> -> memref<2000000x64xf32, #tpu.memory_space<hbm>>
        tpu.enqueue_indirect_dma source(%dma_start3A_1715 : memref<2000000x64xf32, #tpu.memory_space<hbm>>) target(%dma_start3A_1709 : memref<100x64xf32, #tpu.memory_space<vmem>>) offsets(%dma_start3A_1712 : memref<100xi32, #tpu.memory_space<vmem>>) semaphore(%arg11 : memref<!tpu.dma_semaphore, #tpu.memory_space<semaphore_mem>>)
        %dma_wait3A_1716 = arith.constant 0 : i32
        %dma_wait3A_1717 = arith.constant 0 : i32
        %dma_wait3A_1718 = arith.constant 0 : i32
        %dma_wait3A_1719 = tpu.memref_slice %arg7[%dma_wait3A_1716, %dma_wait3A_1717, %dma_wait3A_1718] : memref<8x100x64xf32, #tpu.memory_space<vmem>> -> memref<1x100x64xf32, #tpu.memory_space<vmem>>
        %dma_wait3A_1720 = tpu.memref_squeeze %dma_wait3A_1719 : memref<1x100x64xf32, #tpu.memory_space<vmem>> -> memref<100x64xf32, #tpu.memory_space<vmem>>
        %dma_wait3A_1721 = arith.constant 0 : i32
        %dma_wait3A_1722 = arith.constant 0 : i32
        %dma_wait3A_1723 = tpu.memref_slice %arg4[%dma_wait3A_1721, %dma_wait3A_1722] : memref<819200x128xf32, #tpu.memory_space<hbm>> -> memref<100x64xf32, #tpu.memory_space<hbm>>
        %dma_wait3A_1724 = arith.constant 0 : i32
        %dma_wait3A_1725 = arith.constant 0 : i32
        %dma_wait3A_1726 = tpu.memref_slice %arg7[%dma_wait3A_1716, %dma_wait3A_1724, %dma_wait3A_1725] : memref<8x100x64xf32, #tpu.memory_space<vmem>> -> memref<1x100x64xf32, #tpu.memory_space<vmem>>
        %dma_wait3A_1727 = tpu.memref_squeeze %dma_wait3A_1726 : memref<1x100x64xf32, #tpu.memory_space<vmem>> -> memref<100x64xf32, #tpu.memory_space<vmem>>
        %dma_wait3A_1728 = arith.constant 0 : i32
        %dma_wait3A_1729 = arith.constant 0 : i32
        %dma_wait3A_1730 = tpu.memref_slice %arg4[%dma_wait3A_1728, %dma_wait3A_1729] : memref<819200x128xf32, #tpu.memory_space<hbm>> -> memref<100x64xf32, #tpu.memory_space<hbm>>
        tpu.wait_dma2 semaphore(%arg13 : memref<!tpu.dma_semaphore, #tpu.memory_space<semaphore_mem>>) src(%dma_wait3A_1730 : memref<100x64xf32, #tpu.memory_space<hbm>>) dst(%dma_wait3A_1727 : memref<100x64xf32, #tpu.memory_space<vmem>>)
        %dma_wait3A_1731 = arith.constant 0 : i32
        %dma_wait3A_1732 = arith.constant 0 : i32
        %dma_wait3A_1733 = arith.constant 0 : i32
        %dma_wait3A_1734 = tpu.memref_slice %arg5[%dma_wait3A_1732, %dma_wait3A_1733] : memref<8x100xi32, #tpu.memory_space<vmem>> -> memref<1x100xi32, #tpu.memory_space<vmem>>
        %dma_wait3A_1735 = tpu.memref_squeeze %dma_wait3A_1734 : memref<1x100xi32, #tpu.memory_space<vmem>> -> memref<100xi32, #tpu.memory_space<vmem>>
        %dma_wait3A_1736 = arith.constant 0 : i32
        %dma_wait3A_1737 = tpu.memref_slice %arg2[%dma_wait3A_1731, %dma_wait3A_1736] : memref<8192x100xi32, #tpu.memory_space<hbm>> -> memref<1x100xi32, #tpu.memory_space<hbm>>
        %dma_wait3A_1738 = tpu.memref_squeeze %dma_wait3A_1737 : memref<1x100xi32, #tpu.memory_space<hbm>> -> memref<100xi32, #tpu.memory_space<hbm>>
        %dma_wait3A_1739 = arith.constant 0 : i32
        %dma_wait3A_1740 = tpu.memref_slice %arg5[%dma_wait3A_1732, %dma_wait3A_1739] : memref<8x100xi32, #tpu.memory_space<vmem>> -> memref<1x100xi32, #tpu.memory_space<vmem>>
        %dma_wait3A_1741 = tpu.memref_squeeze %dma_wait3A_1740 : memref<1x100xi32, #tpu.memory_space<vmem>> -> memref<100xi32, #tpu.memory_space<vmem>>
        %dma_wait3A_1742 = arith.constant 0 : i32
        %dma_wait3A_1743 = tpu.memref_slice %arg2[%dma_wait3A_1731, %dma_wait3A_1742] : memref<8192x100xi32, #tpu.memory_space<hbm>> -> memref<1x100xi32, #tpu.memory_space<hbm>>
        %dma_wait3A_1744 = tpu.memref_squeeze %dma_wait3A_1743 : memref<1x100xi32, #tpu.memory_space<hbm>> -> memref<100xi32, #tpu.memory_space<hbm>>
        tpu.wait_dma2 semaphore(%arg9 : memref<!tpu.dma_semaphore, #tpu.memory_space<semaphore_mem>>) src(%dma_wait3A_1744 : memref<100xi32, #tpu.memory_space<hbm>>) dst(%dma_wait3A_1741 : memref<100xi32, #tpu.memory_space<vmem>>)
        %dma_start3A_1745 = arith.constant 1 : i32
        %dma_start3A_1746 = arith.constant 1 : i32
        %dma_start3A_1747 = arith.constant 0 : i32
        %dma_start3A_1748 = arith.constant 0 : i32
        %dma_start3A_1749 = tpu.memref_slice %arg7[%dma_start3A_1746, %dma_start3A_1747, %dma_start3A_1748] : memref<8x100x64xf32, #tpu.memory_space<vmem>> -> memref<1x100x64xf32, #tpu.memory_space<vmem>>
        %dma_start3A_1750 = tpu.memref_squeeze %dma_start3A_1749 : memref<1x100x64xf32, #tpu.memory_space<vmem>> -> memref<100x64xf32, #tpu.memory_space<vmem>>
        %dma_start3A_1751 = arith.constant 0 : i32
        %dma_start3A_1752 = tpu.memref_slice %arg5[%dma_start3A_1745, %dma_start3A_1751] : memref<8x100xi32, #tpu.memory_space<vmem>> -> memref<1x100xi32, #tpu.memory_space<vmem>>
        %dma_start3A_1753 = tpu.memref_squeeze %dma_start3A_1752 : memref<1x100xi32, #tpu.memory_space<vmem>> -> memref<100xi32, #tpu.memory_space<vmem>>
        %dma_start3A_1754 = arith.constant 0 : i32
        %dma_start3A_1755 = arith.constant 0 : i32
        %dma_start3A_1756 = tpu.memref_slice %arg3[%dma_start3A_1754, %dma_start3A_1755] : memref<2000000x64xf32, #tpu.memory_space<hbm>> -> memref<2000000x64xf32, #tpu.memory_space<hbm>>
        tpu.enqueue_indirect_dma source(%dma_start3A_1756 : memref<2000000x64xf32, #tpu.memory_space<hbm>>) target(%dma_start3A_1750 : memref<100x64xf32, #tpu.memory_space<vmem>>) offsets(%dma_start3A_1753 : memref<100xi32, #tpu.memory_space<vmem>>) semaphore(%arg11 : memref<!tpu.dma_semaphore, #tpu.memory_space<semaphore_mem>>)
        %dma_wait3A_1757 = arith.constant 0 : i32
        %dma_wait3A_1758 = arith.constant 0 : i32
        %dma_wait3A_1759 = arith.constant 0 : i32
        %dma_wait3A_1760 = tpu.memref_slice %arg7[%dma_wait3A_1757, %dma_wait3A_1758, %dma_wait3A_1759] : memref<8x100x64xf32, #tpu.memory_space<vmem>> -> memref<1x100x64xf32, #tpu.memory_space<vmem>>
        %dma_wait3A_1761 = tpu.memref_squeeze %dma_wait3A_1760 : memref<1x100x64xf32, #tpu.memory_space<vmem>> -> memref<100x64xf32, #tpu.memory_space<vmem>>
        %dma_wait3A_1762 = arith.constant 0 : i32
        %dma_wait3A_1763 = arith.constant 0 : i32
        %dma_wait3A_1764 = tpu.memref_slice %arg4[%dma_wait3A_1762, %dma_wait3A_1763] : memref<819200x128xf32, #tpu.memory_space<hbm>> -> memref<100x64xf32, #tpu.memory_space<hbm>>
        %dma_wait3A_1765 = arith.constant 0 : i32
        %dma_wait3A_1766 = arith.constant 0 : i32
        %dma_wait3A_1767 = tpu.memref_slice %arg7[%dma_wait3A_1757, %dma_wait3A_1765, %dma_wait3A_1766] : memref<8x100x64xf32, #tpu.memory_space<vmem>> -> memref<1x100x64xf32, #tpu.memory_space<vmem>>
        %dma_wait3A_1768 = tpu.memref_squeeze %dma_wait3A_1767 : memref<1x100x64xf32, #tpu.memory_space<vmem>> -> memref<100x64xf32, #tpu.memory_space<vmem>>
        %dma_wait3A_1769 = arith.constant 0 : i32
        %dma_wait3A_1770 = arith.constant 0 : i32
        %dma_wait3A_1771 = tpu.memref_slice %arg4[%dma_wait3A_1769, %dma_wait3A_1770] : memref<819200x128xf32, #tpu.memory_space<hbm>> -> memref<100x64xf32, #tpu.memory_space<hbm>>
        tpu.wait_dma2 semaphore(%arg13 : memref<!tpu.dma_semaphore, #tpu.memory_space<semaphore_mem>>) src(%dma_wait3A_1771 : memref<100x64xf32, #tpu.memory_space<hbm>>) dst(%dma_wait3A_1768 : memref<100x64xf32, #tpu.memory_space<vmem>>)
        %dma_wait3A_1772 = arith.constant 0 : i32
        %dma_wait3A_1773 = arith.constant 0 : i32
        %dma_wait3A_1774 = arith.constant 0 : i32
        %dma_wait3A_1775 = tpu.memref_slice %arg5[%dma_wait3A_1773, %dma_wait3A_1774] : memref<8x100xi32, #tpu.memory_space<vmem>> -> memref<1x100xi32, #tpu.memory_space<vmem>>
        %dma_wait3A_1776 = tpu.memref_squeeze %dma_wait3A_1775 : memref<1x100xi32, #tpu.memory_space<vmem>> -> memref<100xi32, #tpu.memory_space<vmem>>
        %dma_wait3A_1777 = arith.constant 0 : i32
        %dma_wait3A_1778 = tpu.memref_slice %arg2[%dma_wait3A_1772, %dma_wait3A_1777] : memref<8192x100xi32, #tpu.memory_space<hbm>> -> memref<1x100xi32, #tpu.memory_space<hbm>>
        %dma_wait3A_1779 = tpu.memref_squeeze %dma_wait3A_1778 : memref<1x100xi32, #tpu.memory_space<hbm>> -> memref<100xi32, #tpu.memory_space<hbm>>
        %dma_wait3A_1780 = arith.constant 0 : i32
        %dma_wait3A_1781 = tpu.memref_slice %arg5[%dma_wait3A_1773, %dma_wait3A_1780] : memref<8x100xi32, #tpu.memory_space<vmem>> -> memref<1x100xi32, #tpu.memory_space<vmem>>
        %dma_wait3A_1782 = tpu.memref_squeeze %dma_wait3A_1781 : memref<1x100xi32, #tpu.memory_space<vmem>> -> memref<100xi32, #tpu.memory_space<vmem>>
        %dma_wait3A_1783 = arith.constant 0 : i32
        %dma_wait3A_1784 = tpu.memref_slice %arg2[%dma_wait3A_1772, %dma_wait3A_1783] : memref<8192x100xi32, #tpu.memory_space<hbm>> -> memref<1x100xi32, #tpu.memory_space<hbm>>
        %dma_wait3A_1785 = tpu.memref_squeeze %dma_wait3A_1784 : memref<1x100xi32, #tpu.memory_space<hbm>> -> memref<100xi32, #tpu.memory_space<hbm>>
        tpu.wait_dma2 semaphore(%arg9 : memref<!tpu.dma_semaphore, #tpu.memory_space<semaphore_mem>>) src(%dma_wait3A_1785 : memref<100xi32, #tpu.memory_space<hbm>>) dst(%dma_wait3A_1782 : memref<100xi32, #tpu.memory_space<vmem>>)
        %dma_start3A_1786 = arith.constant 2 : i32
        %dma_start3A_1787 = arith.constant 2 : i32
        %dma_start3A_1788 = arith.constant 0 : i32
        %dma_start3A_1789 = arith.constant 0 : i32
        %dma_start3A_1790 = tpu.memref_slice %arg7[%dma_start3A_1787, %dma_start3A_1788, %dma_start3A_1789] : memref<8x100x64xf32, #tpu.memory_space<vmem>> -> memref<1x100x64xf32, #tpu.memory_space<vmem>>
        %dma_start3A_1791 = tpu.memref_squeeze %dma_start3A_1790 : memref<1x100x64xf32, #tpu.memory_space<vmem>> -> memref<100x64xf32, #tpu.memory_space<vmem>>
        %dma_start3A_1792 = arith.constant 0 : i32
        %dma_start3A_1793 = tpu.memref_slice %arg5[%dma_start3A_1786, %dma_start3A_1792] : memref<8x100xi32, #tpu.memory_space<vmem>> -> memref<1x100xi32, #tpu.memory_space<vmem>>
        %dma_start3A_1794 = tpu.memref_squeeze %dma_start3A_1793 : memref<1x100xi32, #tpu.memory_space<vmem>> -> memref<100xi32, #tpu.memory_space<vmem>>
        %dma_start3A_1795 = arith.constant 0 : i32
        %dma_start3A_1796 = arith.constant 0 : i32
        %dma_start3A_1797 = tpu.memref_slice %arg3[%dma_start3A_1795, %dma_start3A_1796] : memref<2000000x64xf32, #tpu.memory_space<hbm>> -> memref<2000000x64xf32, #tpu.memory_space<hbm>>
        tpu.enqueue_indirect_dma source(%dma_start3A_1797 : memref<2000000x64xf32, #tpu.memory_space<hbm>>) target(%dma_start3A_1791 : memref<100x64xf32, #tpu.memory_space<vmem>>) offsets(%dma_start3A_1794 : memref<100xi32, #tpu.memory_space<vmem>>) semaphore(%arg11 : memref<!tpu.dma_semaphore, #tpu.memory_space<semaphore_mem>>)
        %dma_wait3A_1798 = arith.constant 0 : i32
        %dma_wait3A_1799 = arith.constant 0 : i32
        %dma_wait3A_1800 = arith.constant 0 : i32
        %dma_wait3A_1801 = tpu.memref_slice %arg7[%dma_wait3A_1798, %dma_wait3A_1799, %dma_wait3A_1800] : memref<8x100x64xf32, #tpu.memory_space<vmem>> -> memref<1x100x64xf32, #tpu.memory_space<vmem>>
        %dma_wait3A_1802 = tpu.memref_squeeze %dma_wait3A_1801 : memref<1x100x64xf32, #tpu.memory_space<vmem>> -> memref<100x64xf32, #tpu.memory_space<vmem>>
        %dma_wait3A_1803 = arith.constant 0 : i32
        %dma_wait3A_1804 = arith.constant 0 : i32
        %dma_wait3A_1805 = tpu.memref_slice %arg4[%dma_wait3A_1803, %dma_wait3A_1804] : memref<819200x128xf32, #tpu.memory_space<hbm>> -> memref<100x64xf32, #tpu.memory_space<hbm>>
        %dma_wait3A_1806 = arith.constant 0 : i32
        %dma_wait3A_1807 = arith.constant 0 : i32
        %dma_wait3A_1808 = tpu.memref_slice %arg7[%dma_wait3A_1798, %dma_wait3A_1806, %dma_wait3A_1807] : memref<8x100x64xf32, #tpu.memory_space<vmem>> -> memref<1x100x64xf32, #tpu.memory_space<vmem>>
        %dma_wait3A_1809 = tpu.memref_squeeze %dma_wait3A_1808 : memref<1x100x64xf32, #tpu.memory_space<vmem>> -> memref<100x64xf32, #tpu.memory_space<vmem>>
        %dma_wait3A_1810 = arith.constant 0 : i32
        %dma_wait3A_1811 = arith.constant 0 : i32
        %dma_wait3A_1812 = tpu.memref_slice %arg4[%dma_wait3A_1810, %dma_wait3A_1811] : memref<819200x128xf32, #tpu.memory_space<hbm>> -> memref<100x64xf32, #tpu.memory_space<hbm>>
        tpu.wait_dma2 semaphore(%arg13 : memref<!tpu.dma_semaphore, #tpu.memory_space<semaphore_mem>>) src(%dma_wait3A_1812 : memref<100x64xf32, #tpu.memory_space<hbm>>) dst(%dma_wait3A_1809 : memref<100x64xf32, #tpu.memory_space<vmem>>)
        %dma_wait3A_1813 = arith.constant 0 : i32
        %dma_wait3A_1814 = arith.constant 0 : i32
        %dma_wait3A_1815 = arith.constant 0 : i32
        %dma_wait3A_1816 = tpu.memref_slice %arg5[%dma_wait3A_1814, %dma_wait3A_1815] : memref<8x100xi32, #tpu.memory_space<vmem>> -> memref<1x100xi32, #tpu.memory_space<vmem>>
        %dma_wait3A_1817 = tpu.memref_squeeze %dma_wait3A_1816 : memref<1x100xi32, #tpu.memory_space<vmem>> -> memref<100xi32, #tpu.memory_space<vmem>>
        %dma_wait3A_1818 = arith.constant 0 : i32
        %dma_wait3A_1819 = tpu.memref_slice %arg2[%dma_wait3A_1813, %dma_wait3A_1818] : memref<8192x100xi32, #tpu.memory_space<hbm>> -> memref<1x100xi32, #tpu.memory_space<hbm>>
        %dma_wait3A_1820 = tpu.memref_squeeze %dma_wait3A_1819 : memref<1x100xi32, #tpu.memory_space<hbm>> -> memref<100xi32, #tpu.memory_space<hbm>>
        %dma_wait3A_1821 = arith.constant 0 : i32
        %dma_wait3A_1822 = tpu.memref_slice %arg5[%dma_wait3A_1814, %dma_wait3A_1821] : memref<8x100xi32, #tpu.memory_space<vmem>> -> memref<1x100xi32, #tpu.memory_space<vmem>>
        %dma_wait3A_1823 = tpu.memref_squeeze %dma_wait3A_1822 : memref<1x100xi32, #tpu.memory_space<vmem>> -> memref<100xi32, #tpu.memory_space<vmem>>
        %dma_wait3A_1824 = arith.constant 0 : i32
        %dma_wait3A_1825 = tpu.memref_slice %arg2[%dma_wait3A_1813, %dma_wait3A_1824] : memref<8192x100xi32, #tpu.memory_space<hbm>> -> memref<1x100xi32, #tpu.memory_space<hbm>>
        %dma_wait3A_1826 = tpu.memref_squeeze %dma_wait3A_1825 : memref<1x100xi32, #tpu.memory_space<hbm>> -> memref<100xi32, #tpu.memory_space<hbm>>
        tpu.wait_dma2 semaphore(%arg9 : memref<!tpu.dma_semaphore, #tpu.memory_space<semaphore_mem>>) src(%dma_wait3A_1826 : memref<100xi32, #tpu.memory_space<hbm>>) dst(%dma_wait3A_1823 : memref<100xi32, #tpu.memory_space<vmem>>)
        %dma_start3A_1827 = arith.constant 3 : i32
        %dma_start3A_1828 = arith.constant 3 : i32
        %dma_start3A_1829 = arith.constant 0 : i32
        %dma_start3A_1830 = arith.constant 0 : i32
        %dma_start3A_1831 = tpu.memref_slice %arg7[%dma_start3A_1828, %dma_start3A_1829, %dma_start3A_1830] : memref<8x100x64xf32, #tpu.memory_space<vmem>> -> memref<1x100x64xf32, #tpu.memory_space<vmem>>
        %dma_start3A_1832 = tpu.memref_squeeze %dma_start3A_1831 : memref<1x100x64xf32, #tpu.memory_space<vmem>> -> memref<100x64xf32, #tpu.memory_space<vmem>>
        %dma_start3A_1833 = arith.constant 0 : i32
        %dma_start3A_1834 = tpu.memref_slice %arg5[%dma_start3A_1827, %dma_start3A_1833] : memref<8x100xi32, #tpu.memory_space<vmem>> -> memref<1x100xi32, #tpu.memory_space<vmem>>
        %dma_start3A_1835 = tpu.memref_squeeze %dma_start3A_1834 : memref<1x100xi32, #tpu.memory_space<vmem>> -> memref<100xi32, #tpu.memory_space<vmem>>
        %dma_start3A_1836 = arith.constant 0 : i32
        %dma_start3A_1837 = arith.constant 0 : i32
        %dma_start3A_1838 = tpu.memref_slice %arg3[%dma_start3A_1836, %dma_start3A_1837] : memref<2000000x64xf32, #tpu.memory_space<hbm>> -> memref<2000000x64xf32, #tpu.memory_space<hbm>>
        tpu.enqueue_indirect_dma source(%dma_start3A_1838 : memref<2000000x64xf32, #tpu.memory_space<hbm>>) target(%dma_start3A_1832 : memref<100x64xf32, #tpu.memory_space<vmem>>) offsets(%dma_start3A_1835 : memref<100xi32, #tpu.memory_space<vmem>>) semaphore(%arg11 : memref<!tpu.dma_semaphore, #tpu.memory_space<semaphore_mem>>)
        %dma_wait3A_1839 = arith.constant 0 : i32
        %dma_wait3A_1840 = arith.constant 0 : i32
        %dma_wait3A_1841 = arith.constant 0 : i32
        %dma_wait3A_1842 = tpu.memref_slice %arg7[%dma_wait3A_1839, %dma_wait3A_1840, %dma_wait3A_1841] : memref<8x100x64xf32, #tpu.memory_space<vmem>> -> memref<1x100x64xf32, #tpu.memory_space<vmem>>
        %dma_wait3A_1843 = tpu.memref_squeeze %dma_wait3A_1842 : memref<1x100x64xf32, #tpu.memory_space<vmem>> -> memref<100x64xf32, #tpu.memory_space<vmem>>
        %dma_wait3A_1844 = arith.constant 0 : i32
        %dma_wait3A_1845 = arith.constant 0 : i32
        %dma_wait3A_1846 = tpu.memref_slice %arg4[%dma_wait3A_1844, %dma_wait3A_1845] : memref<819200x128xf32, #tpu.memory_space<hbm>> -> memref<100x64xf32, #tpu.memory_space<hbm>>
        %dma_wait3A_1847 = arith.constant 0 : i32
        %dma_wait3A_1848 = arith.constant 0 : i32
        %dma_wait3A_1849 = tpu.memref_slice %arg7[%dma_wait3A_1839, %dma_wait3A_1847, %dma_wait3A_1848] : memref<8x100x64xf32, #tpu.memory_space<vmem>> -> memref<1x100x64xf32, #tpu.memory_space<vmem>>
        %dma_wait3A_1850 = tpu.memref_squeeze %dma_wait3A_1849 : memref<1x100x64xf32, #tpu.memory_space<vmem>> -> memref<100x64xf32, #tpu.memory_space<vmem>>
        %dma_wait3A_1851 = arith.constant 0 : i32
        %dma_wait3A_1852 = arith.constant 0 : i32
        %dma_wait3A_1853 = tpu.memref_slice %arg4[%dma_wait3A_1851, %dma_wait3A_1852] : memref<819200x128xf32, #tpu.memory_space<hbm>> -> memref<100x64xf32, #tpu.memory_space<hbm>>
        tpu.wait_dma2 semaphore(%arg13 : memref<!tpu.dma_semaphore, #tpu.memory_space<semaphore_mem>>) src(%dma_wait3A_1853 : memref<100x64xf32, #tpu.memory_space<hbm>>) dst(%dma_wait3A_1850 : memref<100x64xf32, #tpu.memory_space<vmem>>)
        %dma_wait3A_1854 = arith.constant 0 : i32
        %dma_wait3A_1855 = arith.constant 0 : i32
        %dma_wait3A_1856 = arith.constant 0 : i32
        %dma_wait3A_1857 = tpu.memref_slice %arg5[%dma_wait3A_1855, %dma_wait3A_1856] : memref<8x100xi32, #tpu.memory_space<vmem>> -> memref<1x100xi32, #tpu.memory_space<vmem>>
        %dma_wait3A_1858 = tpu.memref_squeeze %dma_wait3A_1857 : memref<1x100xi32, #tpu.memory_space<vmem>> -> memref<100xi32, #tpu.memory_space<vmem>>
        %dma_wait3A_1859 = arith.constant 0 : i32
        %dma_wait3A_1860 = tpu.memref_slice %arg2[%dma_wait3A_1854, %dma_wait3A_1859] : memref<8192x100xi32, #tpu.memory_space<hbm>> -> memref<1x100xi32, #tpu.memory_space<hbm>>
        %dma_wait3A_1861 = tpu.memref_squeeze %dma_wait3A_1860 : memref<1x100xi32, #tpu.memory_space<hbm>> -> memref<100xi32, #tpu.memory_space<hbm>>
        %dma_wait3A_1862 = arith.constant 0 : i32
        %dma_wait3A_1863 = tpu.memref_slice %arg5[%dma_wait3A_1855, %dma_wait3A_1862] : memref<8x100xi32, #tpu.memory_space<vmem>> -> memref<1x100xi32, #tpu.memory_space<vmem>>
        %dma_wait3A_1864 = tpu.memref_squeeze %dma_wait3A_1863 : memref<1x100xi32, #tpu.memory_space<vmem>> -> memref<100xi32, #tpu.memory_space<vmem>>
        %dma_wait3A_1865 = arith.constant 0 : i32
        %dma_wait3A_1866 = tpu.memref_slice %arg2[%dma_wait3A_1854, %dma_wait3A_1865] : memref<8192x100xi32, #tpu.memory_space<hbm>> -> memref<1x100xi32, #tpu.memory_space<hbm>>
        %dma_wait3A_1867 = tpu.memref_squeeze %dma_wait3A_1866 : memref<1x100xi32, #tpu.memory_space<hbm>> -> memref<100xi32, #tpu.memory_space<hbm>>
        tpu.wait_dma2 semaphore(%arg9 : memref<!tpu.dma_semaphore, #tpu.memory_space<semaphore_mem>>) src(%dma_wait3A_1867 : memref<100xi32, #tpu.memory_space<hbm>>) dst(%dma_wait3A_1864 : memref<100xi32, #tpu.memory_space<vmem>>)
        %dma_start3A_1868 = arith.constant 4 : i32
        %dma_start3A_1869 = arith.constant 4 : i32
        %dma_start3A_1870 = arith.constant 0 : i32
        %dma_start3A_1871 = arith.constant 0 : i32
        %dma_start3A_1872 = tpu.memref_slice %arg7[%dma_start3A_1869, %dma_start3A_1870, %dma_start3A_1871] : memref<8x100x64xf32, #tpu.memory_space<vmem>> -> memref<1x100x64xf32, #tpu.memory_space<vmem>>
        %dma_start3A_1873 = tpu.memref_squeeze %dma_start3A_1872 : memref<1x100x64xf32, #tpu.memory_space<vmem>> -> memref<100x64xf32, #tpu.memory_space<vmem>>
        %dma_start3A_1874 = arith.constant 0 : i32
        %dma_start3A_1875 = tpu.memref_slice %arg5[%dma_start3A_1868, %dma_start3A_1874] : memref<8x100xi32, #tpu.memory_space<vmem>> -> memref<1x100xi32, #tpu.memory_space<vmem>>
        %dma_start3A_1876 = tpu.memref_squeeze %dma_start3A_1875 : memref<1x100xi32, #tpu.memory_space<vmem>> -> memref<100xi32, #tpu.memory_space<vmem>>
        %dma_start3A_1877 = arith.constant 0 : i32
        %dma_start3A_1878 = arith.constant 0 : i32
        %dma_start3A_1879 = tpu.memref_slice %arg3[%dma_start3A_1877, %dma_start3A_1878] : memref<2000000x64xf32, #tpu.memory_space<hbm>> -> memref<2000000x64xf32, #tpu.memory_space<hbm>>
        tpu.enqueue_indirect_dma source(%dma_start3A_1879 : memref<2000000x64xf32, #tpu.memory_space<hbm>>) target(%dma_start3A_1873 : memref<100x64xf32, #tpu.memory_space<vmem>>) offsets(%dma_start3A_1876 : memref<100xi32, #tpu.memory_space<vmem>>) semaphore(%arg11 : memref<!tpu.dma_semaphore, #tpu.memory_space<semaphore_mem>>)
        %dma_wait3A_1880 = arith.constant 0 : i32
        %dma_wait3A_1881 = arith.constant 0 : i32
        %dma_wait3A_1882 = arith.constant 0 : i32
        %dma_wait3A_1883 = tpu.memref_slice %arg7[%dma_wait3A_1880, %dma_wait3A_1881, %dma_wait3A_1882] : memref<8x100x64xf32, #tpu.memory_space<vmem>> -> memref<1x100x64xf32, #tpu.memory_space<vmem>>
        %dma_wait3A_1884 = tpu.memref_squeeze %dma_wait3A_1883 : memref<1x100x64xf32, #tpu.memory_space<vmem>> -> memref<100x64xf32, #tpu.memory_space<vmem>>
        %dma_wait3A_1885 = arith.constant 0 : i32
        %dma_wait3A_1886 = arith.constant 0 : i32
        %dma_wait3A_1887 = tpu.memref_slice %arg4[%dma_wait3A_1885, %dma_wait3A_1886] : memref<819200x128xf32, #tpu.memory_space<hbm>> -> memref<100x64xf32, #tpu.memory_space<hbm>>
        %dma_wait3A_1888 = arith.constant 0 : i32
        %dma_wait3A_1889 = arith.constant 0 : i32
        %dma_wait3A_1890 = tpu.memref_slice %arg7[%dma_wait3A_1880, %dma_wait3A_1888, %dma_wait3A_1889] : memref<8x100x64xf32, #tpu.memory_space<vmem>> -> memref<1x100x64xf32, #tpu.memory_space<vmem>>
        %dma_wait3A_1891 = tpu.memref_squeeze %dma_wait3A_1890 : memref<1x100x64xf32, #tpu.memory_space<vmem>> -> memref<100x64xf32, #tpu.memory_space<vmem>>
        %dma_wait3A_1892 = arith.constant 0 : i32
        %dma_wait3A_1893 = arith.constant 0 : i32
        %dma_wait3A_1894 = tpu.memref_slice %arg4[%dma_wait3A_1892, %dma_wait3A_1893] : memref<819200x128xf32, #tpu.memory_space<hbm>> -> memref<100x64xf32, #tpu.memory_space<hbm>>
        tpu.wait_dma2 semaphore(%arg13 : memref<!tpu.dma_semaphore, #tpu.memory_space<semaphore_mem>>) src(%dma_wait3A_1894 : memref<100x64xf32, #tpu.memory_space<hbm>>) dst(%dma_wait3A_1891 : memref<100x64xf32, #tpu.memory_space<vmem>>)
        %dma_wait3A_1895 = arith.constant 0 : i32
        %dma_wait3A_1896 = arith.constant 0 : i32
        %dma_wait3A_1897 = arith.constant 0 : i32
        %dma_wait3A_1898 = tpu.memref_slice %arg5[%dma_wait3A_1896, %dma_wait3A_1897] : memref<8x100xi32, #tpu.memory_space<vmem>> -> memref<1x100xi32, #tpu.memory_space<vmem>>
        %dma_wait3A_1899 = tpu.memref_squeeze %dma_wait3A_1898 : memref<1x100xi32, #tpu.memory_space<vmem>> -> memref<100xi32, #tpu.memory_space<vmem>>
        %dma_wait3A_1900 = arith.constant 0 : i32
        %dma_wait3A_1901 = tpu.memref_slice %arg2[%dma_wait3A_1895, %dma_wait3A_1900] : memref<8192x100xi32, #tpu.memory_space<hbm>> -> memref<1x100xi32, #tpu.memory_space<hbm>>
        %dma_wait3A_1902 = tpu.memref_squeeze %dma_wait3A_1901 : memref<1x100xi32, #tpu.memory_space<hbm>> -> memref<100xi32, #tpu.memory_space<hbm>>
        %dma_wait3A_1903 = arith.constant 0 : i32
        %dma_wait3A_1904 = tpu.memref_slice %arg5[%dma_wait3A_1896, %dma_wait3A_1903] : memref<8x100xi32, #tpu.memory_space<vmem>> -> memref<1x100xi32, #tpu.memory_space<vmem>>
        %dma_wait3A_1905 = tpu.memref_squeeze %dma_wait3A_1904 : memref<1x100xi32, #tpu.memory_space<vmem>> -> memref<100xi32, #tpu.memory_space<vmem>>
        %dma_wait3A_1906 = arith.constant 0 : i32
        %dma_wait3A_1907 = tpu.memref_slice %arg2[%dma_wait3A_1895, %dma_wait3A_1906] : memref<8192x100xi32, #tpu.memory_space<hbm>> -> memref<1x100xi32, #tpu.memory_space<hbm>>
        %dma_wait3A_1908 = tpu.memref_squeeze %dma_wait3A_1907 : memref<1x100xi32, #tpu.memory_space<hbm>> -> memref<100xi32, #tpu.memory_space<hbm>>
        tpu.wait_dma2 semaphore(%arg9 : memref<!tpu.dma_semaphore, #tpu.memory_space<semaphore_mem>>) src(%dma_wait3A_1908 : memref<100xi32, #tpu.memory_space<hbm>>) dst(%dma_wait3A_1905 : memref<100xi32, #tpu.memory_space<vmem>>)
        %dma_start3A_1909 = arith.constant 5 : i32
        %dma_start3A_1910 = arith.constant 5 : i32
        %dma_start3A_1911 = arith.constant 0 : i32
        %dma_start3A_1912 = arith.constant 0 : i32
        %dma_start3A_1913 = tpu.memref_slice %arg7[%dma_start3A_1910, %dma_start3A_1911, %dma_start3A_1912] : memref<8x100x64xf32, #tpu.memory_space<vmem>> -> memref<1x100x64xf32, #tpu.memory_space<vmem>>
        %dma_start3A_1914 = tpu.memref_squeeze %dma_start3A_1913 : memref<1x100x64xf32, #tpu.memory_space<vmem>> -> memref<100x64xf32, #tpu.memory_space<vmem>>
        %dma_start3A_1915 = arith.constant 0 : i32
        %dma_start3A_1916 = tpu.memref_slice %arg5[%dma_start3A_1909, %dma_start3A_1915] : memref<8x100xi32, #tpu.memory_space<vmem>> -> memref<1x100xi32, #tpu.memory_space<vmem>>
        %dma_start3A_1917 = tpu.memref_squeeze %dma_start3A_1916 : memref<1x100xi32, #tpu.memory_space<vmem>> -> memref<100xi32, #tpu.memory_space<vmem>>
        %dma_start3A_1918 = arith.constant 0 : i32
        %dma_start3A_1919 = arith.constant 0 : i32
        %dma_start3A_1920 = tpu.memref_slice %arg3[%dma_start3A_1918, %dma_start3A_1919] : memref<2000000x64xf32, #tpu.memory_space<hbm>> -> memref<2000000x64xf32, #tpu.memory_space<hbm>>
        tpu.enqueue_indirect_dma source(%dma_start3A_1920 : memref<2000000x64xf32, #tpu.memory_space<hbm>>) target(%dma_start3A_1914 : memref<100x64xf32, #tpu.memory_space<vmem>>) offsets(%dma_start3A_1917 : memref<100xi32, #tpu.memory_space<vmem>>) semaphore(%arg11 : memref<!tpu.dma_semaphore, #tpu.memory_space<semaphore_mem>>)
        %dma_wait3A_1921 = arith.constant 0 : i32
        %dma_wait3A_1922 = arith.constant 0 : i32
        %dma_wait3A_1923 = arith.constant 0 : i32
        %dma_wait3A_1924 = tpu.memref_slice %arg7[%dma_wait3A_1921, %dma_wait3A_1922, %dma_wait3A_1923] : memref<8x100x64xf32, #tpu.memory_space<vmem>> -> memref<1x100x64xf32, #tpu.memory_space<vmem>>
        %dma_wait3A_1925 = tpu.memref_squeeze %dma_wait3A_1924 : memref<1x100x64xf32, #tpu.memory_space<vmem>> -> memref<100x64xf32, #tpu.memory_space<vmem>>
        %dma_wait3A_1926 = arith.constant 0 : i32
        %dma_wait3A_1927 = arith.constant 0 : i32
        %dma_wait3A_1928 = tpu.memref_slice %arg4[%dma_wait3A_1926, %dma_wait3A_1927] : memref<819200x128xf32, #tpu.memory_space<hbm>> -> memref<100x64xf32, #tpu.memory_space<hbm>>
        %dma_wait3A_1929 = arith.constant 0 : i32
        %dma_wait3A_1930 = arith.constant 0 : i32
        %dma_wait3A_1931 = tpu.memref_slice %arg7[%dma_wait3A_1921, %dma_wait3A_1929, %dma_wait3A_1930] : memref<8x100x64xf32, #tpu.memory_space<vmem>> -> memref<1x100x64xf32, #tpu.memory_space<vmem>>
        %dma_wait3A_1932 = tpu.memref_squeeze %dma_wait3A_1931 : memref<1x100x64xf32, #tpu.memory_space<vmem>> -> memref<100x64xf32, #tpu.memory_space<vmem>>
        %dma_wait3A_1933 = arith.constant 0 : i32
        %dma_wait3A_1934 = arith.constant 0 : i32
        %dma_wait3A_1935 = tpu.memref_slice %arg4[%dma_wait3A_1933, %dma_wait3A_1934] : memref<819200x128xf32, #tpu.memory_space<hbm>> -> memref<100x64xf32, #tpu.memory_space<hbm>>
        tpu.wait_dma2 semaphore(%arg13 : memref<!tpu.dma_semaphore, #tpu.memory_space<semaphore_mem>>) src(%dma_wait3A_1935 : memref<100x64xf32, #tpu.memory_space<hbm>>) dst(%dma_wait3A_1932 : memref<100x64xf32, #tpu.memory_space<vmem>>)
        %dma_wait3A_1936 = arith.constant 0 : i32
        %dma_wait3A_1937 = arith.constant 0 : i32
        %dma_wait3A_1938 = arith.constant 0 : i32
        %dma_wait3A_1939 = tpu.memref_slice %arg5[%dma_wait3A_1937, %dma_wait3A_1938] : memref<8x100xi32, #tpu.memory_space<vmem>> -> memref<1x100xi32, #tpu.memory_space<vmem>>
        %dma_wait3A_1940 = tpu.memref_squeeze %dma_wait3A_1939 : memref<1x100xi32, #tpu.memory_space<vmem>> -> memref<100xi32, #tpu.memory_space<vmem>>
        %dma_wait3A_1941 = arith.constant 0 : i32
        %dma_wait3A_1942 = tpu.memref_slice %arg2[%dma_wait3A_1936, %dma_wait3A_1941] : memref<8192x100xi32, #tpu.memory_space<hbm>> -> memref<1x100xi32, #tpu.memory_space<hbm>>
        %dma_wait3A_1943 = tpu.memref_squeeze %dma_wait3A_1942 : memref<1x100xi32, #tpu.memory_space<hbm>> -> memref<100xi32, #tpu.memory_space<hbm>>
        %dma_wait3A_1944 = arith.constant 0 : i32
        %dma_wait3A_1945 = tpu.memref_slice %arg5[%dma_wait3A_1937, %dma_wait3A_1944] : memref<8x100xi32, #tpu.memory_space<vmem>> -> memref<1x100xi32, #tpu.memory_space<vmem>>
        %dma_wait3A_1946 = tpu.memref_squeeze %dma_wait3A_1945 : memref<1x100xi32, #tpu.memory_space<vmem>> -> memref<100xi32, #tpu.memory_space<vmem>>
        %dma_wait3A_1947 = arith.constant 0 : i32
        %dma_wait3A_1948 = tpu.memref_slice %arg2[%dma_wait3A_1936, %dma_wait3A_1947] : memref<8192x100xi32, #tpu.memory_space<hbm>> -> memref<1x100xi32, #tpu.memory_space<hbm>>
        %dma_wait3A_1949 = tpu.memref_squeeze %dma_wait3A_1948 : memref<1x100xi32, #tpu.memory_space<hbm>> -> memref<100xi32, #tpu.memory_space<hbm>>
        tpu.wait_dma2 semaphore(%arg9 : memref<!tpu.dma_semaphore, #tpu.memory_space<semaphore_mem>>) src(%dma_wait3A_1949 : memref<100xi32, #tpu.memory_space<hbm>>) dst(%dma_wait3A_1946 : memref<100xi32, #tpu.memory_space<vmem>>)
        %dma_start3A_1950 = arith.constant 6 : i32
        %dma_start3A_1951 = arith.constant 6 : i32
        %dma_start3A_1952 = arith.constant 0 : i32
        %dma_start3A_1953 = arith.constant 0 : i32
        %dma_start3A_1954 = tpu.memref_slice %arg7[%dma_start3A_1951, %dma_start3A_1952, %dma_start3A_1953] : memref<8x100x64xf32, #tpu.memory_space<vmem>> -> memref<1x100x64xf32, #tpu.memory_space<vmem>>
        %dma_start3A_1955 = tpu.memref_squeeze %dma_start3A_1954 : memref<1x100x64xf32, #tpu.memory_space<vmem>> -> memref<100x64xf32, #tpu.memory_space<vmem>>
        %dma_start3A_1956 = arith.constant 0 : i32
        %dma_start3A_1957 = tpu.memref_slice %arg5[%dma_start3A_1950, %dma_start3A_1956] : memref<8x100xi32, #tpu.memory_space<vmem>> -> memref<1x100xi32, #tpu.memory_space<vmem>>
        %dma_start3A_1958 = tpu.memref_squeeze %dma_start3A_1957 : memref<1x100xi32, #tpu.memory_space<vmem>> -> memref<100xi32, #tpu.memory_space<vmem>>
        %dma_start3A_1959 = arith.constant 0 : i32
        %dma_start3A_1960 = arith.constant 0 : i32
        %dma_start3A_1961 = tpu.memref_slice %arg3[%dma_start3A_1959, %dma_start3A_1960] : memref<2000000x64xf32, #tpu.memory_space<hbm>> -> memref<2000000x64xf32, #tpu.memory_space<hbm>>
        tpu.enqueue_indirect_dma source(%dma_start3A_1961 : memref<2000000x64xf32, #tpu.memory_space<hbm>>) target(%dma_start3A_1955 : memref<100x64xf32, #tpu.memory_space<vmem>>) offsets(%dma_start3A_1958 : memref<100xi32, #tpu.memory_space<vmem>>) semaphore(%arg11 : memref<!tpu.dma_semaphore, #tpu.memory_space<semaphore_mem>>)
        %dma_wait3A_1962 = arith.constant 0 : i32
        %dma_wait3A_1963 = arith.constant 0 : i32
        %dma_wait3A_1964 = arith.constant 0 : i32
        %dma_wait3A_1965 = tpu.memref_slice %arg7[%dma_wait3A_1962, %dma_wait3A_1963, %dma_wait3A_1964] : memref<8x100x64xf32, #tpu.memory_space<vmem>> -> memref<1x100x64xf32, #tpu.memory_space<vmem>>
        %dma_wait3A_1966 = tpu.memref_squeeze %dma_wait3A_1965 : memref<1x100x64xf32, #tpu.memory_space<vmem>> -> memref<100x64xf32, #tpu.memory_space<vmem>>
        %dma_wait3A_1967 = arith.constant 0 : i32
        %dma_wait3A_1968 = arith.constant 0 : i32
        %dma_wait3A_1969 = tpu.memref_slice %arg4[%dma_wait3A_1967, %dma_wait3A_1968] : memref<819200x128xf32, #tpu.memory_space<hbm>> -> memref<100x64xf32, #tpu.memory_space<hbm>>
        %dma_wait3A_1970 = arith.constant 0 : i32
        %dma_wait3A_1971 = arith.constant 0 : i32
        %dma_wait3A_1972 = tpu.memref_slice %arg7[%dma_wait3A_1962, %dma_wait3A_1970, %dma_wait3A_1971] : memref<8x100x64xf32, #tpu.memory_space<vmem>> -> memref<1x100x64xf32, #tpu.memory_space<vmem>>
        %dma_wait3A_1973 = tpu.memref_squeeze %dma_wait3A_1972 : memref<1x100x64xf32, #tpu.memory_space<vmem>> -> memref<100x64xf32, #tpu.memory_space<vmem>>
        %dma_wait3A_1974 = arith.constant 0 : i32
        %dma_wait3A_1975 = arith.constant 0 : i32
        %dma_wait3A_1976 = tpu.memref_slice %arg4[%dma_wait3A_1974, %dma_wait3A_1975] : memref<819200x128xf32, #tpu.memory_space<hbm>> -> memref<100x64xf32, #tpu.memory_space<hbm>>
        tpu.wait_dma2 semaphore(%arg13 : memref<!tpu.dma_semaphore, #tpu.memory_space<semaphore_mem>>) src(%dma_wait3A_1976 : memref<100x64xf32, #tpu.memory_space<hbm>>) dst(%dma_wait3A_1973 : memref<100x64xf32, #tpu.memory_space<vmem>>)
        %dma_wait3A_1977 = arith.constant 0 : i32
        %dma_wait3A_1978 = arith.constant 0 : i32
        %dma_wait3A_1979 = arith.constant 0 : i32
        %dma_wait3A_1980 = tpu.memref_slice %arg5[%dma_wait3A_1978, %dma_wait3A_1979] : memref<8x100xi32, #tpu.memory_space<vmem>> -> memref<1x100xi32, #tpu.memory_space<vmem>>
        %dma_wait3A_1981 = tpu.memref_squeeze %dma_wait3A_1980 : memref<1x100xi32, #tpu.memory_space<vmem>> -> memref<100xi32, #tpu.memory_space<vmem>>
        %dma_wait3A_1982 = arith.constant 0 : i32
        %dma_wait3A_1983 = tpu.memref_slice %arg2[%dma_wait3A_1977, %dma_wait3A_1982] : memref<8192x100xi32, #tpu.memory_space<hbm>> -> memref<1x100xi32, #tpu.memory_space<hbm>>
        %dma_wait3A_1984 = tpu.memref_squeeze %dma_wait3A_1983 : memref<1x100xi32, #tpu.memory_space<hbm>> -> memref<100xi32, #tpu.memory_space<hbm>>
        %dma_wait3A_1985 = arith.constant 0 : i32
        %dma_wait3A_1986 = tpu.memref_slice %arg5[%dma_wait3A_1978, %dma_wait3A_1985] : memref<8x100xi32, #tpu.memory_space<vmem>> -> memref<1x100xi32, #tpu.memory_space<vmem>>
        %dma_wait3A_1987 = tpu.memref_squeeze %dma_wait3A_1986 : memref<1x100xi32, #tpu.memory_space<vmem>> -> memref<100xi32, #tpu.memory_space<vmem>>
        %dma_wait3A_1988 = arith.constant 0 : i32
        %dma_wait3A_1989 = tpu.memref_slice %arg2[%dma_wait3A_1977, %dma_wait3A_1988] : memref<8192x100xi32, #tpu.memory_space<hbm>> -> memref<1x100xi32, #tpu.memory_space<hbm>>
        %dma_wait3A_1990 = tpu.memref_squeeze %dma_wait3A_1989 : memref<1x100xi32, #tpu.memory_space<hbm>> -> memref<100xi32, #tpu.memory_space<hbm>>
        tpu.wait_dma2 semaphore(%arg9 : memref<!tpu.dma_semaphore, #tpu.memory_space<semaphore_mem>>) src(%dma_wait3A_1990 : memref<100xi32, #tpu.memory_space<hbm>>) dst(%dma_wait3A_1987 : memref<100xi32, #tpu.memory_space<vmem>>)
        %dma_start3A_1991 = arith.constant 7 : i32
        %dma_start3A_1992 = arith.constant 7 : i32
        %dma_start3A_1993 = arith.constant 0 : i32
        %dma_start3A_1994 = arith.constant 0 : i32
        %dma_start3A_1995 = tpu.memref_slice %arg7[%dma_start3A_1992, %dma_start3A_1993, %dma_start3A_1994] : memref<8x100x64xf32, #tpu.memory_space<vmem>> -> memref<1x100x64xf32, #tpu.memory_space<vmem>>
        %dma_start3A_1996 = tpu.memref_squeeze %dma_start3A_1995 : memref<1x100x64xf32, #tpu.memory_space<vmem>> -> memref<100x64xf32, #tpu.memory_space<vmem>>
        %dma_start3A_1997 = arith.constant 0 : i32
        %dma_start3A_1998 = tpu.memref_slice %arg5[%dma_start3A_1991, %dma_start3A_1997] : memref<8x100xi32, #tpu.memory_space<vmem>> -> memref<1x100xi32, #tpu.memory_space<vmem>>
        %dma_start3A_1999 = tpu.memref_squeeze %dma_start3A_1998 : memref<1x100xi32, #tpu.memory_space<vmem>> -> memref<100xi32, #tpu.memory_space<vmem>>
        %dma_start3A_2000 = arith.constant 0 : i32
        %dma_start3A_2001 = arith.constant 0 : i32
        %dma_start3A_2002 = tpu.memref_slice %arg3[%dma_start3A_2000, %dma_start3A_2001] : memref<2000000x64xf32, #tpu.memory_space<hbm>> -> memref<2000000x64xf32, #tpu.memory_space<hbm>>
        tpu.enqueue_indirect_dma source(%dma_start3A_2002 : memref<2000000x64xf32, #tpu.memory_space<hbm>>) target(%dma_start3A_1996 : memref<100x64xf32, #tpu.memory_space<vmem>>) offsets(%dma_start3A_1999 : memref<100xi32, #tpu.memory_space<vmem>>) semaphore(%arg11 : memref<!tpu.dma_semaphore, #tpu.memory_space<semaphore_mem>>)
      } else {
      }
      %mul3A_1223 = arith.constant 2 : i32
      %mul3A_1224 = arith.muli %mul3A_1223, %scan3A_935 : i32
      %add3A_1225 = arith.constant 1 : i32
      %add3A_1226 = arith.addi %mul3A_1224, %add3A_1225 : i32
      %dma_wait3A_1227 = arith.constant 0 : i32
      %dma_wait3A_1228 = arith.constant 0 : i32
      %dma_wait3A_1229 = arith.constant 0 : i32
      %dma_wait3A_1230 = tpu.memref_slice %arg8[%dma_wait3A_1227, %dma_wait3A_1228, %dma_wait3A_1229] : memref<8x100x64xf32, #tpu.memory_space<vmem>> -> memref<1x100x64xf32, #tpu.memory_space<vmem>>
      %dma_wait3A_1231 = tpu.memref_squeeze %dma_wait3A_1230 : memref<1x100x64xf32, #tpu.memory_space<vmem>> -> memref<100x64xf32, #tpu.memory_space<vmem>>
      %dma_wait3A_1232 = arith.constant 0 : i32
      %dma_wait3A_1233 = arith.constant 0 : i32
      %dma_wait3A_1234 = tpu.memref_slice %arg3[%dma_wait3A_1232, %dma_wait3A_1233] : memref<2000000x64xf32, #tpu.memory_space<hbm>> -> memref<100x64xf32, #tpu.memory_space<hbm>>
      %dma_wait3A_1235 = arith.constant 0 : i32
      %dma_wait3A_1236 = arith.constant 0 : i32
      %dma_wait3A_1237 = tpu.memref_slice %arg8[%dma_wait3A_1227, %dma_wait3A_1235, %dma_wait3A_1236] : memref<8x100x64xf32, #tpu.memory_space<vmem>> -> memref<1x100x64xf32, #tpu.memory_space<vmem>>
      %dma_wait3A_1238 = tpu.memref_squeeze %dma_wait3A_1237 : memref<1x100x64xf32, #tpu.memory_space<vmem>> -> memref<100x64xf32, #tpu.memory_space<vmem>>
      %dma_wait3A_1239 = arith.constant 0 : i32
      %dma_wait3A_1240 = arith.constant 0 : i32
      %dma_wait3A_1241 = tpu.memref_slice %arg3[%dma_wait3A_1239, %dma_wait3A_1240] : memref<2000000x64xf32, #tpu.memory_space<hbm>> -> memref<100x64xf32, #tpu.memory_space<hbm>>
      tpu.wait_dma2 semaphore(%arg12 : memref<!tpu.dma_semaphore, #tpu.memory_space<semaphore_mem>>) src(%dma_wait3A_1241 : memref<100x64xf32, #tpu.memory_space<hbm>>) dst(%dma_wait3A_1238 : memref<100x64xf32, #tpu.memory_space<vmem>>)
      %mul3A_1242 = arith.constant 8 : i32
      %mul3A_1243 = arith.muli %add3A_1226, %mul3A_1242 : i32
      %add3A_1244 = arith.addi %mul3A_2, %mul3A_1243 : i32
      %add3A_1245 = arith.constant 0 : i32
      %add3A_1246 = arith.addi %add3A_1244, %add3A_1245 : i32
      %mul3A_1247 = arith.constant 100 : i32
      %mul3A_1248 = arith.muli %add3A_1246, %mul3A_1247 : i32
      %dma_start3A_1249 = arith.constant 0 : i32
      %dma_start3A_1250 = arith.constant 0 : i32
      %dma_start3A_1251 = arith.constant 0 : i32
      %dma_start3A_1252 = tpu.memref_slice %arg8[%dma_start3A_1249, %dma_start3A_1250, %dma_start3A_1251] : memref<8x100x64xf32, #tpu.memory_space<vmem>> -> memref<1x100x64xf32, #tpu.memory_space<vmem>>
      %dma_start3A_1253 = tpu.memref_squeeze %dma_start3A_1252 : memref<1x100x64xf32, #tpu.memory_space<vmem>> -> memref<100x64xf32, #tpu.memory_space<vmem>>
      %dma_start3A_1254 = arith.constant 0 : i32
      %dma_start3A_1255 = tpu.memref_slice %arg4[%mul3A_1248, %dma_start3A_1254] : memref<819200x128xf32, #tpu.memory_space<hbm>> -> memref<100x64xf32, #tpu.memory_space<hbm>>
      %dma_start3A_1256 = arith.constant 0 : i32
      %dma_start3A_1257 = tpu.memref_slice %arg4[%mul3A_1248, %dma_start3A_1256] : memref<819200x128xf32, #tpu.memory_space<hbm>> -> memref<100x64xf32, #tpu.memory_space<hbm>>
      %dma_start3A_1258 = arith.constant 0 : i32
      %dma_start3A_1259 = arith.constant 0 : i32
      %dma_start3A_1260 = tpu.memref_slice %arg8[%dma_start3A_1249, %dma_start3A_1258, %dma_start3A_1259] : memref<8x100x64xf32, #tpu.memory_space<vmem>> -> memref<1x100x64xf32, #tpu.memory_space<vmem>>
      %dma_start3A_1261 = tpu.memref_squeeze %dma_start3A_1260 : memref<1x100x64xf32, #tpu.memory_space<vmem>> -> memref<100x64xf32, #tpu.memory_space<vmem>>
      tpu.enqueue_dma source(%dma_start3A_1261 : memref<100x64xf32, #tpu.memory_space<vmem>>) target(%dma_start3A_1257 : memref<100x64xf32, #tpu.memory_space<hbm>>) target_semaphore(%arg14 : memref<!tpu.dma_semaphore, #tpu.memory_space<semaphore_mem>>)
      %dma_wait3A_1262 = arith.constant 0 : i32
      %dma_wait3A_1263 = arith.constant 0 : i32
      %dma_wait3A_1264 = arith.constant 0 : i32
      %dma_wait3A_1265 = tpu.memref_slice %arg8[%dma_wait3A_1262, %dma_wait3A_1263, %dma_wait3A_1264] : memref<8x100x64xf32, #tpu.memory_space<vmem>> -> memref<1x100x64xf32, #tpu.memory_space<vmem>>
      %dma_wait3A_1266 = tpu.memref_squeeze %dma_wait3A_1265 : memref<1x100x64xf32, #tpu.memory_space<vmem>> -> memref<100x64xf32, #tpu.memory_space<vmem>>
      %dma_wait3A_1267 = arith.constant 0 : i32
      %dma_wait3A_1268 = arith.constant 0 : i32
      %dma_wait3A_1269 = tpu.memref_slice %arg3[%dma_wait3A_1267, %dma_wait3A_1268] : memref<2000000x64xf32, #tpu.memory_space<hbm>> -> memref<100x64xf32, #tpu.memory_space<hbm>>
      %dma_wait3A_1270 = arith.constant 0 : i32
      %dma_wait3A_1271 = arith.constant 0 : i32
      %dma_wait3A_1272 = tpu.memref_slice %arg8[%dma_wait3A_1262, %dma_wait3A_1270, %dma_wait3A_1271] : memref<8x100x64xf32, #tpu.memory_space<vmem>> -> memref<1x100x64xf32, #tpu.memory_space<vmem>>
      %dma_wait3A_1273 = tpu.memref_squeeze %dma_wait3A_1272 : memref<1x100x64xf32, #tpu.memory_space<vmem>> -> memref<100x64xf32, #tpu.memory_space<vmem>>
      %dma_wait3A_1274 = arith.constant 0 : i32
      %dma_wait3A_1275 = arith.constant 0 : i32
      %dma_wait3A_1276 = tpu.memref_slice %arg3[%dma_wait3A_1274, %dma_wait3A_1275] : memref<2000000x64xf32, #tpu.memory_space<hbm>> -> memref<100x64xf32, #tpu.memory_space<hbm>>
      tpu.wait_dma2 semaphore(%arg12 : memref<!tpu.dma_semaphore, #tpu.memory_space<semaphore_mem>>) src(%dma_wait3A_1276 : memref<100x64xf32, #tpu.memory_space<hbm>>) dst(%dma_wait3A_1273 : memref<100x64xf32, #tpu.memory_space<vmem>>)
      %mul3A_1277 = arith.constant 8 : i32
      %mul3A_1278 = arith.muli %add3A_1226, %mul3A_1277 : i32
      %add3A_1279 = arith.addi %mul3A_2, %mul3A_1278 : i32
      %add3A_1280 = arith.constant 1 : i32
      %add3A_1281 = arith.addi %add3A_1279, %add3A_1280 : i32
      %mul3A_1282 = arith.constant 100 : i32
      %mul3A_1283 = arith.muli %add3A_1281, %mul3A_1282 : i32
      %dma_start3A_1284 = arith.constant 1 : i32
      %dma_start3A_1285 = arith.constant 0 : i32
      %dma_start3A_1286 = arith.constant 0 : i32
      %dma_start3A_1287 = tpu.memref_slice %arg8[%dma_start3A_1284, %dma_start3A_1285, %dma_start3A_1286] : memref<8x100x64xf32, #tpu.memory_space<vmem>> -> memref<1x100x64xf32, #tpu.memory_space<vmem>>
      %dma_start3A_1288 = tpu.memref_squeeze %dma_start3A_1287 : memref<1x100x64xf32, #tpu.memory_space<vmem>> -> memref<100x64xf32, #tpu.memory_space<vmem>>
      %dma_start3A_1289 = arith.constant 0 : i32
      %dma_start3A_1290 = tpu.memref_slice %arg4[%mul3A_1283, %dma_start3A_1289] : memref<819200x128xf32, #tpu.memory_space<hbm>> -> memref<100x64xf32, #tpu.memory_space<hbm>>
      %dma_start3A_1291 = arith.constant 0 : i32
      %dma_start3A_1292 = tpu.memref_slice %arg4[%mul3A_1283, %dma_start3A_1291] : memref<819200x128xf32, #tpu.memory_space<hbm>> -> memref<100x64xf32, #tpu.memory_space<hbm>>
      %dma_start3A_1293 = arith.constant 0 : i32
      %dma_start3A_1294 = arith.constant 0 : i32
      %dma_start3A_1295 = tpu.memref_slice %arg8[%dma_start3A_1284, %dma_start3A_1293, %dma_start3A_1294] : memref<8x100x64xf32, #tpu.memory_space<vmem>> -> memref<1x100x64xf32, #tpu.memory_space<vmem>>
      %dma_start3A_1296 = tpu.memref_squeeze %dma_start3A_1295 : memref<1x100x64xf32, #tpu.memory_space<vmem>> -> memref<100x64xf32, #tpu.memory_space<vmem>>
      tpu.enqueue_dma source(%dma_start3A_1296 : memref<100x64xf32, #tpu.memory_space<vmem>>) target(%dma_start3A_1292 : memref<100x64xf32, #tpu.memory_space<hbm>>) target_semaphore(%arg14 : memref<!tpu.dma_semaphore, #tpu.memory_space<semaphore_mem>>)
      %dma_wait3A_1297 = arith.constant 0 : i32
      %dma_wait3A_1298 = arith.constant 0 : i32
      %dma_wait3A_1299 = arith.constant 0 : i32
      %dma_wait3A_1300 = tpu.memref_slice %arg8[%dma_wait3A_1297, %dma_wait3A_1298, %dma_wait3A_1299] : memref<8x100x64xf32, #tpu.memory_space<vmem>> -> memref<1x100x64xf32, #tpu.memory_space<vmem>>
      %dma_wait3A_1301 = tpu.memref_squeeze %dma_wait3A_1300 : memref<1x100x64xf32, #tpu.memory_space<vmem>> -> memref<100x64xf32, #tpu.memory_space<vmem>>
      %dma_wait3A_1302 = arith.constant 0 : i32
      %dma_wait3A_1303 = arith.constant 0 : i32
      %dma_wait3A_1304 = tpu.memref_slice %arg3[%dma_wait3A_1302, %dma_wait3A_1303] : memref<2000000x64xf32, #tpu.memory_space<hbm>> -> memref<100x64xf32, #tpu.memory_space<hbm>>
      %dma_wait3A_1305 = arith.constant 0 : i32
      %dma_wait3A_1306 = arith.constant 0 : i32
      %dma_wait3A_1307 = tpu.memref_slice %arg8[%dma_wait3A_1297, %dma_wait3A_1305, %dma_wait3A_1306] : memref<8x100x64xf32, #tpu.memory_space<vmem>> -> memref<1x100x64xf32, #tpu.memory_space<vmem>>
      %dma_wait3A_1308 = tpu.memref_squeeze %dma_wait3A_1307 : memref<1x100x64xf32, #tpu.memory_space<vmem>> -> memref<100x64xf32, #tpu.memory_space<vmem>>
      %dma_wait3A_1309 = arith.constant 0 : i32
      %dma_wait3A_1310 = arith.constant 0 : i32
      %dma_wait3A_1311 = tpu.memref_slice %arg3[%dma_wait3A_1309, %dma_wait3A_1310] : memref<2000000x64xf32, #tpu.memory_space<hbm>> -> memref<100x64xf32, #tpu.memory_space<hbm>>
      tpu.wait_dma2 semaphore(%arg12 : memref<!tpu.dma_semaphore, #tpu.memory_space<semaphore_mem>>) src(%dma_wait3A_1311 : memref<100x64xf32, #tpu.memory_space<hbm>>) dst(%dma_wait3A_1308 : memref<100x64xf32, #tpu.memory_space<vmem>>)
      %mul3A_1312 = arith.constant 8 : i32
      %mul3A_1313 = arith.muli %add3A_1226, %mul3A_1312 : i32
      %add3A_1314 = arith.addi %mul3A_2, %mul3A_1313 : i32
      %add3A_1315 = arith.constant 2 : i32
      %add3A_1316 = arith.addi %add3A_1314, %add3A_1315 : i32
      %mul3A_1317 = arith.constant 100 : i32
      %mul3A_1318 = arith.muli %add3A_1316, %mul3A_1317 : i32
      %dma_start3A_1319 = arith.constant 2 : i32
      %dma_start3A_1320 = arith.constant 0 : i32
      %dma_start3A_1321 = arith.constant 0 : i32
      %dma_start3A_1322 = tpu.memref_slice %arg8[%dma_start3A_1319, %dma_start3A_1320, %dma_start3A_1321] : memref<8x100x64xf32, #tpu.memory_space<vmem>> -> memref<1x100x64xf32, #tpu.memory_space<vmem>>
      %dma_start3A_1323 = tpu.memref_squeeze %dma_start3A_1322 : memref<1x100x64xf32, #tpu.memory_space<vmem>> -> memref<100x64xf32, #tpu.memory_space<vmem>>
      %dma_start3A_1324 = arith.constant 0 : i32
      %dma_start3A_1325 = tpu.memref_slice %arg4[%mul3A_1318, %dma_start3A_1324] : memref<819200x128xf32, #tpu.memory_space<hbm>> -> memref<100x64xf32, #tpu.memory_space<hbm>>
      %dma_start3A_1326 = arith.constant 0 : i32
      %dma_start3A_1327 = tpu.memref_slice %arg4[%mul3A_1318, %dma_start3A_1326] : memref<819200x128xf32, #tpu.memory_space<hbm>> -> memref<100x64xf32, #tpu.memory_space<hbm>>
      %dma_start3A_1328 = arith.constant 0 : i32
      %dma_start3A_1329 = arith.constant 0 : i32
      %dma_start3A_1330 = tpu.memref_slice %arg8[%dma_start3A_1319, %dma_start3A_1328, %dma_start3A_1329] : memref<8x100x64xf32, #tpu.memory_space<vmem>> -> memref<1x100x64xf32, #tpu.memory_space<vmem>>
      %dma_start3A_1331 = tpu.memref_squeeze %dma_start3A_1330 : memref<1x100x64xf32, #tpu.memory_space<vmem>> -> memref<100x64xf32, #tpu.memory_space<vmem>>
      tpu.enqueue_dma source(%dma_start3A_1331 : memref<100x64xf32, #tpu.memory_space<vmem>>) target(%dma_start3A_1327 : memref<100x64xf32, #tpu.memory_space<hbm>>) target_semaphore(%arg14 : memref<!tpu.dma_semaphore, #tpu.memory_space<semaphore_mem>>)
      %dma_wait3A_1332 = arith.constant 0 : i32
      %dma_wait3A_1333 = arith.constant 0 : i32
      %dma_wait3A_1334 = arith.constant 0 : i32
      %dma_wait3A_1335 = tpu.memref_slice %arg8[%dma_wait3A_1332, %dma_wait3A_1333, %dma_wait3A_1334] : memref<8x100x64xf32, #tpu.memory_space<vmem>> -> memref<1x100x64xf32, #tpu.memory_space<vmem>>
      %dma_wait3A_1336 = tpu.memref_squeeze %dma_wait3A_1335 : memref<1x100x64xf32, #tpu.memory_space<vmem>> -> memref<100x64xf32, #tpu.memory_space<vmem>>
      %dma_wait3A_1337 = arith.constant 0 : i32
      %dma_wait3A_1338 = arith.constant 0 : i32
      %dma_wait3A_1339 = tpu.memref_slice %arg3[%dma_wait3A_1337, %dma_wait3A_1338] : memref<2000000x64xf32, #tpu.memory_space<hbm>> -> memref<100x64xf32, #tpu.memory_space<hbm>>
      %dma_wait3A_1340 = arith.constant 0 : i32
      %dma_wait3A_1341 = arith.constant 0 : i32
      %dma_wait3A_1342 = tpu.memref_slice %arg8[%dma_wait3A_1332, %dma_wait3A_1340, %dma_wait3A_1341] : memref<8x100x64xf32, #tpu.memory_space<vmem>> -> memref<1x100x64xf32, #tpu.memory_space<vmem>>
      %dma_wait3A_1343 = tpu.memref_squeeze %dma_wait3A_1342 : memref<1x100x64xf32, #tpu.memory_space<vmem>> -> memref<100x64xf32, #tpu.memory_space<vmem>>
      %dma_wait3A_1344 = arith.constant 0 : i32
      %dma_wait3A_1345 = arith.constant 0 : i32
      %dma_wait3A_1346 = tpu.memref_slice %arg3[%dma_wait3A_1344, %dma_wait3A_1345] : memref<2000000x64xf32, #tpu.memory_space<hbm>> -> memref<100x64xf32, #tpu.memory_space<hbm>>
      tpu.wait_dma2 semaphore(%arg12 : memref<!tpu.dma_semaphore, #tpu.memory_space<semaphore_mem>>) src(%dma_wait3A_1346 : memref<100x64xf32, #tpu.memory_space<hbm>>) dst(%dma_wait3A_1343 : memref<100x64xf32, #tpu.memory_space<vmem>>)
      %mul3A_1347 = arith.constant 8 : i32
      %mul3A_1348 = arith.muli %add3A_1226, %mul3A_1347 : i32
      %add3A_1349 = arith.addi %mul3A_2, %mul3A_1348 : i32
      %add3A_1350 = arith.constant 3 : i32
      %add3A_1351 = arith.addi %add3A_1349, %add3A_1350 : i32
      %mul3A_1352 = arith.constant 100 : i32
      %mul3A_1353 = arith.muli %add3A_1351, %mul3A_1352 : i32
      %dma_start3A_1354 = arith.constant 3 : i32
      %dma_start3A_1355 = arith.constant 0 : i32
      %dma_start3A_1356 = arith.constant 0 : i32
      %dma_start3A_1357 = tpu.memref_slice %arg8[%dma_start3A_1354, %dma_start3A_1355, %dma_start3A_1356] : memref<8x100x64xf32, #tpu.memory_space<vmem>> -> memref<1x100x64xf32, #tpu.memory_space<vmem>>
      %dma_start3A_1358 = tpu.memref_squeeze %dma_start3A_1357 : memref<1x100x64xf32, #tpu.memory_space<vmem>> -> memref<100x64xf32, #tpu.memory_space<vmem>>
      %dma_start3A_1359 = arith.constant 0 : i32
      %dma_start3A_1360 = tpu.memref_slice %arg4[%mul3A_1353, %dma_start3A_1359] : memref<819200x128xf32, #tpu.memory_space<hbm>> -> memref<100x64xf32, #tpu.memory_space<hbm>>
      %dma_start3A_1361 = arith.constant 0 : i32
      %dma_start3A_1362 = tpu.memref_slice %arg4[%mul3A_1353, %dma_start3A_1361] : memref<819200x128xf32, #tpu.memory_space<hbm>> -> memref<100x64xf32, #tpu.memory_space<hbm>>
      %dma_start3A_1363 = arith.constant 0 : i32
      %dma_start3A_1364 = arith.constant 0 : i32
      %dma_start3A_1365 = tpu.memref_slice %arg8[%dma_start3A_1354, %dma_start3A_1363, %dma_start3A_1364] : memref<8x100x64xf32, #tpu.memory_space<vmem>> -> memref<1x100x64xf32, #tpu.memory_space<vmem>>
      %dma_start3A_1366 = tpu.memref_squeeze %dma_start3A_1365 : memref<1x100x64xf32, #tpu.memory_space<vmem>> -> memref<100x64xf32, #tpu.memory_space<vmem>>
      tpu.enqueue_dma source(%dma_start3A_1366 : memref<100x64xf32, #tpu.memory_space<vmem>>) target(%dma_start3A_1362 : memref<100x64xf32, #tpu.memory_space<hbm>>) target_semaphore(%arg14 : memref<!tpu.dma_semaphore, #tpu.memory_space<semaphore_mem>>)
      %dma_wait3A_1367 = arith.constant 0 : i32
      %dma_wait3A_1368 = arith.constant 0 : i32
      %dma_wait3A_1369 = arith.constant 0 : i32
      %dma_wait3A_1370 = tpu.memref_slice %arg8[%dma_wait3A_1367, %dma_wait3A_1368, %dma_wait3A_1369] : memref<8x100x64xf32, #tpu.memory_space<vmem>> -> memref<1x100x64xf32, #tpu.memory_space<vmem>>
      %dma_wait3A_1371 = tpu.memref_squeeze %dma_wait3A_1370 : memref<1x100x64xf32, #tpu.memory_space<vmem>> -> memref<100x64xf32, #tpu.memory_space<vmem>>
      %dma_wait3A_1372 = arith.constant 0 : i32
      %dma_wait3A_1373 = arith.constant 0 : i32
      %dma_wait3A_1374 = tpu.memref_slice %arg3[%dma_wait3A_1372, %dma_wait3A_1373] : memref<2000000x64xf32, #tpu.memory_space<hbm>> -> memref<100x64xf32, #tpu.memory_space<hbm>>
      %dma_wait3A_1375 = arith.constant 0 : i32
      %dma_wait3A_1376 = arith.constant 0 : i32
      %dma_wait3A_1377 = tpu.memref_slice %arg8[%dma_wait3A_1367, %dma_wait3A_1375, %dma_wait3A_1376] : memref<8x100x64xf32, #tpu.memory_space<vmem>> -> memref<1x100x64xf32, #tpu.memory_space<vmem>>
      %dma_wait3A_1378 = tpu.memref_squeeze %dma_wait3A_1377 : memref<1x100x64xf32, #tpu.memory_space<vmem>> -> memref<100x64xf32, #tpu.memory_space<vmem>>
      %dma_wait3A_1379 = arith.constant 0 : i32
      %dma_wait3A_1380 = arith.constant 0 : i32
      %dma_wait3A_1381 = tpu.memref_slice %arg3[%dma_wait3A_1379, %dma_wait3A_1380] : memref<2000000x64xf32, #tpu.memory_space<hbm>> -> memref<100x64xf32, #tpu.memory_space<hbm>>
      tpu.wait_dma2 semaphore(%arg12 : memref<!tpu.dma_semaphore, #tpu.memory_space<semaphore_mem>>) src(%dma_wait3A_1381 : memref<100x64xf32, #tpu.memory_space<hbm>>) dst(%dma_wait3A_1378 : memref<100x64xf32, #tpu.memory_space<vmem>>)
      %mul3A_1382 = arith.constant 8 : i32
      %mul3A_1383 = arith.muli %add3A_1226, %mul3A_1382 : i32
      %add3A_1384 = arith.addi %mul3A_2, %mul3A_1383 : i32
      %add3A_1385 = arith.constant 4 : i32
      %add3A_1386 = arith.addi %add3A_1384, %add3A_1385 : i32
      %mul3A_1387 = arith.constant 100 : i32
      %mul3A_1388 = arith.muli %add3A_1386, %mul3A_1387 : i32
      %dma_start3A_1389 = arith.constant 4 : i32
      %dma_start3A_1390 = arith.constant 0 : i32
      %dma_start3A_1391 = arith.constant 0 : i32
      %dma_start3A_1392 = tpu.memref_slice %arg8[%dma_start3A_1389, %dma_start3A_1390, %dma_start3A_1391] : memref<8x100x64xf32, #tpu.memory_space<vmem>> -> memref<1x100x64xf32, #tpu.memory_space<vmem>>
      %dma_start3A_1393 = tpu.memref_squeeze %dma_start3A_1392 : memref<1x100x64xf32, #tpu.memory_space<vmem>> -> memref<100x64xf32, #tpu.memory_space<vmem>>
      %dma_start3A_1394 = arith.constant 0 : i32
      %dma_start3A_1395 = tpu.memref_slice %arg4[%mul3A_1388, %dma_start3A_1394] : memref<819200x128xf32, #tpu.memory_space<hbm>> -> memref<100x64xf32, #tpu.memory_space<hbm>>
      %dma_start3A_1396 = arith.constant 0 : i32
      %dma_start3A_1397 = tpu.memref_slice %arg4[%mul3A_1388, %dma_start3A_1396] : memref<819200x128xf32, #tpu.memory_space<hbm>> -> memref<100x64xf32, #tpu.memory_space<hbm>>
      %dma_start3A_1398 = arith.constant 0 : i32
      %dma_start3A_1399 = arith.constant 0 : i32
      %dma_start3A_1400 = tpu.memref_slice %arg8[%dma_start3A_1389, %dma_start3A_1398, %dma_start3A_1399] : memref<8x100x64xf32, #tpu.memory_space<vmem>> -> memref<1x100x64xf32, #tpu.memory_space<vmem>>
      %dma_start3A_1401 = tpu.memref_squeeze %dma_start3A_1400 : memref<1x100x64xf32, #tpu.memory_space<vmem>> -> memref<100x64xf32, #tpu.memory_space<vmem>>
      tpu.enqueue_dma source(%dma_start3A_1401 : memref<100x64xf32, #tpu.memory_space<vmem>>) target(%dma_start3A_1397 : memref<100x64xf32, #tpu.memory_space<hbm>>) target_semaphore(%arg14 : memref<!tpu.dma_semaphore, #tpu.memory_space<semaphore_mem>>)
      %dma_wait3A_1402 = arith.constant 0 : i32
      %dma_wait3A_1403 = arith.constant 0 : i32
      %dma_wait3A_1404 = arith.constant 0 : i32
      %dma_wait3A_1405 = tpu.memref_slice %arg8[%dma_wait3A_1402, %dma_wait3A_1403, %dma_wait3A_1404] : memref<8x100x64xf32, #tpu.memory_space<vmem>> -> memref<1x100x64xf32, #tpu.memory_space<vmem>>
      %dma_wait3A_1406 = tpu.memref_squeeze %dma_wait3A_1405 : memref<1x100x64xf32, #tpu.memory_space<vmem>> -> memref<100x64xf32, #tpu.memory_space<vmem>>
      %dma_wait3A_1407 = arith.constant 0 : i32
      %dma_wait3A_1408 = arith.constant 0 : i32
      %dma_wait3A_1409 = tpu.memref_slice %arg3[%dma_wait3A_1407, %dma_wait3A_1408] : memref<2000000x64xf32, #tpu.memory_space<hbm>> -> memref<100x64xf32, #tpu.memory_space<hbm>>
      %dma_wait3A_1410 = arith.constant 0 : i32
      %dma_wait3A_1411 = arith.constant 0 : i32
      %dma_wait3A_1412 = tpu.memref_slice %arg8[%dma_wait3A_1402, %dma_wait3A_1410, %dma_wait3A_1411] : memref<8x100x64xf32, #tpu.memory_space<vmem>> -> memref<1x100x64xf32, #tpu.memory_space<vmem>>
      %dma_wait3A_1413 = tpu.memref_squeeze %dma_wait3A_1412 : memref<1x100x64xf32, #tpu.memory_space<vmem>> -> memref<100x64xf32, #tpu.memory_space<vmem>>
      %dma_wait3A_1414 = arith.constant 0 : i32
      %dma_wait3A_1415 = arith.constant 0 : i32
      %dma_wait3A_1416 = tpu.memref_slice %arg3[%dma_wait3A_1414, %dma_wait3A_1415] : memref<2000000x64xf32, #tpu.memory_space<hbm>> -> memref<100x64xf32, #tpu.memory_space<hbm>>
      tpu.wait_dma2 semaphore(%arg12 : memref<!tpu.dma_semaphore, #tpu.memory_space<semaphore_mem>>) src(%dma_wait3A_1416 : memref<100x64xf32, #tpu.memory_space<hbm>>) dst(%dma_wait3A_1413 : memref<100x64xf32, #tpu.memory_space<vmem>>)
      %mul3A_1417 = arith.constant 8 : i32
      %mul3A_1418 = arith.muli %add3A_1226, %mul3A_1417 : i32
      %add3A_1419 = arith.addi %mul3A_2, %mul3A_1418 : i32
      %add3A_1420 = arith.constant 5 : i32
      %add3A_1421 = arith.addi %add3A_1419, %add3A_1420 : i32
      %mul3A_1422 = arith.constant 100 : i32
      %mul3A_1423 = arith.muli %add3A_1421, %mul3A_1422 : i32
      %dma_start3A_1424 = arith.constant 5 : i32
      %dma_start3A_1425 = arith.constant 0 : i32
      %dma_start3A_1426 = arith.constant 0 : i32
      %dma_start3A_1427 = tpu.memref_slice %arg8[%dma_start3A_1424, %dma_start3A_1425, %dma_start3A_1426] : memref<8x100x64xf32, #tpu.memory_space<vmem>> -> memref<1x100x64xf32, #tpu.memory_space<vmem>>
      %dma_start3A_1428 = tpu.memref_squeeze %dma_start3A_1427 : memref<1x100x64xf32, #tpu.memory_space<vmem>> -> memref<100x64xf32, #tpu.memory_space<vmem>>
      %dma_start3A_1429 = arith.constant 0 : i32
      %dma_start3A_1430 = tpu.memref_slice %arg4[%mul3A_1423, %dma_start3A_1429] : memref<819200x128xf32, #tpu.memory_space<hbm>> -> memref<100x64xf32, #tpu.memory_space<hbm>>
      %dma_start3A_1431 = arith.constant 0 : i32
      %dma_start3A_1432 = tpu.memref_slice %arg4[%mul3A_1423, %dma_start3A_1431] : memref<819200x128xf32, #tpu.memory_space<hbm>> -> memref<100x64xf32, #tpu.memory_space<hbm>>
      %dma_start3A_1433 = arith.constant 0 : i32
      %dma_start3A_1434 = arith.constant 0 : i32
      %dma_start3A_1435 = tpu.memref_slice %arg8[%dma_start3A_1424, %dma_start3A_1433, %dma_start3A_1434] : memref<8x100x64xf32, #tpu.memory_space<vmem>> -> memref<1x100x64xf32, #tpu.memory_space<vmem>>
      %dma_start3A_1436 = tpu.memref_squeeze %dma_start3A_1435 : memref<1x100x64xf32, #tpu.memory_space<vmem>> -> memref<100x64xf32, #tpu.memory_space<vmem>>
      tpu.enqueue_dma source(%dma_start3A_1436 : memref<100x64xf32, #tpu.memory_space<vmem>>) target(%dma_start3A_1432 : memref<100x64xf32, #tpu.memory_space<hbm>>) target_semaphore(%arg14 : memref<!tpu.dma_semaphore, #tpu.memory_space<semaphore_mem>>)
      %dma_wait3A_1437 = arith.constant 0 : i32
      %dma_wait3A_1438 = arith.constant 0 : i32
      %dma_wait3A_1439 = arith.constant 0 : i32
      %dma_wait3A_1440 = tpu.memref_slice %arg8[%dma_wait3A_1437, %dma_wait3A_1438, %dma_wait3A_1439] : memref<8x100x64xf32, #tpu.memory_space<vmem>> -> memref<1x100x64xf32, #tpu.memory_space<vmem>>
      %dma_wait3A_1441 = tpu.memref_squeeze %dma_wait3A_1440 : memref<1x100x64xf32, #tpu.memory_space<vmem>> -> memref<100x64xf32, #tpu.memory_space<vmem>>
      %dma_wait3A_1442 = arith.constant 0 : i32
      %dma_wait3A_1443 = arith.constant 0 : i32
      %dma_wait3A_1444 = tpu.memref_slice %arg3[%dma_wait3A_1442, %dma_wait3A_1443] : memref<2000000x64xf32, #tpu.memory_space<hbm>> -> memref<100x64xf32, #tpu.memory_space<hbm>>
      %dma_wait3A_1445 = arith.constant 0 : i32
      %dma_wait3A_1446 = arith.constant 0 : i32
      %dma_wait3A_1447 = tpu.memref_slice %arg8[%dma_wait3A_1437, %dma_wait3A_1445, %dma_wait3A_1446] : memref<8x100x64xf32, #tpu.memory_space<vmem>> -> memref<1x100x64xf32, #tpu.memory_space<vmem>>
      %dma_wait3A_1448 = tpu.memref_squeeze %dma_wait3A_1447 : memref<1x100x64xf32, #tpu.memory_space<vmem>> -> memref<100x64xf32, #tpu.memory_space<vmem>>
      %dma_wait3A_1449 = arith.constant 0 : i32
      %dma_wait3A_1450 = arith.constant 0 : i32
      %dma_wait3A_1451 = tpu.memref_slice %arg3[%dma_wait3A_1449, %dma_wait3A_1450] : memref<2000000x64xf32, #tpu.memory_space<hbm>> -> memref<100x64xf32, #tpu.memory_space<hbm>>
      tpu.wait_dma2 semaphore(%arg12 : memref<!tpu.dma_semaphore, #tpu.memory_space<semaphore_mem>>) src(%dma_wait3A_1451 : memref<100x64xf32, #tpu.memory_space<hbm>>) dst(%dma_wait3A_1448 : memref<100x64xf32, #tpu.memory_space<vmem>>)
      %mul3A_1452 = arith.constant 8 : i32
      %mul3A_1453 = arith.muli %add3A_1226, %mul3A_1452 : i32
      %add3A_1454 = arith.addi %mul3A_2, %mul3A_1453 : i32
      %add3A_1455 = arith.constant 6 : i32
      %add3A_1456 = arith.addi %add3A_1454, %add3A_1455 : i32
      %mul3A_1457 = arith.constant 100 : i32
      %mul3A_1458 = arith.muli %add3A_1456, %mul3A_1457 : i32
      %dma_start3A_1459 = arith.constant 6 : i32
      %dma_start3A_1460 = arith.constant 0 : i32
      %dma_start3A_1461 = arith.constant 0 : i32
      %dma_start3A_1462 = tpu.memref_slice %arg8[%dma_start3A_1459, %dma_start3A_1460, %dma_start3A_1461] : memref<8x100x64xf32, #tpu.memory_space<vmem>> -> memref<1x100x64xf32, #tpu.memory_space<vmem>>
      %dma_start3A_1463 = tpu.memref_squeeze %dma_start3A_1462 : memref<1x100x64xf32, #tpu.memory_space<vmem>> -> memref<100x64xf32, #tpu.memory_space<vmem>>
      %dma_start3A_1464 = arith.constant 0 : i32
      %dma_start3A_1465 = tpu.memref_slice %arg4[%mul3A_1458, %dma_start3A_1464] : memref<819200x128xf32, #tpu.memory_space<hbm>> -> memref<100x64xf32, #tpu.memory_space<hbm>>
      %dma_start3A_1466 = arith.constant 0 : i32
      %dma_start3A_1467 = tpu.memref_slice %arg4[%mul3A_1458, %dma_start3A_1466] : memref<819200x128xf32, #tpu.memory_space<hbm>> -> memref<100x64xf32, #tpu.memory_space<hbm>>
      %dma_start3A_1468 = arith.constant 0 : i32
      %dma_start3A_1469 = arith.constant 0 : i32
      %dma_start3A_1470 = tpu.memref_slice %arg8[%dma_start3A_1459, %dma_start3A_1468, %dma_start3A_1469] : memref<8x100x64xf32, #tpu.memory_space<vmem>> -> memref<1x100x64xf32, #tpu.memory_space<vmem>>
      %dma_start3A_1471 = tpu.memref_squeeze %dma_start3A_1470 : memref<1x100x64xf32, #tpu.memory_space<vmem>> -> memref<100x64xf32, #tpu.memory_space<vmem>>
      tpu.enqueue_dma source(%dma_start3A_1471 : memref<100x64xf32, #tpu.memory_space<vmem>>) target(%dma_start3A_1467 : memref<100x64xf32, #tpu.memory_space<hbm>>) target_semaphore(%arg14 : memref<!tpu.dma_semaphore, #tpu.memory_space<semaphore_mem>>)
      %dma_wait3A_1472 = arith.constant 0 : i32
      %dma_wait3A_1473 = arith.constant 0 : i32
      %dma_wait3A_1474 = arith.constant 0 : i32
      %dma_wait3A_1475 = tpu.memref_slice %arg8[%dma_wait3A_1472, %dma_wait3A_1473, %dma_wait3A_1474] : memref<8x100x64xf32, #tpu.memory_space<vmem>> -> memref<1x100x64xf32, #tpu.memory_space<vmem>>
      %dma_wait3A_1476 = tpu.memref_squeeze %dma_wait3A_1475 : memref<1x100x64xf32, #tpu.memory_space<vmem>> -> memref<100x64xf32, #tpu.memory_space<vmem>>
      %dma_wait3A_1477 = arith.constant 0 : i32
      %dma_wait3A_1478 = arith.constant 0 : i32
      %dma_wait3A_1479 = tpu.memref_slice %arg3[%dma_wait3A_1477, %dma_wait3A_1478] : memref<2000000x64xf32, #tpu.memory_space<hbm>> -> memref<100x64xf32, #tpu.memory_space<hbm>>
      %dma_wait3A_1480 = arith.constant 0 : i32
      %dma_wait3A_1481 = arith.constant 0 : i32
      %dma_wait3A_1482 = tpu.memref_slice %arg8[%dma_wait3A_1472, %dma_wait3A_1480, %dma_wait3A_1481] : memref<8x100x64xf32, #tpu.memory_space<vmem>> -> memref<1x100x64xf32, #tpu.memory_space<vmem>>
      %dma_wait3A_1483 = tpu.memref_squeeze %dma_wait3A_1482 : memref<1x100x64xf32, #tpu.memory_space<vmem>> -> memref<100x64xf32, #tpu.memory_space<vmem>>
      %dma_wait3A_1484 = arith.constant 0 : i32
      %dma_wait3A_1485 = arith.constant 0 : i32
      %dma_wait3A_1486 = tpu.memref_slice %arg3[%dma_wait3A_1484, %dma_wait3A_1485] : memref<2000000x64xf32, #tpu.memory_space<hbm>> -> memref<100x64xf32, #tpu.memory_space<hbm>>
      tpu.wait_dma2 semaphore(%arg12 : memref<!tpu.dma_semaphore, #tpu.memory_space<semaphore_mem>>) src(%dma_wait3A_1486 : memref<100x64xf32, #tpu.memory_space<hbm>>) dst(%dma_wait3A_1483 : memref<100x64xf32, #tpu.memory_space<vmem>>)
      %mul3A_1487 = arith.constant 8 : i32
      %mul3A_1488 = arith.muli %add3A_1226, %mul3A_1487 : i32
      %add3A_1489 = arith.addi %mul3A_2, %mul3A_1488 : i32
      %add3A_1490 = arith.constant 7 : i32
      %add3A_1491 = arith.addi %add3A_1489, %add3A_1490 : i32
      %mul3A_1492 = arith.constant 100 : i32
      %mul3A_1493 = arith.muli %add3A_1491, %mul3A_1492 : i32
      %dma_start3A_1494 = arith.constant 7 : i32
      %dma_start3A_1495 = arith.constant 0 : i32
      %dma_start3A_1496 = arith.constant 0 : i32
      %dma_start3A_1497 = tpu.memref_slice %arg8[%dma_start3A_1494, %dma_start3A_1495, %dma_start3A_1496] : memref<8x100x64xf32, #tpu.memory_space<vmem>> -> memref<1x100x64xf32, #tpu.memory_space<vmem>>
      %dma_start3A_1498 = tpu.memref_squeeze %dma_start3A_1497 : memref<1x100x64xf32, #tpu.memory_space<vmem>> -> memref<100x64xf32, #tpu.memory_space<vmem>>
      %dma_start3A_1499 = arith.constant 0 : i32
      %dma_start3A_1500 = tpu.memref_slice %arg4[%mul3A_1493, %dma_start3A_1499] : memref<819200x128xf32, #tpu.memory_space<hbm>> -> memref<100x64xf32, #tpu.memory_space<hbm>>
      %dma_start3A_1501 = arith.constant 0 : i32
      %dma_start3A_1502 = tpu.memref_slice %arg4[%mul3A_1493, %dma_start3A_1501] : memref<819200x128xf32, #tpu.memory_space<hbm>> -> memref<100x64xf32, #tpu.memory_space<hbm>>
      %dma_start3A_1503 = arith.constant 0 : i32
      %dma_start3A_1504 = arith.constant 0 : i32
      %dma_start3A_1505 = tpu.memref_slice %arg8[%dma_start3A_1494, %dma_start3A_1503, %dma_start3A_1504] : memref<8x100x64xf32, #tpu.memory_space<vmem>> -> memref<1x100x64xf32, #tpu.memory_space<vmem>>
      %dma_start3A_1506 = tpu.memref_squeeze %dma_start3A_1505 : memref<1x100x64xf32, #tpu.memory_space<vmem>> -> memref<100x64xf32, #tpu.memory_space<vmem>>
      tpu.enqueue_dma source(%dma_start3A_1506 : memref<100x64xf32, #tpu.memory_space<vmem>>) target(%dma_start3A_1502 : memref<100x64xf32, #tpu.memory_space<hbm>>) target_semaphore(%arg14 : memref<!tpu.dma_semaphore, #tpu.memory_space<semaphore_mem>>)
      %add3A_1507 = arith.constant 2 : i32
      %add3A_1508 = arith.addi %add3A_1226, %add3A_1507 : i32
      %lt3A_1509 = arith.constant 32 : i32
      %lt3A_1510 = arith.cmpi slt, %add3A_1508, %lt3A_1509 : i32
      %convert_element_type3A_1511 = arith.extui %lt3A_1510 : i1 to i32
      %cond3A_1512 = arith.constant 0 : i32
      %cond3A_1513 = arith.cmpi ne, %convert_element_type3A_1511, %cond3A_1512 : i32
      scf.if %cond3A_1513 {
        %add3A_1515 = arith.constant 2 : i32
        %add3A_1516 = arith.addi %add3A_1226, %add3A_1515 : i32
        %mul3A_1517 = arith.constant 8 : i32
        %mul3A_1518 = arith.muli %add3A_1516, %mul3A_1517 : i32
        %add3A_1519 = arith.addi %mul3A_2, %mul3A_1518 : i32
        %add3A_1520 = arith.constant 0 : i32
        %add3A_1521 = arith.addi %add3A_1519, %add3A_1520 : i32
        %dma_start3A_1522 = arith.constant 0 : i32
        %dma_start3A_1523 = arith.constant 0 : i32
        %dma_start3A_1524 = tpu.memref_slice %arg6[%dma_start3A_1522, %dma_start3A_1523] : memref<8x100xi32, #tpu.memory_space<vmem>> -> memref<1x100xi32, #tpu.memory_space<vmem>>
        %dma_start3A_1525 = tpu.memref_squeeze %dma_start3A_1524 : memref<1x100xi32, #tpu.memory_space<vmem>> -> memref<100xi32, #tpu.memory_space<vmem>>
        %dma_start3A_1526 = arith.constant 0 : i32
        %dma_start3A_1527 = tpu.memref_slice %arg2[%add3A_1521, %dma_start3A_1526] : memref<8192x100xi32, #tpu.memory_space<hbm>> -> memref<1x100xi32, #tpu.memory_space<hbm>>
        %dma_start3A_1528 = tpu.memref_squeeze %dma_start3A_1527 : memref<1x100xi32, #tpu.memory_space<hbm>> -> memref<100xi32, #tpu.memory_space<hbm>>
        %dma_start3A_1529 = arith.constant 0 : i32
        %dma_start3A_1530 = tpu.memref_slice %arg6[%dma_start3A_1522, %dma_start3A_1529] : memref<8x100xi32, #tpu.memory_space<vmem>> -> memref<1x100xi32, #tpu.memory_space<vmem>>
        %dma_start3A_1531 = tpu.memref_squeeze %dma_start3A_1530 : memref<1x100xi32, #tpu.memory_space<vmem>> -> memref<100xi32, #tpu.memory_space<vmem>>
        %dma_start3A_1532 = arith.constant 0 : i32
        %dma_start3A_1533 = tpu.memref_slice %arg2[%add3A_1521, %dma_start3A_1532] : memref<8192x100xi32, #tpu.memory_space<hbm>> -> memref<1x100xi32, #tpu.memory_space<hbm>>
        %dma_start3A_1534 = tpu.memref_squeeze %dma_start3A_1533 : memref<1x100xi32, #tpu.memory_space<hbm>> -> memref<100xi32, #tpu.memory_space<hbm>>
        tpu.enqueue_dma source(%dma_start3A_1534 : memref<100xi32, #tpu.memory_space<hbm>>) target(%dma_start3A_1531 : memref<100xi32, #tpu.memory_space<vmem>>) target_semaphore(%arg10 : memref<!tpu.dma_semaphore, #tpu.memory_space<semaphore_mem>>)
        %add3A_1535 = arith.constant 2 : i32
        %add3A_1536 = arith.addi %add3A_1226, %add3A_1535 : i32
        %mul3A_1537 = arith.constant 8 : i32
        %mul3A_1538 = arith.muli %add3A_1536, %mul3A_1537 : i32
        %add3A_1539 = arith.addi %mul3A_2, %mul3A_1538 : i32
        %add3A_1540 = arith.constant 1 : i32
        %add3A_1541 = arith.addi %add3A_1539, %add3A_1540 : i32
        %dma_start3A_1542 = arith.constant 1 : i32
        %dma_start3A_1543 = arith.constant 0 : i32
        %dma_start3A_1544 = tpu.memref_slice %arg6[%dma_start3A_1542, %dma_start3A_1543] : memref<8x100xi32, #tpu.memory_space<vmem>> -> memref<1x100xi32, #tpu.memory_space<vmem>>
        %dma_start3A_1545 = tpu.memref_squeeze %dma_start3A_1544 : memref<1x100xi32, #tpu.memory_space<vmem>> -> memref<100xi32, #tpu.memory_space<vmem>>
        %dma_start3A_1546 = arith.constant 0 : i32
        %dma_start3A_1547 = tpu.memref_slice %arg2[%add3A_1541, %dma_start3A_1546] : memref<8192x100xi32, #tpu.memory_space<hbm>> -> memref<1x100xi32, #tpu.memory_space<hbm>>
        %dma_start3A_1548 = tpu.memref_squeeze %dma_start3A_1547 : memref<1x100xi32, #tpu.memory_space<hbm>> -> memref<100xi32, #tpu.memory_space<hbm>>
        %dma_start3A_1549 = arith.constant 0 : i32
        %dma_start3A_1550 = tpu.memref_slice %arg6[%dma_start3A_1542, %dma_start3A_1549] : memref<8x100xi32, #tpu.memory_space<vmem>> -> memref<1x100xi32, #tpu.memory_space<vmem>>
        %dma_start3A_1551 = tpu.memref_squeeze %dma_start3A_1550 : memref<1x100xi32, #tpu.memory_space<vmem>> -> memref<100xi32, #tpu.memory_space<vmem>>
        %dma_start3A_1552 = arith.constant 0 : i32
        %dma_start3A_1553 = tpu.memref_slice %arg2[%add3A_1541, %dma_start3A_1552] : memref<8192x100xi32, #tpu.memory_space<hbm>> -> memref<1x100xi32, #tpu.memory_space<hbm>>
        %dma_start3A_1554 = tpu.memref_squeeze %dma_start3A_1553 : memref<1x100xi32, #tpu.memory_space<hbm>> -> memref<100xi32, #tpu.memory_space<hbm>>
        tpu.enqueue_dma source(%dma_start3A_1554 : memref<100xi32, #tpu.memory_space<hbm>>) target(%dma_start3A_1551 : memref<100xi32, #tpu.memory_space<vmem>>) target_semaphore(%arg10 : memref<!tpu.dma_semaphore, #tpu.memory_space<semaphore_mem>>)
        %add3A_1555 = arith.constant 2 : i32
        %add3A_1556 = arith.addi %add3A_1226, %add3A_1555 : i32
        %mul3A_1557 = arith.constant 8 : i32
        %mul3A_1558 = arith.muli %add3A_1556, %mul3A_1557 : i32
        %add3A_1559 = arith.addi %mul3A_2, %mul3A_1558 : i32
        %add3A_1560 = arith.constant 2 : i32
        %add3A_1561 = arith.addi %add3A_1559, %add3A_1560 : i32
        %dma_start3A_1562 = arith.constant 2 : i32
        %dma_start3A_1563 = arith.constant 0 : i32
        %dma_start3A_1564 = tpu.memref_slice %arg6[%dma_start3A_1562, %dma_start3A_1563] : memref<8x100xi32, #tpu.memory_space<vmem>> -> memref<1x100xi32, #tpu.memory_space<vmem>>
        %dma_start3A_1565 = tpu.memref_squeeze %dma_start3A_1564 : memref<1x100xi32, #tpu.memory_space<vmem>> -> memref<100xi32, #tpu.memory_space<vmem>>
        %dma_start3A_1566 = arith.constant 0 : i32
        %dma_start3A_1567 = tpu.memref_slice %arg2[%add3A_1561, %dma_start3A_1566] : memref<8192x100xi32, #tpu.memory_space<hbm>> -> memref<1x100xi32, #tpu.memory_space<hbm>>
        %dma_start3A_1568 = tpu.memref_squeeze %dma_start3A_1567 : memref<1x100xi32, #tpu.memory_space<hbm>> -> memref<100xi32, #tpu.memory_space<hbm>>
        %dma_start3A_1569 = arith.constant 0 : i32
        %dma_start3A_1570 = tpu.memref_slice %arg6[%dma_start3A_1562, %dma_start3A_1569] : memref<8x100xi32, #tpu.memory_space<vmem>> -> memref<1x100xi32, #tpu.memory_space<vmem>>
        %dma_start3A_1571 = tpu.memref_squeeze %dma_start3A_1570 : memref<1x100xi32, #tpu.memory_space<vmem>> -> memref<100xi32, #tpu.memory_space<vmem>>
        %dma_start3A_1572 = arith.constant 0 : i32
        %dma_start3A_1573 = tpu.memref_slice %arg2[%add3A_1561, %dma_start3A_1572] : memref<8192x100xi32, #tpu.memory_space<hbm>> -> memref<1x100xi32, #tpu.memory_space<hbm>>
        %dma_start3A_1574 = tpu.memref_squeeze %dma_start3A_1573 : memref<1x100xi32, #tpu.memory_space<hbm>> -> memref<100xi32, #tpu.memory_space<hbm>>
        tpu.enqueue_dma source(%dma_start3A_1574 : memref<100xi32, #tpu.memory_space<hbm>>) target(%dma_start3A_1571 : memref<100xi32, #tpu.memory_space<vmem>>) target_semaphore(%arg10 : memref<!tpu.dma_semaphore, #tpu.memory_space<semaphore_mem>>)
        %add3A_1575 = arith.constant 2 : i32
        %add3A_1576 = arith.addi %add3A_1226, %add3A_1575 : i32
        %mul3A_1577 = arith.constant 8 : i32
        %mul3A_1578 = arith.muli %add3A_1576, %mul3A_1577 : i32
        %add3A_1579 = arith.addi %mul3A_2, %mul3A_1578 : i32
        %add3A_1580 = arith.constant 3 : i32
        %add3A_1581 = arith.addi %add3A_1579, %add3A_1580 : i32
        %dma_start3A_1582 = arith.constant 3 : i32
        %dma_start3A_1583 = arith.constant 0 : i32
        %dma_start3A_1584 = tpu.memref_slice %arg6[%dma_start3A_1582, %dma_start3A_1583] : memref<8x100xi32, #tpu.memory_space<vmem>> -> memref<1x100xi32, #tpu.memory_space<vmem>>
        %dma_start3A_1585 = tpu.memref_squeeze %dma_start3A_1584 : memref<1x100xi32, #tpu.memory_space<vmem>> -> memref<100xi32, #tpu.memory_space<vmem>>
        %dma_start3A_1586 = arith.constant 0 : i32
        %dma_start3A_1587 = tpu.memref_slice %arg2[%add3A_1581, %dma_start3A_1586] : memref<8192x100xi32, #tpu.memory_space<hbm>> -> memref<1x100xi32, #tpu.memory_space<hbm>>
        %dma_start3A_1588 = tpu.memref_squeeze %dma_start3A_1587 : memref<1x100xi32, #tpu.memory_space<hbm>> -> memref<100xi32, #tpu.memory_space<hbm>>
        %dma_start3A_1589 = arith.constant 0 : i32
        %dma_start3A_1590 = tpu.memref_slice %arg6[%dma_start3A_1582, %dma_start3A_1589] : memref<8x100xi32, #tpu.memory_space<vmem>> -> memref<1x100xi32, #tpu.memory_space<vmem>>
        %dma_start3A_1591 = tpu.memref_squeeze %dma_start3A_1590 : memref<1x100xi32, #tpu.memory_space<vmem>> -> memref<100xi32, #tpu.memory_space<vmem>>
        %dma_start3A_1592 = arith.constant 0 : i32
        %dma_start3A_1593 = tpu.memref_slice %arg2[%add3A_1581, %dma_start3A_1592] : memref<8192x100xi32, #tpu.memory_space<hbm>> -> memref<1x100xi32, #tpu.memory_space<hbm>>
        %dma_start3A_1594 = tpu.memref_squeeze %dma_start3A_1593 : memref<1x100xi32, #tpu.memory_space<hbm>> -> memref<100xi32, #tpu.memory_space<hbm>>
        tpu.enqueue_dma source(%dma_start3A_1594 : memref<100xi32, #tpu.memory_space<hbm>>) target(%dma_start3A_1591 : memref<100xi32, #tpu.memory_space<vmem>>) target_semaphore(%arg10 : memref<!tpu.dma_semaphore, #tpu.memory_space<semaphore_mem>>)
        %add3A_1595 = arith.constant 2 : i32
        %add3A_1596 = arith.addi %add3A_1226, %add3A_1595 : i32
        %mul3A_1597 = arith.constant 8 : i32
        %mul3A_1598 = arith.muli %add3A_1596, %mul3A_1597 : i32
        %add3A_1599 = arith.addi %mul3A_2, %mul3A_1598 : i32
        %add3A_1600 = arith.constant 4 : i32
        %add3A_1601 = arith.addi %add3A_1599, %add3A_1600 : i32
        %dma_start3A_1602 = arith.constant 4 : i32
        %dma_start3A_1603 = arith.constant 0 : i32
        %dma_start3A_1604 = tpu.memref_slice %arg6[%dma_start3A_1602, %dma_start3A_1603] : memref<8x100xi32, #tpu.memory_space<vmem>> -> memref<1x100xi32, #tpu.memory_space<vmem>>
        %dma_start3A_1605 = tpu.memref_squeeze %dma_start3A_1604 : memref<1x100xi32, #tpu.memory_space<vmem>> -> memref<100xi32, #tpu.memory_space<vmem>>
        %dma_start3A_1606 = arith.constant 0 : i32
        %dma_start3A_1607 = tpu.memref_slice %arg2[%add3A_1601, %dma_start3A_1606] : memref<8192x100xi32, #tpu.memory_space<hbm>> -> memref<1x100xi32, #tpu.memory_space<hbm>>
        %dma_start3A_1608 = tpu.memref_squeeze %dma_start3A_1607 : memref<1x100xi32, #tpu.memory_space<hbm>> -> memref<100xi32, #tpu.memory_space<hbm>>
        %dma_start3A_1609 = arith.constant 0 : i32
        %dma_start3A_1610 = tpu.memref_slice %arg6[%dma_start3A_1602, %dma_start3A_1609] : memref<8x100xi32, #tpu.memory_space<vmem>> -> memref<1x100xi32, #tpu.memory_space<vmem>>
        %dma_start3A_1611 = tpu.memref_squeeze %dma_start3A_1610 : memref<1x100xi32, #tpu.memory_space<vmem>> -> memref<100xi32, #tpu.memory_space<vmem>>
        %dma_start3A_1612 = arith.constant 0 : i32
        %dma_start3A_1613 = tpu.memref_slice %arg2[%add3A_1601, %dma_start3A_1612] : memref<8192x100xi32, #tpu.memory_space<hbm>> -> memref<1x100xi32, #tpu.memory_space<hbm>>
        %dma_start3A_1614 = tpu.memref_squeeze %dma_start3A_1613 : memref<1x100xi32, #tpu.memory_space<hbm>> -> memref<100xi32, #tpu.memory_space<hbm>>
        tpu.enqueue_dma source(%dma_start3A_1614 : memref<100xi32, #tpu.memory_space<hbm>>) target(%dma_start3A_1611 : memref<100xi32, #tpu.memory_space<vmem>>) target_semaphore(%arg10 : memref<!tpu.dma_semaphore, #tpu.memory_space<semaphore_mem>>)
        %add3A_1615 = arith.constant 2 : i32
        %add3A_1616 = arith.addi %add3A_1226, %add3A_1615 : i32
        %mul3A_1617 = arith.constant 8 : i32
        %mul3A_1618 = arith.muli %add3A_1616, %mul3A_1617 : i32
        %add3A_1619 = arith.addi %mul3A_2, %mul3A_1618 : i32
        %add3A_1620 = arith.constant 5 : i32
        %add3A_1621 = arith.addi %add3A_1619, %add3A_1620 : i32
        %dma_start3A_1622 = arith.constant 5 : i32
        %dma_start3A_1623 = arith.constant 0 : i32
        %dma_start3A_1624 = tpu.memref_slice %arg6[%dma_start3A_1622, %dma_start3A_1623] : memref<8x100xi32, #tpu.memory_space<vmem>> -> memref<1x100xi32, #tpu.memory_space<vmem>>
        %dma_start3A_1625 = tpu.memref_squeeze %dma_start3A_1624 : memref<1x100xi32, #tpu.memory_space<vmem>> -> memref<100xi32, #tpu.memory_space<vmem>>
        %dma_start3A_1626 = arith.constant 0 : i32
        %dma_start3A_1627 = tpu.memref_slice %arg2[%add3A_1621, %dma_start3A_1626] : memref<8192x100xi32, #tpu.memory_space<hbm>> -> memref<1x100xi32, #tpu.memory_space<hbm>>
        %dma_start3A_1628 = tpu.memref_squeeze %dma_start3A_1627 : memref<1x100xi32, #tpu.memory_space<hbm>> -> memref<100xi32, #tpu.memory_space<hbm>>
        %dma_start3A_1629 = arith.constant 0 : i32
        %dma_start3A_1630 = tpu.memref_slice %arg6[%dma_start3A_1622, %dma_start3A_1629] : memref<8x100xi32, #tpu.memory_space<vmem>> -> memref<1x100xi32, #tpu.memory_space<vmem>>
        %dma_start3A_1631 = tpu.memref_squeeze %dma_start3A_1630 : memref<1x100xi32, #tpu.memory_space<vmem>> -> memref<100xi32, #tpu.memory_space<vmem>>
        %dma_start3A_1632 = arith.constant 0 : i32
        %dma_start3A_1633 = tpu.memref_slice %arg2[%add3A_1621, %dma_start3A_1632] : memref<8192x100xi32, #tpu.memory_space<hbm>> -> memref<1x100xi32, #tpu.memory_space<hbm>>
        %dma_start3A_1634 = tpu.memref_squeeze %dma_start3A_1633 : memref<1x100xi32, #tpu.memory_space<hbm>> -> memref<100xi32, #tpu.memory_space<hbm>>
        tpu.enqueue_dma source(%dma_start3A_1634 : memref<100xi32, #tpu.memory_space<hbm>>) target(%dma_start3A_1631 : memref<100xi32, #tpu.memory_space<vmem>>) target_semaphore(%arg10 : memref<!tpu.dma_semaphore, #tpu.memory_space<semaphore_mem>>)
        %add3A_1635 = arith.constant 2 : i32
        %add3A_1636 = arith.addi %add3A_1226, %add3A_1635 : i32
        %mul3A_1637 = arith.constant 8 : i32
        %mul3A_1638 = arith.muli %add3A_1636, %mul3A_1637 : i32
        %add3A_1639 = arith.addi %mul3A_2, %mul3A_1638 : i32
        %add3A_1640 = arith.constant 6 : i32
        %add3A_1641 = arith.addi %add3A_1639, %add3A_1640 : i32
        %dma_start3A_1642 = arith.constant 6 : i32
        %dma_start3A_1643 = arith.constant 0 : i32
        %dma_start3A_1644 = tpu.memref_slice %arg6[%dma_start3A_1642, %dma_start3A_1643] : memref<8x100xi32, #tpu.memory_space<vmem>> -> memref<1x100xi32, #tpu.memory_space<vmem>>
        %dma_start3A_1645 = tpu.memref_squeeze %dma_start3A_1644 : memref<1x100xi32, #tpu.memory_space<vmem>> -> memref<100xi32, #tpu.memory_space<vmem>>
        %dma_start3A_1646 = arith.constant 0 : i32
        %dma_start3A_1647 = tpu.memref_slice %arg2[%add3A_1641, %dma_start3A_1646] : memref<8192x100xi32, #tpu.memory_space<hbm>> -> memref<1x100xi32, #tpu.memory_space<hbm>>
        %dma_start3A_1648 = tpu.memref_squeeze %dma_start3A_1647 : memref<1x100xi32, #tpu.memory_space<hbm>> -> memref<100xi32, #tpu.memory_space<hbm>>
        %dma_start3A_1649 = arith.constant 0 : i32
        %dma_start3A_1650 = tpu.memref_slice %arg6[%dma_start3A_1642, %dma_start3A_1649] : memref<8x100xi32, #tpu.memory_space<vmem>> -> memref<1x100xi32, #tpu.memory_space<vmem>>
        %dma_start3A_1651 = tpu.memref_squeeze %dma_start3A_1650 : memref<1x100xi32, #tpu.memory_space<vmem>> -> memref<100xi32, #tpu.memory_space<vmem>>
        %dma_start3A_1652 = arith.constant 0 : i32
        %dma_start3A_1653 = tpu.memref_slice %arg2[%add3A_1641, %dma_start3A_1652] : memref<8192x100xi32, #tpu.memory_space<hbm>> -> memref<1x100xi32, #tpu.memory_space<hbm>>
        %dma_start3A_1654 = tpu.memref_squeeze %dma_start3A_1653 : memref<1x100xi32, #tpu.memory_space<hbm>> -> memref<100xi32, #tpu.memory_space<hbm>>
        tpu.enqueue_dma source(%dma_start3A_1654 : memref<100xi32, #tpu.memory_space<hbm>>) target(%dma_start3A_1651 : memref<100xi32, #tpu.memory_space<vmem>>) target_semaphore(%arg10 : memref<!tpu.dma_semaphore, #tpu.memory_space<semaphore_mem>>)
        %add3A_1655 = arith.constant 2 : i32
        %add3A_1656 = arith.addi %add3A_1226, %add3A_1655 : i32
        %mul3A_1657 = arith.constant 8 : i32
        %mul3A_1658 = arith.muli %add3A_1656, %mul3A_1657 : i32
        %add3A_1659 = arith.addi %mul3A_2, %mul3A_1658 : i32
        %add3A_1660 = arith.constant 7 : i32
        %add3A_1661 = arith.addi %add3A_1659, %add3A_1660 : i32
        %dma_start3A_1662 = arith.constant 7 : i32
        %dma_start3A_1663 = arith.constant 0 : i32
        %dma_start3A_1664 = tpu.memref_slice %arg6[%dma_start3A_1662, %dma_start3A_1663] : memref<8x100xi32, #tpu.memory_space<vmem>> -> memref<1x100xi32, #tpu.memory_space<vmem>>
        %dma_start3A_1665 = tpu.memref_squeeze %dma_start3A_1664 : memref<1x100xi32, #tpu.memory_space<vmem>> -> memref<100xi32, #tpu.memory_space<vmem>>
        %dma_start3A_1666 = arith.constant 0 : i32
        %dma_start3A_1667 = tpu.memref_slice %arg2[%add3A_1661, %dma_start3A_1666] : memref<8192x100xi32, #tpu.memory_space<hbm>> -> memref<1x100xi32, #tpu.memory_space<hbm>>
        %dma_start3A_1668 = tpu.memref_squeeze %dma_start3A_1667 : memref<1x100xi32, #tpu.memory_space<hbm>> -> memref<100xi32, #tpu.memory_space<hbm>>
        %dma_start3A_1669 = arith.constant 0 : i32
        %dma_start3A_1670 = tpu.memref_slice %arg6[%dma_start3A_1662, %dma_start3A_1669] : memref<8x100xi32, #tpu.memory_space<vmem>> -> memref<1x100xi32, #tpu.memory_space<vmem>>
        %dma_start3A_1671 = tpu.memref_squeeze %dma_start3A_1670 : memref<1x100xi32, #tpu.memory_space<vmem>> -> memref<100xi32, #tpu.memory_space<vmem>>
        %dma_start3A_1672 = arith.constant 0 : i32
        %dma_start3A_1673 = tpu.memref_slice %arg2[%add3A_1661, %dma_start3A_1672] : memref<8192x100xi32, #tpu.memory_space<hbm>> -> memref<1x100xi32, #tpu.memory_space<hbm>>
        %dma_start3A_1674 = tpu.memref_squeeze %dma_start3A_1673 : memref<1x100xi32, #tpu.memory_space<hbm>> -> memref<100xi32, #tpu.memory_space<hbm>>
        tpu.enqueue_dma source(%dma_start3A_1674 : memref<100xi32, #tpu.memory_space<hbm>>) target(%dma_start3A_1671 : memref<100xi32, #tpu.memory_space<vmem>>) target_semaphore(%arg10 : memref<!tpu.dma_semaphore, #tpu.memory_space<semaphore_mem>>)
        %dma_wait3A_1675 = arith.constant 0 : i32
        %dma_wait3A_1676 = arith.constant 0 : i32
        %dma_wait3A_1677 = arith.constant 0 : i32
        %dma_wait3A_1678 = tpu.memref_slice %arg8[%dma_wait3A_1675, %dma_wait3A_1676, %dma_wait3A_1677] : memref<8x100x64xf32, #tpu.memory_space<vmem>> -> memref<1x100x64xf32, #tpu.memory_space<vmem>>
        %dma_wait3A_1679 = tpu.memref_squeeze %dma_wait3A_1678 : memref<1x100x64xf32, #tpu.memory_space<vmem>> -> memref<100x64xf32, #tpu.memory_space<vmem>>
        %dma_wait3A_1680 = arith.constant 0 : i32
        %dma_wait3A_1681 = arith.constant 0 : i32
        %dma_wait3A_1682 = tpu.memref_slice %arg4[%dma_wait3A_1680, %dma_wait3A_1681] : memref<819200x128xf32, #tpu.memory_space<hbm>> -> memref<100x64xf32, #tpu.memory_space<hbm>>
        %dma_wait3A_1683 = arith.constant 0 : i32
        %dma_wait3A_1684 = arith.constant 0 : i32
        %dma_wait3A_1685 = tpu.memref_slice %arg8[%dma_wait3A_1675, %dma_wait3A_1683, %dma_wait3A_1684] : memref<8x100x64xf32, #tpu.memory_space<vmem>> -> memref<1x100x64xf32, #tpu.memory_space<vmem>>
        %dma_wait3A_1686 = tpu.memref_squeeze %dma_wait3A_1685 : memref<1x100x64xf32, #tpu.memory_space<vmem>> -> memref<100x64xf32, #tpu.memory_space<vmem>>
        %dma_wait3A_1687 = arith.constant 0 : i32
        %dma_wait3A_1688 = arith.constant 0 : i32
        %dma_wait3A_1689 = tpu.memref_slice %arg4[%dma_wait3A_1687, %dma_wait3A_1688] : memref<819200x128xf32, #tpu.memory_space<hbm>> -> memref<100x64xf32, #tpu.memory_space<hbm>>
        tpu.wait_dma2 semaphore(%arg14 : memref<!tpu.dma_semaphore, #tpu.memory_space<semaphore_mem>>) src(%dma_wait3A_1689 : memref<100x64xf32, #tpu.memory_space<hbm>>) dst(%dma_wait3A_1686 : memref<100x64xf32, #tpu.memory_space<vmem>>)
        %dma_wait3A_1690 = arith.constant 0 : i32
        %dma_wait3A_1691 = arith.constant 0 : i32
        %dma_wait3A_1692 = arith.constant 0 : i32
        %dma_wait3A_1693 = tpu.memref_slice %arg6[%dma_wait3A_1691, %dma_wait3A_1692] : memref<8x100xi32, #tpu.memory_space<vmem>> -> memref<1x100xi32, #tpu.memory_space<vmem>>
        %dma_wait3A_1694 = tpu.memref_squeeze %dma_wait3A_1693 : memref<1x100xi32, #tpu.memory_space<vmem>> -> memref<100xi32, #tpu.memory_space<vmem>>
        %dma_wait3A_1695 = arith.constant 0 : i32
        %dma_wait3A_1696 = tpu.memref_slice %arg2[%dma_wait3A_1690, %dma_wait3A_1695] : memref<8192x100xi32, #tpu.memory_space<hbm>> -> memref<1x100xi32, #tpu.memory_space<hbm>>
        %dma_wait3A_1697 = tpu.memref_squeeze %dma_wait3A_1696 : memref<1x100xi32, #tpu.memory_space<hbm>> -> memref<100xi32, #tpu.memory_space<hbm>>
        %dma_wait3A_1698 = arith.constant 0 : i32
        %dma_wait3A_1699 = tpu.memref_slice %arg6[%dma_wait3A_1691, %dma_wait3A_1698] : memref<8x100xi32, #tpu.memory_space<vmem>> -> memref<1x100xi32, #tpu.memory_space<vmem>>
        %dma_wait3A_1700 = tpu.memref_squeeze %dma_wait3A_1699 : memref<1x100xi32, #tpu.memory_space<vmem>> -> memref<100xi32, #tpu.memory_space<vmem>>
        %dma_wait3A_1701 = arith.constant 0 : i32
        %dma_wait3A_1702 = tpu.memref_slice %arg2[%dma_wait3A_1690, %dma_wait3A_1701] : memref<8192x100xi32, #tpu.memory_space<hbm>> -> memref<1x100xi32, #tpu.memory_space<hbm>>
        %dma_wait3A_1703 = tpu.memref_squeeze %dma_wait3A_1702 : memref<1x100xi32, #tpu.memory_space<hbm>> -> memref<100xi32, #tpu.memory_space<hbm>>
        tpu.wait_dma2 semaphore(%arg10 : memref<!tpu.dma_semaphore, #tpu.memory_space<semaphore_mem>>) src(%dma_wait3A_1703 : memref<100xi32, #tpu.memory_space<hbm>>) dst(%dma_wait3A_1700 : memref<100xi32, #tpu.memory_space<vmem>>)
        %dma_start3A_1704 = arith.constant 0 : i32
        %dma_start3A_1705 = arith.constant 0 : i32
        %dma_start3A_1706 = arith.constant 0 : i32
        %dma_start3A_1707 = arith.constant 0 : i32
        %dma_start3A_1708 = tpu.memref_slice %arg8[%dma_start3A_1705, %dma_start3A_1706, %dma_start3A_1707] : memref<8x100x64xf32, #tpu.memory_space<vmem>> -> memref<1x100x64xf32, #tpu.memory_space<vmem>>
        %dma_start3A_1709 = tpu.memref_squeeze %dma_start3A_1708 : memref<1x100x64xf32, #tpu.memory_space<vmem>> -> memref<100x64xf32, #tpu.memory_space<vmem>>
        %dma_start3A_1710 = arith.constant 0 : i32
        %dma_start3A_1711 = tpu.memref_slice %arg6[%dma_start3A_1704, %dma_start3A_1710] : memref<8x100xi32, #tpu.memory_space<vmem>> -> memref<1x100xi32, #tpu.memory_space<vmem>>
        %dma_start3A_1712 = tpu.memref_squeeze %dma_start3A_1711 : memref<1x100xi32, #tpu.memory_space<vmem>> -> memref<100xi32, #tpu.memory_space<vmem>>
        %dma_start3A_1713 = arith.constant 0 : i32
        %dma_start3A_1714 = arith.constant 0 : i32
        %dma_start3A_1715 = tpu.memref_slice %arg3[%dma_start3A_1713, %dma_start3A_1714] : memref<2000000x64xf32, #tpu.memory_space<hbm>> -> memref<2000000x64xf32, #tpu.memory_space<hbm>>
        tpu.enqueue_indirect_dma source(%dma_start3A_1715 : memref<2000000x64xf32, #tpu.memory_space<hbm>>) target(%dma_start3A_1709 : memref<100x64xf32, #tpu.memory_space<vmem>>) offsets(%dma_start3A_1712 : memref<100xi32, #tpu.memory_space<vmem>>) semaphore(%arg12 : memref<!tpu.dma_semaphore, #tpu.memory_space<semaphore_mem>>)
        %dma_wait3A_1716 = arith.constant 0 : i32
        %dma_wait3A_1717 = arith.constant 0 : i32
        %dma_wait3A_1718 = arith.constant 0 : i32
        %dma_wait3A_1719 = tpu.memref_slice %arg8[%dma_wait3A_1716, %dma_wait3A_1717, %dma_wait3A_1718] : memref<8x100x64xf32, #tpu.memory_space<vmem>> -> memref<1x100x64xf32, #tpu.memory_space<vmem>>
        %dma_wait3A_1720 = tpu.memref_squeeze %dma_wait3A_1719 : memref<1x100x64xf32, #tpu.memory_space<vmem>> -> memref<100x64xf32, #tpu.memory_space<vmem>>
        %dma_wait3A_1721 = arith.constant 0 : i32
        %dma_wait3A_1722 = arith.constant 0 : i32
        %dma_wait3A_1723 = tpu.memref_slice %arg4[%dma_wait3A_1721, %dma_wait3A_1722] : memref<819200x128xf32, #tpu.memory_space<hbm>> -> memref<100x64xf32, #tpu.memory_space<hbm>>
        %dma_wait3A_1724 = arith.constant 0 : i32
        %dma_wait3A_1725 = arith.constant 0 : i32
        %dma_wait3A_1726 = tpu.memref_slice %arg8[%dma_wait3A_1716, %dma_wait3A_1724, %dma_wait3A_1725] : memref<8x100x64xf32, #tpu.memory_space<vmem>> -> memref<1x100x64xf32, #tpu.memory_space<vmem>>
        %dma_wait3A_1727 = tpu.memref_squeeze %dma_wait3A_1726 : memref<1x100x64xf32, #tpu.memory_space<vmem>> -> memref<100x64xf32, #tpu.memory_space<vmem>>
        %dma_wait3A_1728 = arith.constant 0 : i32
        %dma_wait3A_1729 = arith.constant 0 : i32
        %dma_wait3A_1730 = tpu.memref_slice %arg4[%dma_wait3A_1728, %dma_wait3A_1729] : memref<819200x128xf32, #tpu.memory_space<hbm>> -> memref<100x64xf32, #tpu.memory_space<hbm>>
        tpu.wait_dma2 semaphore(%arg14 : memref<!tpu.dma_semaphore, #tpu.memory_space<semaphore_mem>>) src(%dma_wait3A_1730 : memref<100x64xf32, #tpu.memory_space<hbm>>) dst(%dma_wait3A_1727 : memref<100x64xf32, #tpu.memory_space<vmem>>)
        %dma_wait3A_1731 = arith.constant 0 : i32
        %dma_wait3A_1732 = arith.constant 0 : i32
        %dma_wait3A_1733 = arith.constant 0 : i32
        %dma_wait3A_1734 = tpu.memref_slice %arg6[%dma_wait3A_1732, %dma_wait3A_1733] : memref<8x100xi32, #tpu.memory_space<vmem>> -> memref<1x100xi32, #tpu.memory_space<vmem>>
        %dma_wait3A_1735 = tpu.memref_squeeze %dma_wait3A_1734 : memref<1x100xi32, #tpu.memory_space<vmem>> -> memref<100xi32, #tpu.memory_space<vmem>>
        %dma_wait3A_1736 = arith.constant 0 : i32
        %dma_wait3A_1737 = tpu.memref_slice %arg2[%dma_wait3A_1731, %dma_wait3A_1736] : memref<8192x100xi32, #tpu.memory_space<hbm>> -> memref<1x100xi32, #tpu.memory_space<hbm>>
        %dma_wait3A_1738 = tpu.memref_squeeze %dma_wait3A_1737 : memref<1x100xi32, #tpu.memory_space<hbm>> -> memref<100xi32, #tpu.memory_space<hbm>>
        %dma_wait3A_1739 = arith.constant 0 : i32
        %dma_wait3A_1740 = tpu.memref_slice %arg6[%dma_wait3A_1732, %dma_wait3A_1739] : memref<8x100xi32, #tpu.memory_space<vmem>> -> memref<1x100xi32, #tpu.memory_space<vmem>>
        %dma_wait3A_1741 = tpu.memref_squeeze %dma_wait3A_1740 : memref<1x100xi32, #tpu.memory_space<vmem>> -> memref<100xi32, #tpu.memory_space<vmem>>
        %dma_wait3A_1742 = arith.constant 0 : i32
        %dma_wait3A_1743 = tpu.memref_slice %arg2[%dma_wait3A_1731, %dma_wait3A_1742] : memref<8192x100xi32, #tpu.memory_space<hbm>> -> memref<1x100xi32, #tpu.memory_space<hbm>>
        %dma_wait3A_1744 = tpu.memref_squeeze %dma_wait3A_1743 : memref<1x100xi32, #tpu.memory_space<hbm>> -> memref<100xi32, #tpu.memory_space<hbm>>
        tpu.wait_dma2 semaphore(%arg10 : memref<!tpu.dma_semaphore, #tpu.memory_space<semaphore_mem>>) src(%dma_wait3A_1744 : memref<100xi32, #tpu.memory_space<hbm>>) dst(%dma_wait3A_1741 : memref<100xi32, #tpu.memory_space<vmem>>)
        %dma_start3A_1745 = arith.constant 1 : i32
        %dma_start3A_1746 = arith.constant 1 : i32
        %dma_start3A_1747 = arith.constant 0 : i32
        %dma_start3A_1748 = arith.constant 0 : i32
        %dma_start3A_1749 = tpu.memref_slice %arg8[%dma_start3A_1746, %dma_start3A_1747, %dma_start3A_1748] : memref<8x100x64xf32, #tpu.memory_space<vmem>> -> memref<1x100x64xf32, #tpu.memory_space<vmem>>
        %dma_start3A_1750 = tpu.memref_squeeze %dma_start3A_1749 : memref<1x100x64xf32, #tpu.memory_space<vmem>> -> memref<100x64xf32, #tpu.memory_space<vmem>>
        %dma_start3A_1751 = arith.constant 0 : i32
        %dma_start3A_1752 = tpu.memref_slice %arg6[%dma_start3A_1745, %dma_start3A_1751] : memref<8x100xi32, #tpu.memory_space<vmem>> -> memref<1x100xi32, #tpu.memory_space<vmem>>
        %dma_start3A_1753 = tpu.memref_squeeze %dma_start3A_1752 : memref<1x100xi32, #tpu.memory_space<vmem>> -> memref<100xi32, #tpu.memory_space<vmem>>
        %dma_start3A_1754 = arith.constant 0 : i32
        %dma_start3A_1755 = arith.constant 0 : i32
        %dma_start3A_1756 = tpu.memref_slice %arg3[%dma_start3A_1754, %dma_start3A_1755] : memref<2000000x64xf32, #tpu.memory_space<hbm>> -> memref<2000000x64xf32, #tpu.memory_space<hbm>>
        tpu.enqueue_indirect_dma source(%dma_start3A_1756 : memref<2000000x64xf32, #tpu.memory_space<hbm>>) target(%dma_start3A_1750 : memref<100x64xf32, #tpu.memory_space<vmem>>) offsets(%dma_start3A_1753 : memref<100xi32, #tpu.memory_space<vmem>>) semaphore(%arg12 : memref<!tpu.dma_semaphore, #tpu.memory_space<semaphore_mem>>)
        %dma_wait3A_1757 = arith.constant 0 : i32
        %dma_wait3A_1758 = arith.constant 0 : i32
        %dma_wait3A_1759 = arith.constant 0 : i32
        %dma_wait3A_1760 = tpu.memref_slice %arg8[%dma_wait3A_1757, %dma_wait3A_1758, %dma_wait3A_1759] : memref<8x100x64xf32, #tpu.memory_space<vmem>> -> memref<1x100x64xf32, #tpu.memory_space<vmem>>
        %dma_wait3A_1761 = tpu.memref_squeeze %dma_wait3A_1760 : memref<1x100x64xf32, #tpu.memory_space<vmem>> -> memref<100x64xf32, #tpu.memory_space<vmem>>
        %dma_wait3A_1762 = arith.constant 0 : i32
        %dma_wait3A_1763 = arith.constant 0 : i32
        %dma_wait3A_1764 = tpu.memref_slice %arg4[%dma_wait3A_1762, %dma_wait3A_1763] : memref<819200x128xf32, #tpu.memory_space<hbm>> -> memref<100x64xf32, #tpu.memory_space<hbm>>
        %dma_wait3A_1765 = arith.constant 0 : i32
        %dma_wait3A_1766 = arith.constant 0 : i32
        %dma_wait3A_1767 = tpu.memref_slice %arg8[%dma_wait3A_1757, %dma_wait3A_1765, %dma_wait3A_1766] : memref<8x100x64xf32, #tpu.memory_space<vmem>> -> memref<1x100x64xf32, #tpu.memory_space<vmem>>
        %dma_wait3A_1768 = tpu.memref_squeeze %dma_wait3A_1767 : memref<1x100x64xf32, #tpu.memory_space<vmem>> -> memref<100x64xf32, #tpu.memory_space<vmem>>
        %dma_wait3A_1769 = arith.constant 0 : i32
        %dma_wait3A_1770 = arith.constant 0 : i32
        %dma_wait3A_1771 = tpu.memref_slice %arg4[%dma_wait3A_1769, %dma_wait3A_1770] : memref<819200x128xf32, #tpu.memory_space<hbm>> -> memref<100x64xf32, #tpu.memory_space<hbm>>
        tpu.wait_dma2 semaphore(%arg14 : memref<!tpu.dma_semaphore, #tpu.memory_space<semaphore_mem>>) src(%dma_wait3A_1771 : memref<100x64xf32, #tpu.memory_space<hbm>>) dst(%dma_wait3A_1768 : memref<100x64xf32, #tpu.memory_space<vmem>>)
        %dma_wait3A_1772 = arith.constant 0 : i32
        %dma_wait3A_1773 = arith.constant 0 : i32
        %dma_wait3A_1774 = arith.constant 0 : i32
        %dma_wait3A_1775 = tpu.memref_slice %arg6[%dma_wait3A_1773, %dma_wait3A_1774] : memref<8x100xi32, #tpu.memory_space<vmem>> -> memref<1x100xi32, #tpu.memory_space<vmem>>
        %dma_wait3A_1776 = tpu.memref_squeeze %dma_wait3A_1775 : memref<1x100xi32, #tpu.memory_space<vmem>> -> memref<100xi32, #tpu.memory_space<vmem>>
        %dma_wait3A_1777 = arith.constant 0 : i32
        %dma_wait3A_1778 = tpu.memref_slice %arg2[%dma_wait3A_1772, %dma_wait3A_1777] : memref<8192x100xi32, #tpu.memory_space<hbm>> -> memref<1x100xi32, #tpu.memory_space<hbm>>
        %dma_wait3A_1779 = tpu.memref_squeeze %dma_wait3A_1778 : memref<1x100xi32, #tpu.memory_space<hbm>> -> memref<100xi32, #tpu.memory_space<hbm>>
        %dma_wait3A_1780 = arith.constant 0 : i32
        %dma_wait3A_1781 = tpu.memref_slice %arg6[%dma_wait3A_1773, %dma_wait3A_1780] : memref<8x100xi32, #tpu.memory_space<vmem>> -> memref<1x100xi32, #tpu.memory_space<vmem>>
        %dma_wait3A_1782 = tpu.memref_squeeze %dma_wait3A_1781 : memref<1x100xi32, #tpu.memory_space<vmem>> -> memref<100xi32, #tpu.memory_space<vmem>>
        %dma_wait3A_1783 = arith.constant 0 : i32
        %dma_wait3A_1784 = tpu.memref_slice %arg2[%dma_wait3A_1772, %dma_wait3A_1783] : memref<8192x100xi32, #tpu.memory_space<hbm>> -> memref<1x100xi32, #tpu.memory_space<hbm>>
        %dma_wait3A_1785 = tpu.memref_squeeze %dma_wait3A_1784 : memref<1x100xi32, #tpu.memory_space<hbm>> -> memref<100xi32, #tpu.memory_space<hbm>>
        tpu.wait_dma2 semaphore(%arg10 : memref<!tpu.dma_semaphore, #tpu.memory_space<semaphore_mem>>) src(%dma_wait3A_1785 : memref<100xi32, #tpu.memory_space<hbm>>) dst(%dma_wait3A_1782 : memref<100xi32, #tpu.memory_space<vmem>>)
        %dma_start3A_1786 = arith.constant 2 : i32
        %dma_start3A_1787 = arith.constant 2 : i32
        %dma_start3A_1788 = arith.constant 0 : i32
        %dma_start3A_1789 = arith.constant 0 : i32
        %dma_start3A_1790 = tpu.memref_slice %arg8[%dma_start3A_1787, %dma_start3A_1788, %dma_start3A_1789] : memref<8x100x64xf32, #tpu.memory_space<vmem>> -> memref<1x100x64xf32, #tpu.memory_space<vmem>>
        %dma_start3A_1791 = tpu.memref_squeeze %dma_start3A_1790 : memref<1x100x64xf32, #tpu.memory_space<vmem>> -> memref<100x64xf32, #tpu.memory_space<vmem>>
        %dma_start3A_1792 = arith.constant 0 : i32
        %dma_start3A_1793 = tpu.memref_slice %arg6[%dma_start3A_1786, %dma_start3A_1792] : memref<8x100xi32, #tpu.memory_space<vmem>> -> memref<1x100xi32, #tpu.memory_space<vmem>>
        %dma_start3A_1794 = tpu.memref_squeeze %dma_start3A_1793 : memref<1x100xi32, #tpu.memory_space<vmem>> -> memref<100xi32, #tpu.memory_space<vmem>>
        %dma_start3A_1795 = arith.constant 0 : i32
        %dma_start3A_1796 = arith.constant 0 : i32
        %dma_start3A_1797 = tpu.memref_slice %arg3[%dma_start3A_1795, %dma_start3A_1796] : memref<2000000x64xf32, #tpu.memory_space<hbm>> -> memref<2000000x64xf32, #tpu.memory_space<hbm>>
        tpu.enqueue_indirect_dma source(%dma_start3A_1797 : memref<2000000x64xf32, #tpu.memory_space<hbm>>) target(%dma_start3A_1791 : memref<100x64xf32, #tpu.memory_space<vmem>>) offsets(%dma_start3A_1794 : memref<100xi32, #tpu.memory_space<vmem>>) semaphore(%arg12 : memref<!tpu.dma_semaphore, #tpu.memory_space<semaphore_mem>>)
        %dma_wait3A_1798 = arith.constant 0 : i32
        %dma_wait3A_1799 = arith.constant 0 : i32
        %dma_wait3A_1800 = arith.constant 0 : i32
        %dma_wait3A_1801 = tpu.memref_slice %arg8[%dma_wait3A_1798, %dma_wait3A_1799, %dma_wait3A_1800] : memref<8x100x64xf32, #tpu.memory_space<vmem>> -> memref<1x100x64xf32, #tpu.memory_space<vmem>>
        %dma_wait3A_1802 = tpu.memref_squeeze %dma_wait3A_1801 : memref<1x100x64xf32, #tpu.memory_space<vmem>> -> memref<100x64xf32, #tpu.memory_space<vmem>>
        %dma_wait3A_1803 = arith.constant 0 : i32
        %dma_wait3A_1804 = arith.constant 0 : i32
        %dma_wait3A_1805 = tpu.memref_slice %arg4[%dma_wait3A_1803, %dma_wait3A_1804] : memref<819200x128xf32, #tpu.memory_space<hbm>> -> memref<100x64xf32, #tpu.memory_space<hbm>>
        %dma_wait3A_1806 = arith.constant 0 : i32
        %dma_wait3A_1807 = arith.constant 0 : i32
        %dma_wait3A_1808 = tpu.memref_slice %arg8[%dma_wait3A_1798, %dma_wait3A_1806, %dma_wait3A_1807] : memref<8x100x64xf32, #tpu.memory_space<vmem>> -> memref<1x100x64xf32, #tpu.memory_space<vmem>>
        %dma_wait3A_1809 = tpu.memref_squeeze %dma_wait3A_1808 : memref<1x100x64xf32, #tpu.memory_space<vmem>> -> memref<100x64xf32, #tpu.memory_space<vmem>>
        %dma_wait3A_1810 = arith.constant 0 : i32
        %dma_wait3A_1811 = arith.constant 0 : i32
        %dma_wait3A_1812 = tpu.memref_slice %arg4[%dma_wait3A_1810, %dma_wait3A_1811] : memref<819200x128xf32, #tpu.memory_space<hbm>> -> memref<100x64xf32, #tpu.memory_space<hbm>>
        tpu.wait_dma2 semaphore(%arg14 : memref<!tpu.dma_semaphore, #tpu.memory_space<semaphore_mem>>) src(%dma_wait3A_1812 : memref<100x64xf32, #tpu.memory_space<hbm>>) dst(%dma_wait3A_1809 : memref<100x64xf32, #tpu.memory_space<vmem>>)
        %dma_wait3A_1813 = arith.constant 0 : i32
        %dma_wait3A_1814 = arith.constant 0 : i32
        %dma_wait3A_1815 = arith.constant 0 : i32
        %dma_wait3A_1816 = tpu.memref_slice %arg6[%dma_wait3A_1814, %dma_wait3A_1815] : memref<8x100xi32, #tpu.memory_space<vmem>> -> memref<1x100xi32, #tpu.memory_space<vmem>>
        %dma_wait3A_1817 = tpu.memref_squeeze %dma_wait3A_1816 : memref<1x100xi32, #tpu.memory_space<vmem>> -> memref<100xi32, #tpu.memory_space<vmem>>
        %dma_wait3A_1818 = arith.constant 0 : i32
        %dma_wait3A_1819 = tpu.memref_slice %arg2[%dma_wait3A_1813, %dma_wait3A_1818] : memref<8192x100xi32, #tpu.memory_space<hbm>> -> memref<1x100xi32, #tpu.memory_space<hbm>>
        %dma_wait3A_1820 = tpu.memref_squeeze %dma_wait3A_1819 : memref<1x100xi32, #tpu.memory_space<hbm>> -> memref<100xi32, #tpu.memory_space<hbm>>
        %dma_wait3A_1821 = arith.constant 0 : i32
        %dma_wait3A_1822 = tpu.memref_slice %arg6[%dma_wait3A_1814, %dma_wait3A_1821] : memref<8x100xi32, #tpu.memory_space<vmem>> -> memref<1x100xi32, #tpu.memory_space<vmem>>
        %dma_wait3A_1823 = tpu.memref_squeeze %dma_wait3A_1822 : memref<1x100xi32, #tpu.memory_space<vmem>> -> memref<100xi32, #tpu.memory_space<vmem>>
        %dma_wait3A_1824 = arith.constant 0 : i32
        %dma_wait3A_1825 = tpu.memref_slice %arg2[%dma_wait3A_1813, %dma_wait3A_1824] : memref<8192x100xi32, #tpu.memory_space<hbm>> -> memref<1x100xi32, #tpu.memory_space<hbm>>
        %dma_wait3A_1826 = tpu.memref_squeeze %dma_wait3A_1825 : memref<1x100xi32, #tpu.memory_space<hbm>> -> memref<100xi32, #tpu.memory_space<hbm>>
        tpu.wait_dma2 semaphore(%arg10 : memref<!tpu.dma_semaphore, #tpu.memory_space<semaphore_mem>>) src(%dma_wait3A_1826 : memref<100xi32, #tpu.memory_space<hbm>>) dst(%dma_wait3A_1823 : memref<100xi32, #tpu.memory_space<vmem>>)
        %dma_start3A_1827 = arith.constant 3 : i32
        %dma_start3A_1828 = arith.constant 3 : i32
        %dma_start3A_1829 = arith.constant 0 : i32
        %dma_start3A_1830 = arith.constant 0 : i32
        %dma_start3A_1831 = tpu.memref_slice %arg8[%dma_start3A_1828, %dma_start3A_1829, %dma_start3A_1830] : memref<8x100x64xf32, #tpu.memory_space<vmem>> -> memref<1x100x64xf32, #tpu.memory_space<vmem>>
        %dma_start3A_1832 = tpu.memref_squeeze %dma_start3A_1831 : memref<1x100x64xf32, #tpu.memory_space<vmem>> -> memref<100x64xf32, #tpu.memory_space<vmem>>
        %dma_start3A_1833 = arith.constant 0 : i32
        %dma_start3A_1834 = tpu.memref_slice %arg6[%dma_start3A_1827, %dma_start3A_1833] : memref<8x100xi32, #tpu.memory_space<vmem>> -> memref<1x100xi32, #tpu.memory_space<vmem>>
        %dma_start3A_1835 = tpu.memref_squeeze %dma_start3A_1834 : memref<1x100xi32, #tpu.memory_space<vmem>> -> memref<100xi32, #tpu.memory_space<vmem>>
        %dma_start3A_1836 = arith.constant 0 : i32
        %dma_start3A_1837 = arith.constant 0 : i32
        %dma_start3A_1838 = tpu.memref_slice %arg3[%dma_start3A_1836, %dma_start3A_1837] : memref<2000000x64xf32, #tpu.memory_space<hbm>> -> memref<2000000x64xf32, #tpu.memory_space<hbm>>
        tpu.enqueue_indirect_dma source(%dma_start3A_1838 : memref<2000000x64xf32, #tpu.memory_space<hbm>>) target(%dma_start3A_1832 : memref<100x64xf32, #tpu.memory_space<vmem>>) offsets(%dma_start3A_1835 : memref<100xi32, #tpu.memory_space<vmem>>) semaphore(%arg12 : memref<!tpu.dma_semaphore, #tpu.memory_space<semaphore_mem>>)
        %dma_wait3A_1839 = arith.constant 0 : i32
        %dma_wait3A_1840 = arith.constant 0 : i32
        %dma_wait3A_1841 = arith.constant 0 : i32
        %dma_wait3A_1842 = tpu.memref_slice %arg8[%dma_wait3A_1839, %dma_wait3A_1840, %dma_wait3A_1841] : memref<8x100x64xf32, #tpu.memory_space<vmem>> -> memref<1x100x64xf32, #tpu.memory_space<vmem>>
        %dma_wait3A_1843 = tpu.memref_squeeze %dma_wait3A_1842 : memref<1x100x64xf32, #tpu.memory_space<vmem>> -> memref<100x64xf32, #tpu.memory_space<vmem>>
        %dma_wait3A_1844 = arith.constant 0 : i32
        %dma_wait3A_1845 = arith.constant 0 : i32
        %dma_wait3A_1846 = tpu.memref_slice %arg4[%dma_wait3A_1844, %dma_wait3A_1845] : memref<819200x128xf32, #tpu.memory_space<hbm>> -> memref<100x64xf32, #tpu.memory_space<hbm>>
        %dma_wait3A_1847 = arith.constant 0 : i32
        %dma_wait3A_1848 = arith.constant 0 : i32
        %dma_wait3A_1849 = tpu.memref_slice %arg8[%dma_wait3A_1839, %dma_wait3A_1847, %dma_wait3A_1848] : memref<8x100x64xf32, #tpu.memory_space<vmem>> -> memref<1x100x64xf32, #tpu.memory_space<vmem>>
        %dma_wait3A_1850 = tpu.memref_squeeze %dma_wait3A_1849 : memref<1x100x64xf32, #tpu.memory_space<vmem>> -> memref<100x64xf32, #tpu.memory_space<vmem>>
        %dma_wait3A_1851 = arith.constant 0 : i32
        %dma_wait3A_1852 = arith.constant 0 : i32
        %dma_wait3A_1853 = tpu.memref_slice %arg4[%dma_wait3A_1851, %dma_wait3A_1852] : memref<819200x128xf32, #tpu.memory_space<hbm>> -> memref<100x64xf32, #tpu.memory_space<hbm>>
        tpu.wait_dma2 semaphore(%arg14 : memref<!tpu.dma_semaphore, #tpu.memory_space<semaphore_mem>>) src(%dma_wait3A_1853 : memref<100x64xf32, #tpu.memory_space<hbm>>) dst(%dma_wait3A_1850 : memref<100x64xf32, #tpu.memory_space<vmem>>)
        %dma_wait3A_1854 = arith.constant 0 : i32
        %dma_wait3A_1855 = arith.constant 0 : i32
        %dma_wait3A_1856 = arith.constant 0 : i32
        %dma_wait3A_1857 = tpu.memref_slice %arg6[%dma_wait3A_1855, %dma_wait3A_1856] : memref<8x100xi32, #tpu.memory_space<vmem>> -> memref<1x100xi32, #tpu.memory_space<vmem>>
        %dma_wait3A_1858 = tpu.memref_squeeze %dma_wait3A_1857 : memref<1x100xi32, #tpu.memory_space<vmem>> -> memref<100xi32, #tpu.memory_space<vmem>>
        %dma_wait3A_1859 = arith.constant 0 : i32
        %dma_wait3A_1860 = tpu.memref_slice %arg2[%dma_wait3A_1854, %dma_wait3A_1859] : memref<8192x100xi32, #tpu.memory_space<hbm>> -> memref<1x100xi32, #tpu.memory_space<hbm>>
        %dma_wait3A_1861 = tpu.memref_squeeze %dma_wait3A_1860 : memref<1x100xi32, #tpu.memory_space<hbm>> -> memref<100xi32, #tpu.memory_space<hbm>>
        %dma_wait3A_1862 = arith.constant 0 : i32
        %dma_wait3A_1863 = tpu.memref_slice %arg6[%dma_wait3A_1855, %dma_wait3A_1862] : memref<8x100xi32, #tpu.memory_space<vmem>> -> memref<1x100xi32, #tpu.memory_space<vmem>>
        %dma_wait3A_1864 = tpu.memref_squeeze %dma_wait3A_1863 : memref<1x100xi32, #tpu.memory_space<vmem>> -> memref<100xi32, #tpu.memory_space<vmem>>
        %dma_wait3A_1865 = arith.constant 0 : i32
        %dma_wait3A_1866 = tpu.memref_slice %arg2[%dma_wait3A_1854, %dma_wait3A_1865] : memref<8192x100xi32, #tpu.memory_space<hbm>> -> memref<1x100xi32, #tpu.memory_space<hbm>>
        %dma_wait3A_1867 = tpu.memref_squeeze %dma_wait3A_1866 : memref<1x100xi32, #tpu.memory_space<hbm>> -> memref<100xi32, #tpu.memory_space<hbm>>
        tpu.wait_dma2 semaphore(%arg10 : memref<!tpu.dma_semaphore, #tpu.memory_space<semaphore_mem>>) src(%dma_wait3A_1867 : memref<100xi32, #tpu.memory_space<hbm>>) dst(%dma_wait3A_1864 : memref<100xi32, #tpu.memory_space<vmem>>)
        %dma_start3A_1868 = arith.constant 4 : i32
        %dma_start3A_1869 = arith.constant 4 : i32
        %dma_start3A_1870 = arith.constant 0 : i32
        %dma_start3A_1871 = arith.constant 0 : i32
        %dma_start3A_1872 = tpu.memref_slice %arg8[%dma_start3A_1869, %dma_start3A_1870, %dma_start3A_1871] : memref<8x100x64xf32, #tpu.memory_space<vmem>> -> memref<1x100x64xf32, #tpu.memory_space<vmem>>
        %dma_start3A_1873 = tpu.memref_squeeze %dma_start3A_1872 : memref<1x100x64xf32, #tpu.memory_space<vmem>> -> memref<100x64xf32, #tpu.memory_space<vmem>>
        %dma_start3A_1874 = arith.constant 0 : i32
        %dma_start3A_1875 = tpu.memref_slice %arg6[%dma_start3A_1868, %dma_start3A_1874] : memref<8x100xi32, #tpu.memory_space<vmem>> -> memref<1x100xi32, #tpu.memory_space<vmem>>
        %dma_start3A_1876 = tpu.memref_squeeze %dma_start3A_1875 : memref<1x100xi32, #tpu.memory_space<vmem>> -> memref<100xi32, #tpu.memory_space<vmem>>
        %dma_start3A_1877 = arith.constant 0 : i32
        %dma_start3A_1878 = arith.constant 0 : i32
        %dma_start3A_1879 = tpu.memref_slice %arg3[%dma_start3A_1877, %dma_start3A_1878] : memref<2000000x64xf32, #tpu.memory_space<hbm>> -> memref<2000000x64xf32, #tpu.memory_space<hbm>>
        tpu.enqueue_indirect_dma source(%dma_start3A_1879 : memref<2000000x64xf32, #tpu.memory_space<hbm>>) target(%dma_start3A_1873 : memref<100x64xf32, #tpu.memory_space<vmem>>) offsets(%dma_start3A_1876 : memref<100xi32, #tpu.memory_space<vmem>>) semaphore(%arg12 : memref<!tpu.dma_semaphore, #tpu.memory_space<semaphore_mem>>)
        %dma_wait3A_1880 = arith.constant 0 : i32
        %dma_wait3A_1881 = arith.constant 0 : i32
        %dma_wait3A_1882 = arith.constant 0 : i32
        %dma_wait3A_1883 = tpu.memref_slice %arg8[%dma_wait3A_1880, %dma_wait3A_1881, %dma_wait3A_1882] : memref<8x100x64xf32, #tpu.memory_space<vmem>> -> memref<1x100x64xf32, #tpu.memory_space<vmem>>
        %dma_wait3A_1884 = tpu.memref_squeeze %dma_wait3A_1883 : memref<1x100x64xf32, #tpu.memory_space<vmem>> -> memref<100x64xf32, #tpu.memory_space<vmem>>
        %dma_wait3A_1885 = arith.constant 0 : i32
        %dma_wait3A_1886 = arith.constant 0 : i32
        %dma_wait3A_1887 = tpu.memref_slice %arg4[%dma_wait3A_1885, %dma_wait3A_1886] : memref<819200x128xf32, #tpu.memory_space<hbm>> -> memref<100x64xf32, #tpu.memory_space<hbm>>
        %dma_wait3A_1888 = arith.constant 0 : i32
        %dma_wait3A_1889 = arith.constant 0 : i32
        %dma_wait3A_1890 = tpu.memref_slice %arg8[%dma_wait3A_1880, %dma_wait3A_1888, %dma_wait3A_1889] : memref<8x100x64xf32, #tpu.memory_space<vmem>> -> memref<1x100x64xf32, #tpu.memory_space<vmem>>
        %dma_wait3A_1891 = tpu.memref_squeeze %dma_wait3A_1890 : memref<1x100x64xf32, #tpu.memory_space<vmem>> -> memref<100x64xf32, #tpu.memory_space<vmem>>
        %dma_wait3A_1892 = arith.constant 0 : i32
        %dma_wait3A_1893 = arith.constant 0 : i32
        %dma_wait3A_1894 = tpu.memref_slice %arg4[%dma_wait3A_1892, %dma_wait3A_1893] : memref<819200x128xf32, #tpu.memory_space<hbm>> -> memref<100x64xf32, #tpu.memory_space<hbm>>
        tpu.wait_dma2 semaphore(%arg14 : memref<!tpu.dma_semaphore, #tpu.memory_space<semaphore_mem>>) src(%dma_wait3A_1894 : memref<100x64xf32, #tpu.memory_space<hbm>>) dst(%dma_wait3A_1891 : memref<100x64xf32, #tpu.memory_space<vmem>>)
        %dma_wait3A_1895 = arith.constant 0 : i32
        %dma_wait3A_1896 = arith.constant 0 : i32
        %dma_wait3A_1897 = arith.constant 0 : i32
        %dma_wait3A_1898 = tpu.memref_slice %arg6[%dma_wait3A_1896, %dma_wait3A_1897] : memref<8x100xi32, #tpu.memory_space<vmem>> -> memref<1x100xi32, #tpu.memory_space<vmem>>
        %dma_wait3A_1899 = tpu.memref_squeeze %dma_wait3A_1898 : memref<1x100xi32, #tpu.memory_space<vmem>> -> memref<100xi32, #tpu.memory_space<vmem>>
        %dma_wait3A_1900 = arith.constant 0 : i32
        %dma_wait3A_1901 = tpu.memref_slice %arg2[%dma_wait3A_1895, %dma_wait3A_1900] : memref<8192x100xi32, #tpu.memory_space<hbm>> -> memref<1x100xi32, #tpu.memory_space<hbm>>
        %dma_wait3A_1902 = tpu.memref_squeeze %dma_wait3A_1901 : memref<1x100xi32, #tpu.memory_space<hbm>> -> memref<100xi32, #tpu.memory_space<hbm>>
        %dma_wait3A_1903 = arith.constant 0 : i32
        %dma_wait3A_1904 = tpu.memref_slice %arg6[%dma_wait3A_1896, %dma_wait3A_1903] : memref<8x100xi32, #tpu.memory_space<vmem>> -> memref<1x100xi32, #tpu.memory_space<vmem>>
        %dma_wait3A_1905 = tpu.memref_squeeze %dma_wait3A_1904 : memref<1x100xi32, #tpu.memory_space<vmem>> -> memref<100xi32, #tpu.memory_space<vmem>>
        %dma_wait3A_1906 = arith.constant 0 : i32
        %dma_wait3A_1907 = tpu.memref_slice %arg2[%dma_wait3A_1895, %dma_wait3A_1906] : memref<8192x100xi32, #tpu.memory_space<hbm>> -> memref<1x100xi32, #tpu.memory_space<hbm>>
        %dma_wait3A_1908 = tpu.memref_squeeze %dma_wait3A_1907 : memref<1x100xi32, #tpu.memory_space<hbm>> -> memref<100xi32, #tpu.memory_space<hbm>>
        tpu.wait_dma2 semaphore(%arg10 : memref<!tpu.dma_semaphore, #tpu.memory_space<semaphore_mem>>) src(%dma_wait3A_1908 : memref<100xi32, #tpu.memory_space<hbm>>) dst(%dma_wait3A_1905 : memref<100xi32, #tpu.memory_space<vmem>>)
        %dma_start3A_1909 = arith.constant 5 : i32
        %dma_start3A_1910 = arith.constant 5 : i32
        %dma_start3A_1911 = arith.constant 0 : i32
        %dma_start3A_1912 = arith.constant 0 : i32
        %dma_start3A_1913 = tpu.memref_slice %arg8[%dma_start3A_1910, %dma_start3A_1911, %dma_start3A_1912] : memref<8x100x64xf32, #tpu.memory_space<vmem>> -> memref<1x100x64xf32, #tpu.memory_space<vmem>>
        %dma_start3A_1914 = tpu.memref_squeeze %dma_start3A_1913 : memref<1x100x64xf32, #tpu.memory_space<vmem>> -> memref<100x64xf32, #tpu.memory_space<vmem>>
        %dma_start3A_1915 = arith.constant 0 : i32
        %dma_start3A_1916 = tpu.memref_slice %arg6[%dma_start3A_1909, %dma_start3A_1915] : memref<8x100xi32, #tpu.memory_space<vmem>> -> memref<1x100xi32, #tpu.memory_space<vmem>>
        %dma_start3A_1917 = tpu.memref_squeeze %dma_start3A_1916 : memref<1x100xi32, #tpu.memory_space<vmem>> -> memref<100xi32, #tpu.memory_space<vmem>>
        %dma_start3A_1918 = arith.constant 0 : i32
        %dma_start3A_1919 = arith.constant 0 : i32
        %dma_start3A_1920 = tpu.memref_slice %arg3[%dma_start3A_1918, %dma_start3A_1919] : memref<2000000x64xf32, #tpu.memory_space<hbm>> -> memref<2000000x64xf32, #tpu.memory_space<hbm>>
        tpu.enqueue_indirect_dma source(%dma_start3A_1920 : memref<2000000x64xf32, #tpu.memory_space<hbm>>) target(%dma_start3A_1914 : memref<100x64xf32, #tpu.memory_space<vmem>>) offsets(%dma_start3A_1917 : memref<100xi32, #tpu.memory_space<vmem>>) semaphore(%arg12 : memref<!tpu.dma_semaphore, #tpu.memory_space<semaphore_mem>>)
        %dma_wait3A_1921 = arith.constant 0 : i32
        %dma_wait3A_1922 = arith.constant 0 : i32
        %dma_wait3A_1923 = arith.constant 0 : i32
        %dma_wait3A_1924 = tpu.memref_slice %arg8[%dma_wait3A_1921, %dma_wait3A_1922, %dma_wait3A_1923] : memref<8x100x64xf32, #tpu.memory_space<vmem>> -> memref<1x100x64xf32, #tpu.memory_space<vmem>>
        %dma_wait3A_1925 = tpu.memref_squeeze %dma_wait3A_1924 : memref<1x100x64xf32, #tpu.memory_space<vmem>> -> memref<100x64xf32, #tpu.memory_space<vmem>>
        %dma_wait3A_1926 = arith.constant 0 : i32
        %dma_wait3A_1927 = arith.constant 0 : i32
        %dma_wait3A_1928 = tpu.memref_slice %arg4[%dma_wait3A_1926, %dma_wait3A_1927] : memref<819200x128xf32, #tpu.memory_space<hbm>> -> memref<100x64xf32, #tpu.memory_space<hbm>>
        %dma_wait3A_1929 = arith.constant 0 : i32
        %dma_wait3A_1930 = arith.constant 0 : i32
        %dma_wait3A_1931 = tpu.memref_slice %arg8[%dma_wait3A_1921, %dma_wait3A_1929, %dma_wait3A_1930] : memref<8x100x64xf32, #tpu.memory_space<vmem>> -> memref<1x100x64xf32, #tpu.memory_space<vmem>>
        %dma_wait3A_1932 = tpu.memref_squeeze %dma_wait3A_1931 : memref<1x100x64xf32, #tpu.memory_space<vmem>> -> memref<100x64xf32, #tpu.memory_space<vmem>>
        %dma_wait3A_1933 = arith.constant 0 : i32
        %dma_wait3A_1934 = arith.constant 0 : i32
        %dma_wait3A_1935 = tpu.memref_slice %arg4[%dma_wait3A_1933, %dma_wait3A_1934] : memref<819200x128xf32, #tpu.memory_space<hbm>> -> memref<100x64xf32, #tpu.memory_space<hbm>>
        tpu.wait_dma2 semaphore(%arg14 : memref<!tpu.dma_semaphore, #tpu.memory_space<semaphore_mem>>) src(%dma_wait3A_1935 : memref<100x64xf32, #tpu.memory_space<hbm>>) dst(%dma_wait3A_1932 : memref<100x64xf32, #tpu.memory_space<vmem>>)
        %dma_wait3A_1936 = arith.constant 0 : i32
        %dma_wait3A_1937 = arith.constant 0 : i32
        %dma_wait3A_1938 = arith.constant 0 : i32
        %dma_wait3A_1939 = tpu.memref_slice %arg6[%dma_wait3A_1937, %dma_wait3A_1938] : memref<8x100xi32, #tpu.memory_space<vmem>> -> memref<1x100xi32, #tpu.memory_space<vmem>>
        %dma_wait3A_1940 = tpu.memref_squeeze %dma_wait3A_1939 : memref<1x100xi32, #tpu.memory_space<vmem>> -> memref<100xi32, #tpu.memory_space<vmem>>
        %dma_wait3A_1941 = arith.constant 0 : i32
        %dma_wait3A_1942 = tpu.memref_slice %arg2[%dma_wait3A_1936, %dma_wait3A_1941] : memref<8192x100xi32, #tpu.memory_space<hbm>> -> memref<1x100xi32, #tpu.memory_space<hbm>>
        %dma_wait3A_1943 = tpu.memref_squeeze %dma_wait3A_1942 : memref<1x100xi32, #tpu.memory_space<hbm>> -> memref<100xi32, #tpu.memory_space<hbm>>
        %dma_wait3A_1944 = arith.constant 0 : i32
        %dma_wait3A_1945 = tpu.memref_slice %arg6[%dma_wait3A_1937, %dma_wait3A_1944] : memref<8x100xi32, #tpu.memory_space<vmem>> -> memref<1x100xi32, #tpu.memory_space<vmem>>
        %dma_wait3A_1946 = tpu.memref_squeeze %dma_wait3A_1945 : memref<1x100xi32, #tpu.memory_space<vmem>> -> memref<100xi32, #tpu.memory_space<vmem>>
        %dma_wait3A_1947 = arith.constant 0 : i32
        %dma_wait3A_1948 = tpu.memref_slice %arg2[%dma_wait3A_1936, %dma_wait3A_1947] : memref<8192x100xi32, #tpu.memory_space<hbm>> -> memref<1x100xi32, #tpu.memory_space<hbm>>
        %dma_wait3A_1949 = tpu.memref_squeeze %dma_wait3A_1948 : memref<1x100xi32, #tpu.memory_space<hbm>> -> memref<100xi32, #tpu.memory_space<hbm>>
        tpu.wait_dma2 semaphore(%arg10 : memref<!tpu.dma_semaphore, #tpu.memory_space<semaphore_mem>>) src(%dma_wait3A_1949 : memref<100xi32, #tpu.memory_space<hbm>>) dst(%dma_wait3A_1946 : memref<100xi32, #tpu.memory_space<vmem>>)
        %dma_start3A_1950 = arith.constant 6 : i32
        %dma_start3A_1951 = arith.constant 6 : i32
        %dma_start3A_1952 = arith.constant 0 : i32
        %dma_start3A_1953 = arith.constant 0 : i32
        %dma_start3A_1954 = tpu.memref_slice %arg8[%dma_start3A_1951, %dma_start3A_1952, %dma_start3A_1953] : memref<8x100x64xf32, #tpu.memory_space<vmem>> -> memref<1x100x64xf32, #tpu.memory_space<vmem>>
        %dma_start3A_1955 = tpu.memref_squeeze %dma_start3A_1954 : memref<1x100x64xf32, #tpu.memory_space<vmem>> -> memref<100x64xf32, #tpu.memory_space<vmem>>
        %dma_start3A_1956 = arith.constant 0 : i32
        %dma_start3A_1957 = tpu.memref_slice %arg6[%dma_start3A_1950, %dma_start3A_1956] : memref<8x100xi32, #tpu.memory_space<vmem>> -> memref<1x100xi32, #tpu.memory_space<vmem>>
        %dma_start3A_1958 = tpu.memref_squeeze %dma_start3A_1957 : memref<1x100xi32, #tpu.memory_space<vmem>> -> memref<100xi32, #tpu.memory_space<vmem>>
        %dma_start3A_1959 = arith.constant 0 : i32
        %dma_start3A_1960 = arith.constant 0 : i32
        %dma_start3A_1961 = tpu.memref_slice %arg3[%dma_start3A_1959, %dma_start3A_1960] : memref<2000000x64xf32, #tpu.memory_space<hbm>> -> memref<2000000x64xf32, #tpu.memory_space<hbm>>
        tpu.enqueue_indirect_dma source(%dma_start3A_1961 : memref<2000000x64xf32, #tpu.memory_space<hbm>>) target(%dma_start3A_1955 : memref<100x64xf32, #tpu.memory_space<vmem>>) offsets(%dma_start3A_1958 : memref<100xi32, #tpu.memory_space<vmem>>) semaphore(%arg12 : memref<!tpu.dma_semaphore, #tpu.memory_space<semaphore_mem>>)
        %dma_wait3A_1962 = arith.constant 0 : i32
        %dma_wait3A_1963 = arith.constant 0 : i32
        %dma_wait3A_1964 = arith.constant 0 : i32
        %dma_wait3A_1965 = tpu.memref_slice %arg8[%dma_wait3A_1962, %dma_wait3A_1963, %dma_wait3A_1964] : memref<8x100x64xf32, #tpu.memory_space<vmem>> -> memref<1x100x64xf32, #tpu.memory_space<vmem>>
        %dma_wait3A_1966 = tpu.memref_squeeze %dma_wait3A_1965 : memref<1x100x64xf32, #tpu.memory_space<vmem>> -> memref<100x64xf32, #tpu.memory_space<vmem>>
        %dma_wait3A_1967 = arith.constant 0 : i32
        %dma_wait3A_1968 = arith.constant 0 : i32
        %dma_wait3A_1969 = tpu.memref_slice %arg4[%dma_wait3A_1967, %dma_wait3A_1968] : memref<819200x128xf32, #tpu.memory_space<hbm>> -> memref<100x64xf32, #tpu.memory_space<hbm>>
        %dma_wait3A_1970 = arith.constant 0 : i32
        %dma_wait3A_1971 = arith.constant 0 : i32
        %dma_wait3A_1972 = tpu.memref_slice %arg8[%dma_wait3A_1962, %dma_wait3A_1970, %dma_wait3A_1971] : memref<8x100x64xf32, #tpu.memory_space<vmem>> -> memref<1x100x64xf32, #tpu.memory_space<vmem>>
        %dma_wait3A_1973 = tpu.memref_squeeze %dma_wait3A_1972 : memref<1x100x64xf32, #tpu.memory_space<vmem>> -> memref<100x64xf32, #tpu.memory_space<vmem>>
        %dma_wait3A_1974 = arith.constant 0 : i32
        %dma_wait3A_1975 = arith.constant 0 : i32
        %dma_wait3A_1976 = tpu.memref_slice %arg4[%dma_wait3A_1974, %dma_wait3A_1975] : memref<819200x128xf32, #tpu.memory_space<hbm>> -> memref<100x64xf32, #tpu.memory_space<hbm>>
        tpu.wait_dma2 semaphore(%arg14 : memref<!tpu.dma_semaphore, #tpu.memory_space<semaphore_mem>>) src(%dma_wait3A_1976 : memref<100x64xf32, #tpu.memory_space<hbm>>) dst(%dma_wait3A_1973 : memref<100x64xf32, #tpu.memory_space<vmem>>)
        %dma_wait3A_1977 = arith.constant 0 : i32
        %dma_wait3A_1978 = arith.constant 0 : i32
        %dma_wait3A_1979 = arith.constant 0 : i32
        %dma_wait3A_1980 = tpu.memref_slice %arg6[%dma_wait3A_1978, %dma_wait3A_1979] : memref<8x100xi32, #tpu.memory_space<vmem>> -> memref<1x100xi32, #tpu.memory_space<vmem>>
        %dma_wait3A_1981 = tpu.memref_squeeze %dma_wait3A_1980 : memref<1x100xi32, #tpu.memory_space<vmem>> -> memref<100xi32, #tpu.memory_space<vmem>>
        %dma_wait3A_1982 = arith.constant 0 : i32
        %dma_wait3A_1983 = tpu.memref_slice %arg2[%dma_wait3A_1977, %dma_wait3A_1982] : memref<8192x100xi32, #tpu.memory_space<hbm>> -> memref<1x100xi32, #tpu.memory_space<hbm>>
        %dma_wait3A_1984 = tpu.memref_squeeze %dma_wait3A_1983 : memref<1x100xi32, #tpu.memory_space<hbm>> -> memref<100xi32, #tpu.memory_space<hbm>>
        %dma_wait3A_1985 = arith.constant 0 : i32
        %dma_wait3A_1986 = tpu.memref_slice %arg6[%dma_wait3A_1978, %dma_wait3A_1985] : memref<8x100xi32, #tpu.memory_space<vmem>> -> memref<1x100xi32, #tpu.memory_space<vmem>>
        %dma_wait3A_1987 = tpu.memref_squeeze %dma_wait3A_1986 : memref<1x100xi32, #tpu.memory_space<vmem>> -> memref<100xi32, #tpu.memory_space<vmem>>
        %dma_wait3A_1988 = arith.constant 0 : i32
        %dma_wait3A_1989 = tpu.memref_slice %arg2[%dma_wait3A_1977, %dma_wait3A_1988] : memref<8192x100xi32, #tpu.memory_space<hbm>> -> memref<1x100xi32, #tpu.memory_space<hbm>>
        %dma_wait3A_1990 = tpu.memref_squeeze %dma_wait3A_1989 : memref<1x100xi32, #tpu.memory_space<hbm>> -> memref<100xi32, #tpu.memory_space<hbm>>
        tpu.wait_dma2 semaphore(%arg10 : memref<!tpu.dma_semaphore, #tpu.memory_space<semaphore_mem>>) src(%dma_wait3A_1990 : memref<100xi32, #tpu.memory_space<hbm>>) dst(%dma_wait3A_1987 : memref<100xi32, #tpu.memory_space<vmem>>)
        %dma_start3A_1991 = arith.constant 7 : i32
        %dma_start3A_1992 = arith.constant 7 : i32
        %dma_start3A_1993 = arith.constant 0 : i32
        %dma_start3A_1994 = arith.constant 0 : i32
        %dma_start3A_1995 = tpu.memref_slice %arg8[%dma_start3A_1992, %dma_start3A_1993, %dma_start3A_1994] : memref<8x100x64xf32, #tpu.memory_space<vmem>> -> memref<1x100x64xf32, #tpu.memory_space<vmem>>
        %dma_start3A_1996 = tpu.memref_squeeze %dma_start3A_1995 : memref<1x100x64xf32, #tpu.memory_space<vmem>> -> memref<100x64xf32, #tpu.memory_space<vmem>>
        %dma_start3A_1997 = arith.constant 0 : i32
        %dma_start3A_1998 = tpu.memref_slice %arg6[%dma_start3A_1991, %dma_start3A_1997] : memref<8x100xi32, #tpu.memory_space<vmem>> -> memref<1x100xi32, #tpu.memory_space<vmem>>
        %dma_start3A_1999 = tpu.memref_squeeze %dma_start3A_1998 : memref<1x100xi32, #tpu.memory_space<vmem>> -> memref<100xi32, #tpu.memory_space<vmem>>
        %dma_start3A_2000 = arith.constant 0 : i32
        %dma_start3A_2001 = arith.constant 0 : i32
        %dma_start3A_2002 = tpu.memref_slice %arg3[%dma_start3A_2000, %dma_start3A_2001] : memref<2000000x64xf32, #tpu.memory_space<hbm>> -> memref<2000000x64xf32, #tpu.memory_space<hbm>>
        tpu.enqueue_indirect_dma source(%dma_start3A_2002 : memref<2000000x64xf32, #tpu.memory_space<hbm>>) target(%dma_start3A_1996 : memref<100x64xf32, #tpu.memory_space<vmem>>) offsets(%dma_start3A_1999 : memref<100xi32, #tpu.memory_space<vmem>>) semaphore(%arg12 : memref<!tpu.dma_semaphore, #tpu.memory_space<semaphore_mem>>)
      } else {
      }
      %scan3A_1514 = arith.constant 0 : i32
      scf.yield %scan3A_1514 : i32
    }
    %scan3A_694 = arith.constant 16 : i32
    %dma_wait3A_695 = arith.constant 0 : i32
    %dma_wait3A_696 = arith.constant 0 : i32
    %dma_wait3A_697 = arith.constant 0 : i32
    %dma_wait3A_698 = tpu.memref_slice %arg7[%dma_wait3A_695, %dma_wait3A_696, %dma_wait3A_697] : memref<8x100x64xf32, #tpu.memory_space<vmem>> -> memref<1x100x64xf32, #tpu.memory_space<vmem>>
    %dma_wait3A_699 = tpu.memref_squeeze %dma_wait3A_698 : memref<1x100x64xf32, #tpu.memory_space<vmem>> -> memref<100x64xf32, #tpu.memory_space<vmem>>
    %dma_wait3A_700 = arith.constant 0 : i32
    %dma_wait3A_701 = arith.constant 0 : i32
    %dma_wait3A_702 = tpu.memref_slice %arg4[%dma_wait3A_700, %dma_wait3A_701] : memref<819200x128xf32, #tpu.memory_space<hbm>> -> memref<100x64xf32, #tpu.memory_space<hbm>>
    %dma_wait3A_703 = arith.constant 0 : i32
    %dma_wait3A_704 = arith.constant 0 : i32
    %dma_wait3A_705 = tpu.memref_slice %arg7[%dma_wait3A_695, %dma_wait3A_703, %dma_wait3A_704] : memref<8x100x64xf32, #tpu.memory_space<vmem>> -> memref<1x100x64xf32, #tpu.memory_space<vmem>>
    %dma_wait3A_706 = tpu.memref_squeeze %dma_wait3A_705 : memref<1x100x64xf32, #tpu.memory_space<vmem>> -> memref<100x64xf32, #tpu.memory_space<vmem>>
    %dma_wait3A_707 = arith.constant 0 : i32
    %dma_wait3A_708 = arith.constant 0 : i32
    %dma_wait3A_709 = tpu.memref_slice %arg4[%dma_wait3A_707, %dma_wait3A_708] : memref<819200x128xf32, #tpu.memory_space<hbm>> -> memref<100x64xf32, #tpu.memory_space<hbm>>
    tpu.wait_dma2 semaphore(%arg13 : memref<!tpu.dma_semaphore, #tpu.memory_space<semaphore_mem>>) src(%dma_wait3A_709 : memref<100x64xf32, #tpu.memory_space<hbm>>) dst(%dma_wait3A_706 : memref<100x64xf32, #tpu.memory_space<vmem>>)
    %dma_wait3A_710 = arith.constant 0 : i32
    %dma_wait3A_711 = arith.constant 0 : i32
    %dma_wait3A_712 = arith.constant 0 : i32
    %dma_wait3A_713 = tpu.memref_slice %arg8[%dma_wait3A_710, %dma_wait3A_711, %dma_wait3A_712] : memref<8x100x64xf32, #tpu.memory_space<vmem>> -> memref<1x100x64xf32, #tpu.memory_space<vmem>>
    %dma_wait3A_714 = tpu.memref_squeeze %dma_wait3A_713 : memref<1x100x64xf32, #tpu.memory_space<vmem>> -> memref<100x64xf32, #tpu.memory_space<vmem>>
    %dma_wait3A_715 = arith.constant 0 : i32
    %dma_wait3A_716 = arith.constant 0 : i32
    %dma_wait3A_717 = tpu.memref_slice %arg4[%dma_wait3A_715, %dma_wait3A_716] : memref<819200x128xf32, #tpu.memory_space<hbm>> -> memref<100x64xf32, #tpu.memory_space<hbm>>
    %dma_wait3A_718 = arith.constant 0 : i32
    %dma_wait3A_719 = arith.constant 0 : i32
    %dma_wait3A_720 = tpu.memref_slice %arg8[%dma_wait3A_710, %dma_wait3A_718, %dma_wait3A_719] : memref<8x100x64xf32, #tpu.memory_space<vmem>> -> memref<1x100x64xf32, #tpu.memory_space<vmem>>
    %dma_wait3A_721 = tpu.memref_squeeze %dma_wait3A_720 : memref<1x100x64xf32, #tpu.memory_space<vmem>> -> memref<100x64xf32, #tpu.memory_space<vmem>>
    %dma_wait3A_722 = arith.constant 0 : i32
    %dma_wait3A_723 = arith.constant 0 : i32
    %dma_wait3A_724 = tpu.memref_slice %arg4[%dma_wait3A_722, %dma_wait3A_723] : memref<819200x128xf32, #tpu.memory_space<hbm>> -> memref<100x64xf32, #tpu.memory_space<hbm>>
    tpu.wait_dma2 semaphore(%arg14 : memref<!tpu.dma_semaphore, #tpu.memory_space<semaphore_mem>>) src(%dma_wait3A_724 : memref<100x64xf32, #tpu.memory_space<hbm>>) dst(%dma_wait3A_721 : memref<100x64xf32, #tpu.memory_space<vmem>>)
    %dma_wait3A_725 = arith.constant 0 : i32
    %dma_wait3A_726 = arith.constant 0 : i32
    %dma_wait3A_727 = arith.constant 0 : i32
    %dma_wait3A_728 = tpu.memref_slice %arg7[%dma_wait3A_725, %dma_wait3A_726, %dma_wait3A_727] : memref<8x100x64xf32, #tpu.memory_space<vmem>> -> memref<1x100x64xf32, #tpu.memory_space<vmem>>
    %dma_wait3A_729 = tpu.memref_squeeze %dma_wait3A_728 : memref<1x100x64xf32, #tpu.memory_space<vmem>> -> memref<100x64xf32, #tpu.memory_space<vmem>>
    %dma_wait3A_730 = arith.constant 0 : i32
    %dma_wait3A_731 = arith.constant 0 : i32
    %dma_wait3A_732 = tpu.memref_slice %arg4[%dma_wait3A_730, %dma_wait3A_731] : memref<819200x128xf32, #tpu.memory_space<hbm>> -> memref<100x64xf32, #tpu.memory_space<hbm>>
    %dma_wait3A_733 = arith.constant 0 : i32
    %dma_wait3A_734 = arith.constant 0 : i32
    %dma_wait3A_735 = tpu.memref_slice %arg7[%dma_wait3A_725, %dma_wait3A_733, %dma_wait3A_734] : memref<8x100x64xf32, #tpu.memory_space<vmem>> -> memref<1x100x64xf32, #tpu.memory_space<vmem>>
    %dma_wait3A_736 = tpu.memref_squeeze %dma_wait3A_735 : memref<1x100x64xf32, #tpu.memory_space<vmem>> -> memref<100x64xf32, #tpu.memory_space<vmem>>
    %dma_wait3A_737 = arith.constant 0 : i32
    %dma_wait3A_738 = arith.constant 0 : i32
    %dma_wait3A_739 = tpu.memref_slice %arg4[%dma_wait3A_737, %dma_wait3A_738] : memref<819200x128xf32, #tpu.memory_space<hbm>> -> memref<100x64xf32, #tpu.memory_space<hbm>>
    tpu.wait_dma2 semaphore(%arg13 : memref<!tpu.dma_semaphore, #tpu.memory_space<semaphore_mem>>) src(%dma_wait3A_739 : memref<100x64xf32, #tpu.memory_space<hbm>>) dst(%dma_wait3A_736 : memref<100x64xf32, #tpu.memory_space<vmem>>)
    %dma_wait3A_740 = arith.constant 0 : i32
    %dma_wait3A_741 = arith.constant 0 : i32
    %dma_wait3A_742 = arith.constant 0 : i32
    %dma_wait3A_743 = tpu.memref_slice %arg8[%dma_wait3A_740, %dma_wait3A_741, %dma_wait3A_742] : memref<8x100x64xf32, #tpu.memory_space<vmem>> -> memref<1x100x64xf32, #tpu.memory_space<vmem>>
    %dma_wait3A_744 = tpu.memref_squeeze %dma_wait3A_743 : memref<1x100x64xf32, #tpu.memory_space<vmem>> -> memref<100x64xf32, #tpu.memory_space<vmem>>
    %dma_wait3A_745 = arith.constant 0 : i32
    %dma_wait3A_746 = arith.constant 0 : i32
    %dma_wait3A_747 = tpu.memref_slice %arg4[%dma_wait3A_745, %dma_wait3A_746] : memref<819200x128xf32, #tpu.memory_space<hbm>> -> memref<100x64xf32, #tpu.memory_space<hbm>>
    %dma_wait3A_748 = arith.constant 0 : i32
    %dma_wait3A_749 = arith.constant 0 : i32
    %dma_wait3A_750 = tpu.memref_slice %arg8[%dma_wait3A_740, %dma_wait3A_748, %dma_wait3A_749] : memref<8x100x64xf32, #tpu.memory_space<vmem>> -> memref<1x100x64xf32, #tpu.memory_space<vmem>>
    %dma_wait3A_751 = tpu.memref_squeeze %dma_wait3A_750 : memref<1x100x64xf32, #tpu.memory_space<vmem>> -> memref<100x64xf32, #tpu.memory_space<vmem>>
    %dma_wait3A_752 = arith.constant 0 : i32
    %dma_wait3A_753 = arith.constant 0 : i32
    %dma_wait3A_754 = tpu.memref_slice %arg4[%dma_wait3A_752, %dma_wait3A_753] : memref<819200x128xf32, #tpu.memory_space<hbm>> -> memref<100x64xf32, #tpu.memory_space<hbm>>
    tpu.wait_dma2 semaphore(%arg14 : memref<!tpu.dma_semaphore, #tpu.memory_space<semaphore_mem>>) src(%dma_wait3A_754 : memref<100x64xf32, #tpu.memory_space<hbm>>) dst(%dma_wait3A_751 : memref<100x64xf32, #tpu.memory_space<vmem>>)
    %dma_wait3A_755 = arith.constant 0 : i32
    %dma_wait3A_756 = arith.constant 0 : i32
    %dma_wait3A_757 = arith.constant 0 : i32
    %dma_wait3A_758 = tpu.memref_slice %arg7[%dma_wait3A_755, %dma_wait3A_756, %dma_wait3A_757] : memref<8x100x64xf32, #tpu.memory_space<vmem>> -> memref<1x100x64xf32, #tpu.memory_space<vmem>>
    %dma_wait3A_759 = tpu.memref_squeeze %dma_wait3A_758 : memref<1x100x64xf32, #tpu.memory_space<vmem>> -> memref<100x64xf32, #tpu.memory_space<vmem>>
    %dma_wait3A_760 = arith.constant 0 : i32
    %dma_wait3A_761 = arith.constant 0 : i32
    %dma_wait3A_762 = tpu.memref_slice %arg4[%dma_wait3A_760, %dma_wait3A_761] : memref<819200x128xf32, #tpu.memory_space<hbm>> -> memref<100x64xf32, #tpu.memory_space<hbm>>
    %dma_wait3A_763 = arith.constant 0 : i32
    %dma_wait3A_764 = arith.constant 0 : i32
    %dma_wait3A_765 = tpu.memref_slice %arg7[%dma_wait3A_755, %dma_wait3A_763, %dma_wait3A_764] : memref<8x100x64xf32, #tpu.memory_space<vmem>> -> memref<1x100x64xf32, #tpu.memory_space<vmem>>
    %dma_wait3A_766 = tpu.memref_squeeze %dma_wait3A_765 : memref<1x100x64xf32, #tpu.memory_space<vmem>> -> memref<100x64xf32, #tpu.memory_space<vmem>>
    %dma_wait3A_767 = arith.constant 0 : i32
    %dma_wait3A_768 = arith.constant 0 : i32
    %dma_wait3A_769 = tpu.memref_slice %arg4[%dma_wait3A_767, %dma_wait3A_768] : memref<819200x128xf32, #tpu.memory_space<hbm>> -> memref<100x64xf32, #tpu.memory_space<hbm>>
    tpu.wait_dma2 semaphore(%arg13 : memref<!tpu.dma_semaphore, #tpu.memory_space<semaphore_mem>>) src(%dma_wait3A_769 : memref<100x64xf32, #tpu.memory_space<hbm>>) dst(%dma_wait3A_766 : memref<100x64xf32, #tpu.memory_space<vmem>>)
    %dma_wait3A_770 = arith.constant 0 : i32
    %dma_wait3A_771 = arith.constant 0 : i32
    %dma_wait3A_772 = arith.constant 0 : i32
    %dma_wait3A_773 = tpu.memref_slice %arg8[%dma_wait3A_770, %dma_wait3A_771, %dma_wait3A_772] : memref<8x100x64xf32, #tpu.memory_space<vmem>> -> memref<1x100x64xf32, #tpu.memory_space<vmem>>
    %dma_wait3A_774 = tpu.memref_squeeze %dma_wait3A_773 : memref<1x100x64xf32, #tpu.memory_space<vmem>> -> memref<100x64xf32, #tpu.memory_space<vmem>>
    %dma_wait3A_775 = arith.constant 0 : i32
    %dma_wait3A_776 = arith.constant 0 : i32
    %dma_wait3A_777 = tpu.memref_slice %arg4[%dma_wait3A_775, %dma_wait3A_776] : memref<819200x128xf32, #tpu.memory_space<hbm>> -> memref<100x64xf32, #tpu.memory_space<hbm>>
    %dma_wait3A_778 = arith.constant 0 : i32
    %dma_wait3A_779 = arith.constant 0 : i32
    %dma_wait3A_780 = tpu.memref_slice %arg8[%dma_wait3A_770, %dma_wait3A_778, %dma_wait3A_779] : memref<8x100x64xf32, #tpu.memory_space<vmem>> -> memref<1x100x64xf32, #tpu.memory_space<vmem>>
    %dma_wait3A_781 = tpu.memref_squeeze %dma_wait3A_780 : memref<1x100x64xf32, #tpu.memory_space<vmem>> -> memref<100x64xf32, #tpu.memory_space<vmem>>
    %dma_wait3A_782 = arith.constant 0 : i32
    %dma_wait3A_783 = arith.constant 0 : i32
    %dma_wait3A_784 = tpu.memref_slice %arg4[%dma_wait3A_782, %dma_wait3A_783] : memref<819200x128xf32, #tpu.memory_space<hbm>> -> memref<100x64xf32, #tpu.memory_space<hbm>>
    tpu.wait_dma2 semaphore(%arg14 : memref<!tpu.dma_semaphore, #tpu.memory_space<semaphore_mem>>) src(%dma_wait3A_784 : memref<100x64xf32, #tpu.memory_space<hbm>>) dst(%dma_wait3A_781 : memref<100x64xf32, #tpu.memory_space<vmem>>)
    %dma_wait3A_785 = arith.constant 0 : i32
    %dma_wait3A_786 = arith.constant 0 : i32
    %dma_wait3A_787 = arith.constant 0 : i32
    %dma_wait3A_788 = tpu.memref_slice %arg7[%dma_wait3A_785, %dma_wait3A_786, %dma_wait3A_787] : memref<8x100x64xf32, #tpu.memory_space<vmem>> -> memref<1x100x64xf32, #tpu.memory_space<vmem>>
    %dma_wait3A_789 = tpu.memref_squeeze %dma_wait3A_788 : memref<1x100x64xf32, #tpu.memory_space<vmem>> -> memref<100x64xf32, #tpu.memory_space<vmem>>
    %dma_wait3A_790 = arith.constant 0 : i32
    %dma_wait3A_791 = arith.constant 0 : i32
    %dma_wait3A_792 = tpu.memref_slice %arg4[%dma_wait3A_790, %dma_wait3A_791] : memref<819200x128xf32, #tpu.memory_space<hbm>> -> memref<100x64xf32, #tpu.memory_space<hbm>>
    %dma_wait3A_793 = arith.constant 0 : i32
    %dma_wait3A_794 = arith.constant 0 : i32
    %dma_wait3A_795 = tpu.memref_slice %arg7[%dma_wait3A_785, %dma_wait3A_793, %dma_wait3A_794] : memref<8x100x64xf32, #tpu.memory_space<vmem>> -> memref<1x100x64xf32, #tpu.memory_space<vmem>>
    %dma_wait3A_796 = tpu.memref_squeeze %dma_wait3A_795 : memref<1x100x64xf32, #tpu.memory_space<vmem>> -> memref<100x64xf32, #tpu.memory_space<vmem>>
    %dma_wait3A_797 = arith.constant 0 : i32
    %dma_wait3A_798 = arith.constant 0 : i32
    %dma_wait3A_799 = tpu.memref_slice %arg4[%dma_wait3A_797, %dma_wait3A_798] : memref<819200x128xf32, #tpu.memory_space<hbm>> -> memref<100x64xf32, #tpu.memory_space<hbm>>
    tpu.wait_dma2 semaphore(%arg13 : memref<!tpu.dma_semaphore, #tpu.memory_space<semaphore_mem>>) src(%dma_wait3A_799 : memref<100x64xf32, #tpu.memory_space<hbm>>) dst(%dma_wait3A_796 : memref<100x64xf32, #tpu.memory_space<vmem>>)
    %dma_wait3A_800 = arith.constant 0 : i32
    %dma_wait3A_801 = arith.constant 0 : i32
    %dma_wait3A_802 = arith.constant 0 : i32
    %dma_wait3A_803 = tpu.memref_slice %arg8[%dma_wait3A_800, %dma_wait3A_801, %dma_wait3A_802] : memref<8x100x64xf32, #tpu.memory_space<vmem>> -> memref<1x100x64xf32, #tpu.memory_space<vmem>>
    %dma_wait3A_804 = tpu.memref_squeeze %dma_wait3A_803 : memref<1x100x64xf32, #tpu.memory_space<vmem>> -> memref<100x64xf32, #tpu.memory_space<vmem>>
    %dma_wait3A_805 = arith.constant 0 : i32
    %dma_wait3A_806 = arith.constant 0 : i32
    %dma_wait3A_807 = tpu.memref_slice %arg4[%dma_wait3A_805, %dma_wait3A_806] : memref<819200x128xf32, #tpu.memory_space<hbm>> -> memref<100x64xf32, #tpu.memory_space<hbm>>
    %dma_wait3A_808 = arith.constant 0 : i32
    %dma_wait3A_809 = arith.constant 0 : i32
    %dma_wait3A_810 = tpu.memref_slice %arg8[%dma_wait3A_800, %dma_wait3A_808, %dma_wait3A_809] : memref<8x100x64xf32, #tpu.memory_space<vmem>> -> memref<1x100x64xf32, #tpu.memory_space<vmem>>
    %dma_wait3A_811 = tpu.memref_squeeze %dma_wait3A_810 : memref<1x100x64xf32, #tpu.memory_space<vmem>> -> memref<100x64xf32, #tpu.memory_space<vmem>>
    %dma_wait3A_812 = arith.constant 0 : i32
    %dma_wait3A_813 = arith.constant 0 : i32
    %dma_wait3A_814 = tpu.memref_slice %arg4[%dma_wait3A_812, %dma_wait3A_813] : memref<819200x128xf32, #tpu.memory_space<hbm>> -> memref<100x64xf32, #tpu.memory_space<hbm>>
    tpu.wait_dma2 semaphore(%arg14 : memref<!tpu.dma_semaphore, #tpu.memory_space<semaphore_mem>>) src(%dma_wait3A_814 : memref<100x64xf32, #tpu.memory_space<hbm>>) dst(%dma_wait3A_811 : memref<100x64xf32, #tpu.memory_space<vmem>>)
    %dma_wait3A_815 = arith.constant 0 : i32
    %dma_wait3A_816 = arith.constant 0 : i32
    %dma_wait3A_817 = arith.constant 0 : i32
    %dma_wait3A_818 = tpu.memref_slice %arg7[%dma_wait3A_815, %dma_wait3A_816, %dma_wait3A_817] : memref<8x100x64xf32, #tpu.memory_space<vmem>> -> memref<1x100x64xf32, #tpu.memory_space<vmem>>
    %dma_wait3A_819 = tpu.memref_squeeze %dma_wait3A_818 : memref<1x100x64xf32, #tpu.memory_space<vmem>> -> memref<100x64xf32, #tpu.memory_space<vmem>>
    %dma_wait3A_820 = arith.constant 0 : i32
    %dma_wait3A_821 = arith.constant 0 : i32
    %dma_wait3A_822 = tpu.memref_slice %arg4[%dma_wait3A_820, %dma_wait3A_821] : memref<819200x128xf32, #tpu.memory_space<hbm>> -> memref<100x64xf32, #tpu.memory_space<hbm>>
    %dma_wait3A_823 = arith.constant 0 : i32
    %dma_wait3A_824 = arith.constant 0 : i32
    %dma_wait3A_825 = tpu.memref_slice %arg7[%dma_wait3A_815, %dma_wait3A_823, %dma_wait3A_824] : memref<8x100x64xf32, #tpu.memory_space<vmem>> -> memref<1x100x64xf32, #tpu.memory_space<vmem>>
    %dma_wait3A_826 = tpu.memref_squeeze %dma_wait3A_825 : memref<1x100x64xf32, #tpu.memory_space<vmem>> -> memref<100x64xf32, #tpu.memory_space<vmem>>
    %dma_wait3A_827 = arith.constant 0 : i32
    %dma_wait3A_828 = arith.constant 0 : i32
    %dma_wait3A_829 = tpu.memref_slice %arg4[%dma_wait3A_827, %dma_wait3A_828] : memref<819200x128xf32, #tpu.memory_space<hbm>> -> memref<100x64xf32, #tpu.memory_space<hbm>>
    tpu.wait_dma2 semaphore(%arg13 : memref<!tpu.dma_semaphore, #tpu.memory_space<semaphore_mem>>) src(%dma_wait3A_829 : memref<100x64xf32, #tpu.memory_space<hbm>>) dst(%dma_wait3A_826 : memref<100x64xf32, #tpu.memory_space<vmem>>)
    %dma_wait3A_830 = arith.constant 0 : i32
    %dma_wait3A_831 = arith.constant 0 : i32
    %dma_wait3A_832 = arith.constant 0 : i32
    %dma_wait3A_833 = tpu.memref_slice %arg8[%dma_wait3A_830, %dma_wait3A_831, %dma_wait3A_832] : memref<8x100x64xf32, #tpu.memory_space<vmem>> -> memref<1x100x64xf32, #tpu.memory_space<vmem>>
    %dma_wait3A_834 = tpu.memref_squeeze %dma_wait3A_833 : memref<1x100x64xf32, #tpu.memory_space<vmem>> -> memref<100x64xf32, #tpu.memory_space<vmem>>
    %dma_wait3A_835 = arith.constant 0 : i32
    %dma_wait3A_836 = arith.constant 0 : i32
    %dma_wait3A_837 = tpu.memref_slice %arg4[%dma_wait3A_835, %dma_wait3A_836] : memref<819200x128xf32, #tpu.memory_space<hbm>> -> memref<100x64xf32, #tpu.memory_space<hbm>>
    %dma_wait3A_838 = arith.constant 0 : i32
    %dma_wait3A_839 = arith.constant 0 : i32
    %dma_wait3A_840 = tpu.memref_slice %arg8[%dma_wait3A_830, %dma_wait3A_838, %dma_wait3A_839] : memref<8x100x64xf32, #tpu.memory_space<vmem>> -> memref<1x100x64xf32, #tpu.memory_space<vmem>>
    %dma_wait3A_841 = tpu.memref_squeeze %dma_wait3A_840 : memref<1x100x64xf32, #tpu.memory_space<vmem>> -> memref<100x64xf32, #tpu.memory_space<vmem>>
    %dma_wait3A_842 = arith.constant 0 : i32
    %dma_wait3A_843 = arith.constant 0 : i32
    %dma_wait3A_844 = tpu.memref_slice %arg4[%dma_wait3A_842, %dma_wait3A_843] : memref<819200x128xf32, #tpu.memory_space<hbm>> -> memref<100x64xf32, #tpu.memory_space<hbm>>
    tpu.wait_dma2 semaphore(%arg14 : memref<!tpu.dma_semaphore, #tpu.memory_space<semaphore_mem>>) src(%dma_wait3A_844 : memref<100x64xf32, #tpu.memory_space<hbm>>) dst(%dma_wait3A_841 : memref<100x64xf32, #tpu.memory_space<vmem>>)
    %dma_wait3A_845 = arith.constant 0 : i32
    %dma_wait3A_846 = arith.constant 0 : i32
    %dma_wait3A_847 = arith.constant 0 : i32
    %dma_wait3A_848 = tpu.memref_slice %arg7[%dma_wait3A_845, %dma_wait3A_846, %dma_wait3A_847] : memref<8x100x64xf32, #tpu.memory_space<vmem>> -> memref<1x100x64xf32, #tpu.memory_space<vmem>>
    %dma_wait3A_849 = tpu.memref_squeeze %dma_wait3A_848 : memref<1x100x64xf32, #tpu.memory_space<vmem>> -> memref<100x64xf32, #tpu.memory_space<vmem>>
    %dma_wait3A_850 = arith.constant 0 : i32
    %dma_wait3A_851 = arith.constant 0 : i32
    %dma_wait3A_852 = tpu.memref_slice %arg4[%dma_wait3A_850, %dma_wait3A_851] : memref<819200x128xf32, #tpu.memory_space<hbm>> -> memref<100x64xf32, #tpu.memory_space<hbm>>
    %dma_wait3A_853 = arith.constant 0 : i32
    %dma_wait3A_854 = arith.constant 0 : i32
    %dma_wait3A_855 = tpu.memref_slice %arg7[%dma_wait3A_845, %dma_wait3A_853, %dma_wait3A_854] : memref<8x100x64xf32, #tpu.memory_space<vmem>> -> memref<1x100x64xf32, #tpu.memory_space<vmem>>
    %dma_wait3A_856 = tpu.memref_squeeze %dma_wait3A_855 : memref<1x100x64xf32, #tpu.memory_space<vmem>> -> memref<100x64xf32, #tpu.memory_space<vmem>>
    %dma_wait3A_857 = arith.constant 0 : i32
    %dma_wait3A_858 = arith.constant 0 : i32
    %dma_wait3A_859 = tpu.memref_slice %arg4[%dma_wait3A_857, %dma_wait3A_858] : memref<819200x128xf32, #tpu.memory_space<hbm>> -> memref<100x64xf32, #tpu.memory_space<hbm>>
    tpu.wait_dma2 semaphore(%arg13 : memref<!tpu.dma_semaphore, #tpu.memory_space<semaphore_mem>>) src(%dma_wait3A_859 : memref<100x64xf32, #tpu.memory_space<hbm>>) dst(%dma_wait3A_856 : memref<100x64xf32, #tpu.memory_space<vmem>>)
    %dma_wait3A_860 = arith.constant 0 : i32
    %dma_wait3A_861 = arith.constant 0 : i32
    %dma_wait3A_862 = arith.constant 0 : i32
    %dma_wait3A_863 = tpu.memref_slice %arg8[%dma_wait3A_860, %dma_wait3A_861, %dma_wait3A_862] : memref<8x100x64xf32, #tpu.memory_space<vmem>> -> memref<1x100x64xf32, #tpu.memory_space<vmem>>
    %dma_wait3A_864 = tpu.memref_squeeze %dma_wait3A_863 : memref<1x100x64xf32, #tpu.memory_space<vmem>> -> memref<100x64xf32, #tpu.memory_space<vmem>>
    %dma_wait3A_865 = arith.constant 0 : i32
    %dma_wait3A_866 = arith.constant 0 : i32
    %dma_wait3A_867 = tpu.memref_slice %arg4[%dma_wait3A_865, %dma_wait3A_866] : memref<819200x128xf32, #tpu.memory_space<hbm>> -> memref<100x64xf32, #tpu.memory_space<hbm>>
    %dma_wait3A_868 = arith.constant 0 : i32
    %dma_wait3A_869 = arith.constant 0 : i32
    %dma_wait3A_870 = tpu.memref_slice %arg8[%dma_wait3A_860, %dma_wait3A_868, %dma_wait3A_869] : memref<8x100x64xf32, #tpu.memory_space<vmem>> -> memref<1x100x64xf32, #tpu.memory_space<vmem>>
    %dma_wait3A_871 = tpu.memref_squeeze %dma_wait3A_870 : memref<1x100x64xf32, #tpu.memory_space<vmem>> -> memref<100x64xf32, #tpu.memory_space<vmem>>
    %dma_wait3A_872 = arith.constant 0 : i32
    %dma_wait3A_873 = arith.constant 0 : i32
    %dma_wait3A_874 = tpu.memref_slice %arg4[%dma_wait3A_872, %dma_wait3A_873] : memref<819200x128xf32, #tpu.memory_space<hbm>> -> memref<100x64xf32, #tpu.memory_space<hbm>>
    tpu.wait_dma2 semaphore(%arg14 : memref<!tpu.dma_semaphore, #tpu.memory_space<semaphore_mem>>) src(%dma_wait3A_874 : memref<100x64xf32, #tpu.memory_space<hbm>>) dst(%dma_wait3A_871 : memref<100x64xf32, #tpu.memory_space<vmem>>)
    %dma_wait3A_875 = arith.constant 0 : i32
    %dma_wait3A_876 = arith.constant 0 : i32
    %dma_wait3A_877 = arith.constant 0 : i32
    %dma_wait3A_878 = tpu.memref_slice %arg7[%dma_wait3A_875, %dma_wait3A_876, %dma_wait3A_877] : memref<8x100x64xf32, #tpu.memory_space<vmem>> -> memref<1x100x64xf32, #tpu.memory_space<vmem>>
    %dma_wait3A_879 = tpu.memref_squeeze %dma_wait3A_878 : memref<1x100x64xf32, #tpu.memory_space<vmem>> -> memref<100x64xf32, #tpu.memory_space<vmem>>
    %dma_wait3A_880 = arith.constant 0 : i32
    %dma_wait3A_881 = arith.constant 0 : i32
    %dma_wait3A_882 = tpu.memref_slice %arg4[%dma_wait3A_880, %dma_wait3A_881] : memref<819200x128xf32, #tpu.memory_space<hbm>> -> memref<100x64xf32, #tpu.memory_space<hbm>>
    %dma_wait3A_883 = arith.constant 0 : i32
    %dma_wait3A_884 = arith.constant 0 : i32
    %dma_wait3A_885 = tpu.memref_slice %arg7[%dma_wait3A_875, %dma_wait3A_883, %dma_wait3A_884] : memref<8x100x64xf32, #tpu.memory_space<vmem>> -> memref<1x100x64xf32, #tpu.memory_space<vmem>>
    %dma_wait3A_886 = tpu.memref_squeeze %dma_wait3A_885 : memref<1x100x64xf32, #tpu.memory_space<vmem>> -> memref<100x64xf32, #tpu.memory_space<vmem>>
    %dma_wait3A_887 = arith.constant 0 : i32
    %dma_wait3A_888 = arith.constant 0 : i32
    %dma_wait3A_889 = tpu.memref_slice %arg4[%dma_wait3A_887, %dma_wait3A_888] : memref<819200x128xf32, #tpu.memory_space<hbm>> -> memref<100x64xf32, #tpu.memory_space<hbm>>
    tpu.wait_dma2 semaphore(%arg13 : memref<!tpu.dma_semaphore, #tpu.memory_space<semaphore_mem>>) src(%dma_wait3A_889 : memref<100x64xf32, #tpu.memory_space<hbm>>) dst(%dma_wait3A_886 : memref<100x64xf32, #tpu.memory_space<vmem>>)
    %dma_wait3A_890 = arith.constant 0 : i32
    %dma_wait3A_891 = arith.constant 0 : i32
    %dma_wait3A_892 = arith.constant 0 : i32
    %dma_wait3A_893 = tpu.memref_slice %arg8[%dma_wait3A_890, %dma_wait3A_891, %dma_wait3A_892] : memref<8x100x64xf32, #tpu.memory_space<vmem>> -> memref<1x100x64xf32, #tpu.memory_space<vmem>>
    %dma_wait3A_894 = tpu.memref_squeeze %dma_wait3A_893 : memref<1x100x64xf32, #tpu.memory_space<vmem>> -> memref<100x64xf32, #tpu.memory_space<vmem>>
    %dma_wait3A_895 = arith.constant 0 : i32
    %dma_wait3A_896 = arith.constant 0 : i32
    %dma_wait3A_897 = tpu.memref_slice %arg4[%dma_wait3A_895, %dma_wait3A_896] : memref<819200x128xf32, #tpu.memory_space<hbm>> -> memref<100x64xf32, #tpu.memory_space<hbm>>
    %dma_wait3A_898 = arith.constant 0 : i32
    %dma_wait3A_899 = arith.constant 0 : i32
    %dma_wait3A_900 = tpu.memref_slice %arg8[%dma_wait3A_890, %dma_wait3A_898, %dma_wait3A_899] : memref<8x100x64xf32, #tpu.memory_space<vmem>> -> memref<1x100x64xf32, #tpu.memory_space<vmem>>
    %dma_wait3A_901 = tpu.memref_squeeze %dma_wait3A_900 : memref<1x100x64xf32, #tpu.memory_space<vmem>> -> memref<100x64xf32, #tpu.memory_space<vmem>>
    %dma_wait3A_902 = arith.constant 0 : i32
    %dma_wait3A_903 = arith.constant 0 : i32
    %dma_wait3A_904 = tpu.memref_slice %arg4[%dma_wait3A_902, %dma_wait3A_903] : memref<819200x128xf32, #tpu.memory_space<hbm>> -> memref<100x64xf32, #tpu.memory_space<hbm>>
    tpu.wait_dma2 semaphore(%arg14 : memref<!tpu.dma_semaphore, #tpu.memory_space<semaphore_mem>>) src(%dma_wait3A_904 : memref<100x64xf32, #tpu.memory_space<hbm>>) dst(%dma_wait3A_901 : memref<100x64xf32, #tpu.memory_space<vmem>>)
    %dma_wait3A_905 = arith.constant 0 : i32
    %dma_wait3A_906 = arith.constant 0 : i32
    %dma_wait3A_907 = arith.constant 0 : i32
    %dma_wait3A_908 = tpu.memref_slice %arg7[%dma_wait3A_905, %dma_wait3A_906, %dma_wait3A_907] : memref<8x100x64xf32, #tpu.memory_space<vmem>> -> memref<1x100x64xf32, #tpu.memory_space<vmem>>
    %dma_wait3A_909 = tpu.memref_squeeze %dma_wait3A_908 : memref<1x100x64xf32, #tpu.memory_space<vmem>> -> memref<100x64xf32, #tpu.memory_space<vmem>>
    %dma_wait3A_910 = arith.constant 0 : i32
    %dma_wait3A_911 = arith.constant 0 : i32
    %dma_wait3A_912 = tpu.memref_slice %arg4[%dma_wait3A_910, %dma_wait3A_911] : memref<819200x128xf32, #tpu.memory_space<hbm>> -> memref<100x64xf32, #tpu.memory_space<hbm>>
    %dma_wait3A_913 = arith.constant 0 : i32
    %dma_wait3A_914 = arith.constant 0 : i32
    %dma_wait3A_915 = tpu.memref_slice %arg7[%dma_wait3A_905, %dma_wait3A_913, %dma_wait3A_914] : memref<8x100x64xf32, #tpu.memory_space<vmem>> -> memref<1x100x64xf32, #tpu.memory_space<vmem>>
    %dma_wait3A_916 = tpu.memref_squeeze %dma_wait3A_915 : memref<1x100x64xf32, #tpu.memory_space<vmem>> -> memref<100x64xf32, #tpu.memory_space<vmem>>
    %dma_wait3A_917 = arith.constant 0 : i32
    %dma_wait3A_918 = arith.constant 0 : i32
    %dma_wait3A_919 = tpu.memref_slice %arg4[%dma_wait3A_917, %dma_wait3A_918] : memref<819200x128xf32, #tpu.memory_space<hbm>> -> memref<100x64xf32, #tpu.memory_space<hbm>>
    tpu.wait_dma2 semaphore(%arg13 : memref<!tpu.dma_semaphore, #tpu.memory_space<semaphore_mem>>) src(%dma_wait3A_919 : memref<100x64xf32, #tpu.memory_space<hbm>>) dst(%dma_wait3A_916 : memref<100x64xf32, #tpu.memory_space<vmem>>)
    %dma_wait3A_920 = arith.constant 0 : i32
    %dma_wait3A_921 = arith.constant 0 : i32
    %dma_wait3A_922 = arith.constant 0 : i32
    %dma_wait3A_923 = tpu.memref_slice %arg8[%dma_wait3A_920, %dma_wait3A_921, %dma_wait3A_922] : memref<8x100x64xf32, #tpu.memory_space<vmem>> -> memref<1x100x64xf32, #tpu.memory_space<vmem>>
    %dma_wait3A_924 = tpu.memref_squeeze %dma_wait3A_923 : memref<1x100x64xf32, #tpu.memory_space<vmem>> -> memref<100x64xf32, #tpu.memory_space<vmem>>
    %dma_wait3A_925 = arith.constant 0 : i32
    %dma_wait3A_926 = arith.constant 0 : i32
    %dma_wait3A_927 = tpu.memref_slice %arg4[%dma_wait3A_925, %dma_wait3A_926] : memref<819200x128xf32, #tpu.memory_space<hbm>> -> memref<100x64xf32, #tpu.memory_space<hbm>>
    %dma_wait3A_928 = arith.constant 0 : i32
    %dma_wait3A_929 = arith.constant 0 : i32
    %dma_wait3A_930 = tpu.memref_slice %arg8[%dma_wait3A_920, %dma_wait3A_928, %dma_wait3A_929] : memref<8x100x64xf32, #tpu.memory_space<vmem>> -> memref<1x100x64xf32, #tpu.memory_space<vmem>>
    %dma_wait3A_931 = tpu.memref_squeeze %dma_wait3A_930 : memref<1x100x64xf32, #tpu.memory_space<vmem>> -> memref<100x64xf32, #tpu.memory_space<vmem>>
    %dma_wait3A_932 = arith.constant 0 : i32
    %dma_wait3A_933 = arith.constant 0 : i32
    %dma_wait3A_934 = tpu.memref_slice %arg4[%dma_wait3A_932, %dma_wait3A_933] : memref<819200x128xf32, #tpu.memory_space<hbm>> -> memref<100x64xf32, #tpu.memory_space<hbm>>
    tpu.wait_dma2 semaphore(%arg14 : memref<!tpu.dma_semaphore, #tpu.memory_space<semaphore_mem>>) src(%dma_wait3A_934 : memref<100x64xf32, #tpu.memory_space<hbm>>) dst(%dma_wait3A_931 : memref<100x64xf32, #tpu.memory_space<vmem>>)
    return
  }
}

module attributes {stable_mosaic.version = 14 : i64} {
  func.func @_detile_body(%arg0: i32, %arg1: memref<64x8192xf32, #tpu.memory_space<vmem>>, %arg2: memref<8192x128xf32, #tpu.memory_space<vmem>>) attributes {dimension_semantics = [#tpu.dimension_semantics<arbitrary>], iteration_bounds = array<i64: 123>, scalar_prefetch = 0 : i64, scratch_operands = 0 : i64, tpu.core_type = #tpu.core_type<tc>, window_params = [{transform_indices = @transform_0, window_bounds = array<i64: 64, 8192>}, {transform_indices = @transform_1, window_bounds = array<i64: 8192, 128>}]} {
    %get3A = arith.constant 0 : index
    %get3A_0 = arith.constant 0 : index
    %get3A_1 = vector.load %arg1[%get3A, %get3A_0] : memref<64x8192xf32, #tpu.memory_space<vmem>>, vector<64x8192xf32>
    %transpose3A = tpu.transpose %get3A_1, [1, 0] : vector<64x8192xf32> -> vector<8192x64xf32>
    %swap3A = arith.constant 0 : index
    %swap3A_2 = arith.constant 0 : index
    %swap3A_3 = vector.load %arg2[%swap3A, %swap3A_2] : memref<8192x128xf32, #tpu.memory_space<vmem>>, vector<8192x64xf32>
    tpu.vector_store %arg2[%swap3A, %swap3A_2], %transpose3A {strides = array<i32>} : memref<8192x128xf32, #tpu.memory_space<vmem>>, vector<8192x64xf32>,
    return
  }
  func.func @transform_0(%arg0: i32) -> (i32, i32) {
    %c0_i32 = arith.constant 0 : i32
    %c0_i32_0 = arith.constant 0 : i32
    return %c0_i32, %arg0 : i32, i32
  }
  func.func @transform_1(%arg0: i32) -> (i32, i32) {
    %c0_i32 = arith.constant 0 : i32
    %c0_i32_0 = arith.constant 0 : i32
    return %arg0, %c0_i32 : i32, i32
  }
}

module attributes {stable_mosaic.version = 14 : i64} {
  func.func @_fixup_body(%arg0: i32, %arg1: memref<4096x128xf32, #tpu.memory_space<vmem>>, %arg2: memref<200x64xf32, #tpu.memory_space<vmem>>, %arg3: memref<1x8x32x8x128xf32, #tpu.memory_space<vmem>>) attributes {dimension_semantics = [#tpu.dimension_semantics<arbitrary>], iteration_bounds = array<i64: 200>, scalar_prefetch = 0 : i64, scratch_operands = 0 : i64, tpu.core_type = #tpu.core_type<tc>, window_params = [{transform_indices = @transform_0, window_bounds = array<i64: 4096, 128>}, {pipeline_mode = #tpu.pipeline_mode<synchronous>, transform_indices = @transform_1, window_bounds = array<i64: 200, 64>}, {transform_indices = @transform_2, window_bounds = array<i64: 1, 8, 32, 8, 128>}]} {
    %get3A = arith.constant 0 : index
    %get3A_0 = arith.constant 0 : index
    %get3A_1 = vector.load %arg1[%get3A, %get3A_0] : memref<4096x128xf32, #tpu.memory_space<vmem>>, vector<4096x128xf32>
    %transpose3A = tpu.transpose %get3A_1, [1, 0] : vector<4096x128xf32> -> vector<128x4096xf32>
    %slice3A = vector.extract_strided_slice %transpose3A {offsets = [0, 0], sizes = [64, 4096], strides = [1, 1]} : vector<128x4096xf32> to vector<64x4096xf32>
    %get3A_2 = arith.index_cast %arg0 : i32 to index
    %get3A_3 = arith.constant 0 : index
    %get3A_4 = vector.load %arg2[%get3A_2, %get3A_3] : memref<200x64xf32, #tpu.memory_space<vmem>>, vector<1x64xf32>
    %reshape3A = vector.shape_cast %get3A_4 : vector<1x64xf32> to vector<64xf32>
    %broadcast_in_dim3A = vector.shape_cast %reshape3A : vector<64xf32> to vector<64x1xf32>
    %add3A = vector.broadcast %broadcast_in_dim3A : vector<64x1xf32> to vector<64x4096xf32>
    %add3A_5 = arith.addf %slice3A, %add3A : vector<64x4096xf32>
    %reshape3A_6 = vector.shape_cast %add3A_5 : vector<64x4096xf32> to vector<8x8x32x128xf32>
    %transpose3A_7 = tpu.transpose %reshape3A_6, [0, 2, 1, 3] : vector<8x8x32x128xf32> -> vector<8x32x8x128xf32>
    %broadcast_in_dim3A_8 = vector.shape_cast %transpose3A_7 : vector<8x32x8x128xf32> to vector<1x8x32x8x128xf32>
    %swap3A = arith.constant 0 : index
    %swap3A_9 = arith.constant 0 : index
    %swap3A_10 = arith.constant 0 : index
    %swap3A_11 = arith.constant 0 : index
    %swap3A_12 = arith.constant 0 : index
    %swap3A_13 = vector.load %arg3[%swap3A, %swap3A_9, %swap3A_10, %swap3A_11, %swap3A_12] : memref<1x8x32x8x128xf32, #tpu.memory_space<vmem>>, vector<1x8x32x8x128xf32>
    tpu.vector_store %arg3[%swap3A, %swap3A_9, %swap3A_10, %swap3A_11, %swap3A_12], %broadcast_in_dim3A_8 {strides = array<i32>} : memref<1x8x32x8x128xf32, #tpu.memory_space<vmem>>, vector<1x8x32x8x128xf32>,
    return
  }
  func.func @transform_0(%arg0: i32) -> (i32, i32) {
    %c0_i32 = arith.constant 0 : i32
    %c0_i32_0 = arith.constant 0 : i32
    return %arg0, %c0_i32 : i32, i32
  }
  func.func @transform_1(%arg0: i32) -> (i32, i32) {
    %c0_i32 = arith.constant 0 : i32
    %c0_i32_0 = arith.constant 0 : i32
    %c0_i32_1 = arith.constant 0 : i32
    return %c0_i32, %c0_i32_0 : i32, i32
  }
  func.func @transform_2(%arg0: i32) -> (i32, i32, i32, i32, i32) {
    %c0_i32 = arith.constant 0 : i32
    %c0_i32_0 = arith.constant 0 : i32
    %c0_i32_1 = arith.constant 0 : i32
    %c0_i32_2 = arith.constant 0 : i32
    %c0_i32_3 = arith.constant 0 : i32
    return %arg0, %c0_i32, %c0_i32_0, %c0_i32_1, %c0_i32_2 : i32, i32, i32, i32, i32
  }
}

</mosaic_0001>

<sc_bundles>
// kernel: _run.5.cloned.1.call-start
scs
__scs_entry_jumppad:
0x0: {  	(pc) =	sbr.rel $0x88, $3  }
0x1: {  	(tag) =	ssettag $0x0;
	lr =	simm.s32 $0x1  }
0x2: {  	[smem:$0x3F9E] =	sst lr;
	_ =	strace $0xD0000000  }
0x3: {  	_ = 	snop  }
0x4: {  	_ = 	snop  }
0x5: {  	_ = 	snop  }
0x6: {  	_ = 	snop  }
0x7: {  	_ = 	snop  }
__scs_overlays_trampoline_lowered:
0x8: {  	[smem:$0x3FAD] =	sst s0  }
0x9: {  	[smem:$0x3FAE] =	sst s1  }
0xa: {  	[smem:$0x3FAF] =	sst s2  }
0xb: {  	[smem:$0x3FB0] =	sst s3  }
0xc: {  	[smem:$0x3FB1] =	sst s4  }
0xd: {  	[smem:$0x3FB2] =	sst s5  }
0xe: {  	[smem:$0x3FB3] =	sst s6  }
0xf: {  	[smem:$0x3FB4] =	sst s7  }
0x10: {  	[smem:$0x3FB5] =	sst s8  }
0x11: {  	[smem:$0x3FB6] =	sst s9;
	s0 =	simm.s32 @!p0 $0x0  }
0x12: {  	s1 =	sld [smem:$0x3F9C];
	s0 =	simm.s32 @p0 $0x1  }
0x13: {  	[smem:$0x3FB7] =	sst s0;
	s0 =	simm.s32 @!p1 $0x0  }
0x14: {  	s2 =	sld [smem:$0x3F9B];
	s0 =	simm.s32 @p1 $0x1  }
0x15: {  	[smem:$0x3FB8] =	sst s0;
	s0 =	simm.s32 @!p2 $0x0  }
0x16: {  	s3 =	sld [smem:$0x3FDB];
	s0 =	simm.s32 @p2 $0x1  }
0x17: {  	s4 =	simm.s32 $0x1BF5;
	[smem:$0x3FBA] =	sst s0  }
0x18: {  	s0 =	sld [smem:$0x3F9D];
	_ =	swait.ge [sflag:s4], $0x0  }
0x19: {  	s7 =	sld [smem:$0x3F9E]  }
0x1a: {  	s8 =	sadd.s32 $0xFFFFE003, lr  }
0x1b: {  	s9 =	sadd.s32 $0xFFFFFEF7, lr;
	s5 =	simm.s32 $0xFFFFFFFF;
	p2 =	slt.u32 s8, $0xFFFFF086  }
0x1c: {  	p1 =	slt.u32 s9, $0xF7A;
	s5 =	simm.s32 @!p2 $0x0  }
0x1d: {  	s5 =	simm.s32 @p1 $0x1;
	p0 =	seq.s32 s7, s2  }
0x1e: {  	s7 =	smul.u32 @!p0 $0xF7A, s2;
	p2 =	seq.s32 @!p0 s5, $0x0  }
0x1f: {  	s9 =	smul.u32 $0xF7A, s1;
	s8 =	simm.s32 @!p0 $0x1BF5;
	p2 =	por !p2, p0  }
0x20: {  	[sflag:s8] =	ssyncset.s32 @!p0 $0xFFFFF086;
	s6 =	sadd.s32 @!p0 s3, s7;
	s7 =	simm.s32 @!p0 $0x108  }
0x21: {  	s3 =	sadd.s32 s3, s9;
	s6 =	sadd.s32 @!p0 $0x88, s6;
	s7 =	simm.s32 @p2 $0x1082  }
0x22: {  	[simem:s7], [sflag:s8] =	dma.local @!p0 [hbm:s6], $0xF7A  }
0x23: {  	s9 =	sor.u32 $0xD0000000, s2;
	s6 =	simm.s32 $0x108;
	_ =	swait.ge @!p0 [sflag:s8], $0x0  }
0x24: {  	s3 =	sadd.s32 $0x88, s3;
	s6 =	simm.s32 @!p1 $0x1082;
	[sflag:s4] =	ssyncset.s32 $0xFFFFF086  }
0x25: {  	[simem:s6], [sflag:s4] =	dma.local [hbm:s3], $0xF7A  }
0x26: {  	[smem:$0x3F9E] =	sst s1;
	(tag) =	ssettag s2;
	_ =	strace s9  }
0x27: {  	s1 =	sld [smem:$0x3FAE]  }
0x28: {  	s2 =	sld [smem:$0x3FAF]  }
0x29: {  	s4 =	sld [smem:$0x3FB1]  }
0x2a: {  	p0 =	seq.s32 s5, $0x0;
	s5 =	sld [smem:$0x3FB2]  }
0x2b: {  	s6 =	sld [smem:$0x3FB3]  }
0x2c: {  	s7 =	sld [smem:$0x3FB4]  }
0x2d: {  	s3 =	simm.s32 $0x108;
	s8 =	sld [smem:$0x3FB5]  }
0x2e: {  	s3 =	simm.s32 @!p0 $0x1082;
	s9 =	sld [smem:$0x3FB6]  }
0x2f: {  	lr =	sadd.s32 s0, s3;
	s0 =	sld [smem:$0x3FAD]  }
0x30: {  	s3 =	sld [smem:$0x3FB0]  }
0x31: {  	[smem:$0x3FB9] =	sst s10  }
0x32: {  	s10 =	sld [smem:$0x3FB7];
	_ =	sdelay $0x3  }
0x33: {  	p0 =	seq.s32 s10, $0x1;
	s10 =	sld [smem:$0x3FB9];
	_ =	sdelay $0x3  }
0x34: {  	[smem:$0x3FB9] =	sst s10  }
0x35: {  	s10 =	sld [smem:$0x3FB8];
	_ =	sdelay $0x3  }
0x36: {  	p1 =	seq.s32 s10, $0x1;
	s10 =	sld [smem:$0x3FB9];
	_ =	sdelay $0x3  }
0x37: {  	[smem:$0x3FB9] =	sst s10  }
0x38: {  	s10 =	sld [smem:$0x3FBA]  }
0x39: {  	_ = 	snop;
	(pc) =	sbr.ind lr, $3  }
0x3a: {  	_ = 	snop  }
0x3b: {  	_ = 	snop  }
0x3c: {  	p2 =	seq.s32 s10, $0x1;
	s10 =	sld [smem:$0x3FB9]  }
0x3d: {  	_ =	shalt  }
0x3e: {  	_ =	shalt  }
0x3f: {  	_ =	shalt  }
0x40: {  	_ =	shalt  }
0x41: {  	_ =	shalt  }
0x42: {  	_ =	shalt  }
0x43: {  	_ =	shalt  }
0x44: {  	_ =	shalt  }
0x45: {  	_ =	shalt  }
0x46: {  	_ =	shalt  }
0x47: {  	_ =	shalt  }
0x48: {  	_ =	shalt  }
0x49: {  	_ =	shalt  }
0x4a: {  	_ =	shalt  }
0x4b: {  	_ =	shalt  }
0x4c: {  	_ =	shalt  }
0x4d: {  	_ =	shalt  }
0x4e: {  	_ =	shalt  }
0x4f: {  	_ =	shalt  }
0x50: {  	_ =	shalt  }
0x51: {  	_ =	shalt  }
0x52: {  	_ =	shalt  }
0x53: {  	_ =	shalt  }
0x54: {  	_ =	shalt  }
0x55: {  	_ =	shalt  }
0x56: {  	_ =	shalt  }
0x57: {  	_ =	shalt  }
0x58: {  	_ =	shalt  }
0x59: {  	_ =	shalt  }
0x5a: {  	_ =	shalt  }
0x5b: {  	_ =	shalt  }
0x5c: {  	_ =	shalt  }
0x5d: {  	_ =	shalt  }
0x5e: {  	_ =	shalt  }
0x5f: {  	_ =	shalt  }
0x60: {  	_ =	shalt  }
0x61: {  	_ =	shalt  }
0x62: {  	_ =	shalt  }
0x63: {  	_ =	shalt  }
0x64: {  	_ =	shalt  }
0x65: {  	_ =	shalt  }
0x66: {  	_ =	shalt  }
0x67: {  	_ =	shalt  }
0x68: {  	_ =	shalt  }
0x69: {  	_ =	shalt  }
0x6a: {  	_ =	shalt  }
0x6b: {  	_ =	shalt  }
0x6c: {  	_ =	shalt  }
0x6d: {  	_ =	shalt  }
0x6e: {  	_ =	shalt  }
0x6f: {  	_ =	shalt  }
0x70: {  	_ =	shalt  }
0x71: {  	_ =	shalt  }
0x72: {  	_ =	shalt  }
0x73: {  	_ =	shalt  }
0x74: {  	_ =	shalt  }
0x75: {  	_ =	shalt  }
0x76: {  	_ =	shalt  }
0x77: {  	_ =	shalt  }
0x78: {  	_ =	shalt  }
0x79: {  	_ =	shalt  }
0x7a: {  	_ =	shalt  }
0x7b: {  	_ =	shalt  }
0x7c: {  	_ =	shalt  }
0x7d: {  	_ =	shalt  }
0x7e: {  	_ =	shalt  }
0x7f: {  	_ =	shalt  }
0x80: {  	_ =	shalt  }
0x81: {  	_ =	shalt  }
0x82: {  	_ =	shalt  }
0x83: {  	_ =	shalt  }
0x84: {  	_ =	shalt  }
0x85: {  	_ =	shalt  }
0x86: {  	_ =	shalt  }
0x87: {  	_ =	shalt  }
.Lfunc_end0:
.L_simem_size_0:
called_computation_lowered:
.L_overlay_start_0:
0x88: {  	s2 =	sld [smem:$0x3FD9]  }
0x89: {  	s3 =	sld [smem:$0x3FFE];
	_ =	sdelay $0x1  }
0x8a: {  	s1 =	srdreg.scid  }
0x8b: {  	s0 =	sand.u32 $0x1, s1  }
0x8c: {  	s17 =	sshll.u32 s0, $0xA;
	s2 =	sadd.s32 s3, s2  }
0x8d: {  	s2 =	sadd.s32 s2, s17  }
0x8e: {  	[smem:$0x3FC5] =	sst s2  }
0x8f: {  	_ = 	snop  }
0x90: {  	s2 =	sld [smem:$0x3FD0];
	(tm) =	ssettm $0x1  }
0x91: {  	s18 =	sld [smem:$0x3FFB];
	_ =	sdelay $0x3  }
0x92: {  	_ =	strace s18  }
0x93: {  	s3 =	sld [smem:$0x3FFC];
	_ =	sdelay $0x3  }
0x94: {  	_ =	strace s3  }
0x95: {  	s3 =	sld [smem:$0x3FFD];
	_ =	sdelay $0x3  }
0x96: {  	_ =	strace s3  }
0x97: {  	_ =	strace $0x8FFFFFFF  }
0x98: {  	s19 =	sld [smem:$0x3FDB];
	_ =	sdelay $0x1  }
0x99: {  	s4 =	simm.s32 $_scs_section_size  }
0x9a: {  	s5 =	simm.s32 $_size__tile_overlayer_lowered;
	s6 =	simm.s32 $_tile_overlayer_lowered  }
0x9b: {  	s22 =	simm.s32 $0x1BFF;
	s21 =	sshll.u32 s6, $0x1;
	s3 =	sadd.s32 s4, s19  }
0x9c: {  	s7 =	simm.s32 $0x0;
	s20 =	sshll.u32 s5, $0x1;
	s5 =	sadd.s32 s21, s3  }
0x9d: {  	[timem:s7], [sflag:s22] =	dma.local [hbm:s5], s20  }
0x9e: {  	_ =	swait.ge [sflag:s22], s20  }
0x9f: {  	s4 =	ssub.s32 $0x0, s20;
	[sflag:s22] =	ssyncset.done $0x0  }
0xa0: {  	[sflag:s22] =	ssyncadd.s32 s4;
	_ =	sdelay $0x1  }
0xa1: {  	s23 =	simm.s32 $0x1B8B  }
0xa2: {  	_ =	swait.ge [sflag:s23], $0x1  }
0xa3: {  	[sflag:s23] =	ssyncset.done $0x0  }
0xa4: {  	s25 =	simm.s32 $0x1B8E;
	s24 =	sld [smem:$0x3FFE];
	[sflag:s23] =	ssyncadd.s32 $0xFFFFFFFF  }
0xa5: {  	s26 =	simm.s32 $execute0_lowered;
	[smem:$0x3FD2] =	sst s25  }
0xa6: {  	s5 =	sshll.u32 s26, $0x1;
	_ =	strace $0x80000046;
	[dreg:$0x1] =	wrdreg $0xFFFFFFFF  }
0xa7: {  	s28 =	simm.s32 $_size_execute0_lowered;
	s3 =	sadd.s32 s3, s5;
	[dreg:$0x0] =	wrdreg $0x0  }
0xa8: {  	s5 =	sshll.u32 s28, $0x1;
	[dreg:$0x2] =	wrdreg s3  }
0xa9: {  	[dreg:$0x3] =	wrdreg s5  }
0xaa: {  	[dreg:$0x4] =	wrdreg $0xC0  }
0xab: {  	_ =	task [dreg:s7], $0x5FFFF  }
0xac: {  	[dreg:$0x1] =	wrdreg $0xFFFFFFFF  }
0xad: {  	[dreg:$0x0] =	wrdreg $0x60  }
0xae: {  	[dreg:$0x2] =	wrdreg s2  }
0xaf: {  	[dreg:$0x3] =	wrdreg s24  }
0xb0: {  	[dreg:$0x4] =	wrdreg $0x9  }
0xb1: {  	_ =	task.clear_ibuf [dreg:s7], $0x5FFFF;
	_ =	strace $0x90000046  }
0xb2: {  	s29 =	simm.s32 $0x9;
	_ =	strace $0x80000048  }
0xb3: {  	_ =	swait.ge [sflag:s29], $0x1  }
0xb4: {  	[sflag:s29] =	ssyncadd.s32 $0xFFFFFFFF  }
0xb5: {  	_ =	strace $0x90000048  }
0xb6: {  	_ =	sfence  }
0xb7: {  	s30 =	sld [smem:$0x0];
	_ =	sdelay $0x2  }
0xb8: {  	s31 =	sshll.u32 s1, $0xD;
	s1 =	sshrl.u32 s1, $0x2  }
0xb9: {  	s3 =	sand.u32 $0x4000, s31;
	s1 =	sadd.s32 s1, s30  }
0xba: {  	s0 =	sor.u32 s3, s0;
	s1 =	sshll.u32 s1, $0x11  }
0xbb: {  	s0 =	sor.u32 s1, s0  }
0xbc: {  	s0 =	sadd.s32 $0x8F2B, s0  }
0xbd: {  	[sflag:s0] =	ssyncadd.remote.s32 $0x1  }
0xbe: {  	_ =	sfence.sel $0xFFFF  }
0xbf: {  	[dreg:$0x0] =	wrdreg $0xFFFFFFFF;
	(pc) =	sbr.abs _section_cstart, $3  }
0xc0: {  	[dreg:$0x1] =	wrdreg $0xFFFFFFFF  }
0xc1: {  	_ =	task.clear_ibuf [dreg:s7], $0x2FFFF;
	_ =	strace $0x9FFFFFFF  }
0xc2: {  	(tm) =	ssettm $0x7FFFFFFF  }
0xc3: {  	_ =	shalt  }
tec
execute0_lowered:
.L_overlay_start_1:
0x0: {  	(tag) =	ssettag $0x1  }
0x1: {  	s0 =	rddreg [dreg:$0x0]  }
0x2: {  	s4 =	rddreg [dreg:$0x1];
	s2 =	simm.s32 $0x0;
	s1 =	srdreg.scid  }
0x3: {  	s11 =	stileid.u32;
	s28 =	simm.s32 $0x3;
	[smem:$0x7FF] =	sst s2  }
0x4: {  	s1 =	sand.u32 $0x1, s1;
	s5 =	sshll.u32 s11, $0x9;
	s7 =	smul.u32 $0xD000, s11  }
0x5: {  	s3 =	sadd.s32 $0x800, s4;
	s4 =	sadd.s32 $0xF42C00, s4;
	s9 =	smul.u32 $0x1A00, s11  }
0x6: {  	_ =	strace $0x80000047;
	s6 =	sshll.u32 s1, $0x8;
	s17 =	smul.u32 $0x6800, s1  }
0x7: {  	[dreg:$0x3] =	wrdreg s4;
	s18 =	ssub.s32 $0x2, s1;
	s19 =	smul.u32 $0xD00, s1  }
0x8: {  	s5 =	sor.u32 s6, s5;
	s8 =	sshrl.u32 s18, $0x1;
	s21 =	sadd.s32 s9, s0  }
0x9: {  	s5 =	smul.u32 $0xD, s5;
	s7 =	sadd.s32 s17, s7;
	s4 =	ssub.s32 s18, s8  }
0xa: {  	s20 =	sadd.s32 $0xC98, s7;
	s23 =	sadd.s32 $0xC30, s7;
	s24 =	sadd.s32 $0xBC8, s7  }
0xb: {  	s25 =	sadd.s32 $0xB60, s7;
	s10 =	sadd.s32 $0xAF8, s7;
	s13 =	sadd.s32 $0xA90, s7  }
0xc: {  	s14 =	sadd.s32 $0xA28, s7;
	s18 =	sadd.s32 $0x958, s7;
	s4 =	smax.u32 s4, $0x1  }
0xd: {  	s12 =	sadd.s32 s0, s5;
	s8 =	sshrl.u32 s20, $0x3;
	s5 =	sadd.s32 s19, s21  }
0xe: {  	s26 =	sshrl.u32 s24, $0x3;
	s6 =	sshrl.u32 s25, $0x3;
	s15 =	sshrl.u32 s13, $0x3  }
0xf: {  	s16 =	sshrl.u32 s14, $0x3;
	s19 =	sadd.s32 $0x8F0, s7;
	[dreg:$0x12] =	wrdreg s4  }
0x10: {  	s20 =	sadd.s32 $0x888, s7;
	s25 =	sor.u32 $0x7B8, s7;
	[smem:$0x7ED] =	sst s5  }
0x11: {  	s22 =	sadd.s32 s8, s0;
	s5 =	sshrl.u32 s23, $0x3;
	[dreg:$0x4] =	wrdreg s12  }
0x12: {  	s9 =	sadd.s32 s6, s0;
	s17 =	sadd.s32 s16, s0;
	[dreg:$0x5] =	wrdreg s22  }
0x13: {  	s8 =	sshrl.u32 s25, $0x3;
	s5 =	sadd.s32 s5, s0;
	[dreg:$0x8] =	wrdreg s9  }
0x14: {  	[dreg:$0xb] =	wrdreg s17;
	s22 =	sshrl.u32 s20, $0x3;
	s6 =	sadd.s32 s8, s0  }
0x15: {  	[dreg:$0x6] =	wrdreg s5;
	s5 =	sadd.s32 s26, s0;
	s26 =	smul.u32 $0x640000, s11  }
0x16: {  	s23 =	sadd.s32 s22, s0;
	[dreg:$0x10] =	wrdreg s6;
	s11 =	smul.u32 $0xC8000, s11  }
0x17: {  	[dreg:$0x7] =	wrdreg s5;
	s5 =	sshrl.u32 s10, $0x3;
	s10 =	smul.u32 $0x320000, s1  }
0x18: {  	[dreg:$0xe] =	wrdreg s23;
	s1 =	smul.u32 $0x64000, s1;
	s5 =	sadd.s32 s5, s0  }
0x19: {  	s24 =	sadd.s32 $0x820, s7;
	[dreg:$0x9] =	wrdreg s5;
	s5 =	sadd.s32 s15, s0  }
0x1a: {  	s1 =	sadd.s32 s1, s11;
	[dreg:$0xa] =	wrdreg s5;
	s5 =	sshrl.u32 s18, $0x3  }
0x1b: {  	s21 =	sshrl.u32 s19, $0x3;
	[smem:$0x7F0] =	sst s1;
	s5 =	sadd.s32 s5, s0  }
0x1c: {  	s7 =	sor.u32 $0x750, s7;
	[dreg:$0xc] =	wrdreg s5;
	s5 =	sadd.s32 s21, s0  }
0x1d: {  	s11 =	sadd.s32 $0x68, s12;
	[dreg:$0xd] =	wrdreg s5;
	s5 =	sshrl.u32 s24, $0x3  }
0x1e: {  	s8 =	sshrl.u32 s7, $0x3;
	[dreg:$0x1b] =	wrdreg s11;
	s5 =	sadd.s32 s5, s0  }
0x1f: {  	s29 =	simm.s32 $0x40;
	s0 =	sadd.s32 s8, s0;
	[dreg:$0xf] =	wrdreg s5  }
0x20: {  	s30 =	simm.s32 $0x80;
	[dreg:$0x11] =	wrdreg s0;
	s0 =	sadd.s32 s10, s26  }
0x21: {  	s13 =	sadd.s32 $0x2EE00, s0;
	s14 =	sadd.s32 $0x2BC00, s0;
	s17 =	sadd.s32 $0x28A00, s0  }
0x22: {  	s18 =	sadd.s32 $0x25800, s0;
	s20 =	sadd.s32 $0x22600, s0;
	s21 =	sor.u32 $0x1F400, s0  }
0x23: {  	s22 =	sor.u32 $0x1C200, s0;
	s24 =	sor.u32 $0x15E00, s0;
	s15 =	sshrl.u32 s13, $0x3  }
0x24: {  	s25 =	sor.u32 $0x12C00, s0;
	s16 =	sshrl.u32 s14, $0x3;
	[smem:$0x7EE] =	sst s15  }
0x25: {  	s26 =	sor.u32 $0xFA00, s0;
	s1 =	sshrl.u32 s17, $0x3;
	[smem:$0x7EF] =	sst s16  }
0x26: {  	s6 =	sor.u32 $0xC800, s0;
	s19 =	sshrl.u32 s18, $0x3;
	[smem:$0x7F1] =	sst s1  }
0x27: {  	s7 =	sor.u32 $0x9600, s0;
	s23 =	sshrl.u32 s22, $0x3;
	[smem:$0x7F2] =	sst s19  }
0x28: {  	s9 =	sor.u32 $0x6400, s0;
	s5 =	sshrl.u32 s26, $0x3;
	[dreg:$0x13] =	wrdreg s23  }
0x29: {  	s0 =	sor.u32 $0x3200, s0;
	s10 =	sshrl.u32 s9, $0x3;
	[dreg:$0x16] =	wrdreg s5  }
0x2a: {  	s31 =	simm.s32 $0x4;
	s0 =	sshrl.u32 s0, $0x3;
	[dreg:$0x19] =	wrdreg s10  }
0x2b: {  	s11 =	simm.s32 $0x2;
	s13 =	sadd.s32 $0xD, s12;
	[dreg:$0x1a] =	wrdreg s0  }
0x2c: {  	s8 =	sshrl.u32 s21, $0x3;
	s14 =	sadd.s32 $0x75, s12;
	[dreg:$0x1c] =	wrdreg s13  }
0x2d: {  	s17 =	sadd.s32 $0x27, s12;
	s18 =	sadd.s32 $0x8F, s12;
	[dreg:$0x1d] =	wrdreg s14  }
0x2e: {  	s21 =	sadd.s32 $0x41, s12;
	s22 =	sadd.s32 $0xA9, s12;
	[smem:$0x7F4] =	sst s17  }
0x2f: {  	s26 =	sadd.s32 $0xC3, s12;
	s9 =	simm.s32 $0x1;
	[smem:$0x7F5] =	sst s18  }
0x30: {  	s1 =	sshrl.u32 s20, $0x3;
	s15 =	sadd.s32 $0x1A, s12;
	[smem:$0x7F8] =	sst s21  }
0x31: {  	s16 =	sadd.s32 $0x82, s12;
	s19 =	sadd.s32 $0x34, s12;
	[smem:$0x7F9] =	sst s22  }
0x32: {  	s20 =	sadd.s32 $0x9C, s12;
	s23 =	sadd.s32 $0x4E, s12;
	[smem:$0x7FD] =	sst s26  }
0x33: {  	s13 =	simm.s32 $0x410;
	s21 =	simm.s32 $0x478;
	[smem:$0x7F3] =	sst s1  }
0x34: {  	s22 =	simm.s32 $0x4E0;
	s10 =	simm.s32 $0x64;
	[dreg:$0x1e] =	wrdreg s15  }
0x35: {  	s26 =	simm.s32 $0xE780;
	s18 =	simm.s32 $0x13280;
	[dreg:$0x1f] =	wrdreg s16  }
0x36: {  	s17 =	simm.s32 $0x17D80;
	s0 =	simm.s32 $0x5;
	[smem:$0x7F6] =	sst s19  }
0x37: {  	s5 =	simm.s32 $0x0;
	s1 =	sshrl.u32 s24, $0x3;
	[smem:$0x7F7] =	sst s20  }
0x38: {  	[smem:$0x7FA] =	sst s23;
	s24 =	sadd.s32 $0xB6, s12;
	s23 =	simm.s32 $0x548  }
0x39: {  	s16 =	simm.s32 $0x11980;
	s15 =	simm.s32 $0x14B80;
	[dreg:$0x14] =	wrdreg s1  }
.Ltmp0:
0x3a: {  	s1 =	sshrl.u32 s25, $0x3;
	[smem:$0x7FB] =	sst s24;
	(pc) =	sbr.rel .LBB2_1-.Ltmp0, $4  }
0x3b: {  	s19 =	simm.s32 $0x16480;
	s25 =	sadd.s32 $0x5B, s12;
	[dreg:$0x15] =	wrdreg s1  }
0x3c: {  	s24 =	simm.s32 $0x5B0;
	s1 =	sshrl.u32 s6, $0x3;
	[smem:$0x7FC] =	sst s25  }
0x3d: {  	s25 =	simm.s32 $0x618;
	[dreg:$0x17] =	wrdreg s1;
	s1 =	sshrl.u32 s7, $0x3  }
0x3e: {  	s6 =	simm.s32 $0x10080;
	[dreg:$0x18] =	wrdreg s1;
	s1 =	simm.s32 $0x6  }
.LBB2_6:
0x3f: {  	_ =	swait.ge [sflag:s0], $0x1900  }
0x40: {  	[sflag:s0] =	ssyncset.done $0x0  }
0x41: {  	[sflag:s0] =	ssyncadd.s32 $0xFFFFE700  }
0x42: {  	_ =	swait.ge [sflag:s1], $0x1900  }
0x43: {  	[sflag:s1] =	ssyncset.done $0x0  }
0x44: {  	[sflag:s1] =	ssyncadd.s32 $0xFFFFE700  }
0x45: {  	_ =	swait.ge [sflag:s0], $0x1900  }
0x46: {  	[sflag:s0] =	ssyncset.done $0x0  }
0x47: {  	[sflag:s0] =	ssyncadd.s32 $0xFFFFE700  }
0x48: {  	_ =	swait.ge [sflag:s1], $0x1900  }
0x49: {  	[sflag:s1] =	ssyncset.done $0x0  }
0x4a: {  	[sflag:s1] =	ssyncadd.s32 $0xFFFFE700  }
0x4b: {  	_ =	swait.ge [sflag:s0], $0x1900  }
0x4c: {  	[sflag:s0] =	ssyncset.done $0x0  }
0x4d: {  	[sflag:s0] =	ssyncadd.s32 $0xFFFFE700  }
0x4e: {  	_ =	swait.ge [sflag:s1], $0x1900  }
0x4f: {  	[sflag:s1] =	ssyncset.done $0x0  }
0x50: {  	[sflag:s1] =	ssyncadd.s32 $0xFFFFE700  }
0x51: {  	_ =	swait.ge [sflag:s0], $0x1900  }
0x52: {  	[sflag:s0] =	ssyncset.done $0x0  }
0x53: {  	[sflag:s0] =	ssyncadd.s32 $0xFFFFE700  }
0x54: {  	_ =	swait.ge [sflag:s1], $0x1900  }
0x55: {  	[sflag:s1] =	ssyncset.done $0x0  }
0x56: {  	[sflag:s1] =	ssyncadd.s32 $0xFFFFE700  }
0x57: {  	_ =	swait.ge [sflag:s0], $0x1900  }
0x58: {  	[sflag:s0] =	ssyncset.done $0x0  }
0x59: {  	[sflag:s0] =	ssyncadd.s32 $0xFFFFE700  }
0x5a: {  	_ =	swait.ge [sflag:s1], $0x1900  }
0x5b: {  	[sflag:s1] =	ssyncset.done $0x0  }
0x5c: {  	[sflag:s1] =	ssyncadd.s32 $0xFFFFE700  }
0x5d: {  	_ =	swait.ge [sflag:s0], $0x1900  }
0x5e: {  	[sflag:s0] =	ssyncset.done $0x0  }
0x5f: {  	[sflag:s0] =	ssyncadd.s32 $0xFFFFE700  }
0x60: {  	_ =	swait.ge [sflag:s1], $0x1900  }
0x61: {  	[sflag:s1] =	ssyncset.done $0x0  }
0x62: {  	[sflag:s1] =	ssyncadd.s32 $0xFFFFE700  }
0x63: {  	_ =	swait.ge [sflag:s0], $0x1900  }
0x64: {  	[sflag:s0] =	ssyncset.done $0x0  }
0x65: {  	[sflag:s0] =	ssyncadd.s32 $0xFFFFE700  }
0x66: {  	_ =	swait.ge [sflag:s1], $0x1900  }
0x67: {  	[sflag:s1] =	ssyncset.done $0x0  }
0x68: {  	[sflag:s1] =	ssyncadd.s32 $0xFFFFE700  }
0x69: {  	_ =	swait.ge [sflag:s0], $0x1900  }
0x6a: {  	[sflag:s0] =	ssyncset.done $0x0  }
0x6b: {  	[sflag:s0] =	ssyncadd.s32 $0xFFFFE700  }
0x6c: {  	_ =	swait.ge [sflag:s1], $0x1900  }
0x6d: {  	s5 =	sld [smem:$0x7EC];
	_ =	sdelay $0x2  }
0x6e: {  	s4 =	rddreg [dreg:$0x12];
	s5 =	sadd.s32 $0x1, s5  }
0x6f: {  	p0 =	sne.s32 s5, s4  }
.Ltmp1:
0x70: {  	_ = 	snop;
	(pc) =	sbr.rel @!p0 .LBB2_7-.Ltmp1, $4  }
0x71: {  	_ = 	snop  }
0x72: {  	s26 =	simm.s32 $0xE780;
	s6 =	simm.s32 $0x10080;
	s16 =	simm.s32 $0x11980  }
0x73: {  	s18 =	simm.s32 $0x13280;
	s15 =	simm.s32 $0x14B80;
	[sflag:s1] =	ssyncset.done $0x0  }
0x74: {  	s19 =	simm.s32 $0x16480;
	s17 =	simm.s32 $0x17D80;
	[sflag:s1] =	ssyncadd.s32 $0xFFFFE700  }
.LBB2_1:
0x75: {  	[smem:$0x7EC] =	sst s5  }
0x76: {  	s4 =	rddreg [dreg:$0x4]  }
0x77: {  	s12 =	rddreg [dreg:$0x1b]  }
0x78: {  	[tilespmem:s2], [sflag:$0x1] =	stream.linear.gather [hbm4b:s4+s2], $0x68, $0x38;
	[tilespmem:$0x19680] =	vst v63  }
0x79: {  	s14 =	simm.s32 $0x340;
	s20 =	rddreg [dreg:$0x1c]  }
0x7a: {  	[tilespmem:s14], [sflag:$0x2] =	stream.linear.gather [hbm4b:s12+s2], $0x68, $0x38;
	[tilespmem:$0x19680] =	vst v63  }
0x7b: {  	s5 =	rddreg [dreg:$0x1d];
	s12 =	simm.s32 $0x68  }
0x7c: {  	[tilespmem:s12], [sflag:$0x1] =	stream.linear.gather [hbm4b:s20+s2], $0x68, $0x38;
	[tilespmem:$0x19680] =	vst v63  }
0x7d: {  	s7 =	simm.s32 $0x3A8;
	s14 =	rddreg [dreg:$0x1e]  }
0x7e: {  	[tilespmem:s7], [sflag:$0x2] =	stream.linear.gather [hbm4b:s5+s2], $0x68, $0x38;
	[tilespmem:$0x19680] =	vst v63  }
0x7f: {  	s20 =	simm.s32 $0xD0;
	s5 =	rddreg [dreg:$0x1f]  }
0x80: {  	[tilespmem:s20], [sflag:$0x1] =	stream.linear.gather [hbm4b:s14+s2], $0x68, $0x38;
	[tilespmem:$0x19680] =	vst v63  }
0x81: {  	s7 =	sld [smem:$0x7F4]  }
0x82: {  	[tilespmem:s13], [sflag:$0x2] =	stream.linear.gather [hbm4b:s5+s2], $0x68, $0x38;
	[tilespmem:$0x19680] =	vst v63  }
0x83: {  	s14 =	sld [smem:$0x7F5];
	s5 =	simm.s32 $0x138  }
0x84: {  	[tilespmem:s5], [sflag:$0x1] =	stream.linear.gather [hbm4b:s7+s2], $0x68, $0x38;
	[tilespmem:$0x19680] =	vst v63  }
0x85: {  	s7 =	sld [smem:$0x7F6]  }
0x86: {  	[tilespmem:s21], [sflag:$0x2] =	stream.linear.gather [hbm4b:s14+s2], $0x68, $0x38;
	[tilespmem:$0x19680] =	vst v63  }
0x87: {  	s14 =	simm.s32 $0x1A0  }
0x88: {  	[tilespmem:s14], [sflag:$0x1] =	stream.linear.gather [hbm4b:s7+s2], $0x68, $0x38;
	[tilespmem:$0x19680] =	vst v63  }
0x89: {  	s7 =	sld [smem:$0x7F7];
	_ =	sdelay $0x1  }
0x8a: {  	s4 =	sld [smem:$0x7F8]  }
0x8b: {  	[tilespmem:s22], [sflag:$0x2] =	stream.linear.gather [hbm4b:s7+s2], $0x68, $0x38;
	[tilespmem:$0x19680] =	vst v63  }
0x8c: {  	s7 =	simm.s32 $0x208  }
0x8d: {  	[tilespmem:s7], [sflag:$0x1] =	stream.linear.gather [hbm4b:s4+s2], $0x68, $0x38;
	[tilespmem:$0x19680] =	vst v63  }
0x8e: {  	s7 =	sld [smem:$0x7F9];
	_ =	sdelay $0x1  }
0x8f: {  	s4 =	sld [smem:$0x7FA]  }
0x90: {  	[tilespmem:s23], [sflag:$0x2] =	stream.linear.gather [hbm4b:s7+s2], $0x68, $0x38;
	[tilespmem:$0x19680] =	vst v63  }
0x91: {  	s7 =	simm.s32 $0x270  }
0x92: {  	[tilespmem:s7], [sflag:$0x1] =	stream.linear.gather [hbm4b:s4+s2], $0x68, $0x38;
	[tilespmem:$0x19680] =	vst v63  }
0x93: {  	s7 =	sld [smem:$0x7FB];
	_ =	sdelay $0x1  }
0x94: {  	s4 =	sld [smem:$0x7FC]  }
0x95: {  	[tilespmem:s24], [sflag:$0x2] =	stream.linear.gather [hbm4b:s7+s2], $0x68, $0x38;
	[tilespmem:$0x19680] =	vst v63  }
0x96: {  	s7 =	simm.s32 $0x2D8  }
0x97: {  	[tilespmem:s7], [sflag:$0x1] =	stream.linear.gather [hbm4b:s4+s2], $0x68, $0x38;
	[tilespmem:$0x19680] =	vst v63  }
0x98: {  	s4 =	sld [smem:$0x7FD];
	_ =	sdelay $0x2  }
0x99: {  	[tilespmem:s25], [sflag:$0x2] =	stream.linear.gather [hbm4b:s4+s2], $0x68, $0x38;
	[tilespmem:$0x19680] =	vst v63  }
0x9a: {  	_ =	swait.ge [sflag:s9], $0x68  }
0x9b: {  	[sflag:s9] =	ssyncset.done $0x0  }
0x9c: {  	s4 =	simm.s32 $0x680;
	[sflag:s9] =	ssyncadd.s32 $0xFFFFFF98  }
0x9d: {  	[tilespmem:s4], [sflag:$0x3] =	stream.indirect.gather [hbm4b:s3+s10], $0x40, s2, s10, $0xb8;
	[tilespmem:$0x19680] =	vst v63  }
0x9e: {  	_ =	swait.ge [sflag:s9], $0x68  }
0x9f: {  	[sflag:s9] =	ssyncset.done $0x0  }
0xa0: {  	s4 =	simm.s32 $0x1F80;
	[sflag:s9] =	ssyncadd.s32 $0xFFFFFF98  }
0xa1: {  	[tilespmem:s4], [sflag:$0x3] =	stream.indirect.gather [hbm4b:s3+s10], $0x40, s12, s10, $0xb8;
	[tilespmem:$0x19680] =	vst v63  }
0xa2: {  	_ =	swait.ge [sflag:s9], $0x68  }
0xa3: {  	[sflag:s9] =	ssyncset.done $0x0  }
0xa4: {  	s12 =	simm.s32 $0x3880;
	[sflag:s9] =	ssyncadd.s32 $0xFFFFFF98  }
0xa5: {  	[tilespmem:s12], [sflag:$0x3] =	stream.indirect.gather [hbm4b:s3+s10], $0x40, s20, s10, $0xb8;
	[tilespmem:$0x19680] =	vst v63  }
0xa6: {  	_ =	swait.ge [sflag:s9], $0x68  }
0xa7: {  	[sflag:s9] =	ssyncset.done $0x0  }
0xa8: {  	s12 =	simm.s32 $0x5180;
	[sflag:s9] =	ssyncadd.s32 $0xFFFFFF98  }
0xa9: {  	[tilespmem:s12], [sflag:$0x3] =	stream.indirect.gather [hbm4b:s3+s10], $0x40, s5, s10, $0xb8;
	[tilespmem:$0x19680] =	vst v63  }
0xaa: {  	_ =	swait.ge [sflag:s9], $0x68  }
0xab: {  	[sflag:s9] =	ssyncset.done $0x0  }
0xac: {  	s20 =	simm.s32 $0x6A80;
	[sflag:s9] =	ssyncadd.s32 $0xFFFFFF98  }
0xad: {  	[tilespmem:s20], [sflag:$0x3] =	stream.indirect.gather [hbm4b:s3+s10], $0x40, s14, s10, $0xb8;
	[tilespmem:$0x19680] =	vst v63  }
0xae: {  	_ =	swait.ge [sflag:s9], $0x68  }
0xaf: {  	[sflag:s9] =	ssyncset.done $0x0  }
0xb0: {  	s5 =	simm.s32 $0x8380;
	s12 =	simm.s32 $0x208;
	[sflag:s9] =	ssyncadd.s32 $0xFFFFFF98  }
0xb1: {  	[tilespmem:s5], [sflag:$0x3] =	stream.indirect.gather [hbm4b:s3+s10], $0x40, s12, s10, $0xb8;
	[tilespmem:$0x19680] =	vst v63  }
0xb2: {  	_ =	swait.ge [sflag:s9], $0x68  }
0xb3: {  	[sflag:s9] =	ssyncset.done $0x0  }
0xb4: {  	s14 =	simm.s32 $0x9C80;
	s20 =	simm.s32 $0x270;
	[sflag:s9] =	ssyncadd.s32 $0xFFFFFF98  }
0xb5: {  	[tilespmem:s14], [sflag:$0x3] =	stream.indirect.gather [hbm4b:s3+s10], $0x40, s20, s10, $0xb8;
	[tilespmem:$0x19680] =	vst v63  }
0xb6: {  	_ =	swait.ge [sflag:s9], $0x68  }
0xb7: {  	[sflag:s9] =	ssyncset.done $0x0  }
0xb8: {  	s7 =	simm.s32 $0x2D8;
	s5 =	simm.s32 $0xB580;
	[sflag:s9] =	ssyncadd.s32 $0xFFFFFF98  }
0xb9: {  	[tilespmem:s5], [sflag:$0x3] =	stream.indirect.gather [hbm4b:s3+s10], $0x40, s7, s10, $0xb8;
	[tilespmem:$0x19680] =	vst v63  }
0xba: {  	_ =	swait.ge [sflag:s11], $0x68  }
0xbb: {  	[sflag:s11] =	ssyncset.done $0x0  }
0xbc: {  	s12 =	simm.s32 $0xCE80;
	s14 =	simm.s32 $0x340;
	[sflag:s11] =	ssyncadd.s32 $0xFFFFFF98  }
0xbd: {  	[tilespmem:s12], [sflag:$0x4] =	stream.indirect.gather [hbm4b:s3+s10], $0x40, s14, s10, $0xb8;
	[tilespmem:$0x19680] =	vst v63  }
0xbe: {  	_ =	swait.ge [sflag:s11], $0x68  }
0xbf: {  	[sflag:s11] =	ssyncset.done $0x0  }
0xc0: {  	s20 =	simm.s32 $0x3A8;
	[sflag:s11] =	ssyncadd.s32 $0xFFFFFF98  }
0xc1: {  	[tilespmem:s26], [sflag:$0x4] =	stream.indirect.gather [hbm4b:s3+s10], $0x40, s20, s10, $0xb8;
	[tilespmem:$0x19680] =	vst v63  }
0xc2: {  	_ =	swait.ge [sflag:s11], $0x68  }
0xc3: {  	[sflag:s11] =	ssyncset.done $0x0  }
0xc4: {  	[sflag:s11] =	ssyncadd.s32 $0xFFFFFF98  }
0xc5: {  	[tilespmem:s6], [sflag:$0x4] =	stream.indirect.gather [hbm4b:s3+s10], $0x40, s13, s10, $0xb8;
	[tilespmem:$0x19680] =	vst v63  }
0xc6: {  	_ =	swait.ge [sflag:s11], $0x68  }
0xc7: {  	[sflag:s11] =	ssyncset.done $0x0  }
0xc8: {  	[sflag:s11] =	ssyncadd.s32 $0xFFFFFF98  }
0xc9: {  	[tilespmem:s16], [sflag:$0x4] =	stream.indirect.gather [hbm4b:s3+s10], $0x40, s21, s10, $0xb8;
	[tilespmem:$0x19680] =	vst v63  }
0xca: {  	_ =	swait.ge [sflag:s11], $0x68  }
0xcb: {  	[sflag:s11] =	ssyncset.done $0x0  }
0xcc: {  	[sflag:s11] =	ssyncadd.s32 $0xFFFFFF98  }
0xcd: {  	[tilespmem:s18], [sflag:$0x4] =	stream.indirect.gather [hbm4b:s3+s10], $0x40, s22, s10, $0xb8;
	[tilespmem:$0x19680] =	vst v63  }
0xce: {  	_ =	swait.ge [sflag:s11], $0x68  }
0xcf: {  	[sflag:s11] =	ssyncset.done $0x0  }
0xd0: {  	[sflag:s11] =	ssyncadd.s32 $0xFFFFFF98  }
0xd1: {  	[tilespmem:s15], [sflag:$0x4] =	stream.indirect.gather [hbm4b:s3+s10], $0x40, s23, s10, $0xb8;
	[tilespmem:$0x19680] =	vst v63  }
0xd2: {  	_ =	swait.ge [sflag:s11], $0x68  }
0xd3: {  	[sflag:s11] =	ssyncset.done $0x0  }
0xd4: {  	[sflag:s11] =	ssyncadd.s32 $0xFFFFFF98  }
0xd5: {  	[tilespmem:s19], [sflag:$0x4] =	stream.indirect.gather [hbm4b:s3+s10], $0x40, s24, s10, $0xb8;
	[tilespmem:$0x19680] =	vst v63  }
0xd6: {  	_ =	swait.ge [sflag:s11], $0x68  }
0xd7: {  	[sflag:s11] =	ssyncset.done $0x0  }
0xd8: {  	s20 =	simm.s32 $0x0;
	s4 =	rddreg [dreg:$0x3];
	[sflag:s11] =	ssyncadd.s32 $0xFFFFFF98  }
0xd9: {  	[tilespmem:s17], [sflag:$0x4] =	stream.indirect.gather [hbm4b:s3+s10], $0x40, s25, s10, $0xb8;
	[tilespmem:$0x19680] =	vst v63  }
.LBB2_2:
0xda: {  	_ =	swait.ge [sflag:s28], $0x1900  }
0xdb: {  	s5 =	sld [smem:$0x7F0];
	_ =	sdelay $0x1  }
0xdc: {  	[sflag:s28] =	ssyncset.done $0x0  }
0xdd: {  	s12 =	simm.s32 $0x680;
	[sflag:s28] =	ssyncadd.s32 $0xFFFFE700;
	s5 =	sadd.s32 s4, s5  }
0xde: {  	[hbm4b:s5+s29] =	stream.strided.scatter [tilespmem:s12], [sflag:$0x5], $0x1900, s30, s29, $0x38;
	[tilespmem:$0x19680] =	vst v63  }
0xdf: {  	_ =	swait.ge [sflag:s28], $0x1900  }
0xe0: {  	[sflag:s28] =	ssyncset.done $0x0;
	s18 =	rddreg [dreg:$0x1a]  }
0xe1: {  	s19 =	simm.s32 $0x1F80;
	[sflag:s28] =	ssyncadd.s32 $0xFFFFE700;
	s14 =	sadd.s32 s4, s18  }
0xe2: {  	[hbm4b:s14+s29] =	stream.strided.scatter [tilespmem:s19], [sflag:$0x5], $0x1900, s30, s29, $0x38;
	[tilespmem:$0x19680] =	vst v63  }
0xe3: {  	_ =	swait.ge [sflag:s28], $0x1900  }
0xe4: {  	[sflag:s28] =	ssyncset.done $0x0;
	s26 =	rddreg [dreg:$0x19]  }
0xe5: {  	s7 =	simm.s32 $0x3880;
	[sflag:s28] =	ssyncadd.s32 $0xFFFFE700;
	s6 =	sadd.s32 s4, s26  }
0xe6: {  	[hbm4b:s6+s29] =	stream.strided.scatter [tilespmem:s7], [sflag:$0x5], $0x1900, s30, s29, $0x38;
	[tilespmem:$0x19680] =	vst v63  }
0xe7: {  	_ =	swait.ge [sflag:s28], $0x1900  }
0xe8: {  	[sflag:s28] =	ssyncset.done $0x0;
	s14 =	rddreg [dreg:$0x18]  }
0xe9: {  	s16 =	simm.s32 $0x5180;
	[sflag:s28] =	ssyncadd.s32 $0xFFFFE700;
	s15 =	sadd.s32 s4, s14  }
0xea: {  	[hbm4b:s15+s29] =	stream.strided.scatter [tilespmem:s16], [sflag:$0x5], $0x1900, s30, s29, $0x38;
	[tilespmem:$0x19680] =	vst v63  }
0xeb: {  	_ =	swait.ge [sflag:s28], $0x1900  }
0xec: {  	[sflag:s28] =	ssyncset.done $0x0;
	s17 =	rddreg [dreg:$0x17]  }
0xed: {  	s19 =	simm.s32 $0x6A80;
	[sflag:s28] =	ssyncadd.s32 $0xFFFFE700;
	s18 =	sadd.s32 s4, s17  }
0xee: {  	[hbm4b:s18+s29] =	stream.strided.scatter [tilespmem:s19], [sflag:$0x5], $0x1900, s30, s29, $0x38;
	[tilespmem:$0x19680] =	vst v63  }
0xef: {  	_ =	swait.ge [sflag:s28], $0x1900  }
0xf0: {  	[sflag:s28] =	ssyncset.done $0x0;
	s26 =	rddreg [dreg:$0x16]  }
0xf1: {  	s7 =	simm.s32 $0x8380;
	[sflag:s28] =	ssyncadd.s32 $0xFFFFE700;
	s6 =	sadd.s32 s4, s26  }
0xf2: {  	[hbm4b:s6+s29] =	stream.strided.scatter [tilespmem:s7], [sflag:$0x5], $0x1900, s30, s29, $0x38;
	[tilespmem:$0x19680] =	vst v63  }
0xf3: {  	_ =	swait.ge [sflag:s28], $0x1900  }
0xf4: {  	p0 =	seq.s32 s20, $0xC30;
	[sflag:s28] =	ssyncset.done $0x0;
	s15 =	rddreg [dreg:$0x15]  }
0xf5: {  	s17 =	simm.s32 $0x9C80;
	[sflag:s28] =	ssyncadd.s32 $0xFFFFE700;
	s16 =	sadd.s32 s4, s15  }
0xf6: {  	[hbm4b:s16+s29] =	stream.strided.scatter [tilespmem:s17], [sflag:$0x5], $0x1900, s30, s29, $0x38;
	[tilespmem:$0x19680] =	vst v63  }
.Ltmp2:
0xf7: {  	_ = 	snop;
	(pc) =	sbr.rel @p0 .LBB2_4-.Ltmp2, $4  }
0xf8: {  	_ =	swait.ge [sflag:s28], $0x1900  }
0xf9: {  	[sflag:s28] =	ssyncset.done $0x0;
	s18 =	rddreg [dreg:$0x14]  }
0xfa: {  	s26 =	simm.s32 $0xB580;
	[sflag:s28] =	ssyncadd.s32 $0xFFFFE700;
	s19 =	sadd.s32 s4, s18  }
0xfb: {  	[hbm4b:s19+s29] =	stream.strided.scatter [tilespmem:s26], [sflag:$0x5], $0x1900, s30, s29, $0x38;
	[tilespmem:$0x19680] =	vst v63  }
0xfc: {  	s6 =	sld [smem:$0x7ED];
	_ =	sdelay $0x2  }
0xfd: {  	s14 =	sadd.s32 s20, s6  }
0xfe: {  	s16 =	sadd.s32 $0xD0, s14  }
0xff: {  	[tilespmem:s2], [sflag:$0x1] =	stream.linear.gather [hbm4b:s16+s2], $0x68, $0x38;
	[tilespmem:$0x19680] =	vst v63  }
0x100: {  	s12 =	simm.s32 $0x68;
	s21 =	rddreg [dreg:$0x11];
	s14 =	sadd.s32 $0xDD, s14  }
0x101: {  	[tilespmem:s12], [sflag:$0x1] =	stream.linear.gather [hbm4b:s14+s2], $0x68, $0x38;
	[tilespmem:$0x19680] =	vst v63  }
0x102: {  	s13 =	simm.s32 $0xD0;
	s22 =	rddreg [dreg:$0x10];
	s14 =	sadd.s32 s20, s21  }
0x103: {  	[tilespmem:s13], [sflag:$0x1] =	stream.linear.gather [hbm4b:s14+s2], $0x68, $0x38;
	[tilespmem:$0x19680] =	vst v63  }
0x104: {  	s23 =	rddreg [dreg:$0xf];
	s21 =	simm.s32 $0x138;
	s14 =	sadd.s32 s20, s22  }
0x105: {  	[tilespmem:s21], [sflag:$0x1] =	stream.linear.gather [hbm4b:s14+s2], $0x68, $0x38;
	[tilespmem:$0x19680] =	vst v63  }
0x106: {  	s24 =	rddreg [dreg:$0xe];
	s22 =	simm.s32 $0x1A0;
	s14 =	sadd.s32 s20, s23  }
0x107: {  	[tilespmem:s22], [sflag:$0x1] =	stream.linear.gather [hbm4b:s14+s2], $0x68, $0x38;
	[tilespmem:$0x19680] =	vst v63  }
0x108: {  	s25 =	rddreg [dreg:$0xd];
	s23 =	simm.s32 $0x208;
	s14 =	sadd.s32 s20, s24  }
0x109: {  	[tilespmem:s23], [sflag:$0x1] =	stream.linear.gather [hbm4b:s14+s2], $0x68, $0x38;
	[tilespmem:$0x19680] =	vst v63  }
0x10a: {  	s26 =	rddreg [dreg:$0xc];
	s24 =	simm.s32 $0x270;
	s14 =	sadd.s32 s20, s25  }
0x10b: {  	[tilespmem:s24], [sflag:$0x1] =	stream.linear.gather [hbm4b:s14+s2], $0x68, $0x38;
	[tilespmem:$0x19680] =	vst v63  }
0x10c: {  	s25 =	simm.s32 $0x2D8;
	s14 =	sadd.s32 s20, s26  }
0x10d: {  	[tilespmem:s25], [sflag:$0x1] =	stream.linear.gather [hbm4b:s14+s2], $0x68, $0x38;
	[tilespmem:$0x19680] =	vst v63  }
0x10e: {  	_ =	swait.ge [sflag:s0], $0x1900  }
0x10f: {  	[sflag:s0] =	ssyncset.done $0x0  }
0x110: {  	[sflag:s0] =	ssyncadd.s32 $0xFFFFE700  }
0x111: {  	_ =	swait.ge [sflag:s9], $0x68  }
0x112: {  	[sflag:s9] =	ssyncset.done $0x0  }
0x113: {  	s6 =	simm.s32 $0x680;
	[sflag:s9] =	ssyncadd.s32 $0xFFFFFF98  }
0x114: {  	[tilespmem:s6], [sflag:$0x3] =	stream.indirect.gather [hbm4b:s3+s10], $0x40, s2, s10, $0xb8;
	[tilespmem:$0x19680] =	vst v63  }
0x115: {  	_ =	swait.ge [sflag:s0], $0x1900  }
0x116: {  	[sflag:s0] =	ssyncset.done $0x0  }
0x117: {  	[sflag:s0] =	ssyncadd.s32 $0xFFFFE700  }
0x118: {  	_ =	swait.ge [sflag:s9], $0x68  }
0x119: {  	[sflag:s9] =	ssyncset.done $0x0  }
0x11a: {  	s7 =	simm.s32 $0x1F80;
	[sflag:s9] =	ssyncadd.s32 $0xFFFFFF98  }
0x11b: {  	[tilespmem:s7], [sflag:$0x3] =	stream.indirect.gather [hbm4b:s3+s10], $0x40, s12, s10, $0xb8;
	[tilespmem:$0x19680] =	vst v63  }
0x11c: {  	_ =	swait.ge [sflag:s0], $0x1900  }
0x11d: {  	[sflag:s0] =	ssyncset.done $0x0  }
0x11e: {  	[sflag:s0] =	ssyncadd.s32 $0xFFFFE700  }
0x11f: {  	_ =	swait.ge [sflag:s9], $0x68  }
0x120: {  	[sflag:s9] =	ssyncset.done $0x0  }
0x121: {  	s15 =	simm.s32 $0x3880;
	[sflag:s9] =	ssyncadd.s32 $0xFFFFFF98  }
0x122: {  	[tilespmem:s15], [sflag:$0x3] =	stream.indirect.gather [hbm4b:s3+s10], $0x40, s13, s10, $0xb8;
	[tilespmem:$0x19680] =	vst v63  }
0x123: {  	_ =	swait.ge [sflag:s0], $0x1900  }
0x124: {  	[sflag:s0] =	ssyncset.done $0x0  }
0x125: {  	[sflag:s0] =	ssyncadd.s32 $0xFFFFE700  }
0x126: {  	_ =	swait.ge [sflag:s9], $0x68  }
0x127: {  	[sflag:s9] =	ssyncset.done $0x0  }
0x128: {  	s16 =	simm.s32 $0x5180;
	[sflag:s9] =	ssyncadd.s32 $0xFFFFFF98  }
0x129: {  	[tilespmem:s16], [sflag:$0x3] =	stream.indirect.gather [hbm4b:s3+s10], $0x40, s21, s10, $0xb8;
	[tilespmem:$0x19680] =	vst v63  }
0x12a: {  	_ =	swait.ge [sflag:s0], $0x1900  }
0x12b: {  	[sflag:s0] =	ssyncset.done $0x0  }
0x12c: {  	[sflag:s0] =	ssyncadd.s32 $0xFFFFE700  }
0x12d: {  	_ =	swait.ge [sflag:s9], $0x68  }
0x12e: {  	[sflag:s9] =	ssyncset.done $0x0  }
0x12f: {  	s17 =	simm.s32 $0x6A80;
	[sflag:s9] =	ssyncadd.s32 $0xFFFFFF98  }
0x130: {  	[tilespmem:s17], [sflag:$0x3] =	stream.indirect.gather [hbm4b:s3+s10], $0x40, s22, s10, $0xb8;
	[tilespmem:$0x19680] =	vst v63  }
0x131: {  	_ =	swait.ge [sflag:s0], $0x1900  }
0x132: {  	[sflag:s0] =	ssyncset.done $0x0  }
0x133: {  	[sflag:s0] =	ssyncadd.s32 $0xFFFFE700  }
0x134: {  	_ =	swait.ge [sflag:s9], $0x68  }
0x135: {  	[sflag:s9] =	ssyncset.done $0x0  }
0x136: {  	s18 =	simm.s32 $0x8380;
	[sflag:s9] =	ssyncadd.s32 $0xFFFFFF98  }
0x137: {  	[tilespmem:s18], [sflag:$0x3] =	stream.indirect.gather [hbm4b:s3+s10], $0x40, s23, s10, $0xb8;
	[tilespmem:$0x19680] =	vst v63  }
0x138: {  	_ =	swait.ge [sflag:s0], $0x1900  }
0x139: {  	[sflag:s0] =	ssyncset.done $0x0  }
0x13a: {  	[sflag:s0] =	ssyncadd.s32 $0xFFFFE700  }
0x13b: {  	_ =	swait.ge [sflag:s9], $0x68  }
0x13c: {  	[sflag:s9] =	ssyncset.done $0x0  }
0x13d: {  	s19 =	simm.s32 $0x9C80;
	[sflag:s9] =	ssyncadd.s32 $0xFFFFFF98  }
0x13e: {  	[tilespmem:s19], [sflag:$0x3] =	stream.indirect.gather [hbm4b:s3+s10], $0x40, s24, s10, $0xb8;
	[tilespmem:$0x19680] =	vst v63  }
0x13f: {  	_ =	swait.ge [sflag:s0], $0x1900  }
0x140: {  	[sflag:s0] =	ssyncset.done $0x0  }
0x141: {  	[sflag:s0] =	ssyncadd.s32 $0xFFFFE700  }
0x142: {  	_ =	swait.ge [sflag:s9], $0x68  }
0x143: {  	s26 =	simm.s32 $0xB580;
	s13 =	simm.s32 $0x410;
	[sflag:s9] =	ssyncset.done $0x0  }
0x144: {  	s21 =	simm.s32 $0x478;
	s22 =	simm.s32 $0x4E0;
	[sflag:s9] =	ssyncadd.s32 $0xFFFFFF98  }
0x145: {  	[tilespmem:s26], [sflag:$0x3] =	stream.indirect.gather [hbm4b:s3+s10], $0x40, s25, s10, $0xb8;
	[tilespmem:$0x19680] =	vst v63  }
0x146: {  	s23 =	simm.s32 $0x548;
	s24 =	simm.s32 $0x5B0;
	s25 =	simm.s32 $0x618  }
.LBB2_4:
0x147: {  	_ =	swait.ge [sflag:s31], $0x1900  }
0x148: {  	[sflag:s31] =	ssyncset.done $0x0  }
0x149: {  	s5 =	sadd.s32 $0x3200, s5;
	s26 =	simm.s32 $0xCE80;
	[sflag:s31] =	ssyncadd.s32 $0xFFFFE700  }
0x14a: {  	[hbm4b:s5+s29] =	stream.strided.scatter [tilespmem:s26], [sflag:$0x6], $0x1900, s30, s29, $0x38;
	[tilespmem:$0x19680] =	vst v63  }
0x14b: {  	_ =	swait.ge [sflag:s31], $0x1900  }
0x14c: {  	[sflag:s31] =	ssyncset.done $0x0;
	s16 =	rddreg [dreg:$0x13]  }
0x14d: {  	s6 =	simm.s32 $0xE780;
	[sflag:s31] =	ssyncadd.s32 $0xFFFFE700;
	s5 =	sadd.s32 s4, s16  }
0x14e: {  	[hbm4b:s5+s29] =	stream.strided.scatter [tilespmem:s6], [sflag:$0x6], $0x1900, s30, s29, $0x38;
	[tilespmem:$0x19680] =	vst v63  }
0x14f: {  	_ =	swait.ge [sflag:s31], $0x1900  }
0x150: {  	[sflag:s31] =	ssyncset.done $0x0  }
0x151: {  	s17 =	sadd.s32 s4, s8;
	s16 =	simm.s32 $0x10080;
	[sflag:s31] =	ssyncadd.s32 $0xFFFFE700  }
0x152: {  	[hbm4b:s17+s29] =	stream.strided.scatter [tilespmem:s16], [sflag:$0x6], $0x1900, s30, s29, $0x38;
	[tilespmem:$0x19680] =	vst v63  }
0x153: {  	_ =	swait.ge [sflag:s31], $0x1900  }
0x154: {  	s18 =	sld [smem:$0x7F3];
	_ =	sdelay $0x1  }
0x155: {  	[sflag:s31] =	ssyncset.done $0x0  }
0x156: {  	[sflag:s31] =	ssyncadd.s32 $0xFFFFE700;
	s5 =	sadd.s32 s4, s18;
	s18 =	simm.s32 $0x11980  }
0x157: {  	[hbm4b:s5+s29] =	stream.strided.scatter [tilespmem:s18], [sflag:$0x6], $0x1900, s30, s29, $0x38;
	[tilespmem:$0x19680] =	vst v63  }
0x158: {  	_ =	swait.ge [sflag:s31], $0x1900  }
0x159: {  	s19 =	sld [smem:$0x7F2];
	_ =	sdelay $0x1  }
0x15a: {  	[sflag:s31] =	ssyncset.done $0x0  }
0x15b: {  	s15 =	simm.s32 $0x13280;
	[sflag:s31] =	ssyncadd.s32 $0xFFFFE700;
	s5 =	sadd.s32 s4, s19  }
0x15c: {  	[hbm4b:s5+s29] =	stream.strided.scatter [tilespmem:s15], [sflag:$0x6], $0x1900, s30, s29, $0x38;
	[tilespmem:$0x19680] =	vst v63  }
0x15d: {  	_ =	swait.ge [sflag:s31], $0x1900  }
0x15e: {  	s7 =	sld [smem:$0x7F1];
	_ =	sdelay $0x1  }
0x15f: {  	[sflag:s31] =	ssyncset.done $0x0  }
0x160: {  	s19 =	simm.s32 $0x14B80;
	[sflag:s31] =	ssyncadd.s32 $0xFFFFE700;
	s5 =	sadd.s32 s4, s7  }
0x161: {  	[hbm4b:s5+s29] =	stream.strided.scatter [tilespmem:s19], [sflag:$0x6], $0x1900, s30, s29, $0x38;
	[tilespmem:$0x19680] =	vst v63  }
0x162: {  	_ =	swait.ge [sflag:s31], $0x1900  }
0x163: {  	s12 =	sld [smem:$0x7EF];
	_ =	sdelay $0x1  }
0x164: {  	[sflag:s31] =	ssyncset.done $0x0  }
0x165: {  	s17 =	simm.s32 $0x16480;
	[sflag:s31] =	ssyncadd.s32 $0xFFFFE700;
	s5 =	sadd.s32 s4, s12  }
0x166: {  	[hbm4b:s5+s29] =	stream.strided.scatter [tilespmem:s17], [sflag:$0x6], $0x1900, s30, s29, $0x38;
	[tilespmem:$0x19680] =	vst v63  }
0x167: {  	_ =	swait.ge [sflag:s31], $0x1900  }
.Ltmp3:
0x168: {  	s14 =	sld [smem:$0x7EE];
	(pc) =	sbr.rel @p0 .LBB2_6-.Ltmp3, $4  }
0x169: {  	_ = 	snop  }
0x16a: {  	[sflag:s31] =	ssyncset.done $0x0  }
0x16b: {  	s7 =	simm.s32 $0x17D80;
	[sflag:s31] =	ssyncadd.s32 $0xFFFFE700;
	s5 =	sadd.s32 s4, s14  }
0x16c: {  	[hbm4b:s5+s29] =	stream.strided.scatter [tilespmem:s7], [sflag:$0x6], $0x1900, s30, s29, $0x38;
	[tilespmem:$0x19680] =	vst v63  }
0x16d: {  	s5 =	sld [smem:$0x7ED];
	_ =	sdelay $0x2  }
0x16e: {  	s5 =	sadd.s32 s20, s5  }
0x16f: {  	s12 =	simm.s32 $0x340;
	s14 =	rddreg [dreg:$0xb];
	s5 =	sadd.s32 $0x138, s5  }
0x170: {  	[tilespmem:s12], [sflag:$0x2] =	stream.linear.gather [hbm4b:s5+s2], $0x68, $0x38;
	[tilespmem:$0x19680] =	vst v63  }
0x171: {  	s5 =	sadd.s32 s20, s14;
	s14 =	simm.s32 $0x3A8  }
0x172: {  	[tilespmem:s14], [sflag:$0x2] =	stream.linear.gather [hbm4b:s5+s2], $0x68, $0x38;
	[tilespmem:$0x19680] =	vst v63  }
0x173: {  	s5 =	rddreg [dreg:$0xa]  }
0x174: {  	s5 =	sadd.s32 s20, s5  }
0x175: {  	[tilespmem:s13], [sflag:$0x2] =	stream.linear.gather [hbm4b:s5+s2], $0x68, $0x38;
	[tilespmem:$0x19680] =	vst v63  }
0x176: {  	s5 =	rddreg [dreg:$0x9]  }
0x177: {  	s5 =	sadd.s32 s20, s5  }
0x178: {  	[tilespmem:s21], [sflag:$0x2] =	stream.linear.gather [hbm4b:s5+s2], $0x68, $0x38;
	[tilespmem:$0x19680] =	vst v63  }
0x179: {  	s5 =	rddreg [dreg:$0x8]  }
0x17a: {  	s5 =	sadd.s32 s20, s5  }
0x17b: {  	[tilespmem:s22], [sflag:$0x2] =	stream.linear.gather [hbm4b:s5+s2], $0x68, $0x38;
	[tilespmem:$0x19680] =	vst v63  }
0x17c: {  	s5 =	rddreg [dreg:$0x7]  }
0x17d: {  	s5 =	sadd.s32 s20, s5  }
0x17e: {  	[tilespmem:s23], [sflag:$0x2] =	stream.linear.gather [hbm4b:s5+s2], $0x68, $0x38;
	[tilespmem:$0x19680] =	vst v63  }
0x17f: {  	s5 =	rddreg [dreg:$0x6]  }
0x180: {  	s5 =	sadd.s32 s20, s5  }
0x181: {  	[tilespmem:s24], [sflag:$0x2] =	stream.linear.gather [hbm4b:s5+s2], $0x68, $0x38;
	[tilespmem:$0x19680] =	vst v63  }
0x182: {  	s5 =	rddreg [dreg:$0x5]  }
0x183: {  	s5 =	sadd.s32 s20, s5  }
0x184: {  	[tilespmem:s25], [sflag:$0x2] =	stream.linear.gather [hbm4b:s5+s2], $0x68, $0x38;
	[tilespmem:$0x19680] =	vst v63  }
0x185: {  	_ =	swait.ge [sflag:s1], $0x1900  }
0x186: {  	[sflag:s1] =	ssyncset.done $0x0  }
0x187: {  	[sflag:s1] =	ssyncadd.s32 $0xFFFFE700  }
0x188: {  	_ =	swait.ge [sflag:s11], $0x68  }
0x189: {  	[sflag:s11] =	ssyncset.done $0x0  }
0x18a: {  	[sflag:s11] =	ssyncadd.s32 $0xFFFFFF98  }
0x18b: {  	[tilespmem:s26], [sflag:$0x4] =	stream.indirect.gather [hbm4b:s3+s10], $0x40, s12, s10, $0xb8;
	[tilespmem:$0x19680] =	vst v63  }
0x18c: {  	_ =	swait.ge [sflag:s1], $0x1900  }
0x18d: {  	[sflag:s1] =	ssyncset.done $0x0  }
0x18e: {  	[sflag:s1] =	ssyncadd.s32 $0xFFFFE700  }
0x18f: {  	_ =	swait.ge [sflag:s11], $0x68  }
0x190: {  	[sflag:s11] =	ssyncset.done $0x0  }
0x191: {  	[sflag:s11] =	ssyncadd.s32 $0xFFFFFF98  }
0x192: {  	[tilespmem:s6], [sflag:$0x4] =	stream.indirect.gather [hbm4b:s3+s10], $0x40, s14, s10, $0xb8;
	[tilespmem:$0x19680] =	vst v63  }
0x193: {  	_ =	swait.ge [sflag:s1], $0x1900  }
0x194: {  	[sflag:s1] =	ssyncset.done $0x0  }
0x195: {  	[sflag:s1] =	ssyncadd.s32 $0xFFFFE700  }
0x196: {  	_ =	swait.ge [sflag:s11], $0x68  }
0x197: {  	[sflag:s11] =	ssyncset.done $0x0  }
0x198: {  	[sflag:s11] =	ssyncadd.s32 $0xFFFFFF98  }
0x199: {  	[tilespmem:s16], [sflag:$0x4] =	stream.indirect.gather [hbm4b:s3+s10], $0x40, s13, s10, $0xb8;
	[tilespmem:$0x19680] =	vst v63  }
0x19a: {  	_ =	swait.ge [sflag:s1], $0x1900  }
0x19b: {  	[sflag:s1] =	ssyncset.done $0x0  }
0x19c: {  	[sflag:s1] =	ssyncadd.s32 $0xFFFFE700  }
0x19d: {  	_ =	swait.ge [sflag:s11], $0x68  }
0x19e: {  	[sflag:s11] =	ssyncset.done $0x0  }
0x19f: {  	[sflag:s11] =	ssyncadd.s32 $0xFFFFFF98  }
0x1a0: {  	[tilespmem:s18], [sflag:$0x4] =	stream.indirect.gather [hbm4b:s3+s10], $0x40, s21, s10, $0xb8;
	[tilespmem:$0x19680] =	vst v63  }
0x1a1: {  	_ =	swait.ge [sflag:s1], $0x1900  }
0x1a2: {  	[sflag:s1] =	ssyncset.done $0x0  }
0x1a3: {  	[sflag:s1] =	ssyncadd.s32 $0xFFFFE700  }
0x1a4: {  	_ =	swait.ge [sflag:s11], $0x68  }
0x1a5: {  	[sflag:s11] =	ssyncset.done $0x0  }
0x1a6: {  	[sflag:s11] =	ssyncadd.s32 $0xFFFFFF98  }
0x1a7: {  	[tilespmem:s15], [sflag:$0x4] =	stream.indirect.gather [hbm4b:s3+s10], $0x40, s22, s10, $0xb8;
	[tilespmem:$0x19680] =	vst v63  }
0x1a8: {  	_ =	swait.ge [sflag:s1], $0x1900  }
0x1a9: {  	[sflag:s1] =	ssyncset.done $0x0  }
0x1aa: {  	[sflag:s1] =	ssyncadd.s32 $0xFFFFE700  }
0x1ab: {  	_ =	swait.ge [sflag:s11], $0x68  }
0x1ac: {  	[sflag:s11] =	ssyncset.done $0x0  }
0x1ad: {  	[sflag:s11] =	ssyncadd.s32 $0xFFFFFF98  }
0x1ae: {  	[tilespmem:s19], [sflag:$0x4] =	stream.indirect.gather [hbm4b:s3+s10], $0x40, s23, s10, $0xb8;
	[tilespmem:$0x19680] =	vst v63  }
0x1af: {  	_ =	swait.ge [sflag:s1], $0x1900  }
0x1b0: {  	[sflag:s1] =	ssyncset.done $0x0  }
0x1b1: {  	[sflag:s1] =	ssyncadd.s32 $0xFFFFE700  }
0x1b2: {  	_ =	swait.ge [sflag:s11], $0x68  }
0x1b3: {  	[sflag:s11] =	ssyncset.done $0x0  }
0x1b4: {  	[sflag:s11] =	ssyncadd.s32 $0xFFFFFF98  }
0x1b5: {  	[tilespmem:s17], [sflag:$0x4] =	stream.indirect.gather [hbm4b:s3+s10], $0x40, s24, s10, $0xb8;
	[tilespmem:$0x19680] =	vst v63  }
0x1b6: {  	_ =	swait.ge [sflag:s1], $0x1900  }
0x1b7: {  	[sflag:s1] =	ssyncset.done $0x0  }
.Ltmp4:
0x1b8: {  	[sflag:s1] =	ssyncadd.s32 $0xFFFFE700;
	(pc) =	sbr.rel .LBB2_2-.Ltmp4, $4  }
0x1b9: {  	_ =	swait.ge [sflag:s11], $0x68  }
0x1ba: {  	[sflag:s11] =	ssyncset.done $0x0  }
0x1bb: {  	s4 =	sadd.s32 $0x6400, s4;
	s20 =	sadd.s32 $0xD0, s20;
	[sflag:s11] =	ssyncadd.s32 $0xFFFFFF98  }
0x1bc: {  	[tilespmem:s7], [sflag:$0x4] =	stream.indirect.gather [hbm4b:s3+s10], $0x40, s25, s10, $0xb8;
	[tilespmem:$0x19680] =	vst v63  }
.LBB2_7:
0x1bd: {  	_ =	sfence.sel $0x180000  }
0x1be: {  	[bflag:$0x0] =	sbarrier.arrive $0xFFFF  }
0x1bf: {  	_ =	strace $0x90000047  }
0x1c0: {  	s0 =	stileid.u32;
	[bflag:$0x2] =	sbarrier.arrive $0xFFFF  }
0x1c1: {  	p0 =	sne.s32 s0, $0x0;
	s0 =	rddreg [dreg:$0x2]  }
0x1c2: {  	s0 =	sadd.s32 @!p0 $0x100000, s0  }
0x1c3: {  	[sflag:s0] =	ssyncadd.tile.s32 @!p0 $0x1;
	_ =	shalt  }
.Lfunc_end2:
_tile_overlayer_lowered:
.L_overlay_start_2:
0x1c4: {  	(tag) =	ssettag $0x2  }
0x1c5: {  	s0 =	rddreg [dreg:$0x0];
	s2 =	stileid.u32  }
0x1c6: {  	s1 =	rddreg [dreg:$0x1];
	p0 =	sne.s32 s2, $0x0  }
0x1c7: {  	s3 =	rddreg [dreg:$0x2];
	[bflag:$0x3] =	sbarrier.arrive $0xFFFF;
	s2 =	simm.s32 @!p0 $0x1C07  }
0x1c8: {  	[timem:s3], [sflag:s2] =	dma.local @!p0 [hbm:s0], s1  }
0x1c9: {  	s0 =	simm.s32 @!p0 $0x7  }
0x1ca: {  	_ =	swait.ge @!p0 [sflag:s0], s1  }
0x1cb: {  	s1 =	ssub.s32 @!p0 $0x0, s1;
	[sflag:s0] =	ssyncset.done @!p0 $0x0  }
0x1cc: {  	[sflag:s0] =	ssyncadd.s32 @!p0 s1  }
0x1cd: {  	[bflag:$0x3] =	sbarrier.arrive $0xFFFF  }
0x1ce: {  	_ =	shalt  }

</sc_bundles>
